<compile_context>
chip_gen: v7x
topology: tpu7x:2x2x1
jax: 0.10.2.dev20260603
libtpu: 0.0.44.dev20260713+nightly
codegen_flags: <defaults>
</compile_context>

<pallas_src>
import functools

import jax
import jax.numpy as jnp
from jax import lax
from jax.experimental import pallas as pl
from jax.experimental.pallas import tpu as pltpu
from jax.experimental.pallas import tpu_sc as plsc

B, N_OBJ, C, H, W = 16, 100, 96, 128, 128
M = B * N_OBJ
HW = H * W
CHW = C * HW
NC, NS, L = 2, 16, 16
NW = NC * NS
IPW = M // NW
KC = C // L
NDMA = 5
IPD = IPW // NDMA
DW = IPD * C
PSTG = 112


def _gather_body(pred_hbm, pos_hbm, out_hbm, pos_v, idx_v, g_v, sem, wsem):
    c_ax = lax.axis_index("c")
    s_ax = lax.axis_index("s")
    wid = s_ax * NC + c_ax
    i0 = wid * IPW
    base_b = s_ax * CHW
    al = pl.multiple_of((2 * i0 // 8) * 8, 8)
    r = 2 * i0 - al
    pltpu.sync_copy(pos_hbm.at[pl.ds(al, PSTG)], pos_v)
    lane = lax.iota(jnp.int32, L)
    ramps = [(k * L + lane) * HW for k in range(KC)]
    copies = []
    for q in range(NDMA):
        for jj in range(IPD):
            j = q * IPD + jj
            v = pos_v[pl.ds(r + 2 * j, L)]
            base = base_b + v[1] * W + v[0]
            for k in range(KC):
                idx_v[pl.ds(j * C + k * L, L)] = base + ramps[k]
        copies.append(
            pltpu.async_copy(pred_hbm.at[idx_v.at[pl.ds(q * DW, DW)]],
                             g_v.at[pl.ds(q * DW, DW)], sem))
    off = pl.multiple_of(i0 * C, 8)
    wcopies = []
    for q in range(NDMA):
        copies[q].wait()
        woff = pl.multiple_of(off + q * DW, 8)
        wcopies.append(
            pltpu.async_copy(g_v.at[pl.ds(q * DW, DW)],
                             out_hbm.at[pl.ds(woff, DW)], wsem))
    for wc in wcopies:
        wc.wait()


_gather = functools.partial(
    pl.kernel,
    out_type=jax.ShapeDtypeStruct((M * C,), jnp.float32),
    mesh=plsc.VectorSubcoreMesh(core_axis_name="c", subcore_axis_name="s"),
    scratch_types=[
        pltpu.VMEM((PSTG,), jnp.int32),
        pltpu.VMEM((IPW * C,), jnp.int32),
        pltpu.VMEM((IPW * C,), jnp.float32),
        pltpu.SemaphoreType.DMA,
        pltpu.SemaphoreType.DMA,
    ],
)(_gather_body)


def _loss_body(g_ref, lab_ref, o_ref):
    act = jnp.tanh(g_ref[...])
    lab = lab_ref[...]
    s2 = jnp.sum(act * act, axis=1, keepdims=True)
    dot = jnp.sum(act * lab, axis=1, keepdims=True)
    denom = jnp.maximum(jnp.sqrt(s2), 1e-12)
    total = jnp.sum(1.0 - dot / denom) * (1.0 / M)
    o_ref[...] = jnp.reshape(total, (1, 1))


def kernel(pred, gt_pos, gt_tangent):
    pred_flat = pred.reshape(B * CHW)
    pos_flat = gt_pos.astype(jnp.int32).reshape(2 * M)
    gathered = _gather(pred_flat, pos_flat).reshape(M, C)
    labels = gt_tangent.reshape(M, C)
    loss = pl.pallas_call(
        _loss_body,
        out_shape=jax.ShapeDtypeStruct((1, 1), jnp.float32),
    )(gathered, labels)
    return loss[0, 0]

# --- scband reference (transcript-rebuilt; emitter-appended) ---
"""Pipeline reference for scband-cosine-loss-67534065762793 (READ-ONLY COPY).

The authoritative reference and input builder live on the scoring server;
editing this copy changes nothing except your own understanding.
"""

import jax, jax.numpy as jnp
import numpy as np

B, N_OBJ, C, H, W = 16, 100, 96, 128, 128

def setup_inputs(seed: int = 0) -> dict:
    key = jax.random.key(seed)
    k1, k2, k3 = jax.random.split(key, 3)
    pred = jax.random.normal(k1, (B, C, H, W), dtype=jnp.float32)
    gt_pos = jax.random.randint(k2, (B, N_OBJ, 2), 0, 128, dtype=jnp.int64)
    gt_tangent = jax.random.normal(k3, (B, N_OBJ, C), dtype=jnp.float32)
    return {"pred": pred, "gt_pos": gt_pos, "gt_tangent": gt_tangent}

def reference(pred, gt_pos, gt_tangent):
    # torch: objects = (gt['pos'][:, :, 0] >= 0).nonzero()
    mask = gt_pos[:, :, 0] >= 0
    b_idx, n_idx = jnp.nonzero(mask, size=B * N_OBJ)
    # positions = gt['pos'][objects[:,0], objects[:,1], :]
    positions = gt_pos[b_idx, n_idx, :]  # [M, 2] -> (x, y)
    # predicted = normalize(tanh(predict[objects[:,0], :, positions[:,1], positions[:,0]]))
    gathered = pred[b_idx, :, positions[:, 1], positions[:, 0]]  # [M, C]
    act = jnp.tanh(gathered)
    norm = jnp.linalg.norm(act, ord=2, axis=1, keepdims=True)
    predicted = act / jnp.clip(norm, 1e-12, None)
    # labels = gt[key][objects[:,0], objects[:,1], :]
    labels = gt_tangent[b_idx, n_idx, :]  # [M, C]
    loss_value = (1.0 - (predicted * labels).sum(axis=1)).mean()
    return loss_value

if __name__ == "__main__":
    import jax
    _d = setup_inputs()
    print(jax.jit(kernel)(*tuple(_d.values())))

</pallas_src>

<mosaic_0001>
#map = affine_map<(d0, d1) -> (0)>
module attributes {stable_mosaic.version = 14 : i64} {
  func.func @_gather_body(%arg0: i32, %arg1: i32, %arg2: memref<25165824xf32, #tpu.memory_space<hbm>>, %arg3: memref<3200xi32, #tpu.memory_space<hbm>>, %arg4: memref<153600xf32, #tpu.memory_space<hbm>>, %arg5: memref<112xi32, #tpu.memory_space<vmem>>, %arg6: memref<4800xi32, #tpu.memory_space<vmem>>, %arg7: memref<4800xf32, #tpu.memory_space<vmem>>, %arg8: memref<!tpu.dma_semaphore, #tpu.memory_space<semaphore_mem>>, %arg9: memref<!tpu.dma_semaphore, #tpu.memory_space<semaphore_mem>>) attributes {dimension_semantics = [#tpu.dimension_semantics<core_parallel>, #tpu.dimension_semantics<subcore_parallel>], iteration_bounds = array<i64: 2, 16>, scalar_prefetch = 0 : i64, scratch_operands = 5 : i64, tpu.core_type = #tpu.core_type<sc_vector_subcore>, window_params = [{transform_indices = #map}, {transform_indices = #map}, {transform_indices = #map}]} {
    %mul3A = arith.constant 2 : i32
    %mul3A_0 = arith.muli %arg1, %mul3A : i32
    %add3A = arith.addi %mul3A_0, %arg0 : i32
    %mul3A_1 = arith.constant 50 : i32
    %mul3A_2 = arith.muli %add3A, %mul3A_1 : i32
    %mul3A_3 = arith.constant 1572864 : i32
    %mul3A_4 = arith.muli %arg1, %mul3A_3 : i32
    %mul3A_5 = arith.constant 2 : i32
    %mul3A_6 = arith.muli %mul3A_5, %mul3A_2 : i32
    %jit3A = arith.constant 8 : i32
    %div3A = arith.divsi %mul3A_6, %jit3A : i32
    %sign3A = arith.constant 0 : i32
    %sign3A_7 = arith.cmpi sgt, %mul3A_6, %sign3A : i32
    %sign3A_8 = arith.extui %sign3A_7 : i1 to i32
    %sign3A_9 = arith.constant 0 : i32
    %sign3A_10 = arith.cmpi slt, %mul3A_6, %sign3A_9 : i32
    %sign3A_11 = arith.extui %sign3A_10 : i1 to i32
    %sign3A_12 = arith.subi %sign3A_8, %sign3A_11 : i32
    %sign3A_13 = arith.constant 0 : i32
    %sign3A_14 = arith.cmpi sgt, %jit3A, %sign3A_13 : i32
    %sign3A_15 = arith.extui %sign3A_14 : i1 to i32
    %sign3A_16 = arith.constant 0 : i32
    %sign3A_17 = arith.cmpi slt, %jit3A, %sign3A_16 : i32
    %sign3A_18 = arith.extui %sign3A_17 : i1 to i32
    %sign3A_19 = arith.subi %sign3A_15, %sign3A_18 : i32
    %ne3A = arith.cmpi ne, %sign3A_12, %sign3A_19 : i32
    %rem3A = arith.remsi %mul3A_6, %jit3A : i32
    %ne3A_20 = arith.constant 0 : i32
    %ne3A_21 = arith.cmpi ne, %rem3A, %ne3A_20 : i32
    %and3A = arith.andi %ne3A, %ne3A_21 : i1
    %sub3A = arith.constant 1 : i32
    %sub3A_22 = arith.subi %div3A, %sub3A : i32
    %select_n3A = arith.select %and3A, %sub3A_22, %div3A : i32
    %mul3A_23 = arith.constant 8 : i32
    %mul3A_24 = arith.muli %select_n3A, %mul3A_23 : i32
    %multiple_of3A = tpu.assume_multiple %mul3A_24, 8 : i32
    %mul3A_25 = arith.constant 2 : i32
    %mul3A_26 = arith.muli %mul3A_25, %mul3A_2 : i32
    %sub3A_27 = arith.subi %mul3A_26, %multiple_of3A : i32
    "tpu.region"() ({
      %run_scoped3A = tpu.sem_alloc : memref<!tpu.dma_semaphore, #tpu.memory_space<semaphore_mem>>
      %dma_start3A_2646 = tpu.memref_slice %arg3[%multiple_of3A] : memref<3200xi32, #tpu.memory_space<hbm>> -> memref<112xi32, #tpu.memory_space<hbm>>
      %dma_start3A_2647 = tpu.memref_slice %arg3[%multiple_of3A] : memref<3200xi32, #tpu.memory_space<hbm>> -> memref<112xi32, #tpu.memory_space<hbm>>
      tpu.enqueue_dma source(%dma_start3A_2647 : memref<112xi32, #tpu.memory_space<hbm>>) target(%arg5 : memref<112xi32, #tpu.memory_space<vmem>>) target_semaphore(%run_scoped3A : memref<!tpu.dma_semaphore, #tpu.memory_space<semaphore_mem>>)
      %dma_wait3A_2648 = tpu.memref_slice %arg3[%multiple_of3A] : memref<3200xi32, #tpu.memory_space<hbm>> -> memref<112xi32, #tpu.memory_space<hbm>>
      %dma_wait3A_2649 = tpu.memref_slice %arg3[%multiple_of3A] : memref<3200xi32, #tpu.memory_space<hbm>> -> memref<112xi32, #tpu.memory_space<hbm>>
      tpu.wait_dma2 semaphore(%run_scoped3A : memref<!tpu.dma_semaphore, #tpu.memory_space<semaphore_mem>>) src(%dma_wait3A_2649 : memref<112xi32, #tpu.memory_space<hbm>>) dst(%arg5 : memref<112xi32, #tpu.memory_space<vmem>>)
      tpu.yield
    }) : () -> ()
    %iota3A = tpu.iota {dimensions = array<i32: 0>} : vector<16xi32>
    %add3A_28 = arith.constant 0 : i32
    %add3A_29 = vector.broadcast %add3A_28 : i32 to vector<16xi32>
    %add3A_30 = arith.addi %add3A_29, %iota3A : vector<16xi32>
    %mul3A_31 = arith.constant 16384 : i32
    %mul3A_32 = vector.broadcast %mul3A_31 : i32 to vector<16xi32>
    %mul3A_33 = arith.muli %add3A_30, %mul3A_32 : vector<16xi32>
    %add3A_34 = arith.constant 16 : i32
    %add3A_35 = vector.broadcast %add3A_34 : i32 to vector<16xi32>
    %add3A_36 = arith.addi %add3A_35, %iota3A : vector<16xi32>
    %mul3A_37 = arith.constant 16384 : i32
    %mul3A_38 = vector.broadcast %mul3A_37 : i32 to vector<16xi32>
    %mul3A_39 = arith.muli %add3A_36, %mul3A_38 : vector<16xi32>
    %add3A_40 = arith.constant 32 : i32
    %add3A_41 = vector.broadcast %add3A_40 : i32 to vector<16xi32>
    %add3A_42 = arith.addi %add3A_41, %iota3A : vector<16xi32>
    %mul3A_43 = arith.constant 16384 : i32
    %mul3A_44 = vector.broadcast %mul3A_43 : i32 to vector<16xi32>
    %mul3A_45 = arith.muli %add3A_42, %mul3A_44 : vector<16xi32>
    %add3A_46 = arith.constant 48 : i32
    %add3A_47 = vector.broadcast %add3A_46 : i32 to vector<16xi32>
    %add3A_48 = arith.addi %add3A_47, %iota3A : vector<16xi32>
    %mul3A_49 = arith.constant 16384 : i32
    %mul3A_50 = vector.broadcast %mul3A_49 : i32 to vector<16xi32>
    %mul3A_51 = arith.muli %add3A_48, %mul3A_50 : vector<16xi32>
    %add3A_52 = arith.constant 64 : i32
    %add3A_53 = vector.broadcast %add3A_52 : i32 to vector<16xi32>
    %add3A_54 = arith.addi %add3A_53, %iota3A : vector<16xi32>
    %mul3A_55 = arith.constant 16384 : i32
    %mul3A_56 = vector.broadcast %mul3A_55 : i32 to vector<16xi32>
    %mul3A_57 = arith.muli %add3A_54, %mul3A_56 : vector<16xi32>
    %add3A_58 = arith.constant 80 : i32
    %add3A_59 = vector.broadcast %add3A_58 : i32 to vector<16xi32>
    %add3A_60 = arith.addi %add3A_59, %iota3A : vector<16xi32>
    %mul3A_61 = arith.constant 16384 : i32
    %mul3A_62 = vector.broadcast %mul3A_61 : i32 to vector<16xi32>
    %mul3A_63 = arith.muli %add3A_60, %mul3A_62 : vector<16xi32>
    %add3A_64 = arith.constant 0 : i32
    %add3A_65 = arith.addi %sub3A_27, %add3A_64 : i32
    %get3A = arith.index_cast %add3A_65 : i32 to index
    %get3A_66 = tpu.vector_load %arg5[%get3A] {strides = array<i32>} : memref<112xi32, #tpu.memory_space<vmem>>, vector<16xi32>,
    %get3A_67 = vector.shape_cast %get3A_66 : vector<16xi32> to vector<16xi32>
    %slice3A = vector.extract_strided_slice %get3A_67 {offsets = [1], sizes = [1], strides = [1]} : vector<16xi32> to vector<1xi32>
    %squeeze3A = vector.extract %slice3A[0] : i32 from vector<1xi32>
    %mul3A_68 = arith.constant 128 : i32
    %mul3A_69 = arith.muli %squeeze3A, %mul3A_68 : i32
    %add3A_70 = arith.addi %mul3A_4, %mul3A_69 : i32
    %slice3A_71 = vector.extract_strided_slice %get3A_67 {offsets = [0], sizes = [1], strides = [1]} : vector<16xi32> to vector<1xi32>
    %squeeze3A_72 = vector.extract %slice3A_71[0] : i32 from vector<1xi32>
    %add3A_73 = arith.addi %add3A_70, %squeeze3A_72 : i32
    %add3A_74 = vector.broadcast %add3A_73 : i32 to vector<16xi32>
    %add3A_75 = arith.addi %add3A_74, %mul3A_33 : vector<16xi32>
    %swap3A = arith.constant 0 : index
    %swap3A_76 = tpu.vector_load %arg6[%swap3A] {strides = array<i32>} : memref<4800xi32, #tpu.memory_space<vmem>>, vector<16xi32>,
    %swap3A_77 = vector.shape_cast %swap3A_76 : vector<16xi32> to vector<16xi32>
    %swap3A_78 = vector.shape_cast %add3A_75 : vector<16xi32> to vector<16xi32>
    tpu.vector_store %arg6[%swap3A], %swap3A_78 {strides = array<i32>} : memref<4800xi32, #tpu.memory_space<vmem>>, vector<16xi32>,
    %add3A_79 = vector.broadcast %add3A_73 : i32 to vector<16xi32>
    %add3A_80 = arith.addi %add3A_79, %mul3A_39 : vector<16xi32>
    %swap3A_81 = arith.constant 16 : index
    %swap3A_82 = tpu.vector_load %arg6[%swap3A_81] {strides = array<i32>} : memref<4800xi32, #tpu.memory_space<vmem>>, vector<16xi32>,
    %swap3A_83 = vector.shape_cast %swap3A_82 : vector<16xi32> to vector<16xi32>
    %swap3A_84 = vector.shape_cast %add3A_80 : vector<16xi32> to vector<16xi32>
    tpu.vector_store %arg6[%swap3A_81], %swap3A_84 {strides = array<i32>} : memref<4800xi32, #tpu.memory_space<vmem>>, vector<16xi32>,
    %add3A_85 = vector.broadcast %add3A_73 : i32 to vector<16xi32>
    %add3A_86 = arith.addi %add3A_85, %mul3A_45 : vector<16xi32>
    %swap3A_87 = arith.constant 32 : index
    %swap3A_88 = tpu.vector_load %arg6[%swap3A_87] {strides = array<i32>} : memref<4800xi32, #tpu.memory_space<vmem>>, vector<16xi32>,
    %swap3A_89 = vector.shape_cast %swap3A_88 : vector<16xi32> to vector<16xi32>
    %swap3A_90 = vector.shape_cast %add3A_86 : vector<16xi32> to vector<16xi32>
    tpu.vector_store %arg6[%swap3A_87], %swap3A_90 {strides = array<i32>} : memref<4800xi32, #tpu.memory_space<vmem>>, vector<16xi32>,
    %add3A_91 = vector.broadcast %add3A_73 : i32 to vector<16xi32>
    %add3A_92 = arith.addi %add3A_91, %mul3A_51 : vector<16xi32>
    %swap3A_93 = arith.constant 48 : index
    %swap3A_94 = tpu.vector_load %arg6[%swap3A_93] {strides = array<i32>} : memref<4800xi32, #tpu.memory_space<vmem>>, vector<16xi32>,
    %swap3A_95 = vector.shape_cast %swap3A_94 : vector<16xi32> to vector<16xi32>
    %swap3A_96 = vector.shape_cast %add3A_92 : vector<16xi32> to vector<16xi32>
    tpu.vector_store %arg6[%swap3A_93], %swap3A_96 {strides = array<i32>} : memref<4800xi32, #tpu.memory_space<vmem>>, vector<16xi32>,
    %add3A_97 = vector.broadcast %add3A_73 : i32 to vector<16xi32>
    %add3A_98 = arith.addi %add3A_97, %mul3A_57 : vector<16xi32>
    %swap3A_99 = arith.constant 64 : index
    %swap3A_100 = tpu.vector_load %arg6[%swap3A_99] {strides = array<i32>} : memref<4800xi32, #tpu.memory_space<vmem>>, vector<16xi32>,
    %swap3A_101 = vector.shape_cast %swap3A_100 : vector<16xi32> to vector<16xi32>
    %swap3A_102 = vector.shape_cast %add3A_98 : vector<16xi32> to vector<16xi32>
    tpu.vector_store %arg6[%swap3A_99], %swap3A_102 {strides = array<i32>} : memref<4800xi32, #tpu.memory_space<vmem>>, vector<16xi32>,
    %add3A_103 = vector.broadcast %add3A_73 : i32 to vector<16xi32>
    %add3A_104 = arith.addi %add3A_103, %mul3A_63 : vector<16xi32>
    %swap3A_105 = arith.constant 80 : index
    %swap3A_106 = tpu.vector_load %arg6[%swap3A_105] {strides = array<i32>} : memref<4800xi32, #tpu.memory_space<vmem>>, vector<16xi32>,
    %swap3A_107 = vector.shape_cast %swap3A_106 : vector<16xi32> to vector<16xi32>
    %swap3A_108 = vector.shape_cast %add3A_104 : vector<16xi32> to vector<16xi32>
    tpu.vector_store %arg6[%swap3A_105], %swap3A_108 {strides = array<i32>} : memref<4800xi32, #tpu.memory_space<vmem>>, vector<16xi32>,
    %add3A_109 = arith.constant 2 : i32
    %add3A_110 = arith.addi %sub3A_27, %add3A_109 : i32
    %get3A_111 = arith.index_cast %add3A_110 : i32 to index
    %get3A_112 = tpu.vector_load %arg5[%get3A_111] {strides = array<i32>} : memref<112xi32, #tpu.memory_space<vmem>>, vector<16xi32>,
    %get3A_113 = vector.shape_cast %get3A_112 : vector<16xi32> to vector<16xi32>
    %slice3A_114 = vector.extract_strided_slice %get3A_113 {offsets = [1], sizes = [1], strides = [1]} : vector<16xi32> to vector<1xi32>
    %squeeze3A_115 = vector.extract %slice3A_114[0] : i32 from vector<1xi32>
    %mul3A_116 = arith.constant 128 : i32
    %mul3A_117 = arith.muli %squeeze3A_115, %mul3A_116 : i32
    %add3A_118 = arith.addi %mul3A_4, %mul3A_117 : i32
    %slice3A_119 = vector.extract_strided_slice %get3A_113 {offsets = [0], sizes = [1], strides = [1]} : vector<16xi32> to vector<1xi32>
    %squeeze3A_120 = vector.extract %slice3A_119[0] : i32 from vector<1xi32>
    %add3A_121 = arith.addi %add3A_118, %squeeze3A_120 : i32
    %add3A_122 = vector.broadcast %add3A_121 : i32 to vector<16xi32>
    %add3A_123 = arith.addi %add3A_122, %mul3A_33 : vector<16xi32>
    %swap3A_124 = arith.constant 96 : index
    %swap3A_125 = tpu.vector_load %arg6[%swap3A_124] {strides = array<i32>} : memref<4800xi32, #tpu.memory_space<vmem>>, vector<16xi32>,
    %swap3A_126 = vector.shape_cast %swap3A_125 : vector<16xi32> to vector<16xi32>
    %swap3A_127 = vector.shape_cast %add3A_123 : vector<16xi32> to vector<16xi32>
    tpu.vector_store %arg6[%swap3A_124], %swap3A_127 {strides = array<i32>} : memref<4800xi32, #tpu.memory_space<vmem>>, vector<16xi32>,
    %add3A_128 = vector.broadcast %add3A_121 : i32 to vector<16xi32>
    %add3A_129 = arith.addi %add3A_128, %mul3A_39 : vector<16xi32>
    %swap3A_130 = arith.constant 112 : index
    %swap3A_131 = tpu.vector_load %arg6[%swap3A_130] {strides = array<i32>} : memref<4800xi32, #tpu.memory_space<vmem>>, vector<16xi32>,
    %swap3A_132 = vector.shape_cast %swap3A_131 : vector<16xi32> to vector<16xi32>
    %swap3A_133 = vector.shape_cast %add3A_129 : vector<16xi32> to vector<16xi32>
    tpu.vector_store %arg6[%swap3A_130], %swap3A_133 {strides = array<i32>} : memref<4800xi32, #tpu.memory_space<vmem>>, vector<16xi32>,
    %add3A_134 = vector.broadcast %add3A_121 : i32 to vector<16xi32>
    %add3A_135 = arith.addi %add3A_134, %mul3A_45 : vector<16xi32>
    %swap3A_136 = arith.constant 128 : index
    %swap3A_137 = tpu.vector_load %arg6[%swap3A_136] {strides = array<i32>} : memref<4800xi32, #tpu.memory_space<vmem>>, vector<16xi32>,
    %swap3A_138 = vector.shape_cast %swap3A_137 : vector<16xi32> to vector<16xi32>
    %swap3A_139 = vector.shape_cast %add3A_135 : vector<16xi32> to vector<16xi32>
    tpu.vector_store %arg6[%swap3A_136], %swap3A_139 {strides = array<i32>} : memref<4800xi32, #tpu.memory_space<vmem>>, vector<16xi32>,
    %add3A_140 = vector.broadcast %add3A_121 : i32 to vector<16xi32>
    %add3A_141 = arith.addi %add3A_140, %mul3A_51 : vector<16xi32>
    %swap3A_142 = arith.constant 144 : index
    %swap3A_143 = tpu.vector_load %arg6[%swap3A_142] {strides = array<i32>} : memref<4800xi32, #tpu.memory_space<vmem>>, vector<16xi32>,
    %swap3A_144 = vector.shape_cast %swap3A_143 : vector<16xi32> to vector<16xi32>
    %swap3A_145 = vector.shape_cast %add3A_141 : vector<16xi32> to vector<16xi32>
    tpu.vector_store %arg6[%swap3A_142], %swap3A_145 {strides = array<i32>} : memref<4800xi32, #tpu.memory_space<vmem>>, vector<16xi32>,
    %add3A_146 = vector.broadcast %add3A_121 : i32 to vector<16xi32>
    %add3A_147 = arith.addi %add3A_146, %mul3A_57 : vector<16xi32>
    %swap3A_148 = arith.constant 160 : index
    %swap3A_149 = tpu.vector_load %arg6[%swap3A_148] {strides = array<i32>} : memref<4800xi32, #tpu.memory_space<vmem>>, vector<16xi32>,
    %swap3A_150 = vector.shape_cast %swap3A_149 : vector<16xi32> to vector<16xi32>
    %swap3A_151 = vector.shape_cast %add3A_147 : vector<16xi32> to vector<16xi32>
    tpu.vector_store %arg6[%swap3A_148], %swap3A_151 {strides = array<i32>} : memref<4800xi32, #tpu.memory_space<vmem>>, vector<16xi32>,
    %add3A_152 = vector.broadcast %add3A_121 : i32 to vector<16xi32>
    %add3A_153 = arith.addi %add3A_152, %mul3A_63 : vector<16xi32>
    %swap3A_154 = arith.constant 176 : index
    %swap3A_155 = tpu.vector_load %arg6[%swap3A_154] {strides = array<i32>} : memref<4800xi32, #tpu.memory_space<vmem>>, vector<16xi32>,
    %swap3A_156 = vector.shape_cast %swap3A_155 : vector<16xi32> to vector<16xi32>
    %swap3A_157 = vector.shape_cast %add3A_153 : vector<16xi32> to vector<16xi32>
    tpu.vector_store %arg6[%swap3A_154], %swap3A_157 {strides = array<i32>} : memref<4800xi32, #tpu.memory_space<vmem>>, vector<16xi32>,
    %add3A_158 = arith.constant 4 : i32
    %add3A_159 = arith.addi %sub3A_27, %add3A_158 : i32
    %get3A_160 = arith.index_cast %add3A_159 : i32 to index
    %get3A_161 = tpu.vector_load %arg5[%get3A_160] {strides = array<i32>} : memref<112xi32, #tpu.memory_space<vmem>>, vector<16xi32>,
    %get3A_162 = vector.shape_cast %get3A_161 : vector<16xi32> to vector<16xi32>
    %slice3A_163 = vector.extract_strided_slice %get3A_162 {offsets = [1], sizes = [1], strides = [1]} : vector<16xi32> to vector<1xi32>
    %squeeze3A_164 = vector.extract %slice3A_163[0] : i32 from vector<1xi32>
    %mul3A_165 = arith.constant 128 : i32
    %mul3A_166 = arith.muli %squeeze3A_164, %mul3A_165 : i32
    %add3A_167 = arith.addi %mul3A_4, %mul3A_166 : i32
    %slice3A_168 = vector.extract_strided_slice %get3A_162 {offsets = [0], sizes = [1], strides = [1]} : vector<16xi32> to vector<1xi32>
    %squeeze3A_169 = vector.extract %slice3A_168[0] : i32 from vector<1xi32>
    %add3A_170 = arith.addi %add3A_167, %squeeze3A_169 : i32
    %add3A_171 = vector.broadcast %add3A_170 : i32 to vector<16xi32>
    %add3A_172 = arith.addi %add3A_171, %mul3A_33 : vector<16xi32>
    %swap3A_173 = arith.constant 192 : index
    %swap3A_174 = tpu.vector_load %arg6[%swap3A_173] {strides = array<i32>} : memref<4800xi32, #tpu.memory_space<vmem>>, vector<16xi32>,
    %swap3A_175 = vector.shape_cast %swap3A_174 : vector<16xi32> to vector<16xi32>
    %swap3A_176 = vector.shape_cast %add3A_172 : vector<16xi32> to vector<16xi32>
    tpu.vector_store %arg6[%swap3A_173], %swap3A_176 {strides = array<i32>} : memref<4800xi32, #tpu.memory_space<vmem>>, vector<16xi32>,
    %add3A_177 = vector.broadcast %add3A_170 : i32 to vector<16xi32>
    %add3A_178 = arith.addi %add3A_177, %mul3A_39 : vector<16xi32>
    %swap3A_179 = arith.constant 208 : index
    %swap3A_180 = tpu.vector_load %arg6[%swap3A_179] {strides = array<i32>} : memref<4800xi32, #tpu.memory_space<vmem>>, vector<16xi32>,
    %swap3A_181 = vector.shape_cast %swap3A_180 : vector<16xi32> to vector<16xi32>
    %swap3A_182 = vector.shape_cast %add3A_178 : vector<16xi32> to vector<16xi32>
    tpu.vector_store %arg6[%swap3A_179], %swap3A_182 {strides = array<i32>} : memref<4800xi32, #tpu.memory_space<vmem>>, vector<16xi32>,
    %add3A_183 = vector.broadcast %add3A_170 : i32 to vector<16xi32>
    %add3A_184 = arith.addi %add3A_183, %mul3A_45 : vector<16xi32>
    %swap3A_185 = arith.constant 224 : index
    %swap3A_186 = tpu.vector_load %arg6[%swap3A_185] {strides = array<i32>} : memref<4800xi32, #tpu.memory_space<vmem>>, vector<16xi32>,
    %swap3A_187 = vector.shape_cast %swap3A_186 : vector<16xi32> to vector<16xi32>
    %swap3A_188 = vector.shape_cast %add3A_184 : vector<16xi32> to vector<16xi32>
    tpu.vector_store %arg6[%swap3A_185], %swap3A_188 {strides = array<i32>} : memref<4800xi32, #tpu.memory_space<vmem>>, vector<16xi32>,
    %add3A_189 = vector.broadcast %add3A_170 : i32 to vector<16xi32>
    %add3A_190 = arith.addi %add3A_189, %mul3A_51 : vector<16xi32>
    %swap3A_191 = arith.constant 240 : index
    %swap3A_192 = tpu.vector_load %arg6[%swap3A_191] {strides = array<i32>} : memref<4800xi32, #tpu.memory_space<vmem>>, vector<16xi32>,
    %swap3A_193 = vector.shape_cast %swap3A_192 : vector<16xi32> to vector<16xi32>
    %swap3A_194 = vector.shape_cast %add3A_190 : vector<16xi32> to vector<16xi32>
    tpu.vector_store %arg6[%swap3A_191], %swap3A_194 {strides = array<i32>} : memref<4800xi32, #tpu.memory_space<vmem>>, vector<16xi32>,
    %add3A_195 = vector.broadcast %add3A_170 : i32 to vector<16xi32>
    %add3A_196 = arith.addi %add3A_195, %mul3A_57 : vector<16xi32>
    %swap3A_197 = arith.constant 256 : index
    %swap3A_198 = tpu.vector_load %arg6[%swap3A_197] {strides = array<i32>} : memref<4800xi32, #tpu.memory_space<vmem>>, vector<16xi32>,
    %swap3A_199 = vector.shape_cast %swap3A_198 : vector<16xi32> to vector<16xi32>
    %swap3A_200 = vector.shape_cast %add3A_196 : vector<16xi32> to vector<16xi32>
    tpu.vector_store %arg6[%swap3A_197], %swap3A_200 {strides = array<i32>} : memref<4800xi32, #tpu.memory_space<vmem>>, vector<16xi32>,
    %add3A_201 = vector.broadcast %add3A_170 : i32 to vector<16xi32>
    %add3A_202 = arith.addi %add3A_201, %mul3A_63 : vector<16xi32>
    %swap3A_203 = arith.constant 272 : index
    %swap3A_204 = tpu.vector_load %arg6[%swap3A_203] {strides = array<i32>} : memref<4800xi32, #tpu.memory_space<vmem>>, vector<16xi32>,
    %swap3A_205 = vector.shape_cast %swap3A_204 : vector<16xi32> to vector<16xi32>
    %swap3A_206 = vector.shape_cast %add3A_202 : vector<16xi32> to vector<16xi32>
    tpu.vector_store %arg6[%swap3A_203], %swap3A_206 {strides = array<i32>} : memref<4800xi32, #tpu.memory_space<vmem>>, vector<16xi32>,
    %add3A_207 = arith.constant 6 : i32
    %add3A_208 = arith.addi %sub3A_27, %add3A_207 : i32
    %get3A_209 = arith.index_cast %add3A_208 : i32 to index
    %get3A_210 = tpu.vector_load %arg5[%get3A_209] {strides = array<i32>} : memref<112xi32, #tpu.memory_space<vmem>>, vector<16xi32>,
    %get3A_211 = vector.shape_cast %get3A_210 : vector<16xi32> to vector<16xi32>
    %slice3A_212 = vector.extract_strided_slice %get3A_211 {offsets = [1], sizes = [1], strides = [1]} : vector<16xi32> to vector<1xi32>
    %squeeze3A_213 = vector.extract %slice3A_212[0] : i32 from vector<1xi32>
    %mul3A_214 = arith.constant 128 : i32
    %mul3A_215 = arith.muli %squeeze3A_213, %mul3A_214 : i32
    %add3A_216 = arith.addi %mul3A_4, %mul3A_215 : i32
    %slice3A_217 = vector.extract_strided_slice %get3A_211 {offsets = [0], sizes = [1], strides = [1]} : vector<16xi32> to vector<1xi32>
    %squeeze3A_218 = vector.extract %slice3A_217[0] : i32 from vector<1xi32>
    %add3A_219 = arith.addi %add3A_216, %squeeze3A_218 : i32
    %add3A_220 = vector.broadcast %add3A_219 : i32 to vector<16xi32>
    %add3A_221 = arith.addi %add3A_220, %mul3A_33 : vector<16xi32>
    %swap3A_222 = arith.constant 288 : index
    %swap3A_223 = tpu.vector_load %arg6[%swap3A_222] {strides = array<i32>} : memref<4800xi32, #tpu.memory_space<vmem>>, vector<16xi32>,
    %swap3A_224 = vector.shape_cast %swap3A_223 : vector<16xi32> to vector<16xi32>
    %swap3A_225 = vector.shape_cast %add3A_221 : vector<16xi32> to vector<16xi32>
    tpu.vector_store %arg6[%swap3A_222], %swap3A_225 {strides = array<i32>} : memref<4800xi32, #tpu.memory_space<vmem>>, vector<16xi32>,
    %add3A_226 = vector.broadcast %add3A_219 : i32 to vector<16xi32>
    %add3A_227 = arith.addi %add3A_226, %mul3A_39 : vector<16xi32>
    %swap3A_228 = arith.constant 304 : index
    %swap3A_229 = tpu.vector_load %arg6[%swap3A_228] {strides = array<i32>} : memref<4800xi32, #tpu.memory_space<vmem>>, vector<16xi32>,
    %swap3A_230 = vector.shape_cast %swap3A_229 : vector<16xi32> to vector<16xi32>
    %swap3A_231 = vector.shape_cast %add3A_227 : vector<16xi32> to vector<16xi32>
    tpu.vector_store %arg6[%swap3A_228], %swap3A_231 {strides = array<i32>} : memref<4800xi32, #tpu.memory_space<vmem>>, vector<16xi32>,
    %add3A_232 = vector.broadcast %add3A_219 : i32 to vector<16xi32>
    %add3A_233 = arith.addi %add3A_232, %mul3A_45 : vector<16xi32>
    %swap3A_234 = arith.constant 320 : index
    %swap3A_235 = tpu.vector_load %arg6[%swap3A_234] {strides = array<i32>} : memref<4800xi32, #tpu.memory_space<vmem>>, vector<16xi32>,
    %swap3A_236 = vector.shape_cast %swap3A_235 : vector<16xi32> to vector<16xi32>
    %swap3A_237 = vector.shape_cast %add3A_233 : vector<16xi32> to vector<16xi32>
    tpu.vector_store %arg6[%swap3A_234], %swap3A_237 {strides = array<i32>} : memref<4800xi32, #tpu.memory_space<vmem>>, vector<16xi32>,
    %add3A_238 = vector.broadcast %add3A_219 : i32 to vector<16xi32>
    %add3A_239 = arith.addi %add3A_238, %mul3A_51 : vector<16xi32>
    %swap3A_240 = arith.constant 336 : index
    %swap3A_241 = tpu.vector_load %arg6[%swap3A_240] {strides = array<i32>} : memref<4800xi32, #tpu.memory_space<vmem>>, vector<16xi32>,
    %swap3A_242 = vector.shape_cast %swap3A_241 : vector<16xi32> to vector<16xi32>
    %swap3A_243 = vector.shape_cast %add3A_239 : vector<16xi32> to vector<16xi32>
    tpu.vector_store %arg6[%swap3A_240], %swap3A_243 {strides = array<i32>} : memref<4800xi32, #tpu.memory_space<vmem>>, vector<16xi32>,
    %add3A_244 = vector.broadcast %add3A_219 : i32 to vector<16xi32>
    %add3A_245 = arith.addi %add3A_244, %mul3A_57 : vector<16xi32>
    %swap3A_246 = arith.constant 352 : index
    %swap3A_247 = tpu.vector_load %arg6[%swap3A_246] {strides = array<i32>} : memref<4800xi32, #tpu.memory_space<vmem>>, vector<16xi32>,
    %swap3A_248 = vector.shape_cast %swap3A_247 : vector<16xi32> to vector<16xi32>
    %swap3A_249 = vector.shape_cast %add3A_245 : vector<16xi32> to vector<16xi32>
    tpu.vector_store %arg6[%swap3A_246], %swap3A_249 {strides = array<i32>} : memref<4800xi32, #tpu.memory_space<vmem>>, vector<16xi32>,
    %add3A_250 = vector.broadcast %add3A_219 : i32 to vector<16xi32>
    %add3A_251 = arith.addi %add3A_250, %mul3A_63 : vector<16xi32>
    %swap3A_252 = arith.constant 368 : index
    %swap3A_253 = tpu.vector_load %arg6[%swap3A_252] {strides = array<i32>} : memref<4800xi32, #tpu.memory_space<vmem>>, vector<16xi32>,
    %swap3A_254 = vector.shape_cast %swap3A_253 : vector<16xi32> to vector<16xi32>
    %swap3A_255 = vector.shape_cast %add3A_251 : vector<16xi32> to vector<16xi32>
    tpu.vector_store %arg6[%swap3A_252], %swap3A_255 {strides = array<i32>} : memref<4800xi32, #tpu.memory_space<vmem>>, vector<16xi32>,
    %add3A_256 = arith.constant 8 : i32
    %add3A_257 = arith.addi %sub3A_27, %add3A_256 : i32
    %get3A_258 = arith.index_cast %add3A_257 : i32 to index
    %get3A_259 = tpu.vector_load %arg5[%get3A_258] {strides = array<i32>} : memref<112xi32, #tpu.memory_space<vmem>>, vector<16xi32>,
    %get3A_260 = vector.shape_cast %get3A_259 : vector<16xi32> to vector<16xi32>
    %slice3A_261 = vector.extract_strided_slice %get3A_260 {offsets = [1], sizes = [1], strides = [1]} : vector<16xi32> to vector<1xi32>
    %squeeze3A_262 = vector.extract %slice3A_261[0] : i32 from vector<1xi32>
    %mul3A_263 = arith.constant 128 : i32
    %mul3A_264 = arith.muli %squeeze3A_262, %mul3A_263 : i32
    %add3A_265 = arith.addi %mul3A_4, %mul3A_264 : i32
    %slice3A_266 = vector.extract_strided_slice %get3A_260 {offsets = [0], sizes = [1], strides = [1]} : vector<16xi32> to vector<1xi32>
    %squeeze3A_267 = vector.extract %slice3A_266[0] : i32 from vector<1xi32>
    %add3A_268 = arith.addi %add3A_265, %squeeze3A_267 : i32
    %add3A_269 = vector.broadcast %add3A_268 : i32 to vector<16xi32>
    %add3A_270 = arith.addi %add3A_269, %mul3A_33 : vector<16xi32>
    %swap3A_271 = arith.constant 384 : index
    %swap3A_272 = tpu.vector_load %arg6[%swap3A_271] {strides = array<i32>} : memref<4800xi32, #tpu.memory_space<vmem>>, vector<16xi32>,
    %swap3A_273 = vector.shape_cast %swap3A_272 : vector<16xi32> to vector<16xi32>
    %swap3A_274 = vector.shape_cast %add3A_270 : vector<16xi32> to vector<16xi32>
    tpu.vector_store %arg6[%swap3A_271], %swap3A_274 {strides = array<i32>} : memref<4800xi32, #tpu.memory_space<vmem>>, vector<16xi32>,
    %add3A_275 = vector.broadcast %add3A_268 : i32 to vector<16xi32>
    %add3A_276 = arith.addi %add3A_275, %mul3A_39 : vector<16xi32>
    %swap3A_277 = arith.constant 400 : index
    %swap3A_278 = tpu.vector_load %arg6[%swap3A_277] {strides = array<i32>} : memref<4800xi32, #tpu.memory_space<vmem>>, vector<16xi32>,
    %swap3A_279 = vector.shape_cast %swap3A_278 : vector<16xi32> to vector<16xi32>
    %swap3A_280 = vector.shape_cast %add3A_276 : vector<16xi32> to vector<16xi32>
    tpu.vector_store %arg6[%swap3A_277], %swap3A_280 {strides = array<i32>} : memref<4800xi32, #tpu.memory_space<vmem>>, vector<16xi32>,
    %add3A_281 = vector.broadcast %add3A_268 : i32 to vector<16xi32>
    %add3A_282 = arith.addi %add3A_281, %mul3A_45 : vector<16xi32>
    %swap3A_283 = arith.constant 416 : index
    %swap3A_284 = tpu.vector_load %arg6[%swap3A_283] {strides = array<i32>} : memref<4800xi32, #tpu.memory_space<vmem>>, vector<16xi32>,
    %swap3A_285 = vector.shape_cast %swap3A_284 : vector<16xi32> to vector<16xi32>
    %swap3A_286 = vector.shape_cast %add3A_282 : vector<16xi32> to vector<16xi32>
    tpu.vector_store %arg6[%swap3A_283], %swap3A_286 {strides = array<i32>} : memref<4800xi32, #tpu.memory_space<vmem>>, vector<16xi32>,
    %add3A_287 = vector.broadcast %add3A_268 : i32 to vector<16xi32>
    %add3A_288 = arith.addi %add3A_287, %mul3A_51 : vector<16xi32>
    %swap3A_289 = arith.constant 432 : index
    %swap3A_290 = tpu.vector_load %arg6[%swap3A_289] {strides = array<i32>} : memref<4800xi32, #tpu.memory_space<vmem>>, vector<16xi32>,
    %swap3A_291 = vector.shape_cast %swap3A_290 : vector<16xi32> to vector<16xi32>
    %swap3A_292 = vector.shape_cast %add3A_288 : vector<16xi32> to vector<16xi32>
    tpu.vector_store %arg6[%swap3A_289], %swap3A_292 {strides = array<i32>} : memref<4800xi32, #tpu.memory_space<vmem>>, vector<16xi32>,
    %add3A_293 = vector.broadcast %add3A_268 : i32 to vector<16xi32>
    %add3A_294 = arith.addi %add3A_293, %mul3A_57 : vector<16xi32>
    %swap3A_295 = arith.constant 448 : index
    %swap3A_296 = tpu.vector_load %arg6[%swap3A_295] {strides = array<i32>} : memref<4800xi32, #tpu.memory_space<vmem>>, vector<16xi32>,
    %swap3A_297 = vector.shape_cast %swap3A_296 : vector<16xi32> to vector<16xi32>
    %swap3A_298 = vector.shape_cast %add3A_294 : vector<16xi32> to vector<16xi32>
    tpu.vector_store %arg6[%swap3A_295], %swap3A_298 {strides = array<i32>} : memref<4800xi32, #tpu.memory_space<vmem>>, vector<16xi32>,
    %add3A_299 = vector.broadcast %add3A_268 : i32 to vector<16xi32>
    %add3A_300 = arith.addi %add3A_299, %mul3A_63 : vector<16xi32>
    %swap3A_301 = arith.constant 464 : index
    %swap3A_302 = tpu.vector_load %arg6[%swap3A_301] {strides = array<i32>} : memref<4800xi32, #tpu.memory_space<vmem>>, vector<16xi32>,
    %swap3A_303 = vector.shape_cast %swap3A_302 : vector<16xi32> to vector<16xi32>
    %swap3A_304 = vector.shape_cast %add3A_300 : vector<16xi32> to vector<16xi32>
    tpu.vector_store %arg6[%swap3A_301], %swap3A_304 {strides = array<i32>} : memref<4800xi32, #tpu.memory_space<vmem>>, vector<16xi32>,
    %add3A_305 = arith.constant 10 : i32
    %add3A_306 = arith.addi %sub3A_27, %add3A_305 : i32
    %get3A_307 = arith.index_cast %add3A_306 : i32 to index
    %get3A_308 = tpu.vector_load %arg5[%get3A_307] {strides = array<i32>} : memref<112xi32, #tpu.memory_space<vmem>>, vector<16xi32>,
    %get3A_309 = vector.shape_cast %get3A_308 : vector<16xi32> to vector<16xi32>
    %slice3A_310 = vector.extract_strided_slice %get3A_309 {offsets = [1], sizes = [1], strides = [1]} : vector<16xi32> to vector<1xi32>
    %squeeze3A_311 = vector.extract %slice3A_310[0] : i32 from vector<1xi32>
    %mul3A_312 = arith.constant 128 : i32
    %mul3A_313 = arith.muli %squeeze3A_311, %mul3A_312 : i32
    %add3A_314 = arith.addi %mul3A_4, %mul3A_313 : i32
    %slice3A_315 = vector.extract_strided_slice %get3A_309 {offsets = [0], sizes = [1], strides = [1]} : vector<16xi32> to vector<1xi32>
    %squeeze3A_316 = vector.extract %slice3A_315[0] : i32 from vector<1xi32>
    %add3A_317 = arith.addi %add3A_314, %squeeze3A_316 : i32
    %add3A_318 = vector.broadcast %add3A_317 : i32 to vector<16xi32>
    %add3A_319 = arith.addi %add3A_318, %mul3A_33 : vector<16xi32>
    %swap3A_320 = arith.constant 480 : index
    %swap3A_321 = tpu.vector_load %arg6[%swap3A_320] {strides = array<i32>} : memref<4800xi32, #tpu.memory_space<vmem>>, vector<16xi32>,
    %swap3A_322 = vector.shape_cast %swap3A_321 : vector<16xi32> to vector<16xi32>
    %swap3A_323 = vector.shape_cast %add3A_319 : vector<16xi32> to vector<16xi32>
    tpu.vector_store %arg6[%swap3A_320], %swap3A_323 {strides = array<i32>} : memref<4800xi32, #tpu.memory_space<vmem>>, vector<16xi32>,
    %add3A_324 = vector.broadcast %add3A_317 : i32 to vector<16xi32>
    %add3A_325 = arith.addi %add3A_324, %mul3A_39 : vector<16xi32>
    %swap3A_326 = arith.constant 496 : index
    %swap3A_327 = tpu.vector_load %arg6[%swap3A_326] {strides = array<i32>} : memref<4800xi32, #tpu.memory_space<vmem>>, vector<16xi32>,
    %swap3A_328 = vector.shape_cast %swap3A_327 : vector<16xi32> to vector<16xi32>
    %swap3A_329 = vector.shape_cast %add3A_325 : vector<16xi32> to vector<16xi32>
    tpu.vector_store %arg6[%swap3A_326], %swap3A_329 {strides = array<i32>} : memref<4800xi32, #tpu.memory_space<vmem>>, vector<16xi32>,
    %add3A_330 = vector.broadcast %add3A_317 : i32 to vector<16xi32>
    %add3A_331 = arith.addi %add3A_330, %mul3A_45 : vector<16xi32>
    %swap3A_332 = arith.constant 512 : index
    %swap3A_333 = tpu.vector_load %arg6[%swap3A_332] {strides = array<i32>} : memref<4800xi32, #tpu.memory_space<vmem>>, vector<16xi32>,
    %swap3A_334 = vector.shape_cast %swap3A_333 : vector<16xi32> to vector<16xi32>
    %swap3A_335 = vector.shape_cast %add3A_331 : vector<16xi32> to vector<16xi32>
    tpu.vector_store %arg6[%swap3A_332], %swap3A_335 {strides = array<i32>} : memref<4800xi32, #tpu.memory_space<vmem>>, vector<16xi32>,
    %add3A_336 = vector.broadcast %add3A_317 : i32 to vector<16xi32>
    %add3A_337 = arith.addi %add3A_336, %mul3A_51 : vector<16xi32>
    %swap3A_338 = arith.constant 528 : index
    %swap3A_339 = tpu.vector_load %arg6[%swap3A_338] {strides = array<i32>} : memref<4800xi32, #tpu.memory_space<vmem>>, vector<16xi32>,
    %swap3A_340 = vector.shape_cast %swap3A_339 : vector<16xi32> to vector<16xi32>
    %swap3A_341 = vector.shape_cast %add3A_337 : vector<16xi32> to vector<16xi32>
    tpu.vector_store %arg6[%swap3A_338], %swap3A_341 {strides = array<i32>} : memref<4800xi32, #tpu.memory_space<vmem>>, vector<16xi32>,
    %add3A_342 = vector.broadcast %add3A_317 : i32 to vector<16xi32>
    %add3A_343 = arith.addi %add3A_342, %mul3A_57 : vector<16xi32>
    %swap3A_344 = arith.constant 544 : index
    %swap3A_345 = tpu.vector_load %arg6[%swap3A_344] {strides = array<i32>} : memref<4800xi32, #tpu.memory_space<vmem>>, vector<16xi32>,
    %swap3A_346 = vector.shape_cast %swap3A_345 : vector<16xi32> to vector<16xi32>
    %swap3A_347 = vector.shape_cast %add3A_343 : vector<16xi32> to vector<16xi32>
    tpu.vector_store %arg6[%swap3A_344], %swap3A_347 {strides = array<i32>} : memref<4800xi32, #tpu.memory_space<vmem>>, vector<16xi32>,
    %add3A_348 = vector.broadcast %add3A_317 : i32 to vector<16xi32>
    %add3A_349 = arith.addi %add3A_348, %mul3A_63 : vector<16xi32>
    %swap3A_350 = arith.constant 560 : index
    %swap3A_351 = tpu.vector_load %arg6[%swap3A_350] {strides = array<i32>} : memref<4800xi32, #tpu.memory_space<vmem>>, vector<16xi32>,
    %swap3A_352 = vector.shape_cast %swap3A_351 : vector<16xi32> to vector<16xi32>
    %swap3A_353 = vector.shape_cast %add3A_349 : vector<16xi32> to vector<16xi32>
    tpu.vector_store %arg6[%swap3A_350], %swap3A_353 {strides = array<i32>} : memref<4800xi32, #tpu.memory_space<vmem>>, vector<16xi32>,
    %add3A_354 = arith.constant 12 : i32
    %add3A_355 = arith.addi %sub3A_27, %add3A_354 : i32
    %get3A_356 = arith.index_cast %add3A_355 : i32 to index
    %get3A_357 = tpu.vector_load %arg5[%get3A_356] {strides = array<i32>} : memref<112xi32, #tpu.memory_space<vmem>>, vector<16xi32>,
    %get3A_358 = vector.shape_cast %get3A_357 : vector<16xi32> to vector<16xi32>
    %slice3A_359 = vector.extract_strided_slice %get3A_358 {offsets = [1], sizes = [1], strides = [1]} : vector<16xi32> to vector<1xi32>
    %squeeze3A_360 = vector.extract %slice3A_359[0] : i32 from vector<1xi32>
    %mul3A_361 = arith.constant 128 : i32
    %mul3A_362 = arith.muli %squeeze3A_360, %mul3A_361 : i32
    %add3A_363 = arith.addi %mul3A_4, %mul3A_362 : i32
    %slice3A_364 = vector.extract_strided_slice %get3A_358 {offsets = [0], sizes = [1], strides = [1]} : vector<16xi32> to vector<1xi32>
    %squeeze3A_365 = vector.extract %slice3A_364[0] : i32 from vector<1xi32>
    %add3A_366 = arith.addi %add3A_363, %squeeze3A_365 : i32
    %add3A_367 = vector.broadcast %add3A_366 : i32 to vector<16xi32>
    %add3A_368 = arith.addi %add3A_367, %mul3A_33 : vector<16xi32>
    %swap3A_369 = arith.constant 576 : index
    %swap3A_370 = tpu.vector_load %arg6[%swap3A_369] {strides = array<i32>} : memref<4800xi32, #tpu.memory_space<vmem>>, vector<16xi32>,
    %swap3A_371 = vector.shape_cast %swap3A_370 : vector<16xi32> to vector<16xi32>
    %swap3A_372 = vector.shape_cast %add3A_368 : vector<16xi32> to vector<16xi32>
    tpu.vector_store %arg6[%swap3A_369], %swap3A_372 {strides = array<i32>} : memref<4800xi32, #tpu.memory_space<vmem>>, vector<16xi32>,
    %add3A_373 = vector.broadcast %add3A_366 : i32 to vector<16xi32>
    %add3A_374 = arith.addi %add3A_373, %mul3A_39 : vector<16xi32>
    %swap3A_375 = arith.constant 592 : index
    %swap3A_376 = tpu.vector_load %arg6[%swap3A_375] {strides = array<i32>} : memref<4800xi32, #tpu.memory_space<vmem>>, vector<16xi32>,
    %swap3A_377 = vector.shape_cast %swap3A_376 : vector<16xi32> to vector<16xi32>
    %swap3A_378 = vector.shape_cast %add3A_374 : vector<16xi32> to vector<16xi32>
    tpu.vector_store %arg6[%swap3A_375], %swap3A_378 {strides = array<i32>} : memref<4800xi32, #tpu.memory_space<vmem>>, vector<16xi32>,
    %add3A_379 = vector.broadcast %add3A_366 : i32 to vector<16xi32>
    %add3A_380 = arith.addi %add3A_379, %mul3A_45 : vector<16xi32>
    %swap3A_381 = arith.constant 608 : index
    %swap3A_382 = tpu.vector_load %arg6[%swap3A_381] {strides = array<i32>} : memref<4800xi32, #tpu.memory_space<vmem>>, vector<16xi32>,
    %swap3A_383 = vector.shape_cast %swap3A_382 : vector<16xi32> to vector<16xi32>
    %swap3A_384 = vector.shape_cast %add3A_380 : vector<16xi32> to vector<16xi32>
    tpu.vector_store %arg6[%swap3A_381], %swap3A_384 {strides = array<i32>} : memref<4800xi32, #tpu.memory_space<vmem>>, vector<16xi32>,
    %add3A_385 = vector.broadcast %add3A_366 : i32 to vector<16xi32>
    %add3A_386 = arith.addi %add3A_385, %mul3A_51 : vector<16xi32>
    %swap3A_387 = arith.constant 624 : index
    %swap3A_388 = tpu.vector_load %arg6[%swap3A_387] {strides = array<i32>} : memref<4800xi32, #tpu.memory_space<vmem>>, vector<16xi32>,
    %swap3A_389 = vector.shape_cast %swap3A_388 : vector<16xi32> to vector<16xi32>
    %swap3A_390 = vector.shape_cast %add3A_386 : vector<16xi32> to vector<16xi32>
    tpu.vector_store %arg6[%swap3A_387], %swap3A_390 {strides = array<i32>} : memref<4800xi32, #tpu.memory_space<vmem>>, vector<16xi32>,
    %add3A_391 = vector.broadcast %add3A_366 : i32 to vector<16xi32>
    %add3A_392 = arith.addi %add3A_391, %mul3A_57 : vector<16xi32>
    %swap3A_393 = arith.constant 640 : index
    %swap3A_394 = tpu.vector_load %arg6[%swap3A_393] {strides = array<i32>} : memref<4800xi32, #tpu.memory_space<vmem>>, vector<16xi32>,
    %swap3A_395 = vector.shape_cast %swap3A_394 : vector<16xi32> to vector<16xi32>
    %swap3A_396 = vector.shape_cast %add3A_392 : vector<16xi32> to vector<16xi32>
    tpu.vector_store %arg6[%swap3A_393], %swap3A_396 {strides = array<i32>} : memref<4800xi32, #tpu.memory_space<vmem>>, vector<16xi32>,
    %add3A_397 = vector.broadcast %add3A_366 : i32 to vector<16xi32>
    %add3A_398 = arith.addi %add3A_397, %mul3A_63 : vector<16xi32>
    %swap3A_399 = arith.constant 656 : index
    %swap3A_400 = tpu.vector_load %arg6[%swap3A_399] {strides = array<i32>} : memref<4800xi32, #tpu.memory_space<vmem>>, vector<16xi32>,
    %swap3A_401 = vector.shape_cast %swap3A_400 : vector<16xi32> to vector<16xi32>
    %swap3A_402 = vector.shape_cast %add3A_398 : vector<16xi32> to vector<16xi32>
    tpu.vector_store %arg6[%swap3A_399], %swap3A_402 {strides = array<i32>} : memref<4800xi32, #tpu.memory_space<vmem>>, vector<16xi32>,
    %add3A_403 = arith.constant 14 : i32
    %add3A_404 = arith.addi %sub3A_27, %add3A_403 : i32
    %get3A_405 = arith.index_cast %add3A_404 : i32 to index
    %get3A_406 = tpu.vector_load %arg5[%get3A_405] {strides = array<i32>} : memref<112xi32, #tpu.memory_space<vmem>>, vector<16xi32>,
    %get3A_407 = vector.shape_cast %get3A_406 : vector<16xi32> to vector<16xi32>
    %slice3A_408 = vector.extract_strided_slice %get3A_407 {offsets = [1], sizes = [1], strides = [1]} : vector<16xi32> to vector<1xi32>
    %squeeze3A_409 = vector.extract %slice3A_408[0] : i32 from vector<1xi32>
    %mul3A_410 = arith.constant 128 : i32
    %mul3A_411 = arith.muli %squeeze3A_409, %mul3A_410 : i32
    %add3A_412 = arith.addi %mul3A_4, %mul3A_411 : i32
    %slice3A_413 = vector.extract_strided_slice %get3A_407 {offsets = [0], sizes = [1], strides = [1]} : vector<16xi32> to vector<1xi32>
    %squeeze3A_414 = vector.extract %slice3A_413[0] : i32 from vector<1xi32>
    %add3A_415 = arith.addi %add3A_412, %squeeze3A_414 : i32
    %add3A_416 = vector.broadcast %add3A_415 : i32 to vector<16xi32>
    %add3A_417 = arith.addi %add3A_416, %mul3A_33 : vector<16xi32>
    %swap3A_418 = arith.constant 672 : index
    %swap3A_419 = tpu.vector_load %arg6[%swap3A_418] {strides = array<i32>} : memref<4800xi32, #tpu.memory_space<vmem>>, vector<16xi32>,
    %swap3A_420 = vector.shape_cast %swap3A_419 : vector<16xi32> to vector<16xi32>
    %swap3A_421 = vector.shape_cast %add3A_417 : vector<16xi32> to vector<16xi32>
    tpu.vector_store %arg6[%swap3A_418], %swap3A_421 {strides = array<i32>} : memref<4800xi32, #tpu.memory_space<vmem>>, vector<16xi32>,
    %add3A_422 = vector.broadcast %add3A_415 : i32 to vector<16xi32>
    %add3A_423 = arith.addi %add3A_422, %mul3A_39 : vector<16xi32>
    %swap3A_424 = arith.constant 688 : index
    %swap3A_425 = tpu.vector_load %arg6[%swap3A_424] {strides = array<i32>} : memref<4800xi32, #tpu.memory_space<vmem>>, vector<16xi32>,
    %swap3A_426 = vector.shape_cast %swap3A_425 : vector<16xi32> to vector<16xi32>
    %swap3A_427 = vector.shape_cast %add3A_423 : vector<16xi32> to vector<16xi32>
    tpu.vector_store %arg6[%swap3A_424], %swap3A_427 {strides = array<i32>} : memref<4800xi32, #tpu.memory_space<vmem>>, vector<16xi32>,
    %add3A_428 = vector.broadcast %add3A_415 : i32 to vector<16xi32>
    %add3A_429 = arith.addi %add3A_428, %mul3A_45 : vector<16xi32>
    %swap3A_430 = arith.constant 704 : index
    %swap3A_431 = tpu.vector_load %arg6[%swap3A_430] {strides = array<i32>} : memref<4800xi32, #tpu.memory_space<vmem>>, vector<16xi32>,
    %swap3A_432 = vector.shape_cast %swap3A_431 : vector<16xi32> to vector<16xi32>
    %swap3A_433 = vector.shape_cast %add3A_429 : vector<16xi32> to vector<16xi32>
    tpu.vector_store %arg6[%swap3A_430], %swap3A_433 {strides = array<i32>} : memref<4800xi32, #tpu.memory_space<vmem>>, vector<16xi32>,
    %add3A_434 = vector.broadcast %add3A_415 : i32 to vector<16xi32>
    %add3A_435 = arith.addi %add3A_434, %mul3A_51 : vector<16xi32>
    %swap3A_436 = arith.constant 720 : index
    %swap3A_437 = tpu.vector_load %arg6[%swap3A_436] {strides = array<i32>} : memref<4800xi32, #tpu.memory_space<vmem>>, vector<16xi32>,
    %swap3A_438 = vector.shape_cast %swap3A_437 : vector<16xi32> to vector<16xi32>
    %swap3A_439 = vector.shape_cast %add3A_435 : vector<16xi32> to vector<16xi32>
    tpu.vector_store %arg6[%swap3A_436], %swap3A_439 {strides = array<i32>} : memref<4800xi32, #tpu.memory_space<vmem>>, vector<16xi32>,
    %add3A_440 = vector.broadcast %add3A_415 : i32 to vector<16xi32>
    %add3A_441 = arith.addi %add3A_440, %mul3A_57 : vector<16xi32>
    %swap3A_442 = arith.constant 736 : index
    %swap3A_443 = tpu.vector_load %arg6[%swap3A_442] {strides = array<i32>} : memref<4800xi32, #tpu.memory_space<vmem>>, vector<16xi32>,
    %swap3A_444 = vector.shape_cast %swap3A_443 : vector<16xi32> to vector<16xi32>
    %swap3A_445 = vector.shape_cast %add3A_441 : vector<16xi32> to vector<16xi32>
    tpu.vector_store %arg6[%swap3A_442], %swap3A_445 {strides = array<i32>} : memref<4800xi32, #tpu.memory_space<vmem>>, vector<16xi32>,
    %add3A_446 = vector.broadcast %add3A_415 : i32 to vector<16xi32>
    %add3A_447 = arith.addi %add3A_446, %mul3A_63 : vector<16xi32>
    %swap3A_448 = arith.constant 752 : index
    %swap3A_449 = tpu.vector_load %arg6[%swap3A_448] {strides = array<i32>} : memref<4800xi32, #tpu.memory_space<vmem>>, vector<16xi32>,
    %swap3A_450 = vector.shape_cast %swap3A_449 : vector<16xi32> to vector<16xi32>
    %swap3A_451 = vector.shape_cast %add3A_447 : vector<16xi32> to vector<16xi32>
    tpu.vector_store %arg6[%swap3A_448], %swap3A_451 {strides = array<i32>} : memref<4800xi32, #tpu.memory_space<vmem>>, vector<16xi32>,
    %add3A_452 = arith.constant 16 : i32
    %add3A_453 = arith.addi %sub3A_27, %add3A_452 : i32
    %get3A_454 = arith.index_cast %add3A_453 : i32 to index
    %get3A_455 = tpu.vector_load %arg5[%get3A_454] {strides = array<i32>} : memref<112xi32, #tpu.memory_space<vmem>>, vector<16xi32>,
    %get3A_456 = vector.shape_cast %get3A_455 : vector<16xi32> to vector<16xi32>
    %slice3A_457 = vector.extract_strided_slice %get3A_456 {offsets = [1], sizes = [1], strides = [1]} : vector<16xi32> to vector<1xi32>
    %squeeze3A_458 = vector.extract %slice3A_457[0] : i32 from vector<1xi32>
    %mul3A_459 = arith.constant 128 : i32
    %mul3A_460 = arith.muli %squeeze3A_458, %mul3A_459 : i32
    %add3A_461 = arith.addi %mul3A_4, %mul3A_460 : i32
    %slice3A_462 = vector.extract_strided_slice %get3A_456 {offsets = [0], sizes = [1], strides = [1]} : vector<16xi32> to vector<1xi32>
    %squeeze3A_463 = vector.extract %slice3A_462[0] : i32 from vector<1xi32>
    %add3A_464 = arith.addi %add3A_461, %squeeze3A_463 : i32
    %add3A_465 = vector.broadcast %add3A_464 : i32 to vector<16xi32>
    %add3A_466 = arith.addi %add3A_465, %mul3A_33 : vector<16xi32>
    %swap3A_467 = arith.constant 768 : index
    %swap3A_468 = tpu.vector_load %arg6[%swap3A_467] {strides = array<i32>} : memref<4800xi32, #tpu.memory_space<vmem>>, vector<16xi32>,
    %swap3A_469 = vector.shape_cast %swap3A_468 : vector<16xi32> to vector<16xi32>
    %swap3A_470 = vector.shape_cast %add3A_466 : vector<16xi32> to vector<16xi32>
    tpu.vector_store %arg6[%swap3A_467], %swap3A_470 {strides = array<i32>} : memref<4800xi32, #tpu.memory_space<vmem>>, vector<16xi32>,
    %add3A_471 = vector.broadcast %add3A_464 : i32 to vector<16xi32>
    %add3A_472 = arith.addi %add3A_471, %mul3A_39 : vector<16xi32>
    %swap3A_473 = arith.constant 784 : index
    %swap3A_474 = tpu.vector_load %arg6[%swap3A_473] {strides = array<i32>} : memref<4800xi32, #tpu.memory_space<vmem>>, vector<16xi32>,
    %swap3A_475 = vector.shape_cast %swap3A_474 : vector<16xi32> to vector<16xi32>
    %swap3A_476 = vector.shape_cast %add3A_472 : vector<16xi32> to vector<16xi32>
    tpu.vector_store %arg6[%swap3A_473], %swap3A_476 {strides = array<i32>} : memref<4800xi32, #tpu.memory_space<vmem>>, vector<16xi32>,
    %add3A_477 = vector.broadcast %add3A_464 : i32 to vector<16xi32>
    %add3A_478 = arith.addi %add3A_477, %mul3A_45 : vector<16xi32>
    %swap3A_479 = arith.constant 800 : index
    %swap3A_480 = tpu.vector_load %arg6[%swap3A_479] {strides = array<i32>} : memref<4800xi32, #tpu.memory_space<vmem>>, vector<16xi32>,
    %swap3A_481 = vector.shape_cast %swap3A_480 : vector<16xi32> to vector<16xi32>
    %swap3A_482 = vector.shape_cast %add3A_478 : vector<16xi32> to vector<16xi32>
    tpu.vector_store %arg6[%swap3A_479], %swap3A_482 {strides = array<i32>} : memref<4800xi32, #tpu.memory_space<vmem>>, vector<16xi32>,
    %add3A_483 = vector.broadcast %add3A_464 : i32 to vector<16xi32>
    %add3A_484 = arith.addi %add3A_483, %mul3A_51 : vector<16xi32>
    %swap3A_485 = arith.constant 816 : index
    %swap3A_486 = tpu.vector_load %arg6[%swap3A_485] {strides = array<i32>} : memref<4800xi32, #tpu.memory_space<vmem>>, vector<16xi32>,
    %swap3A_487 = vector.shape_cast %swap3A_486 : vector<16xi32> to vector<16xi32>
    %swap3A_488 = vector.shape_cast %add3A_484 : vector<16xi32> to vector<16xi32>
    tpu.vector_store %arg6[%swap3A_485], %swap3A_488 {strides = array<i32>} : memref<4800xi32, #tpu.memory_space<vmem>>, vector<16xi32>,
    %add3A_489 = vector.broadcast %add3A_464 : i32 to vector<16xi32>
    %add3A_490 = arith.addi %add3A_489, %mul3A_57 : vector<16xi32>
    %swap3A_491 = arith.constant 832 : index
    %swap3A_492 = tpu.vector_load %arg6[%swap3A_491] {strides = array<i32>} : memref<4800xi32, #tpu.memory_space<vmem>>, vector<16xi32>,
    %swap3A_493 = vector.shape_cast %swap3A_492 : vector<16xi32> to vector<16xi32>
    %swap3A_494 = vector.shape_cast %add3A_490 : vector<16xi32> to vector<16xi32>
    tpu.vector_store %arg6[%swap3A_491], %swap3A_494 {strides = array<i32>} : memref<4800xi32, #tpu.memory_space<vmem>>, vector<16xi32>,
    %add3A_495 = vector.broadcast %add3A_464 : i32 to vector<16xi32>
    %add3A_496 = arith.addi %add3A_495, %mul3A_63 : vector<16xi32>
    %swap3A_497 = arith.constant 848 : index
    %swap3A_498 = tpu.vector_load %arg6[%swap3A_497] {strides = array<i32>} : memref<4800xi32, #tpu.memory_space<vmem>>, vector<16xi32>,
    %swap3A_499 = vector.shape_cast %swap3A_498 : vector<16xi32> to vector<16xi32>
    %swap3A_500 = vector.shape_cast %add3A_496 : vector<16xi32> to vector<16xi32>
    tpu.vector_store %arg6[%swap3A_497], %swap3A_500 {strides = array<i32>} : memref<4800xi32, #tpu.memory_space<vmem>>, vector<16xi32>,
    %add3A_501 = arith.constant 18 : i32
    %add3A_502 = arith.addi %sub3A_27, %add3A_501 : i32
    %get3A_503 = arith.index_cast %add3A_502 : i32 to index
    %get3A_504 = tpu.vector_load %arg5[%get3A_503] {strides = array<i32>} : memref<112xi32, #tpu.memory_space<vmem>>, vector<16xi32>,
    %get3A_505 = vector.shape_cast %get3A_504 : vector<16xi32> to vector<16xi32>
    %slice3A_506 = vector.extract_strided_slice %get3A_505 {offsets = [1], sizes = [1], strides = [1]} : vector<16xi32> to vector<1xi32>
    %squeeze3A_507 = vector.extract %slice3A_506[0] : i32 from vector<1xi32>
    %mul3A_508 = arith.constant 128 : i32
    %mul3A_509 = arith.muli %squeeze3A_507, %mul3A_508 : i32
    %add3A_510 = arith.addi %mul3A_4, %mul3A_509 : i32
    %slice3A_511 = vector.extract_strided_slice %get3A_505 {offsets = [0], sizes = [1], strides = [1]} : vector<16xi32> to vector<1xi32>
    %squeeze3A_512 = vector.extract %slice3A_511[0] : i32 from vector<1xi32>
    %add3A_513 = arith.addi %add3A_510, %squeeze3A_512 : i32
    %add3A_514 = vector.broadcast %add3A_513 : i32 to vector<16xi32>
    %add3A_515 = arith.addi %add3A_514, %mul3A_33 : vector<16xi32>
    %swap3A_516 = arith.constant 864 : index
    %swap3A_517 = tpu.vector_load %arg6[%swap3A_516] {strides = array<i32>} : memref<4800xi32, #tpu.memory_space<vmem>>, vector<16xi32>,
    %swap3A_518 = vector.shape_cast %swap3A_517 : vector<16xi32> to vector<16xi32>
    %swap3A_519 = vector.shape_cast %add3A_515 : vector<16xi32> to vector<16xi32>
    tpu.vector_store %arg6[%swap3A_516], %swap3A_519 {strides = array<i32>} : memref<4800xi32, #tpu.memory_space<vmem>>, vector<16xi32>,
    %add3A_520 = vector.broadcast %add3A_513 : i32 to vector<16xi32>
    %add3A_521 = arith.addi %add3A_520, %mul3A_39 : vector<16xi32>
    %swap3A_522 = arith.constant 880 : index
    %swap3A_523 = tpu.vector_load %arg6[%swap3A_522] {strides = array<i32>} : memref<4800xi32, #tpu.memory_space<vmem>>, vector<16xi32>,
    %swap3A_524 = vector.shape_cast %swap3A_523 : vector<16xi32> to vector<16xi32>
    %swap3A_525 = vector.shape_cast %add3A_521 : vector<16xi32> to vector<16xi32>
    tpu.vector_store %arg6[%swap3A_522], %swap3A_525 {strides = array<i32>} : memref<4800xi32, #tpu.memory_space<vmem>>, vector<16xi32>,
    %add3A_526 = vector.broadcast %add3A_513 : i32 to vector<16xi32>
    %add3A_527 = arith.addi %add3A_526, %mul3A_45 : vector<16xi32>
    %swap3A_528 = arith.constant 896 : index
    %swap3A_529 = tpu.vector_load %arg6[%swap3A_528] {strides = array<i32>} : memref<4800xi32, #tpu.memory_space<vmem>>, vector<16xi32>,
    %swap3A_530 = vector.shape_cast %swap3A_529 : vector<16xi32> to vector<16xi32>
    %swap3A_531 = vector.shape_cast %add3A_527 : vector<16xi32> to vector<16xi32>
    tpu.vector_store %arg6[%swap3A_528], %swap3A_531 {strides = array<i32>} : memref<4800xi32, #tpu.memory_space<vmem>>, vector<16xi32>,
    %add3A_532 = vector.broadcast %add3A_513 : i32 to vector<16xi32>
    %add3A_533 = arith.addi %add3A_532, %mul3A_51 : vector<16xi32>
    %swap3A_534 = arith.constant 912 : index
    %swap3A_535 = tpu.vector_load %arg6[%swap3A_534] {strides = array<i32>} : memref<4800xi32, #tpu.memory_space<vmem>>, vector<16xi32>,
    %swap3A_536 = vector.shape_cast %swap3A_535 : vector<16xi32> to vector<16xi32>
    %swap3A_537 = vector.shape_cast %add3A_533 : vector<16xi32> to vector<16xi32>
    tpu.vector_store %arg6[%swap3A_534], %swap3A_537 {strides = array<i32>} : memref<4800xi32, #tpu.memory_space<vmem>>, vector<16xi32>,
    %add3A_538 = vector.broadcast %add3A_513 : i32 to vector<16xi32>
    %add3A_539 = arith.addi %add3A_538, %mul3A_57 : vector<16xi32>
    %swap3A_540 = arith.constant 928 : index
    %swap3A_541 = tpu.vector_load %arg6[%swap3A_540] {strides = array<i32>} : memref<4800xi32, #tpu.memory_space<vmem>>, vector<16xi32>,
    %swap3A_542 = vector.shape_cast %swap3A_541 : vector<16xi32> to vector<16xi32>
    %swap3A_543 = vector.shape_cast %add3A_539 : vector<16xi32> to vector<16xi32>
    tpu.vector_store %arg6[%swap3A_540], %swap3A_543 {strides = array<i32>} : memref<4800xi32, #tpu.memory_space<vmem>>, vector<16xi32>,
    %add3A_544 = vector.broadcast %add3A_513 : i32 to vector<16xi32>
    %add3A_545 = arith.addi %add3A_544, %mul3A_63 : vector<16xi32>
    %swap3A_546 = arith.constant 944 : index
    %swap3A_547 = tpu.vector_load %arg6[%swap3A_546] {strides = array<i32>} : memref<4800xi32, #tpu.memory_space<vmem>>, vector<16xi32>,
    %swap3A_548 = vector.shape_cast %swap3A_547 : vector<16xi32> to vector<16xi32>
    %swap3A_549 = vector.shape_cast %add3A_545 : vector<16xi32> to vector<16xi32>
    tpu.vector_store %arg6[%swap3A_546], %swap3A_549 {strides = array<i32>} : memref<4800xi32, #tpu.memory_space<vmem>>, vector<16xi32>,
    %dma_start3A = arith.constant 0 : i32
    %dma_start3A_550 = tpu.memref_slice %arg7[%dma_start3A] : memref<4800xf32, #tpu.memory_space<vmem>> -> memref<960xf32, #tpu.memory_space<vmem>>
    %dma_start3A_551 = arith.constant 0 : i32
    %dma_start3A_552 = tpu.memref_slice %arg6[%dma_start3A_551] : memref<4800xi32, #tpu.memory_space<vmem>> -> memref<960xi32, #tpu.memory_space<vmem>>
    %dma_start3A_553 = arith.constant 0 : i32
    %dma_start3A_554 = tpu.memref_slice %arg2[%dma_start3A_553] : memref<25165824xf32, #tpu.memory_space<hbm>> -> memref<25165824xf32, #tpu.memory_space<hbm>>
    tpu.enqueue_indirect_dma source(%dma_start3A_554 : memref<25165824xf32, #tpu.memory_space<hbm>>) target(%dma_start3A_550 : memref<960xf32, #tpu.memory_space<vmem>>) offsets(%dma_start3A_552 : memref<960xi32, #tpu.memory_space<vmem>>) semaphore(%arg8 : memref<!tpu.dma_semaphore, #tpu.memory_space<semaphore_mem>>)
    %add3A_555 = arith.constant 20 : i32
    %add3A_556 = arith.addi %sub3A_27, %add3A_555 : i32
    %get3A_557 = arith.index_cast %add3A_556 : i32 to index
    %get3A_558 = tpu.vector_load %arg5[%get3A_557] {strides = array<i32>} : memref<112xi32, #tpu.memory_space<vmem>>, vector<16xi32>,
    %get3A_559 = vector.shape_cast %get3A_558 : vector<16xi32> to vector<16xi32>
    %slice3A_560 = vector.extract_strided_slice %get3A_559 {offsets = [1], sizes = [1], strides = [1]} : vector<16xi32> to vector<1xi32>
    %squeeze3A_561 = vector.extract %slice3A_560[0] : i32 from vector<1xi32>
    %mul3A_562 = arith.constant 128 : i32
    %mul3A_563 = arith.muli %squeeze3A_561, %mul3A_562 : i32
    %add3A_564 = arith.addi %mul3A_4, %mul3A_563 : i32
    %slice3A_565 = vector.extract_strided_slice %get3A_559 {offsets = [0], sizes = [1], strides = [1]} : vector<16xi32> to vector<1xi32>
    %squeeze3A_566 = vector.extract %slice3A_565[0] : i32 from vector<1xi32>
    %add3A_567 = arith.addi %add3A_564, %squeeze3A_566 : i32
    %add3A_568 = vector.broadcast %add3A_567 : i32 to vector<16xi32>
    %add3A_569 = arith.addi %add3A_568, %mul3A_33 : vector<16xi32>
    %swap3A_570 = arith.constant 960 : index
    %swap3A_571 = tpu.vector_load %arg6[%swap3A_570] {strides = array<i32>} : memref<4800xi32, #tpu.memory_space<vmem>>, vector<16xi32>,
    %swap3A_572 = vector.shape_cast %swap3A_571 : vector<16xi32> to vector<16xi32>
    %swap3A_573 = vector.shape_cast %add3A_569 : vector<16xi32> to vector<16xi32>
    tpu.vector_store %arg6[%swap3A_570], %swap3A_573 {strides = array<i32>} : memref<4800xi32, #tpu.memory_space<vmem>>, vector<16xi32>,
    %add3A_574 = vector.broadcast %add3A_567 : i32 to vector<16xi32>
    %add3A_575 = arith.addi %add3A_574, %mul3A_39 : vector<16xi32>
    %swap3A_576 = arith.constant 976 : index
    %swap3A_577 = tpu.vector_load %arg6[%swap3A_576] {strides = array<i32>} : memref<4800xi32, #tpu.memory_space<vmem>>, vector<16xi32>,
    %swap3A_578 = vector.shape_cast %swap3A_577 : vector<16xi32> to vector<16xi32>
    %swap3A_579 = vector.shape_cast %add3A_575 : vector<16xi32> to vector<16xi32>
    tpu.vector_store %arg6[%swap3A_576], %swap3A_579 {strides = array<i32>} : memref<4800xi32, #tpu.memory_space<vmem>>, vector<16xi32>,
    %add3A_580 = vector.broadcast %add3A_567 : i32 to vector<16xi32>
    %add3A_581 = arith.addi %add3A_580, %mul3A_45 : vector<16xi32>
    %swap3A_582 = arith.constant 992 : index
    %swap3A_583 = tpu.vector_load %arg6[%swap3A_582] {strides = array<i32>} : memref<4800xi32, #tpu.memory_space<vmem>>, vector<16xi32>,
    %swap3A_584 = vector.shape_cast %swap3A_583 : vector<16xi32> to vector<16xi32>
    %swap3A_585 = vector.shape_cast %add3A_581 : vector<16xi32> to vector<16xi32>
    tpu.vector_store %arg6[%swap3A_582], %swap3A_585 {strides = array<i32>} : memref<4800xi32, #tpu.memory_space<vmem>>, vector<16xi32>,
    %add3A_586 = vector.broadcast %add3A_567 : i32 to vector<16xi32>
    %add3A_587 = arith.addi %add3A_586, %mul3A_51 : vector<16xi32>
    %swap3A_588 = arith.constant 1008 : index
    %swap3A_589 = tpu.vector_load %arg6[%swap3A_588] {strides = array<i32>} : memref<4800xi32, #tpu.memory_space<vmem>>, vector<16xi32>,
    %swap3A_590 = vector.shape_cast %swap3A_589 : vector<16xi32> to vector<16xi32>
    %swap3A_591 = vector.shape_cast %add3A_587 : vector<16xi32> to vector<16xi32>
    tpu.vector_store %arg6[%swap3A_588], %swap3A_591 {strides = array<i32>} : memref<4800xi32, #tpu.memory_space<vmem>>, vector<16xi32>,
    %add3A_592 = vector.broadcast %add3A_567 : i32 to vector<16xi32>
    %add3A_593 = arith.addi %add3A_592, %mul3A_57 : vector<16xi32>
    %swap3A_594 = arith.constant 1024 : index
    %swap3A_595 = tpu.vector_load %arg6[%swap3A_594] {strides = array<i32>} : memref<4800xi32, #tpu.memory_space<vmem>>, vector<16xi32>,
    %swap3A_596 = vector.shape_cast %swap3A_595 : vector<16xi32> to vector<16xi32>
    %swap3A_597 = vector.shape_cast %add3A_593 : vector<16xi32> to vector<16xi32>
    tpu.vector_store %arg6[%swap3A_594], %swap3A_597 {strides = array<i32>} : memref<4800xi32, #tpu.memory_space<vmem>>, vector<16xi32>,
    %add3A_598 = vector.broadcast %add3A_567 : i32 to vector<16xi32>
    %add3A_599 = arith.addi %add3A_598, %mul3A_63 : vector<16xi32>
    %swap3A_600 = arith.constant 1040 : index
    %swap3A_601 = tpu.vector_load %arg6[%swap3A_600] {strides = array<i32>} : memref<4800xi32, #tpu.memory_space<vmem>>, vector<16xi32>,
    %swap3A_602 = vector.shape_cast %swap3A_601 : vector<16xi32> to vector<16xi32>
    %swap3A_603 = vector.shape_cast %add3A_599 : vector<16xi32> to vector<16xi32>
    tpu.vector_store %arg6[%swap3A_600], %swap3A_603 {strides = array<i32>} : memref<4800xi32, #tpu.memory_space<vmem>>, vector<16xi32>,
    %add3A_604 = arith.constant 22 : i32
    %add3A_605 = arith.addi %sub3A_27, %add3A_604 : i32
    %get3A_606 = arith.index_cast %add3A_605 : i32 to index
    %get3A_607 = tpu.vector_load %arg5[%get3A_606] {strides = array<i32>} : memref<112xi32, #tpu.memory_space<vmem>>, vector<16xi32>,
    %get3A_608 = vector.shape_cast %get3A_607 : vector<16xi32> to vector<16xi32>
    %slice3A_609 = vector.extract_strided_slice %get3A_608 {offsets = [1], sizes = [1], strides = [1]} : vector<16xi32> to vector<1xi32>
    %squeeze3A_610 = vector.extract %slice3A_609[0] : i32 from vector<1xi32>
    %mul3A_611 = arith.constant 128 : i32
    %mul3A_612 = arith.muli %squeeze3A_610, %mul3A_611 : i32
    %add3A_613 = arith.addi %mul3A_4, %mul3A_612 : i32
    %slice3A_614 = vector.extract_strided_slice %get3A_608 {offsets = [0], sizes = [1], strides = [1]} : vector<16xi32> to vector<1xi32>
    %squeeze3A_615 = vector.extract %slice3A_614[0] : i32 from vector<1xi32>
    %add3A_616 = arith.addi %add3A_613, %squeeze3A_615 : i32
    %add3A_617 = vector.broadcast %add3A_616 : i32 to vector<16xi32>
    %add3A_618 = arith.addi %add3A_617, %mul3A_33 : vector<16xi32>
    %swap3A_619 = arith.constant 1056 : index
    %swap3A_620 = tpu.vector_load %arg6[%swap3A_619] {strides = array<i32>} : memref<4800xi32, #tpu.memory_space<vmem>>, vector<16xi32>,
    %swap3A_621 = vector.shape_cast %swap3A_620 : vector<16xi32> to vector<16xi32>
    %swap3A_622 = vector.shape_cast %add3A_618 : vector<16xi32> to vector<16xi32>
    tpu.vector_store %arg6[%swap3A_619], %swap3A_622 {strides = array<i32>} : memref<4800xi32, #tpu.memory_space<vmem>>, vector<16xi32>,
    %add3A_623 = vector.broadcast %add3A_616 : i32 to vector<16xi32>
    %add3A_624 = arith.addi %add3A_623, %mul3A_39 : vector<16xi32>
    %swap3A_625 = arith.constant 1072 : index
    %swap3A_626 = tpu.vector_load %arg6[%swap3A_625] {strides = array<i32>} : memref<4800xi32, #tpu.memory_space<vmem>>, vector<16xi32>,
    %swap3A_627 = vector.shape_cast %swap3A_626 : vector<16xi32> to vector<16xi32>
    %swap3A_628 = vector.shape_cast %add3A_624 : vector<16xi32> to vector<16xi32>
    tpu.vector_store %arg6[%swap3A_625], %swap3A_628 {strides = array<i32>} : memref<4800xi32, #tpu.memory_space<vmem>>, vector<16xi32>,
    %add3A_629 = vector.broadcast %add3A_616 : i32 to vector<16xi32>
    %add3A_630 = arith.addi %add3A_629, %mul3A_45 : vector<16xi32>
    %swap3A_631 = arith.constant 1088 : index
    %swap3A_632 = tpu.vector_load %arg6[%swap3A_631] {strides = array<i32>} : memref<4800xi32, #tpu.memory_space<vmem>>, vector<16xi32>,
    %swap3A_633 = vector.shape_cast %swap3A_632 : vector<16xi32> to vector<16xi32>
    %swap3A_634 = vector.shape_cast %add3A_630 : vector<16xi32> to vector<16xi32>
    tpu.vector_store %arg6[%swap3A_631], %swap3A_634 {strides = array<i32>} : memref<4800xi32, #tpu.memory_space<vmem>>, vector<16xi32>,
    %add3A_635 = vector.broadcast %add3A_616 : i32 to vector<16xi32>
    %add3A_636 = arith.addi %add3A_635, %mul3A_51 : vector<16xi32>
    %swap3A_637 = arith.constant 1104 : index
    %swap3A_638 = tpu.vector_load %arg6[%swap3A_637] {strides = array<i32>} : memref<4800xi32, #tpu.memory_space<vmem>>, vector<16xi32>,
    %swap3A_639 = vector.shape_cast %swap3A_638 : vector<16xi32> to vector<16xi32>
    %swap3A_640 = vector.shape_cast %add3A_636 : vector<16xi32> to vector<16xi32>
    tpu.vector_store %arg6[%swap3A_637], %swap3A_640 {strides = array<i32>} : memref<4800xi32, #tpu.memory_space<vmem>>, vector<16xi32>,
    %add3A_641 = vector.broadcast %add3A_616 : i32 to vector<16xi32>
    %add3A_642 = arith.addi %add3A_641, %mul3A_57 : vector<16xi32>
    %swap3A_643 = arith.constant 1120 : index
    %swap3A_644 = tpu.vector_load %arg6[%swap3A_643] {strides = array<i32>} : memref<4800xi32, #tpu.memory_space<vmem>>, vector<16xi32>,
    %swap3A_645 = vector.shape_cast %swap3A_644 : vector<16xi32> to vector<16xi32>
    %swap3A_646 = vector.shape_cast %add3A_642 : vector<16xi32> to vector<16xi32>
    tpu.vector_store %arg6[%swap3A_643], %swap3A_646 {strides = array<i32>} : memref<4800xi32, #tpu.memory_space<vmem>>, vector<16xi32>,
    %add3A_647 = vector.broadcast %add3A_616 : i32 to vector<16xi32>
    %add3A_648 = arith.addi %add3A_647, %mul3A_63 : vector<16xi32>
    %swap3A_649 = arith.constant 1136 : index
    %swap3A_650 = tpu.vector_load %arg6[%swap3A_649] {strides = array<i32>} : memref<4800xi32, #tpu.memory_space<vmem>>, vector<16xi32>,
    %swap3A_651 = vector.shape_cast %swap3A_650 : vector<16xi32> to vector<16xi32>
    %swap3A_652 = vector.shape_cast %add3A_648 : vector<16xi32> to vector<16xi32>
    tpu.vector_store %arg6[%swap3A_649], %swap3A_652 {strides = array<i32>} : memref<4800xi32, #tpu.memory_space<vmem>>, vector<16xi32>,
    %add3A_653 = arith.constant 24 : i32
    %add3A_654 = arith.addi %sub3A_27, %add3A_653 : i32
    %get3A_655 = arith.index_cast %add3A_654 : i32 to index
    %get3A_656 = tpu.vector_load %arg5[%get3A_655] {strides = array<i32>} : memref<112xi32, #tpu.memory_space<vmem>>, vector<16xi32>,
    %get3A_657 = vector.shape_cast %get3A_656 : vector<16xi32> to vector<16xi32>
    %slice3A_658 = vector.extract_strided_slice %get3A_657 {offsets = [1], sizes = [1], strides = [1]} : vector<16xi32> to vector<1xi32>
    %squeeze3A_659 = vector.extract %slice3A_658[0] : i32 from vector<1xi32>
    %mul3A_660 = arith.constant 128 : i32
    %mul3A_661 = arith.muli %squeeze3A_659, %mul3A_660 : i32
    %add3A_662 = arith.addi %mul3A_4, %mul3A_661 : i32
    %slice3A_663 = vector.extract_strided_slice %get3A_657 {offsets = [0], sizes = [1], strides = [1]} : vector<16xi32> to vector<1xi32>
    %squeeze3A_664 = vector.extract %slice3A_663[0] : i32 from vector<1xi32>
    %add3A_665 = arith.addi %add3A_662, %squeeze3A_664 : i32
    %add3A_666 = vector.broadcast %add3A_665 : i32 to vector<16xi32>
    %add3A_667 = arith.addi %add3A_666, %mul3A_33 : vector<16xi32>
    %swap3A_668 = arith.constant 1152 : index
    %swap3A_669 = tpu.vector_load %arg6[%swap3A_668] {strides = array<i32>} : memref<4800xi32, #tpu.memory_space<vmem>>, vector<16xi32>,
    %swap3A_670 = vector.shape_cast %swap3A_669 : vector<16xi32> to vector<16xi32>
    %swap3A_671 = vector.shape_cast %add3A_667 : vector<16xi32> to vector<16xi32>
    tpu.vector_store %arg6[%swap3A_668], %swap3A_671 {strides = array<i32>} : memref<4800xi32, #tpu.memory_space<vmem>>, vector<16xi32>,
    %add3A_672 = vector.broadcast %add3A_665 : i32 to vector<16xi32>
    %add3A_673 = arith.addi %add3A_672, %mul3A_39 : vector<16xi32>
    %swap3A_674 = arith.constant 1168 : index
    %swap3A_675 = tpu.vector_load %arg6[%swap3A_674] {strides = array<i32>} : memref<4800xi32, #tpu.memory_space<vmem>>, vector<16xi32>,
    %swap3A_676 = vector.shape_cast %swap3A_675 : vector<16xi32> to vector<16xi32>
    %swap3A_677 = vector.shape_cast %add3A_673 : vector<16xi32> to vector<16xi32>
    tpu.vector_store %arg6[%swap3A_674], %swap3A_677 {strides = array<i32>} : memref<4800xi32, #tpu.memory_space<vmem>>, vector<16xi32>,
    %add3A_678 = vector.broadcast %add3A_665 : i32 to vector<16xi32>
    %add3A_679 = arith.addi %add3A_678, %mul3A_45 : vector<16xi32>
    %swap3A_680 = arith.constant 1184 : index
    %swap3A_681 = tpu.vector_load %arg6[%swap3A_680] {strides = array<i32>} : memref<4800xi32, #tpu.memory_space<vmem>>, vector<16xi32>,
    %swap3A_682 = vector.shape_cast %swap3A_681 : vector<16xi32> to vector<16xi32>
    %swap3A_683 = vector.shape_cast %add3A_679 : vector<16xi32> to vector<16xi32>
    tpu.vector_store %arg6[%swap3A_680], %swap3A_683 {strides = array<i32>} : memref<4800xi32, #tpu.memory_space<vmem>>, vector<16xi32>,
    %add3A_684 = vector.broadcast %add3A_665 : i32 to vector<16xi32>
    %add3A_685 = arith.addi %add3A_684, %mul3A_51 : vector<16xi32>
    %swap3A_686 = arith.constant 1200 : index
    %swap3A_687 = tpu.vector_load %arg6[%swap3A_686] {strides = array<i32>} : memref<4800xi32, #tpu.memory_space<vmem>>, vector<16xi32>,
    %swap3A_688 = vector.shape_cast %swap3A_687 : vector<16xi32> to vector<16xi32>
    %swap3A_689 = vector.shape_cast %add3A_685 : vector<16xi32> to vector<16xi32>
    tpu.vector_store %arg6[%swap3A_686], %swap3A_689 {strides = array<i32>} : memref<4800xi32, #tpu.memory_space<vmem>>, vector<16xi32>,
    %add3A_690 = vector.broadcast %add3A_665 : i32 to vector<16xi32>
    %add3A_691 = arith.addi %add3A_690, %mul3A_57 : vector<16xi32>
    %swap3A_692 = arith.constant 1216 : index
    %swap3A_693 = tpu.vector_load %arg6[%swap3A_692] {strides = array<i32>} : memref<4800xi32, #tpu.memory_space<vmem>>, vector<16xi32>,
    %swap3A_694 = vector.shape_cast %swap3A_693 : vector<16xi32> to vector<16xi32>
    %swap3A_695 = vector.shape_cast %add3A_691 : vector<16xi32> to vector<16xi32>
    tpu.vector_store %arg6[%swap3A_692], %swap3A_695 {strides = array<i32>} : memref<4800xi32, #tpu.memory_space<vmem>>, vector<16xi32>,
    %add3A_696 = vector.broadcast %add3A_665 : i32 to vector<16xi32>
    %add3A_697 = arith.addi %add3A_696, %mul3A_63 : vector<16xi32>
    %swap3A_698 = arith.constant 1232 : index
    %swap3A_699 = tpu.vector_load %arg6[%swap3A_698] {strides = array<i32>} : memref<4800xi32, #tpu.memory_space<vmem>>, vector<16xi32>,
    %swap3A_700 = vector.shape_cast %swap3A_699 : vector<16xi32> to vector<16xi32>
    %swap3A_701 = vector.shape_cast %add3A_697 : vector<16xi32> to vector<16xi32>
    tpu.vector_store %arg6[%swap3A_698], %swap3A_701 {strides = array<i32>} : memref<4800xi32, #tpu.memory_space<vmem>>, vector<16xi32>,
    %add3A_702 = arith.constant 26 : i32
    %add3A_703 = arith.addi %sub3A_27, %add3A_702 : i32
    %get3A_704 = arith.index_cast %add3A_703 : i32 to index
    %get3A_705 = tpu.vector_load %arg5[%get3A_704] {strides = array<i32>} : memref<112xi32, #tpu.memory_space<vmem>>, vector<16xi32>,
    %get3A_706 = vector.shape_cast %get3A_705 : vector<16xi32> to vector<16xi32>
    %slice3A_707 = vector.extract_strided_slice %get3A_706 {offsets = [1], sizes = [1], strides = [1]} : vector<16xi32> to vector<1xi32>
    %squeeze3A_708 = vector.extract %slice3A_707[0] : i32 from vector<1xi32>
    %mul3A_709 = arith.constant 128 : i32
    %mul3A_710 = arith.muli %squeeze3A_708, %mul3A_709 : i32
    %add3A_711 = arith.addi %mul3A_4, %mul3A_710 : i32
    %slice3A_712 = vector.extract_strided_slice %get3A_706 {offsets = [0], sizes = [1], strides = [1]} : vector<16xi32> to vector<1xi32>
    %squeeze3A_713 = vector.extract %slice3A_712[0] : i32 from vector<1xi32>
    %add3A_714 = arith.addi %add3A_711, %squeeze3A_713 : i32
    %add3A_715 = vector.broadcast %add3A_714 : i32 to vector<16xi32>
    %add3A_716 = arith.addi %add3A_715, %mul3A_33 : vector<16xi32>
    %swap3A_717 = arith.constant 1248 : index
    %swap3A_718 = tpu.vector_load %arg6[%swap3A_717] {strides = array<i32>} : memref<4800xi32, #tpu.memory_space<vmem>>, vector<16xi32>,
    %swap3A_719 = vector.shape_cast %swap3A_718 : vector<16xi32> to vector<16xi32>
    %swap3A_720 = vector.shape_cast %add3A_716 : vector<16xi32> to vector<16xi32>
    tpu.vector_store %arg6[%swap3A_717], %swap3A_720 {strides = array<i32>} : memref<4800xi32, #tpu.memory_space<vmem>>, vector<16xi32>,
    %add3A_721 = vector.broadcast %add3A_714 : i32 to vector<16xi32>
    %add3A_722 = arith.addi %add3A_721, %mul3A_39 : vector<16xi32>
    %swap3A_723 = arith.constant 1264 : index
    %swap3A_724 = tpu.vector_load %arg6[%swap3A_723] {strides = array<i32>} : memref<4800xi32, #tpu.memory_space<vmem>>, vector<16xi32>,
    %swap3A_725 = vector.shape_cast %swap3A_724 : vector<16xi32> to vector<16xi32>
    %swap3A_726 = vector.shape_cast %add3A_722 : vector<16xi32> to vector<16xi32>
    tpu.vector_store %arg6[%swap3A_723], %swap3A_726 {strides = array<i32>} : memref<4800xi32, #tpu.memory_space<vmem>>, vector<16xi32>,
    %add3A_727 = vector.broadcast %add3A_714 : i32 to vector<16xi32>
    %add3A_728 = arith.addi %add3A_727, %mul3A_45 : vector<16xi32>
    %swap3A_729 = arith.constant 1280 : index
    %swap3A_730 = tpu.vector_load %arg6[%swap3A_729] {strides = array<i32>} : memref<4800xi32, #tpu.memory_space<vmem>>, vector<16xi32>,
    %swap3A_731 = vector.shape_cast %swap3A_730 : vector<16xi32> to vector<16xi32>
    %swap3A_732 = vector.shape_cast %add3A_728 : vector<16xi32> to vector<16xi32>
    tpu.vector_store %arg6[%swap3A_729], %swap3A_732 {strides = array<i32>} : memref<4800xi32, #tpu.memory_space<vmem>>, vector<16xi32>,
    %add3A_733 = vector.broadcast %add3A_714 : i32 to vector<16xi32>
    %add3A_734 = arith.addi %add3A_733, %mul3A_51 : vector<16xi32>
    %swap3A_735 = arith.constant 1296 : index
    %swap3A_736 = tpu.vector_load %arg6[%swap3A_735] {strides = array<i32>} : memref<4800xi32, #tpu.memory_space<vmem>>, vector<16xi32>,
    %swap3A_737 = vector.shape_cast %swap3A_736 : vector<16xi32> to vector<16xi32>
    %swap3A_738 = vector.shape_cast %add3A_734 : vector<16xi32> to vector<16xi32>
    tpu.vector_store %arg6[%swap3A_735], %swap3A_738 {strides = array<i32>} : memref<4800xi32, #tpu.memory_space<vmem>>, vector<16xi32>,
    %add3A_739 = vector.broadcast %add3A_714 : i32 to vector<16xi32>
    %add3A_740 = arith.addi %add3A_739, %mul3A_57 : vector<16xi32>
    %swap3A_741 = arith.constant 1312 : index
    %swap3A_742 = tpu.vector_load %arg6[%swap3A_741] {strides = array<i32>} : memref<4800xi32, #tpu.memory_space<vmem>>, vector<16xi32>,
    %swap3A_743 = vector.shape_cast %swap3A_742 : vector<16xi32> to vector<16xi32>
    %swap3A_744 = vector.shape_cast %add3A_740 : vector<16xi32> to vector<16xi32>
    tpu.vector_store %arg6[%swap3A_741], %swap3A_744 {strides = array<i32>} : memref<4800xi32, #tpu.memory_space<vmem>>, vector<16xi32>,
    %add3A_745 = vector.broadcast %add3A_714 : i32 to vector<16xi32>
    %add3A_746 = arith.addi %add3A_745, %mul3A_63 : vector<16xi32>
    %swap3A_747 = arith.constant 1328 : index
    %swap3A_748 = tpu.vector_load %arg6[%swap3A_747] {strides = array<i32>} : memref<4800xi32, #tpu.memory_space<vmem>>, vector<16xi32>,
    %swap3A_749 = vector.shape_cast %swap3A_748 : vector<16xi32> to vector<16xi32>
    %swap3A_750 = vector.shape_cast %add3A_746 : vector<16xi32> to vector<16xi32>
    tpu.vector_store %arg6[%swap3A_747], %swap3A_750 {strides = array<i32>} : memref<4800xi32, #tpu.memory_space<vmem>>, vector<16xi32>,
    %add3A_751 = arith.constant 28 : i32
    %add3A_752 = arith.addi %sub3A_27, %add3A_751 : i32
    %get3A_753 = arith.index_cast %add3A_752 : i32 to index
    %get3A_754 = tpu.vector_load %arg5[%get3A_753] {strides = array<i32>} : memref<112xi32, #tpu.memory_space<vmem>>, vector<16xi32>,
    %get3A_755 = vector.shape_cast %get3A_754 : vector<16xi32> to vector<16xi32>
    %slice3A_756 = vector.extract_strided_slice %get3A_755 {offsets = [1], sizes = [1], strides = [1]} : vector<16xi32> to vector<1xi32>
    %squeeze3A_757 = vector.extract %slice3A_756[0] : i32 from vector<1xi32>
    %mul3A_758 = arith.constant 128 : i32
    %mul3A_759 = arith.muli %squeeze3A_757, %mul3A_758 : i32
    %add3A_760 = arith.addi %mul3A_4, %mul3A_759 : i32
    %slice3A_761 = vector.extract_strided_slice %get3A_755 {offsets = [0], sizes = [1], strides = [1]} : vector<16xi32> to vector<1xi32>
    %squeeze3A_762 = vector.extract %slice3A_761[0] : i32 from vector<1xi32>
    %add3A_763 = arith.addi %add3A_760, %squeeze3A_762 : i32
    %add3A_764 = vector.broadcast %add3A_763 : i32 to vector<16xi32>
    %add3A_765 = arith.addi %add3A_764, %mul3A_33 : vector<16xi32>
    %swap3A_766 = arith.constant 1344 : index
    %swap3A_767 = tpu.vector_load %arg6[%swap3A_766] {strides = array<i32>} : memref<4800xi32, #tpu.memory_space<vmem>>, vector<16xi32>,
    %swap3A_768 = vector.shape_cast %swap3A_767 : vector<16xi32> to vector<16xi32>
    %swap3A_769 = vector.shape_cast %add3A_765 : vector<16xi32> to vector<16xi32>
    tpu.vector_store %arg6[%swap3A_766], %swap3A_769 {strides = array<i32>} : memref<4800xi32, #tpu.memory_space<vmem>>, vector<16xi32>,
    %add3A_770 = vector.broadcast %add3A_763 : i32 to vector<16xi32>
    %add3A_771 = arith.addi %add3A_770, %mul3A_39 : vector<16xi32>
    %swap3A_772 = arith.constant 1360 : index
    %swap3A_773 = tpu.vector_load %arg6[%swap3A_772] {strides = array<i32>} : memref<4800xi32, #tpu.memory_space<vmem>>, vector<16xi32>,
    %swap3A_774 = vector.shape_cast %swap3A_773 : vector<16xi32> to vector<16xi32>
    %swap3A_775 = vector.shape_cast %add3A_771 : vector<16xi32> to vector<16xi32>
    tpu.vector_store %arg6[%swap3A_772], %swap3A_775 {strides = array<i32>} : memref<4800xi32, #tpu.memory_space<vmem>>, vector<16xi32>,
    %add3A_776 = vector.broadcast %add3A_763 : i32 to vector<16xi32>
    %add3A_777 = arith.addi %add3A_776, %mul3A_45 : vector<16xi32>
    %swap3A_778 = arith.constant 1376 : index
    %swap3A_779 = tpu.vector_load %arg6[%swap3A_778] {strides = array<i32>} : memref<4800xi32, #tpu.memory_space<vmem>>, vector<16xi32>,
    %swap3A_780 = vector.shape_cast %swap3A_779 : vector<16xi32> to vector<16xi32>
    %swap3A_781 = vector.shape_cast %add3A_777 : vector<16xi32> to vector<16xi32>
    tpu.vector_store %arg6[%swap3A_778], %swap3A_781 {strides = array<i32>} : memref<4800xi32, #tpu.memory_space<vmem>>, vector<16xi32>,
    %add3A_782 = vector.broadcast %add3A_763 : i32 to vector<16xi32>
    %add3A_783 = arith.addi %add3A_782, %mul3A_51 : vector<16xi32>
    %swap3A_784 = arith.constant 1392 : index
    %swap3A_785 = tpu.vector_load %arg6[%swap3A_784] {strides = array<i32>} : memref<4800xi32, #tpu.memory_space<vmem>>, vector<16xi32>,
    %swap3A_786 = vector.shape_cast %swap3A_785 : vector<16xi32> to vector<16xi32>
    %swap3A_787 = vector.shape_cast %add3A_783 : vector<16xi32> to vector<16xi32>
    tpu.vector_store %arg6[%swap3A_784], %swap3A_787 {strides = array<i32>} : memref<4800xi32, #tpu.memory_space<vmem>>, vector<16xi32>,
    %add3A_788 = vector.broadcast %add3A_763 : i32 to vector<16xi32>
    %add3A_789 = arith.addi %add3A_788, %mul3A_57 : vector<16xi32>
    %swap3A_790 = arith.constant 1408 : index
    %swap3A_791 = tpu.vector_load %arg6[%swap3A_790] {strides = array<i32>} : memref<4800xi32, #tpu.memory_space<vmem>>, vector<16xi32>,
    %swap3A_792 = vector.shape_cast %swap3A_791 : vector<16xi32> to vector<16xi32>
    %swap3A_793 = vector.shape_cast %add3A_789 : vector<16xi32> to vector<16xi32>
    tpu.vector_store %arg6[%swap3A_790], %swap3A_793 {strides = array<i32>} : memref<4800xi32, #tpu.memory_space<vmem>>, vector<16xi32>,
    %add3A_794 = vector.broadcast %add3A_763 : i32 to vector<16xi32>
    %add3A_795 = arith.addi %add3A_794, %mul3A_63 : vector<16xi32>
    %swap3A_796 = arith.constant 1424 : index
    %swap3A_797 = tpu.vector_load %arg6[%swap3A_796] {strides = array<i32>} : memref<4800xi32, #tpu.memory_space<vmem>>, vector<16xi32>,
    %swap3A_798 = vector.shape_cast %swap3A_797 : vector<16xi32> to vector<16xi32>
    %swap3A_799 = vector.shape_cast %add3A_795 : vector<16xi32> to vector<16xi32>
    tpu.vector_store %arg6[%swap3A_796], %swap3A_799 {strides = array<i32>} : memref<4800xi32, #tpu.memory_space<vmem>>, vector<16xi32>,
    %add3A_800 = arith.constant 30 : i32
    %add3A_801 = arith.addi %sub3A_27, %add3A_800 : i32
    %get3A_802 = arith.index_cast %add3A_801 : i32 to index
    %get3A_803 = tpu.vector_load %arg5[%get3A_802] {strides = array<i32>} : memref<112xi32, #tpu.memory_space<vmem>>, vector<16xi32>,
    %get3A_804 = vector.shape_cast %get3A_803 : vector<16xi32> to vector<16xi32>
    %slice3A_805 = vector.extract_strided_slice %get3A_804 {offsets = [1], sizes = [1], strides = [1]} : vector<16xi32> to vector<1xi32>
    %squeeze3A_806 = vector.extract %slice3A_805[0] : i32 from vector<1xi32>
    %mul3A_807 = arith.constant 128 : i32
    %mul3A_808 = arith.muli %squeeze3A_806, %mul3A_807 : i32
    %add3A_809 = arith.addi %mul3A_4, %mul3A_808 : i32
    %slice3A_810 = vector.extract_strided_slice %get3A_804 {offsets = [0], sizes = [1], strides = [1]} : vector<16xi32> to vector<1xi32>
    %squeeze3A_811 = vector.extract %slice3A_810[0] : i32 from vector<1xi32>
    %add3A_812 = arith.addi %add3A_809, %squeeze3A_811 : i32
    %add3A_813 = vector.broadcast %add3A_812 : i32 to vector<16xi32>
    %add3A_814 = arith.addi %add3A_813, %mul3A_33 : vector<16xi32>
    %swap3A_815 = arith.constant 1440 : index
    %swap3A_816 = tpu.vector_load %arg6[%swap3A_815] {strides = array<i32>} : memref<4800xi32, #tpu.memory_space<vmem>>, vector<16xi32>,
    %swap3A_817 = vector.shape_cast %swap3A_816 : vector<16xi32> to vector<16xi32>
    %swap3A_818 = vector.shape_cast %add3A_814 : vector<16xi32> to vector<16xi32>
    tpu.vector_store %arg6[%swap3A_815], %swap3A_818 {strides = array<i32>} : memref<4800xi32, #tpu.memory_space<vmem>>, vector<16xi32>,
    %add3A_819 = vector.broadcast %add3A_812 : i32 to vector<16xi32>
    %add3A_820 = arith.addi %add3A_819, %mul3A_39 : vector<16xi32>
    %swap3A_821 = arith.constant 1456 : index
    %swap3A_822 = tpu.vector_load %arg6[%swap3A_821] {strides = array<i32>} : memref<4800xi32, #tpu.memory_space<vmem>>, vector<16xi32>,
    %swap3A_823 = vector.shape_cast %swap3A_822 : vector<16xi32> to vector<16xi32>
    %swap3A_824 = vector.shape_cast %add3A_820 : vector<16xi32> to vector<16xi32>
    tpu.vector_store %arg6[%swap3A_821], %swap3A_824 {strides = array<i32>} : memref<4800xi32, #tpu.memory_space<vmem>>, vector<16xi32>,
    %add3A_825 = vector.broadcast %add3A_812 : i32 to vector<16xi32>
    %add3A_826 = arith.addi %add3A_825, %mul3A_45 : vector<16xi32>
    %swap3A_827 = arith.constant 1472 : index
    %swap3A_828 = tpu.vector_load %arg6[%swap3A_827] {strides = array<i32>} : memref<4800xi32, #tpu.memory_space<vmem>>, vector<16xi32>,
    %swap3A_829 = vector.shape_cast %swap3A_828 : vector<16xi32> to vector<16xi32>
    %swap3A_830 = vector.shape_cast %add3A_826 : vector<16xi32> to vector<16xi32>
    tpu.vector_store %arg6[%swap3A_827], %swap3A_830 {strides = array<i32>} : memref<4800xi32, #tpu.memory_space<vmem>>, vector<16xi32>,
    %add3A_831 = vector.broadcast %add3A_812 : i32 to vector<16xi32>
    %add3A_832 = arith.addi %add3A_831, %mul3A_51 : vector<16xi32>
    %swap3A_833 = arith.constant 1488 : index
    %swap3A_834 = tpu.vector_load %arg6[%swap3A_833] {strides = array<i32>} : memref<4800xi32, #tpu.memory_space<vmem>>, vector<16xi32>,
    %swap3A_835 = vector.shape_cast %swap3A_834 : vector<16xi32> to vector<16xi32>
    %swap3A_836 = vector.shape_cast %add3A_832 : vector<16xi32> to vector<16xi32>
    tpu.vector_store %arg6[%swap3A_833], %swap3A_836 {strides = array<i32>} : memref<4800xi32, #tpu.memory_space<vmem>>, vector<16xi32>,
    %add3A_837 = vector.broadcast %add3A_812 : i32 to vector<16xi32>
    %add3A_838 = arith.addi %add3A_837, %mul3A_57 : vector<16xi32>
    %swap3A_839 = arith.constant 1504 : index
    %swap3A_840 = tpu.vector_load %arg6[%swap3A_839] {strides = array<i32>} : memref<4800xi32, #tpu.memory_space<vmem>>, vector<16xi32>,
    %swap3A_841 = vector.shape_cast %swap3A_840 : vector<16xi32> to vector<16xi32>
    %swap3A_842 = vector.shape_cast %add3A_838 : vector<16xi32> to vector<16xi32>
    tpu.vector_store %arg6[%swap3A_839], %swap3A_842 {strides = array<i32>} : memref<4800xi32, #tpu.memory_space<vmem>>, vector<16xi32>,
    %add3A_843 = vector.broadcast %add3A_812 : i32 to vector<16xi32>
    %add3A_844 = arith.addi %add3A_843, %mul3A_63 : vector<16xi32>
    %swap3A_845 = arith.constant 1520 : index
    %swap3A_846 = tpu.vector_load %arg6[%swap3A_845] {strides = array<i32>} : memref<4800xi32, #tpu.memory_space<vmem>>, vector<16xi32>,
    %swap3A_847 = vector.shape_cast %swap3A_846 : vector<16xi32> to vector<16xi32>
    %swap3A_848 = vector.shape_cast %add3A_844 : vector<16xi32> to vector<16xi32>
    tpu.vector_store %arg6[%swap3A_845], %swap3A_848 {strides = array<i32>} : memref<4800xi32, #tpu.memory_space<vmem>>, vector<16xi32>,
    %add3A_849 = arith.constant 32 : i32
    %add3A_850 = arith.addi %sub3A_27, %add3A_849 : i32
    %get3A_851 = arith.index_cast %add3A_850 : i32 to index
    %get3A_852 = tpu.vector_load %arg5[%get3A_851] {strides = array<i32>} : memref<112xi32, #tpu.memory_space<vmem>>, vector<16xi32>,
    %get3A_853 = vector.shape_cast %get3A_852 : vector<16xi32> to vector<16xi32>
    %slice3A_854 = vector.extract_strided_slice %get3A_853 {offsets = [1], sizes = [1], strides = [1]} : vector<16xi32> to vector<1xi32>
    %squeeze3A_855 = vector.extract %slice3A_854[0] : i32 from vector<1xi32>
    %mul3A_856 = arith.constant 128 : i32
    %mul3A_857 = arith.muli %squeeze3A_855, %mul3A_856 : i32
    %add3A_858 = arith.addi %mul3A_4, %mul3A_857 : i32
    %slice3A_859 = vector.extract_strided_slice %get3A_853 {offsets = [0], sizes = [1], strides = [1]} : vector<16xi32> to vector<1xi32>
    %squeeze3A_860 = vector.extract %slice3A_859[0] : i32 from vector<1xi32>
    %add3A_861 = arith.addi %add3A_858, %squeeze3A_860 : i32
    %add3A_862 = vector.broadcast %add3A_861 : i32 to vector<16xi32>
    %add3A_863 = arith.addi %add3A_862, %mul3A_33 : vector<16xi32>
    %swap3A_864 = arith.constant 1536 : index
    %swap3A_865 = tpu.vector_load %arg6[%swap3A_864] {strides = array<i32>} : memref<4800xi32, #tpu.memory_space<vmem>>, vector<16xi32>,
    %swap3A_866 = vector.shape_cast %swap3A_865 : vector<16xi32> to vector<16xi32>
    %swap3A_867 = vector.shape_cast %add3A_863 : vector<16xi32> to vector<16xi32>
    tpu.vector_store %arg6[%swap3A_864], %swap3A_867 {strides = array<i32>} : memref<4800xi32, #tpu.memory_space<vmem>>, vector<16xi32>,
    %add3A_868 = vector.broadcast %add3A_861 : i32 to vector<16xi32>
    %add3A_869 = arith.addi %add3A_868, %mul3A_39 : vector<16xi32>
    %swap3A_870 = arith.constant 1552 : index
    %swap3A_871 = tpu.vector_load %arg6[%swap3A_870] {strides = array<i32>} : memref<4800xi32, #tpu.memory_space<vmem>>, vector<16xi32>,
    %swap3A_872 = vector.shape_cast %swap3A_871 : vector<16xi32> to vector<16xi32>
    %swap3A_873 = vector.shape_cast %add3A_869 : vector<16xi32> to vector<16xi32>
    tpu.vector_store %arg6[%swap3A_870], %swap3A_873 {strides = array<i32>} : memref<4800xi32, #tpu.memory_space<vmem>>, vector<16xi32>,
    %add3A_874 = vector.broadcast %add3A_861 : i32 to vector<16xi32>
    %add3A_875 = arith.addi %add3A_874, %mul3A_45 : vector<16xi32>
    %swap3A_876 = arith.constant 1568 : index
    %swap3A_877 = tpu.vector_load %arg6[%swap3A_876] {strides = array<i32>} : memref<4800xi32, #tpu.memory_space<vmem>>, vector<16xi32>,
    %swap3A_878 = vector.shape_cast %swap3A_877 : vector<16xi32> to vector<16xi32>
    %swap3A_879 = vector.shape_cast %add3A_875 : vector<16xi32> to vector<16xi32>
    tpu.vector_store %arg6[%swap3A_876], %swap3A_879 {strides = array<i32>} : memref<4800xi32, #tpu.memory_space<vmem>>, vector<16xi32>,
    %add3A_880 = vector.broadcast %add3A_861 : i32 to vector<16xi32>
    %add3A_881 = arith.addi %add3A_880, %mul3A_51 : vector<16xi32>
    %swap3A_882 = arith.constant 1584 : index
    %swap3A_883 = tpu.vector_load %arg6[%swap3A_882] {strides = array<i32>} : memref<4800xi32, #tpu.memory_space<vmem>>, vector<16xi32>,
    %swap3A_884 = vector.shape_cast %swap3A_883 : vector<16xi32> to vector<16xi32>
    %swap3A_885 = vector.shape_cast %add3A_881 : vector<16xi32> to vector<16xi32>
    tpu.vector_store %arg6[%swap3A_882], %swap3A_885 {strides = array<i32>} : memref<4800xi32, #tpu.memory_space<vmem>>, vector<16xi32>,
    %add3A_886 = vector.broadcast %add3A_861 : i32 to vector<16xi32>
    %add3A_887 = arith.addi %add3A_886, %mul3A_57 : vector<16xi32>
    %swap3A_888 = arith.constant 1600 : index
    %swap3A_889 = tpu.vector_load %arg6[%swap3A_888] {strides = array<i32>} : memref<4800xi32, #tpu.memory_space<vmem>>, vector<16xi32>,
    %swap3A_890 = vector.shape_cast %swap3A_889 : vector<16xi32> to vector<16xi32>
    %swap3A_891 = vector.shape_cast %add3A_887 : vector<16xi32> to vector<16xi32>
    tpu.vector_store %arg6[%swap3A_888], %swap3A_891 {strides = array<i32>} : memref<4800xi32, #tpu.memory_space<vmem>>, vector<16xi32>,
    %add3A_892 = vector.broadcast %add3A_861 : i32 to vector<16xi32>
    %add3A_893 = arith.addi %add3A_892, %mul3A_63 : vector<16xi32>
    %swap3A_894 = arith.constant 1616 : index
    %swap3A_895 = tpu.vector_load %arg6[%swap3A_894] {strides = array<i32>} : memref<4800xi32, #tpu.memory_space<vmem>>, vector<16xi32>,
    %swap3A_896 = vector.shape_cast %swap3A_895 : vector<16xi32> to vector<16xi32>
    %swap3A_897 = vector.shape_cast %add3A_893 : vector<16xi32> to vector<16xi32>
    tpu.vector_store %arg6[%swap3A_894], %swap3A_897 {strides = array<i32>} : memref<4800xi32, #tpu.memory_space<vmem>>, vector<16xi32>,
    %add3A_898 = arith.constant 34 : i32
    %add3A_899 = arith.addi %sub3A_27, %add3A_898 : i32
    %get3A_900 = arith.index_cast %add3A_899 : i32 to index
    %get3A_901 = tpu.vector_load %arg5[%get3A_900] {strides = array<i32>} : memref<112xi32, #tpu.memory_space<vmem>>, vector<16xi32>,
    %get3A_902 = vector.shape_cast %get3A_901 : vector<16xi32> to vector<16xi32>
    %slice3A_903 = vector.extract_strided_slice %get3A_902 {offsets = [1], sizes = [1], strides = [1]} : vector<16xi32> to vector<1xi32>
    %squeeze3A_904 = vector.extract %slice3A_903[0] : i32 from vector<1xi32>
    %mul3A_905 = arith.constant 128 : i32
    %mul3A_906 = arith.muli %squeeze3A_904, %mul3A_905 : i32
    %add3A_907 = arith.addi %mul3A_4, %mul3A_906 : i32
    %slice3A_908 = vector.extract_strided_slice %get3A_902 {offsets = [0], sizes = [1], strides = [1]} : vector<16xi32> to vector<1xi32>
    %squeeze3A_909 = vector.extract %slice3A_908[0] : i32 from vector<1xi32>
    %add3A_910 = arith.addi %add3A_907, %squeeze3A_909 : i32
    %add3A_911 = vector.broadcast %add3A_910 : i32 to vector<16xi32>
    %add3A_912 = arith.addi %add3A_911, %mul3A_33 : vector<16xi32>
    %swap3A_913 = arith.constant 1632 : index
    %swap3A_914 = tpu.vector_load %arg6[%swap3A_913] {strides = array<i32>} : memref<4800xi32, #tpu.memory_space<vmem>>, vector<16xi32>,
    %swap3A_915 = vector.shape_cast %swap3A_914 : vector<16xi32> to vector<16xi32>
    %swap3A_916 = vector.shape_cast %add3A_912 : vector<16xi32> to vector<16xi32>
    tpu.vector_store %arg6[%swap3A_913], %swap3A_916 {strides = array<i32>} : memref<4800xi32, #tpu.memory_space<vmem>>, vector<16xi32>,
    %add3A_917 = vector.broadcast %add3A_910 : i32 to vector<16xi32>
    %add3A_918 = arith.addi %add3A_917, %mul3A_39 : vector<16xi32>
    %swap3A_919 = arith.constant 1648 : index
    %swap3A_920 = tpu.vector_load %arg6[%swap3A_919] {strides = array<i32>} : memref<4800xi32, #tpu.memory_space<vmem>>, vector<16xi32>,
    %swap3A_921 = vector.shape_cast %swap3A_920 : vector<16xi32> to vector<16xi32>
    %swap3A_922 = vector.shape_cast %add3A_918 : vector<16xi32> to vector<16xi32>
    tpu.vector_store %arg6[%swap3A_919], %swap3A_922 {strides = array<i32>} : memref<4800xi32, #tpu.memory_space<vmem>>, vector<16xi32>,
    %add3A_923 = vector.broadcast %add3A_910 : i32 to vector<16xi32>
    %add3A_924 = arith.addi %add3A_923, %mul3A_45 : vector<16xi32>
    %swap3A_925 = arith.constant 1664 : index
    %swap3A_926 = tpu.vector_load %arg6[%swap3A_925] {strides = array<i32>} : memref<4800xi32, #tpu.memory_space<vmem>>, vector<16xi32>,
    %swap3A_927 = vector.shape_cast %swap3A_926 : vector<16xi32> to vector<16xi32>
    %swap3A_928 = vector.shape_cast %add3A_924 : vector<16xi32> to vector<16xi32>
    tpu.vector_store %arg6[%swap3A_925], %swap3A_928 {strides = array<i32>} : memref<4800xi32, #tpu.memory_space<vmem>>, vector<16xi32>,
    %add3A_929 = vector.broadcast %add3A_910 : i32 to vector<16xi32>
    %add3A_930 = arith.addi %add3A_929, %mul3A_51 : vector<16xi32>
    %swap3A_931 = arith.constant 1680 : index
    %swap3A_932 = tpu.vector_load %arg6[%swap3A_931] {strides = array<i32>} : memref<4800xi32, #tpu.memory_space<vmem>>, vector<16xi32>,
    %swap3A_933 = vector.shape_cast %swap3A_932 : vector<16xi32> to vector<16xi32>
    %swap3A_934 = vector.shape_cast %add3A_930 : vector<16xi32> to vector<16xi32>
    tpu.vector_store %arg6[%swap3A_931], %swap3A_934 {strides = array<i32>} : memref<4800xi32, #tpu.memory_space<vmem>>, vector<16xi32>,
    %add3A_935 = vector.broadcast %add3A_910 : i32 to vector<16xi32>
    %add3A_936 = arith.addi %add3A_935, %mul3A_57 : vector<16xi32>
    %swap3A_937 = arith.constant 1696 : index
    %swap3A_938 = tpu.vector_load %arg6[%swap3A_937] {strides = array<i32>} : memref<4800xi32, #tpu.memory_space<vmem>>, vector<16xi32>,
    %swap3A_939 = vector.shape_cast %swap3A_938 : vector<16xi32> to vector<16xi32>
    %swap3A_940 = vector.shape_cast %add3A_936 : vector<16xi32> to vector<16xi32>
    tpu.vector_store %arg6[%swap3A_937], %swap3A_940 {strides = array<i32>} : memref<4800xi32, #tpu.memory_space<vmem>>, vector<16xi32>,
    %add3A_941 = vector.broadcast %add3A_910 : i32 to vector<16xi32>
    %add3A_942 = arith.addi %add3A_941, %mul3A_63 : vector<16xi32>
    %swap3A_943 = arith.constant 1712 : index
    %swap3A_944 = tpu.vector_load %arg6[%swap3A_943] {strides = array<i32>} : memref<4800xi32, #tpu.memory_space<vmem>>, vector<16xi32>,
    %swap3A_945 = vector.shape_cast %swap3A_944 : vector<16xi32> to vector<16xi32>
    %swap3A_946 = vector.shape_cast %add3A_942 : vector<16xi32> to vector<16xi32>
    tpu.vector_store %arg6[%swap3A_943], %swap3A_946 {strides = array<i32>} : memref<4800xi32, #tpu.memory_space<vmem>>, vector<16xi32>,
    %add3A_947 = arith.constant 36 : i32
    %add3A_948 = arith.addi %sub3A_27, %add3A_947 : i32
    %get3A_949 = arith.index_cast %add3A_948 : i32 to index
    %get3A_950 = tpu.vector_load %arg5[%get3A_949] {strides = array<i32>} : memref<112xi32, #tpu.memory_space<vmem>>, vector<16xi32>,
    %get3A_951 = vector.shape_cast %get3A_950 : vector<16xi32> to vector<16xi32>
    %slice3A_952 = vector.extract_strided_slice %get3A_951 {offsets = [1], sizes = [1], strides = [1]} : vector<16xi32> to vector<1xi32>
    %squeeze3A_953 = vector.extract %slice3A_952[0] : i32 from vector<1xi32>
    %mul3A_954 = arith.constant 128 : i32
    %mul3A_955 = arith.muli %squeeze3A_953, %mul3A_954 : i32
    %add3A_956 = arith.addi %mul3A_4, %mul3A_955 : i32
    %slice3A_957 = vector.extract_strided_slice %get3A_951 {offsets = [0], sizes = [1], strides = [1]} : vector<16xi32> to vector<1xi32>
    %squeeze3A_958 = vector.extract %slice3A_957[0] : i32 from vector<1xi32>
    %add3A_959 = arith.addi %add3A_956, %squeeze3A_958 : i32
    %add3A_960 = vector.broadcast %add3A_959 : i32 to vector<16xi32>
    %add3A_961 = arith.addi %add3A_960, %mul3A_33 : vector<16xi32>
    %swap3A_962 = arith.constant 1728 : index
    %swap3A_963 = tpu.vector_load %arg6[%swap3A_962] {strides = array<i32>} : memref<4800xi32, #tpu.memory_space<vmem>>, vector<16xi32>,
    %swap3A_964 = vector.shape_cast %swap3A_963 : vector<16xi32> to vector<16xi32>
    %swap3A_965 = vector.shape_cast %add3A_961 : vector<16xi32> to vector<16xi32>
    tpu.vector_store %arg6[%swap3A_962], %swap3A_965 {strides = array<i32>} : memref<4800xi32, #tpu.memory_space<vmem>>, vector<16xi32>,
    %add3A_966 = vector.broadcast %add3A_959 : i32 to vector<16xi32>
    %add3A_967 = arith.addi %add3A_966, %mul3A_39 : vector<16xi32>
    %swap3A_968 = arith.constant 1744 : index
    %swap3A_969 = tpu.vector_load %arg6[%swap3A_968] {strides = array<i32>} : memref<4800xi32, #tpu.memory_space<vmem>>, vector<16xi32>,
    %swap3A_970 = vector.shape_cast %swap3A_969 : vector<16xi32> to vector<16xi32>
    %swap3A_971 = vector.shape_cast %add3A_967 : vector<16xi32> to vector<16xi32>
    tpu.vector_store %arg6[%swap3A_968], %swap3A_971 {strides = array<i32>} : memref<4800xi32, #tpu.memory_space<vmem>>, vector<16xi32>,
    %add3A_972 = vector.broadcast %add3A_959 : i32 to vector<16xi32>
    %add3A_973 = arith.addi %add3A_972, %mul3A_45 : vector<16xi32>
    %swap3A_974 = arith.constant 1760 : index
    %swap3A_975 = tpu.vector_load %arg6[%swap3A_974] {strides = array<i32>} : memref<4800xi32, #tpu.memory_space<vmem>>, vector<16xi32>,
    %swap3A_976 = vector.shape_cast %swap3A_975 : vector<16xi32> to vector<16xi32>
    %swap3A_977 = vector.shape_cast %add3A_973 : vector<16xi32> to vector<16xi32>
    tpu.vector_store %arg6[%swap3A_974], %swap3A_977 {strides = array<i32>} : memref<4800xi32, #tpu.memory_space<vmem>>, vector<16xi32>,
    %add3A_978 = vector.broadcast %add3A_959 : i32 to vector<16xi32>
    %add3A_979 = arith.addi %add3A_978, %mul3A_51 : vector<16xi32>
    %swap3A_980 = arith.constant 1776 : index
    %swap3A_981 = tpu.vector_load %arg6[%swap3A_980] {strides = array<i32>} : memref<4800xi32, #tpu.memory_space<vmem>>, vector<16xi32>,
    %swap3A_982 = vector.shape_cast %swap3A_981 : vector<16xi32> to vector<16xi32>
    %swap3A_983 = vector.shape_cast %add3A_979 : vector<16xi32> to vector<16xi32>
    tpu.vector_store %arg6[%swap3A_980], %swap3A_983 {strides = array<i32>} : memref<4800xi32, #tpu.memory_space<vmem>>, vector<16xi32>,
    %add3A_984 = vector.broadcast %add3A_959 : i32 to vector<16xi32>
    %add3A_985 = arith.addi %add3A_984, %mul3A_57 : vector<16xi32>
    %swap3A_986 = arith.constant 1792 : index
    %swap3A_987 = tpu.vector_load %arg6[%swap3A_986] {strides = array<i32>} : memref<4800xi32, #tpu.memory_space<vmem>>, vector<16xi32>,
    %swap3A_988 = vector.shape_cast %swap3A_987 : vector<16xi32> to vector<16xi32>
    %swap3A_989 = vector.shape_cast %add3A_985 : vector<16xi32> to vector<16xi32>
    tpu.vector_store %arg6[%swap3A_986], %swap3A_989 {strides = array<i32>} : memref<4800xi32, #tpu.memory_space<vmem>>, vector<16xi32>,
    %add3A_990 = vector.broadcast %add3A_959 : i32 to vector<16xi32>
    %add3A_991 = arith.addi %add3A_990, %mul3A_63 : vector<16xi32>
    %swap3A_992 = arith.constant 1808 : index
    %swap3A_993 = tpu.vector_load %arg6[%swap3A_992] {strides = array<i32>} : memref<4800xi32, #tpu.memory_space<vmem>>, vector<16xi32>,
    %swap3A_994 = vector.shape_cast %swap3A_993 : vector<16xi32> to vector<16xi32>
    %swap3A_995 = vector.shape_cast %add3A_991 : vector<16xi32> to vector<16xi32>
    tpu.vector_store %arg6[%swap3A_992], %swap3A_995 {strides = array<i32>} : memref<4800xi32, #tpu.memory_space<vmem>>, vector<16xi32>,
    %add3A_996 = arith.constant 38 : i32
    %add3A_997 = arith.addi %sub3A_27, %add3A_996 : i32
    %get3A_998 = arith.index_cast %add3A_997 : i32 to index
    %get3A_999 = tpu.vector_load %arg5[%get3A_998] {strides = array<i32>} : memref<112xi32, #tpu.memory_space<vmem>>, vector<16xi32>,
    %get3A_1000 = vector.shape_cast %get3A_999 : vector<16xi32> to vector<16xi32>
    %slice3A_1001 = vector.extract_strided_slice %get3A_1000 {offsets = [1], sizes = [1], strides = [1]} : vector<16xi32> to vector<1xi32>
    %squeeze3A_1002 = vector.extract %slice3A_1001[0] : i32 from vector<1xi32>
    %mul3A_1003 = arith.constant 128 : i32
    %mul3A_1004 = arith.muli %squeeze3A_1002, %mul3A_1003 : i32
    %add3A_1005 = arith.addi %mul3A_4, %mul3A_1004 : i32
    %slice3A_1006 = vector.extract_strided_slice %get3A_1000 {offsets = [0], sizes = [1], strides = [1]} : vector<16xi32> to vector<1xi32>
    %squeeze3A_1007 = vector.extract %slice3A_1006[0] : i32 from vector<1xi32>
    %add3A_1008 = arith.addi %add3A_1005, %squeeze3A_1007 : i32
    %add3A_1009 = vector.broadcast %add3A_1008 : i32 to vector<16xi32>
    %add3A_1010 = arith.addi %add3A_1009, %mul3A_33 : vector<16xi32>
    %swap3A_1011 = arith.constant 1824 : index
    %swap3A_1012 = tpu.vector_load %arg6[%swap3A_1011] {strides = array<i32>} : memref<4800xi32, #tpu.memory_space<vmem>>, vector<16xi32>,
    %swap3A_1013 = vector.shape_cast %swap3A_1012 : vector<16xi32> to vector<16xi32>
    %swap3A_1014 = vector.shape_cast %add3A_1010 : vector<16xi32> to vector<16xi32>
    tpu.vector_store %arg6[%swap3A_1011], %swap3A_1014 {strides = array<i32>} : memref<4800xi32, #tpu.memory_space<vmem>>, vector<16xi32>,
    %add3A_1015 = vector.broadcast %add3A_1008 : i32 to vector<16xi32>
    %add3A_1016 = arith.addi %add3A_1015, %mul3A_39 : vector<16xi32>
    %swap3A_1017 = arith.constant 1840 : index
    %swap3A_1018 = tpu.vector_load %arg6[%swap3A_1017] {strides = array<i32>} : memref<4800xi32, #tpu.memory_space<vmem>>, vector<16xi32>,
    %swap3A_1019 = vector.shape_cast %swap3A_1018 : vector<16xi32> to vector<16xi32>
    %swap3A_1020 = vector.shape_cast %add3A_1016 : vector<16xi32> to vector<16xi32>
    tpu.vector_store %arg6[%swap3A_1017], %swap3A_1020 {strides = array<i32>} : memref<4800xi32, #tpu.memory_space<vmem>>, vector<16xi32>,
    %add3A_1021 = vector.broadcast %add3A_1008 : i32 to vector<16xi32>
    %add3A_1022 = arith.addi %add3A_1021, %mul3A_45 : vector<16xi32>
    %swap3A_1023 = arith.constant 1856 : index
    %swap3A_1024 = tpu.vector_load %arg6[%swap3A_1023] {strides = array<i32>} : memref<4800xi32, #tpu.memory_space<vmem>>, vector<16xi32>,
    %swap3A_1025 = vector.shape_cast %swap3A_1024 : vector<16xi32> to vector<16xi32>
    %swap3A_1026 = vector.shape_cast %add3A_1022 : vector<16xi32> to vector<16xi32>
    tpu.vector_store %arg6[%swap3A_1023], %swap3A_1026 {strides = array<i32>} : memref<4800xi32, #tpu.memory_space<vmem>>, vector<16xi32>,
    %add3A_1027 = vector.broadcast %add3A_1008 : i32 to vector<16xi32>
    %add3A_1028 = arith.addi %add3A_1027, %mul3A_51 : vector<16xi32>
    %swap3A_1029 = arith.constant 1872 : index
    %swap3A_1030 = tpu.vector_load %arg6[%swap3A_1029] {strides = array<i32>} : memref<4800xi32, #tpu.memory_space<vmem>>, vector<16xi32>,
    %swap3A_1031 = vector.shape_cast %swap3A_1030 : vector<16xi32> to vector<16xi32>
    %swap3A_1032 = vector.shape_cast %add3A_1028 : vector<16xi32> to vector<16xi32>
    tpu.vector_store %arg6[%swap3A_1029], %swap3A_1032 {strides = array<i32>} : memref<4800xi32, #tpu.memory_space<vmem>>, vector<16xi32>,
    %add3A_1033 = vector.broadcast %add3A_1008 : i32 to vector<16xi32>
    %add3A_1034 = arith.addi %add3A_1033, %mul3A_57 : vector<16xi32>
    %swap3A_1035 = arith.constant 1888 : index
    %swap3A_1036 = tpu.vector_load %arg6[%swap3A_1035] {strides = array<i32>} : memref<4800xi32, #tpu.memory_space<vmem>>, vector<16xi32>,
    %swap3A_1037 = vector.shape_cast %swap3A_1036 : vector<16xi32> to vector<16xi32>
    %swap3A_1038 = vector.shape_cast %add3A_1034 : vector<16xi32> to vector<16xi32>
    tpu.vector_store %arg6[%swap3A_1035], %swap3A_1038 {strides = array<i32>} : memref<4800xi32, #tpu.memory_space<vmem>>, vector<16xi32>,
    %add3A_1039 = vector.broadcast %add3A_1008 : i32 to vector<16xi32>
    %add3A_1040 = arith.addi %add3A_1039, %mul3A_63 : vector<16xi32>
    %swap3A_1041 = arith.constant 1904 : index
    %swap3A_1042 = tpu.vector_load %arg6[%swap3A_1041] {strides = array<i32>} : memref<4800xi32, #tpu.memory_space<vmem>>, vector<16xi32>,
    %swap3A_1043 = vector.shape_cast %swap3A_1042 : vector<16xi32> to vector<16xi32>
    %swap3A_1044 = vector.shape_cast %add3A_1040 : vector<16xi32> to vector<16xi32>
    tpu.vector_store %arg6[%swap3A_1041], %swap3A_1044 {strides = array<i32>} : memref<4800xi32, #tpu.memory_space<vmem>>, vector<16xi32>,
    %dma_start3A_1045 = arith.constant 960 : i32
    %dma_start3A_1046 = tpu.memref_slice %arg7[%dma_start3A_1045] : memref<4800xf32, #tpu.memory_space<vmem>> -> memref<960xf32, #tpu.memory_space<vmem>>
    %dma_start3A_1047 = arith.constant 960 : i32
    %dma_start3A_1048 = tpu.memref_slice %arg6[%dma_start3A_1047] : memref<4800xi32, #tpu.memory_space<vmem>> -> memref<960xi32, #tpu.memory_space<vmem>>
    %dma_start3A_1049 = arith.constant 0 : i32
    %dma_start3A_1050 = tpu.memref_slice %arg2[%dma_start3A_1049] : memref<25165824xf32, #tpu.memory_space<hbm>> -> memref<25165824xf32, #tpu.memory_space<hbm>>
    tpu.enqueue_indirect_dma source(%dma_start3A_1050 : memref<25165824xf32, #tpu.memory_space<hbm>>) target(%dma_start3A_1046 : memref<960xf32, #tpu.memory_space<vmem>>) offsets(%dma_start3A_1048 : memref<960xi32, #tpu.memory_space<vmem>>) semaphore(%arg8 : memref<!tpu.dma_semaphore, #tpu.memory_space<semaphore_mem>>)
    %add3A_1051 = arith.constant 40 : i32
    %add3A_1052 = arith.addi %sub3A_27, %add3A_1051 : i32
    %get3A_1053 = arith.index_cast %add3A_1052 : i32 to index
    %get3A_1054 = tpu.vector_load %arg5[%get3A_1053] {strides = array<i32>} : memref<112xi32, #tpu.memory_space<vmem>>, vector<16xi32>,
    %get3A_1055 = vector.shape_cast %get3A_1054 : vector<16xi32> to vector<16xi32>
    %slice3A_1056 = vector.extract_strided_slice %get3A_1055 {offsets = [1], sizes = [1], strides = [1]} : vector<16xi32> to vector<1xi32>
    %squeeze3A_1057 = vector.extract %slice3A_1056[0] : i32 from vector<1xi32>
    %mul3A_1058 = arith.constant 128 : i32
    %mul3A_1059 = arith.muli %squeeze3A_1057, %mul3A_1058 : i32
    %add3A_1060 = arith.addi %mul3A_4, %mul3A_1059 : i32
    %slice3A_1061 = vector.extract_strided_slice %get3A_1055 {offsets = [0], sizes = [1], strides = [1]} : vector<16xi32> to vector<1xi32>
    %squeeze3A_1062 = vector.extract %slice3A_1061[0] : i32 from vector<1xi32>
    %add3A_1063 = arith.addi %add3A_1060, %squeeze3A_1062 : i32
    %add3A_1064 = vector.broadcast %add3A_1063 : i32 to vector<16xi32>
    %add3A_1065 = arith.addi %add3A_1064, %mul3A_33 : vector<16xi32>
    %swap3A_1066 = arith.constant 1920 : index
    %swap3A_1067 = tpu.vector_load %arg6[%swap3A_1066] {strides = array<i32>} : memref<4800xi32, #tpu.memory_space<vmem>>, vector<16xi32>,
    %swap3A_1068 = vector.shape_cast %swap3A_1067 : vector<16xi32> to vector<16xi32>
    %swap3A_1069 = vector.shape_cast %add3A_1065 : vector<16xi32> to vector<16xi32>
    tpu.vector_store %arg6[%swap3A_1066], %swap3A_1069 {strides = array<i32>} : memref<4800xi32, #tpu.memory_space<vmem>>, vector<16xi32>,
    %add3A_1070 = vector.broadcast %add3A_1063 : i32 to vector<16xi32>
    %add3A_1071 = arith.addi %add3A_1070, %mul3A_39 : vector<16xi32>
    %swap3A_1072 = arith.constant 1936 : index
    %swap3A_1073 = tpu.vector_load %arg6[%swap3A_1072] {strides = array<i32>} : memref<4800xi32, #tpu.memory_space<vmem>>, vector<16xi32>,
    %swap3A_1074 = vector.shape_cast %swap3A_1073 : vector<16xi32> to vector<16xi32>
    %swap3A_1075 = vector.shape_cast %add3A_1071 : vector<16xi32> to vector<16xi32>
    tpu.vector_store %arg6[%swap3A_1072], %swap3A_1075 {strides = array<i32>} : memref<4800xi32, #tpu.memory_space<vmem>>, vector<16xi32>,
    %add3A_1076 = vector.broadcast %add3A_1063 : i32 to vector<16xi32>
    %add3A_1077 = arith.addi %add3A_1076, %mul3A_45 : vector<16xi32>
    %swap3A_1078 = arith.constant 1952 : index
    %swap3A_1079 = tpu.vector_load %arg6[%swap3A_1078] {strides = array<i32>} : memref<4800xi32, #tpu.memory_space<vmem>>, vector<16xi32>,
    %swap3A_1080 = vector.shape_cast %swap3A_1079 : vector<16xi32> to vector<16xi32>
    %swap3A_1081 = vector.shape_cast %add3A_1077 : vector<16xi32> to vector<16xi32>
    tpu.vector_store %arg6[%swap3A_1078], %swap3A_1081 {strides = array<i32>} : memref<4800xi32, #tpu.memory_space<vmem>>, vector<16xi32>,
    %add3A_1082 = vector.broadcast %add3A_1063 : i32 to vector<16xi32>
    %add3A_1083 = arith.addi %add3A_1082, %mul3A_51 : vector<16xi32>
    %swap3A_1084 = arith.constant 1968 : index
    %swap3A_1085 = tpu.vector_load %arg6[%swap3A_1084] {strides = array<i32>} : memref<4800xi32, #tpu.memory_space<vmem>>, vector<16xi32>,
    %swap3A_1086 = vector.shape_cast %swap3A_1085 : vector<16xi32> to vector<16xi32>
    %swap3A_1087 = vector.shape_cast %add3A_1083 : vector<16xi32> to vector<16xi32>
    tpu.vector_store %arg6[%swap3A_1084], %swap3A_1087 {strides = array<i32>} : memref<4800xi32, #tpu.memory_space<vmem>>, vector<16xi32>,
    %add3A_1088 = vector.broadcast %add3A_1063 : i32 to vector<16xi32>
    %add3A_1089 = arith.addi %add3A_1088, %mul3A_57 : vector<16xi32>
    %swap3A_1090 = arith.constant 1984 : index
    %swap3A_1091 = tpu.vector_load %arg6[%swap3A_1090] {strides = array<i32>} : memref<4800xi32, #tpu.memory_space<vmem>>, vector<16xi32>,
    %swap3A_1092 = vector.shape_cast %swap3A_1091 : vector<16xi32> to vector<16xi32>
    %swap3A_1093 = vector.shape_cast %add3A_1089 : vector<16xi32> to vector<16xi32>
    tpu.vector_store %arg6[%swap3A_1090], %swap3A_1093 {strides = array<i32>} : memref<4800xi32, #tpu.memory_space<vmem>>, vector<16xi32>,
    %add3A_1094 = vector.broadcast %add3A_1063 : i32 to vector<16xi32>
    %add3A_1095 = arith.addi %add3A_1094, %mul3A_63 : vector<16xi32>
    %swap3A_1096 = arith.constant 2000 : index
    %swap3A_1097 = tpu.vector_load %arg6[%swap3A_1096] {strides = array<i32>} : memref<4800xi32, #tpu.memory_space<vmem>>, vector<16xi32>,
    %swap3A_1098 = vector.shape_cast %swap3A_1097 : vector<16xi32> to vector<16xi32>
    %swap3A_1099 = vector.shape_cast %add3A_1095 : vector<16xi32> to vector<16xi32>
    tpu.vector_store %arg6[%swap3A_1096], %swap3A_1099 {strides = array<i32>} : memref<4800xi32, #tpu.memory_space<vmem>>, vector<16xi32>,
    %add3A_1100 = arith.constant 42 : i32
    %add3A_1101 = arith.addi %sub3A_27, %add3A_1100 : i32
    %get3A_1102 = arith.index_cast %add3A_1101 : i32 to index
    %get3A_1103 = tpu.vector_load %arg5[%get3A_1102] {strides = array<i32>} : memref<112xi32, #tpu.memory_space<vmem>>, vector<16xi32>,
    %get3A_1104 = vector.shape_cast %get3A_1103 : vector<16xi32> to vector<16xi32>
    %slice3A_1105 = vector.extract_strided_slice %get3A_1104 {offsets = [1], sizes = [1], strides = [1]} : vector<16xi32> to vector<1xi32>
    %squeeze3A_1106 = vector.extract %slice3A_1105[0] : i32 from vector<1xi32>
    %mul3A_1107 = arith.constant 128 : i32
    %mul3A_1108 = arith.muli %squeeze3A_1106, %mul3A_1107 : i32
    %add3A_1109 = arith.addi %mul3A_4, %mul3A_1108 : i32
    %slice3A_1110 = vector.extract_strided_slice %get3A_1104 {offsets = [0], sizes = [1], strides = [1]} : vector<16xi32> to vector<1xi32>
    %squeeze3A_1111 = vector.extract %slice3A_1110[0] : i32 from vector<1xi32>
    %add3A_1112 = arith.addi %add3A_1109, %squeeze3A_1111 : i32
    %add3A_1113 = vector.broadcast %add3A_1112 : i32 to vector<16xi32>
    %add3A_1114 = arith.addi %add3A_1113, %mul3A_33 : vector<16xi32>
    %swap3A_1115 = arith.constant 2016 : index
    %swap3A_1116 = tpu.vector_load %arg6[%swap3A_1115] {strides = array<i32>} : memref<4800xi32, #tpu.memory_space<vmem>>, vector<16xi32>,
    %swap3A_1117 = vector.shape_cast %swap3A_1116 : vector<16xi32> to vector<16xi32>
    %swap3A_1118 = vector.shape_cast %add3A_1114 : vector<16xi32> to vector<16xi32>
    tpu.vector_store %arg6[%swap3A_1115], %swap3A_1118 {strides = array<i32>} : memref<4800xi32, #tpu.memory_space<vmem>>, vector<16xi32>,
    %add3A_1119 = vector.broadcast %add3A_1112 : i32 to vector<16xi32>
    %add3A_1120 = arith.addi %add3A_1119, %mul3A_39 : vector<16xi32>
    %swap3A_1121 = arith.constant 2032 : index
    %swap3A_1122 = tpu.vector_load %arg6[%swap3A_1121] {strides = array<i32>} : memref<4800xi32, #tpu.memory_space<vmem>>, vector<16xi32>,
    %swap3A_1123 = vector.shape_cast %swap3A_1122 : vector<16xi32> to vector<16xi32>
    %swap3A_1124 = vector.shape_cast %add3A_1120 : vector<16xi32> to vector<16xi32>
    tpu.vector_store %arg6[%swap3A_1121], %swap3A_1124 {strides = array<i32>} : memref<4800xi32, #tpu.memory_space<vmem>>, vector<16xi32>,
    %add3A_1125 = vector.broadcast %add3A_1112 : i32 to vector<16xi32>
    %add3A_1126 = arith.addi %add3A_1125, %mul3A_45 : vector<16xi32>
    %swap3A_1127 = arith.constant 2048 : index
    %swap3A_1128 = tpu.vector_load %arg6[%swap3A_1127] {strides = array<i32>} : memref<4800xi32, #tpu.memory_space<vmem>>, vector<16xi32>,
    %swap3A_1129 = vector.shape_cast %swap3A_1128 : vector<16xi32> to vector<16xi32>
    %swap3A_1130 = vector.shape_cast %add3A_1126 : vector<16xi32> to vector<16xi32>
    tpu.vector_store %arg6[%swap3A_1127], %swap3A_1130 {strides = array<i32>} : memref<4800xi32, #tpu.memory_space<vmem>>, vector<16xi32>,
    %add3A_1131 = vector.broadcast %add3A_1112 : i32 to vector<16xi32>
    %add3A_1132 = arith.addi %add3A_1131, %mul3A_51 : vector<16xi32>
    %swap3A_1133 = arith.constant 2064 : index
    %swap3A_1134 = tpu.vector_load %arg6[%swap3A_1133] {strides = array<i32>} : memref<4800xi32, #tpu.memory_space<vmem>>, vector<16xi32>,
    %swap3A_1135 = vector.shape_cast %swap3A_1134 : vector<16xi32> to vector<16xi32>
    %swap3A_1136 = vector.shape_cast %add3A_1132 : vector<16xi32> to vector<16xi32>
    tpu.vector_store %arg6[%swap3A_1133], %swap3A_1136 {strides = array<i32>} : memref<4800xi32, #tpu.memory_space<vmem>>, vector<16xi32>,
    %add3A_1137 = vector.broadcast %add3A_1112 : i32 to vector<16xi32>
    %add3A_1138 = arith.addi %add3A_1137, %mul3A_57 : vector<16xi32>
    %swap3A_1139 = arith.constant 2080 : index
    %swap3A_1140 = tpu.vector_load %arg6[%swap3A_1139] {strides = array<i32>} : memref<4800xi32, #tpu.memory_space<vmem>>, vector<16xi32>,
    %swap3A_1141 = vector.shape_cast %swap3A_1140 : vector<16xi32> to vector<16xi32>
    %swap3A_1142 = vector.shape_cast %add3A_1138 : vector<16xi32> to vector<16xi32>
    tpu.vector_store %arg6[%swap3A_1139], %swap3A_1142 {strides = array<i32>} : memref<4800xi32, #tpu.memory_space<vmem>>, vector<16xi32>,
    %add3A_1143 = vector.broadcast %add3A_1112 : i32 to vector<16xi32>
    %add3A_1144 = arith.addi %add3A_1143, %mul3A_63 : vector<16xi32>
    %swap3A_1145 = arith.constant 2096 : index
    %swap3A_1146 = tpu.vector_load %arg6[%swap3A_1145] {strides = array<i32>} : memref<4800xi32, #tpu.memory_space<vmem>>, vector<16xi32>,
    %swap3A_1147 = vector.shape_cast %swap3A_1146 : vector<16xi32> to vector<16xi32>
    %swap3A_1148 = vector.shape_cast %add3A_1144 : vector<16xi32> to vector<16xi32>
    tpu.vector_store %arg6[%swap3A_1145], %swap3A_1148 {strides = array<i32>} : memref<4800xi32, #tpu.memory_space<vmem>>, vector<16xi32>,
    %add3A_1149 = arith.constant 44 : i32
    %add3A_1150 = arith.addi %sub3A_27, %add3A_1149 : i32
    %get3A_1151 = arith.index_cast %add3A_1150 : i32 to index
    %get3A_1152 = tpu.vector_load %arg5[%get3A_1151] {strides = array<i32>} : memref<112xi32, #tpu.memory_space<vmem>>, vector<16xi32>,
    %get3A_1153 = vector.shape_cast %get3A_1152 : vector<16xi32> to vector<16xi32>
    %slice3A_1154 = vector.extract_strided_slice %get3A_1153 {offsets = [1], sizes = [1], strides = [1]} : vector<16xi32> to vector<1xi32>
    %squeeze3A_1155 = vector.extract %slice3A_1154[0] : i32 from vector<1xi32>
    %mul3A_1156 = arith.constant 128 : i32
    %mul3A_1157 = arith.muli %squeeze3A_1155, %mul3A_1156 : i32
    %add3A_1158 = arith.addi %mul3A_4, %mul3A_1157 : i32
    %slice3A_1159 = vector.extract_strided_slice %get3A_1153 {offsets = [0], sizes = [1], strides = [1]} : vector<16xi32> to vector<1xi32>
    %squeeze3A_1160 = vector.extract %slice3A_1159[0] : i32 from vector<1xi32>
    %add3A_1161 = arith.addi %add3A_1158, %squeeze3A_1160 : i32
    %add3A_1162 = vector.broadcast %add3A_1161 : i32 to vector<16xi32>
    %add3A_1163 = arith.addi %add3A_1162, %mul3A_33 : vector<16xi32>
    %swap3A_1164 = arith.constant 2112 : index
    %swap3A_1165 = tpu.vector_load %arg6[%swap3A_1164] {strides = array<i32>} : memref<4800xi32, #tpu.memory_space<vmem>>, vector<16xi32>,
    %swap3A_1166 = vector.shape_cast %swap3A_1165 : vector<16xi32> to vector<16xi32>
    %swap3A_1167 = vector.shape_cast %add3A_1163 : vector<16xi32> to vector<16xi32>
    tpu.vector_store %arg6[%swap3A_1164], %swap3A_1167 {strides = array<i32>} : memref<4800xi32, #tpu.memory_space<vmem>>, vector<16xi32>,
    %add3A_1168 = vector.broadcast %add3A_1161 : i32 to vector<16xi32>
    %add3A_1169 = arith.addi %add3A_1168, %mul3A_39 : vector<16xi32>
    %swap3A_1170 = arith.constant 2128 : index
    %swap3A_1171 = tpu.vector_load %arg6[%swap3A_1170] {strides = array<i32>} : memref<4800xi32, #tpu.memory_space<vmem>>, vector<16xi32>,
    %swap3A_1172 = vector.shape_cast %swap3A_1171 : vector<16xi32> to vector<16xi32>
    %swap3A_1173 = vector.shape_cast %add3A_1169 : vector<16xi32> to vector<16xi32>
    tpu.vector_store %arg6[%swap3A_1170], %swap3A_1173 {strides = array<i32>} : memref<4800xi32, #tpu.memory_space<vmem>>, vector<16xi32>,
    %add3A_1174 = vector.broadcast %add3A_1161 : i32 to vector<16xi32>
    %add3A_1175 = arith.addi %add3A_1174, %mul3A_45 : vector<16xi32>
    %swap3A_1176 = arith.constant 2144 : index
    %swap3A_1177 = tpu.vector_load %arg6[%swap3A_1176] {strides = array<i32>} : memref<4800xi32, #tpu.memory_space<vmem>>, vector<16xi32>,
    %swap3A_1178 = vector.shape_cast %swap3A_1177 : vector<16xi32> to vector<16xi32>
    %swap3A_1179 = vector.shape_cast %add3A_1175 : vector<16xi32> to vector<16xi32>
    tpu.vector_store %arg6[%swap3A_1176], %swap3A_1179 {strides = array<i32>} : memref<4800xi32, #tpu.memory_space<vmem>>, vector<16xi32>,
    %add3A_1180 = vector.broadcast %add3A_1161 : i32 to vector<16xi32>
    %add3A_1181 = arith.addi %add3A_1180, %mul3A_51 : vector<16xi32>
    %swap3A_1182 = arith.constant 2160 : index
    %swap3A_1183 = tpu.vector_load %arg6[%swap3A_1182] {strides = array<i32>} : memref<4800xi32, #tpu.memory_space<vmem>>, vector<16xi32>,
    %swap3A_1184 = vector.shape_cast %swap3A_1183 : vector<16xi32> to vector<16xi32>
    %swap3A_1185 = vector.shape_cast %add3A_1181 : vector<16xi32> to vector<16xi32>
    tpu.vector_store %arg6[%swap3A_1182], %swap3A_1185 {strides = array<i32>} : memref<4800xi32, #tpu.memory_space<vmem>>, vector<16xi32>,
    %add3A_1186 = vector.broadcast %add3A_1161 : i32 to vector<16xi32>
    %add3A_1187 = arith.addi %add3A_1186, %mul3A_57 : vector<16xi32>
    %swap3A_1188 = arith.constant 2176 : index
    %swap3A_1189 = tpu.vector_load %arg6[%swap3A_1188] {strides = array<i32>} : memref<4800xi32, #tpu.memory_space<vmem>>, vector<16xi32>,
    %swap3A_1190 = vector.shape_cast %swap3A_1189 : vector<16xi32> to vector<16xi32>
    %swap3A_1191 = vector.shape_cast %add3A_1187 : vector<16xi32> to vector<16xi32>
    tpu.vector_store %arg6[%swap3A_1188], %swap3A_1191 {strides = array<i32>} : memref<4800xi32, #tpu.memory_space<vmem>>, vector<16xi32>,
    %add3A_1192 = vector.broadcast %add3A_1161 : i32 to vector<16xi32>
    %add3A_1193 = arith.addi %add3A_1192, %mul3A_63 : vector<16xi32>
    %swap3A_1194 = arith.constant 2192 : index
    %swap3A_1195 = tpu.vector_load %arg6[%swap3A_1194] {strides = array<i32>} : memref<4800xi32, #tpu.memory_space<vmem>>, vector<16xi32>,
    %swap3A_1196 = vector.shape_cast %swap3A_1195 : vector<16xi32> to vector<16xi32>
    %swap3A_1197 = vector.shape_cast %add3A_1193 : vector<16xi32> to vector<16xi32>
    tpu.vector_store %arg6[%swap3A_1194], %swap3A_1197 {strides = array<i32>} : memref<4800xi32, #tpu.memory_space<vmem>>, vector<16xi32>,
    %add3A_1198 = arith.constant 46 : i32
    %add3A_1199 = arith.addi %sub3A_27, %add3A_1198 : i32
    %get3A_1200 = arith.index_cast %add3A_1199 : i32 to index
    %get3A_1201 = tpu.vector_load %arg5[%get3A_1200] {strides = array<i32>} : memref<112xi32, #tpu.memory_space<vmem>>, vector<16xi32>,
    %get3A_1202 = vector.shape_cast %get3A_1201 : vector<16xi32> to vector<16xi32>
    %slice3A_1203 = vector.extract_strided_slice %get3A_1202 {offsets = [1], sizes = [1], strides = [1]} : vector<16xi32> to vector<1xi32>
    %squeeze3A_1204 = vector.extract %slice3A_1203[0] : i32 from vector<1xi32>
    %mul3A_1205 = arith.constant 128 : i32
    %mul3A_1206 = arith.muli %squeeze3A_1204, %mul3A_1205 : i32
    %add3A_1207 = arith.addi %mul3A_4, %mul3A_1206 : i32
    %slice3A_1208 = vector.extract_strided_slice %get3A_1202 {offsets = [0], sizes = [1], strides = [1]} : vector<16xi32> to vector<1xi32>
    %squeeze3A_1209 = vector.extract %slice3A_1208[0] : i32 from vector<1xi32>
    %add3A_1210 = arith.addi %add3A_1207, %squeeze3A_1209 : i32
    %add3A_1211 = vector.broadcast %add3A_1210 : i32 to vector<16xi32>
    %add3A_1212 = arith.addi %add3A_1211, %mul3A_33 : vector<16xi32>
    %swap3A_1213 = arith.constant 2208 : index
    %swap3A_1214 = tpu.vector_load %arg6[%swap3A_1213] {strides = array<i32>} : memref<4800xi32, #tpu.memory_space<vmem>>, vector<16xi32>,
    %swap3A_1215 = vector.shape_cast %swap3A_1214 : vector<16xi32> to vector<16xi32>
    %swap3A_1216 = vector.shape_cast %add3A_1212 : vector<16xi32> to vector<16xi32>
    tpu.vector_store %arg6[%swap3A_1213], %swap3A_1216 {strides = array<i32>} : memref<4800xi32, #tpu.memory_space<vmem>>, vector<16xi32>,
    %add3A_1217 = vector.broadcast %add3A_1210 : i32 to vector<16xi32>
    %add3A_1218 = arith.addi %add3A_1217, %mul3A_39 : vector<16xi32>
    %swap3A_1219 = arith.constant 2224 : index
    %swap3A_1220 = tpu.vector_load %arg6[%swap3A_1219] {strides = array<i32>} : memref<4800xi32, #tpu.memory_space<vmem>>, vector<16xi32>,
    %swap3A_1221 = vector.shape_cast %swap3A_1220 : vector<16xi32> to vector<16xi32>
    %swap3A_1222 = vector.shape_cast %add3A_1218 : vector<16xi32> to vector<16xi32>
    tpu.vector_store %arg6[%swap3A_1219], %swap3A_1222 {strides = array<i32>} : memref<4800xi32, #tpu.memory_space<vmem>>, vector<16xi32>,
    %add3A_1223 = vector.broadcast %add3A_1210 : i32 to vector<16xi32>
    %add3A_1224 = arith.addi %add3A_1223, %mul3A_45 : vector<16xi32>
    %swap3A_1225 = arith.constant 2240 : index
    %swap3A_1226 = tpu.vector_load %arg6[%swap3A_1225] {strides = array<i32>} : memref<4800xi32, #tpu.memory_space<vmem>>, vector<16xi32>,
    %swap3A_1227 = vector.shape_cast %swap3A_1226 : vector<16xi32> to vector<16xi32>
    %swap3A_1228 = vector.shape_cast %add3A_1224 : vector<16xi32> to vector<16xi32>
    tpu.vector_store %arg6[%swap3A_1225], %swap3A_1228 {strides = array<i32>} : memref<4800xi32, #tpu.memory_space<vmem>>, vector<16xi32>,
    %add3A_1229 = vector.broadcast %add3A_1210 : i32 to vector<16xi32>
    %add3A_1230 = arith.addi %add3A_1229, %mul3A_51 : vector<16xi32>
    %swap3A_1231 = arith.constant 2256 : index
    %swap3A_1232 = tpu.vector_load %arg6[%swap3A_1231] {strides = array<i32>} : memref<4800xi32, #tpu.memory_space<vmem>>, vector<16xi32>,
    %swap3A_1233 = vector.shape_cast %swap3A_1232 : vector<16xi32> to vector<16xi32>
    %swap3A_1234 = vector.shape_cast %add3A_1230 : vector<16xi32> to vector<16xi32>
    tpu.vector_store %arg6[%swap3A_1231], %swap3A_1234 {strides = array<i32>} : memref<4800xi32, #tpu.memory_space<vmem>>, vector<16xi32>,
    %add3A_1235 = vector.broadcast %add3A_1210 : i32 to vector<16xi32>
    %add3A_1236 = arith.addi %add3A_1235, %mul3A_57 : vector<16xi32>
    %swap3A_1237 = arith.constant 2272 : index
    %swap3A_1238 = tpu.vector_load %arg6[%swap3A_1237] {strides = array<i32>} : memref<4800xi32, #tpu.memory_space<vmem>>, vector<16xi32>,
    %swap3A_1239 = vector.shape_cast %swap3A_1238 : vector<16xi32> to vector<16xi32>
    %swap3A_1240 = vector.shape_cast %add3A_1236 : vector<16xi32> to vector<16xi32>
    tpu.vector_store %arg6[%swap3A_1237], %swap3A_1240 {strides = array<i32>} : memref<4800xi32, #tpu.memory_space<vmem>>, vector<16xi32>,
    %add3A_1241 = vector.broadcast %add3A_1210 : i32 to vector<16xi32>
    %add3A_1242 = arith.addi %add3A_1241, %mul3A_63 : vector<16xi32>
    %swap3A_1243 = arith.constant 2288 : index
    %swap3A_1244 = tpu.vector_load %arg6[%swap3A_1243] {strides = array<i32>} : memref<4800xi32, #tpu.memory_space<vmem>>, vector<16xi32>,
    %swap3A_1245 = vector.shape_cast %swap3A_1244 : vector<16xi32> to vector<16xi32>
    %swap3A_1246 = vector.shape_cast %add3A_1242 : vector<16xi32> to vector<16xi32>
    tpu.vector_store %arg6[%swap3A_1243], %swap3A_1246 {strides = array<i32>} : memref<4800xi32, #tpu.memory_space<vmem>>, vector<16xi32>,
    %add3A_1247 = arith.constant 48 : i32
    %add3A_1248 = arith.addi %sub3A_27, %add3A_1247 : i32
    %get3A_1249 = arith.index_cast %add3A_1248 : i32 to index
    %get3A_1250 = tpu.vector_load %arg5[%get3A_1249] {strides = array<i32>} : memref<112xi32, #tpu.memory_space<vmem>>, vector<16xi32>,
    %get3A_1251 = vector.shape_cast %get3A_1250 : vector<16xi32> to vector<16xi32>
    %slice3A_1252 = vector.extract_strided_slice %get3A_1251 {offsets = [1], sizes = [1], strides = [1]} : vector<16xi32> to vector<1xi32>
    %squeeze3A_1253 = vector.extract %slice3A_1252[0] : i32 from vector<1xi32>
    %mul3A_1254 = arith.constant 128 : i32
    %mul3A_1255 = arith.muli %squeeze3A_1253, %mul3A_1254 : i32
    %add3A_1256 = arith.addi %mul3A_4, %mul3A_1255 : i32
    %slice3A_1257 = vector.extract_strided_slice %get3A_1251 {offsets = [0], sizes = [1], strides = [1]} : vector<16xi32> to vector<1xi32>
    %squeeze3A_1258 = vector.extract %slice3A_1257[0] : i32 from vector<1xi32>
    %add3A_1259 = arith.addi %add3A_1256, %squeeze3A_1258 : i32
    %add3A_1260 = vector.broadcast %add3A_1259 : i32 to vector<16xi32>
    %add3A_1261 = arith.addi %add3A_1260, %mul3A_33 : vector<16xi32>
    %swap3A_1262 = arith.constant 2304 : index
    %swap3A_1263 = tpu.vector_load %arg6[%swap3A_1262] {strides = array<i32>} : memref<4800xi32, #tpu.memory_space<vmem>>, vector<16xi32>,
    %swap3A_1264 = vector.shape_cast %swap3A_1263 : vector<16xi32> to vector<16xi32>
    %swap3A_1265 = vector.shape_cast %add3A_1261 : vector<16xi32> to vector<16xi32>
    tpu.vector_store %arg6[%swap3A_1262], %swap3A_1265 {strides = array<i32>} : memref<4800xi32, #tpu.memory_space<vmem>>, vector<16xi32>,
    %add3A_1266 = vector.broadcast %add3A_1259 : i32 to vector<16xi32>
    %add3A_1267 = arith.addi %add3A_1266, %mul3A_39 : vector<16xi32>
    %swap3A_1268 = arith.constant 2320 : index
    %swap3A_1269 = tpu.vector_load %arg6[%swap3A_1268] {strides = array<i32>} : memref<4800xi32, #tpu.memory_space<vmem>>, vector<16xi32>,
    %swap3A_1270 = vector.shape_cast %swap3A_1269 : vector<16xi32> to vector<16xi32>
    %swap3A_1271 = vector.shape_cast %add3A_1267 : vector<16xi32> to vector<16xi32>
    tpu.vector_store %arg6[%swap3A_1268], %swap3A_1271 {strides = array<i32>} : memref<4800xi32, #tpu.memory_space<vmem>>, vector<16xi32>,
    %add3A_1272 = vector.broadcast %add3A_1259 : i32 to vector<16xi32>
    %add3A_1273 = arith.addi %add3A_1272, %mul3A_45 : vector<16xi32>
    %swap3A_1274 = arith.constant 2336 : index
    %swap3A_1275 = tpu.vector_load %arg6[%swap3A_1274] {strides = array<i32>} : memref<4800xi32, #tpu.memory_space<vmem>>, vector<16xi32>,
    %swap3A_1276 = vector.shape_cast %swap3A_1275 : vector<16xi32> to vector<16xi32>
    %swap3A_1277 = vector.shape_cast %add3A_1273 : vector<16xi32> to vector<16xi32>
    tpu.vector_store %arg6[%swap3A_1274], %swap3A_1277 {strides = array<i32>} : memref<4800xi32, #tpu.memory_space<vmem>>, vector<16xi32>,
    %add3A_1278 = vector.broadcast %add3A_1259 : i32 to vector<16xi32>
    %add3A_1279 = arith.addi %add3A_1278, %mul3A_51 : vector<16xi32>
    %swap3A_1280 = arith.constant 2352 : index
    %swap3A_1281 = tpu.vector_load %arg6[%swap3A_1280] {strides = array<i32>} : memref<4800xi32, #tpu.memory_space<vmem>>, vector<16xi32>,
    %swap3A_1282 = vector.shape_cast %swap3A_1281 : vector<16xi32> to vector<16xi32>
    %swap3A_1283 = vector.shape_cast %add3A_1279 : vector<16xi32> to vector<16xi32>
    tpu.vector_store %arg6[%swap3A_1280], %swap3A_1283 {strides = array<i32>} : memref<4800xi32, #tpu.memory_space<vmem>>, vector<16xi32>,
    %add3A_1284 = vector.broadcast %add3A_1259 : i32 to vector<16xi32>
    %add3A_1285 = arith.addi %add3A_1284, %mul3A_57 : vector<16xi32>
    %swap3A_1286 = arith.constant 2368 : index
    %swap3A_1287 = tpu.vector_load %arg6[%swap3A_1286] {strides = array<i32>} : memref<4800xi32, #tpu.memory_space<vmem>>, vector<16xi32>,
    %swap3A_1288 = vector.shape_cast %swap3A_1287 : vector<16xi32> to vector<16xi32>
    %swap3A_1289 = vector.shape_cast %add3A_1285 : vector<16xi32> to vector<16xi32>
    tpu.vector_store %arg6[%swap3A_1286], %swap3A_1289 {strides = array<i32>} : memref<4800xi32, #tpu.memory_space<vmem>>, vector<16xi32>,
    %add3A_1290 = vector.broadcast %add3A_1259 : i32 to vector<16xi32>
    %add3A_1291 = arith.addi %add3A_1290, %mul3A_63 : vector<16xi32>
    %swap3A_1292 = arith.constant 2384 : index
    %swap3A_1293 = tpu.vector_load %arg6[%swap3A_1292] {strides = array<i32>} : memref<4800xi32, #tpu.memory_space<vmem>>, vector<16xi32>,
    %swap3A_1294 = vector.shape_cast %swap3A_1293 : vector<16xi32> to vector<16xi32>
    %swap3A_1295 = vector.shape_cast %add3A_1291 : vector<16xi32> to vector<16xi32>
    tpu.vector_store %arg6[%swap3A_1292], %swap3A_1295 {strides = array<i32>} : memref<4800xi32, #tpu.memory_space<vmem>>, vector<16xi32>,
    %add3A_1296 = arith.constant 50 : i32
    %add3A_1297 = arith.addi %sub3A_27, %add3A_1296 : i32
    %get3A_1298 = arith.index_cast %add3A_1297 : i32 to index
    %get3A_1299 = tpu.vector_load %arg5[%get3A_1298] {strides = array<i32>} : memref<112xi32, #tpu.memory_space<vmem>>, vector<16xi32>,
    %get3A_1300 = vector.shape_cast %get3A_1299 : vector<16xi32> to vector<16xi32>
    %slice3A_1301 = vector.extract_strided_slice %get3A_1300 {offsets = [1], sizes = [1], strides = [1]} : vector<16xi32> to vector<1xi32>
    %squeeze3A_1302 = vector.extract %slice3A_1301[0] : i32 from vector<1xi32>
    %mul3A_1303 = arith.constant 128 : i32
    %mul3A_1304 = arith.muli %squeeze3A_1302, %mul3A_1303 : i32
    %add3A_1305 = arith.addi %mul3A_4, %mul3A_1304 : i32
    %slice3A_1306 = vector.extract_strided_slice %get3A_1300 {offsets = [0], sizes = [1], strides = [1]} : vector<16xi32> to vector<1xi32>
    %squeeze3A_1307 = vector.extract %slice3A_1306[0] : i32 from vector<1xi32>
    %add3A_1308 = arith.addi %add3A_1305, %squeeze3A_1307 : i32
    %add3A_1309 = vector.broadcast %add3A_1308 : i32 to vector<16xi32>
    %add3A_1310 = arith.addi %add3A_1309, %mul3A_33 : vector<16xi32>
    %swap3A_1311 = arith.constant 2400 : index
    %swap3A_1312 = tpu.vector_load %arg6[%swap3A_1311] {strides = array<i32>} : memref<4800xi32, #tpu.memory_space<vmem>>, vector<16xi32>,
    %swap3A_1313 = vector.shape_cast %swap3A_1312 : vector<16xi32> to vector<16xi32>
    %swap3A_1314 = vector.shape_cast %add3A_1310 : vector<16xi32> to vector<16xi32>
    tpu.vector_store %arg6[%swap3A_1311], %swap3A_1314 {strides = array<i32>} : memref<4800xi32, #tpu.memory_space<vmem>>, vector<16xi32>,
    %add3A_1315 = vector.broadcast %add3A_1308 : i32 to vector<16xi32>
    %add3A_1316 = arith.addi %add3A_1315, %mul3A_39 : vector<16xi32>
    %swap3A_1317 = arith.constant 2416 : index
    %swap3A_1318 = tpu.vector_load %arg6[%swap3A_1317] {strides = array<i32>} : memref<4800xi32, #tpu.memory_space<vmem>>, vector<16xi32>,
    %swap3A_1319 = vector.shape_cast %swap3A_1318 : vector<16xi32> to vector<16xi32>
    %swap3A_1320 = vector.shape_cast %add3A_1316 : vector<16xi32> to vector<16xi32>
    tpu.vector_store %arg6[%swap3A_1317], %swap3A_1320 {strides = array<i32>} : memref<4800xi32, #tpu.memory_space<vmem>>, vector<16xi32>,
    %add3A_1321 = vector.broadcast %add3A_1308 : i32 to vector<16xi32>
    %add3A_1322 = arith.addi %add3A_1321, %mul3A_45 : vector<16xi32>
    %swap3A_1323 = arith.constant 2432 : index
    %swap3A_1324 = tpu.vector_load %arg6[%swap3A_1323] {strides = array<i32>} : memref<4800xi32, #tpu.memory_space<vmem>>, vector<16xi32>,
    %swap3A_1325 = vector.shape_cast %swap3A_1324 : vector<16xi32> to vector<16xi32>
    %swap3A_1326 = vector.shape_cast %add3A_1322 : vector<16xi32> to vector<16xi32>
    tpu.vector_store %arg6[%swap3A_1323], %swap3A_1326 {strides = array<i32>} : memref<4800xi32, #tpu.memory_space<vmem>>, vector<16xi32>,
    %add3A_1327 = vector.broadcast %add3A_1308 : i32 to vector<16xi32>
    %add3A_1328 = arith.addi %add3A_1327, %mul3A_51 : vector<16xi32>
    %swap3A_1329 = arith.constant 2448 : index
    %swap3A_1330 = tpu.vector_load %arg6[%swap3A_1329] {strides = array<i32>} : memref<4800xi32, #tpu.memory_space<vmem>>, vector<16xi32>,
    %swap3A_1331 = vector.shape_cast %swap3A_1330 : vector<16xi32> to vector<16xi32>
    %swap3A_1332 = vector.shape_cast %add3A_1328 : vector<16xi32> to vector<16xi32>
    tpu.vector_store %arg6[%swap3A_1329], %swap3A_1332 {strides = array<i32>} : memref<4800xi32, #tpu.memory_space<vmem>>, vector<16xi32>,
    %add3A_1333 = vector.broadcast %add3A_1308 : i32 to vector<16xi32>
    %add3A_1334 = arith.addi %add3A_1333, %mul3A_57 : vector<16xi32>
    %swap3A_1335 = arith.constant 2464 : index
    %swap3A_1336 = tpu.vector_load %arg6[%swap3A_1335] {strides = array<i32>} : memref<4800xi32, #tpu.memory_space<vmem>>, vector<16xi32>,
    %swap3A_1337 = vector.shape_cast %swap3A_1336 : vector<16xi32> to vector<16xi32>
    %swap3A_1338 = vector.shape_cast %add3A_1334 : vector<16xi32> to vector<16xi32>
    tpu.vector_store %arg6[%swap3A_1335], %swap3A_1338 {strides = array<i32>} : memref<4800xi32, #tpu.memory_space<vmem>>, vector<16xi32>,
    %add3A_1339 = vector.broadcast %add3A_1308 : i32 to vector<16xi32>
    %add3A_1340 = arith.addi %add3A_1339, %mul3A_63 : vector<16xi32>
    %swap3A_1341 = arith.constant 2480 : index
    %swap3A_1342 = tpu.vector_load %arg6[%swap3A_1341] {strides = array<i32>} : memref<4800xi32, #tpu.memory_space<vmem>>, vector<16xi32>,
    %swap3A_1343 = vector.shape_cast %swap3A_1342 : vector<16xi32> to vector<16xi32>
    %swap3A_1344 = vector.shape_cast %add3A_1340 : vector<16xi32> to vector<16xi32>
    tpu.vector_store %arg6[%swap3A_1341], %swap3A_1344 {strides = array<i32>} : memref<4800xi32, #tpu.memory_space<vmem>>, vector<16xi32>,
    %add3A_1345 = arith.constant 52 : i32
    %add3A_1346 = arith.addi %sub3A_27, %add3A_1345 : i32
    %get3A_1347 = arith.index_cast %add3A_1346 : i32 to index
    %get3A_1348 = tpu.vector_load %arg5[%get3A_1347] {strides = array<i32>} : memref<112xi32, #tpu.memory_space<vmem>>, vector<16xi32>,
    %get3A_1349 = vector.shape_cast %get3A_1348 : vector<16xi32> to vector<16xi32>
    %slice3A_1350 = vector.extract_strided_slice %get3A_1349 {offsets = [1], sizes = [1], strides = [1]} : vector<16xi32> to vector<1xi32>
    %squeeze3A_1351 = vector.extract %slice3A_1350[0] : i32 from vector<1xi32>
    %mul3A_1352 = arith.constant 128 : i32
    %mul3A_1353 = arith.muli %squeeze3A_1351, %mul3A_1352 : i32
    %add3A_1354 = arith.addi %mul3A_4, %mul3A_1353 : i32
    %slice3A_1355 = vector.extract_strided_slice %get3A_1349 {offsets = [0], sizes = [1], strides = [1]} : vector<16xi32> to vector<1xi32>
    %squeeze3A_1356 = vector.extract %slice3A_1355[0] : i32 from vector<1xi32>
    %add3A_1357 = arith.addi %add3A_1354, %squeeze3A_1356 : i32
    %add3A_1358 = vector.broadcast %add3A_1357 : i32 to vector<16xi32>
    %add3A_1359 = arith.addi %add3A_1358, %mul3A_33 : vector<16xi32>
    %swap3A_1360 = arith.constant 2496 : index
    %swap3A_1361 = tpu.vector_load %arg6[%swap3A_1360] {strides = array<i32>} : memref<4800xi32, #tpu.memory_space<vmem>>, vector<16xi32>,
    %swap3A_1362 = vector.shape_cast %swap3A_1361 : vector<16xi32> to vector<16xi32>
    %swap3A_1363 = vector.shape_cast %add3A_1359 : vector<16xi32> to vector<16xi32>
    tpu.vector_store %arg6[%swap3A_1360], %swap3A_1363 {strides = array<i32>} : memref<4800xi32, #tpu.memory_space<vmem>>, vector<16xi32>,
    %add3A_1364 = vector.broadcast %add3A_1357 : i32 to vector<16xi32>
    %add3A_1365 = arith.addi %add3A_1364, %mul3A_39 : vector<16xi32>
    %swap3A_1366 = arith.constant 2512 : index
    %swap3A_1367 = tpu.vector_load %arg6[%swap3A_1366] {strides = array<i32>} : memref<4800xi32, #tpu.memory_space<vmem>>, vector<16xi32>,
    %swap3A_1368 = vector.shape_cast %swap3A_1367 : vector<16xi32> to vector<16xi32>
    %swap3A_1369 = vector.shape_cast %add3A_1365 : vector<16xi32> to vector<16xi32>
    tpu.vector_store %arg6[%swap3A_1366], %swap3A_1369 {strides = array<i32>} : memref<4800xi32, #tpu.memory_space<vmem>>, vector<16xi32>,
    %add3A_1370 = vector.broadcast %add3A_1357 : i32 to vector<16xi32>
    %add3A_1371 = arith.addi %add3A_1370, %mul3A_45 : vector<16xi32>
    %swap3A_1372 = arith.constant 2528 : index
    %swap3A_1373 = tpu.vector_load %arg6[%swap3A_1372] {strides = array<i32>} : memref<4800xi32, #tpu.memory_space<vmem>>, vector<16xi32>,
    %swap3A_1374 = vector.shape_cast %swap3A_1373 : vector<16xi32> to vector<16xi32>
    %swap3A_1375 = vector.shape_cast %add3A_1371 : vector<16xi32> to vector<16xi32>
    tpu.vector_store %arg6[%swap3A_1372], %swap3A_1375 {strides = array<i32>} : memref<4800xi32, #tpu.memory_space<vmem>>, vector<16xi32>,
    %add3A_1376 = vector.broadcast %add3A_1357 : i32 to vector<16xi32>
    %add3A_1377 = arith.addi %add3A_1376, %mul3A_51 : vector<16xi32>
    %swap3A_1378 = arith.constant 2544 : index
    %swap3A_1379 = tpu.vector_load %arg6[%swap3A_1378] {strides = array<i32>} : memref<4800xi32, #tpu.memory_space<vmem>>, vector<16xi32>,
    %swap3A_1380 = vector.shape_cast %swap3A_1379 : vector<16xi32> to vector<16xi32>
    %swap3A_1381 = vector.shape_cast %add3A_1377 : vector<16xi32> to vector<16xi32>
    tpu.vector_store %arg6[%swap3A_1378], %swap3A_1381 {strides = array<i32>} : memref<4800xi32, #tpu.memory_space<vmem>>, vector<16xi32>,
    %add3A_1382 = vector.broadcast %add3A_1357 : i32 to vector<16xi32>
    %add3A_1383 = arith.addi %add3A_1382, %mul3A_57 : vector<16xi32>
    %swap3A_1384 = arith.constant 2560 : index
    %swap3A_1385 = tpu.vector_load %arg6[%swap3A_1384] {strides = array<i32>} : memref<4800xi32, #tpu.memory_space<vmem>>, vector<16xi32>,
    %swap3A_1386 = vector.shape_cast %swap3A_1385 : vector<16xi32> to vector<16xi32>
    %swap3A_1387 = vector.shape_cast %add3A_1383 : vector<16xi32> to vector<16xi32>
    tpu.vector_store %arg6[%swap3A_1384], %swap3A_1387 {strides = array<i32>} : memref<4800xi32, #tpu.memory_space<vmem>>, vector<16xi32>,
    %add3A_1388 = vector.broadcast %add3A_1357 : i32 to vector<16xi32>
    %add3A_1389 = arith.addi %add3A_1388, %mul3A_63 : vector<16xi32>
    %swap3A_1390 = arith.constant 2576 : index
    %swap3A_1391 = tpu.vector_load %arg6[%swap3A_1390] {strides = array<i32>} : memref<4800xi32, #tpu.memory_space<vmem>>, vector<16xi32>,
    %swap3A_1392 = vector.shape_cast %swap3A_1391 : vector<16xi32> to vector<16xi32>
    %swap3A_1393 = vector.shape_cast %add3A_1389 : vector<16xi32> to vector<16xi32>
    tpu.vector_store %arg6[%swap3A_1390], %swap3A_1393 {strides = array<i32>} : memref<4800xi32, #tpu.memory_space<vmem>>, vector<16xi32>,
    %add3A_1394 = arith.constant 54 : i32
    %add3A_1395 = arith.addi %sub3A_27, %add3A_1394 : i32
    %get3A_1396 = arith.index_cast %add3A_1395 : i32 to index
    %get3A_1397 = tpu.vector_load %arg5[%get3A_1396] {strides = array<i32>} : memref<112xi32, #tpu.memory_space<vmem>>, vector<16xi32>,
    %get3A_1398 = vector.shape_cast %get3A_1397 : vector<16xi32> to vector<16xi32>
    %slice3A_1399 = vector.extract_strided_slice %get3A_1398 {offsets = [1], sizes = [1], strides = [1]} : vector<16xi32> to vector<1xi32>
    %squeeze3A_1400 = vector.extract %slice3A_1399[0] : i32 from vector<1xi32>
    %mul3A_1401 = arith.constant 128 : i32
    %mul3A_1402 = arith.muli %squeeze3A_1400, %mul3A_1401 : i32
    %add3A_1403 = arith.addi %mul3A_4, %mul3A_1402 : i32
    %slice3A_1404 = vector.extract_strided_slice %get3A_1398 {offsets = [0], sizes = [1], strides = [1]} : vector<16xi32> to vector<1xi32>
    %squeeze3A_1405 = vector.extract %slice3A_1404[0] : i32 from vector<1xi32>
    %add3A_1406 = arith.addi %add3A_1403, %squeeze3A_1405 : i32
    %add3A_1407 = vector.broadcast %add3A_1406 : i32 to vector<16xi32>
    %add3A_1408 = arith.addi %add3A_1407, %mul3A_33 : vector<16xi32>
    %swap3A_1409 = arith.constant 2592 : index
    %swap3A_1410 = tpu.vector_load %arg6[%swap3A_1409] {strides = array<i32>} : memref<4800xi32, #tpu.memory_space<vmem>>, vector<16xi32>,
    %swap3A_1411 = vector.shape_cast %swap3A_1410 : vector<16xi32> to vector<16xi32>
    %swap3A_1412 = vector.shape_cast %add3A_1408 : vector<16xi32> to vector<16xi32>
    tpu.vector_store %arg6[%swap3A_1409], %swap3A_1412 {strides = array<i32>} : memref<4800xi32, #tpu.memory_space<vmem>>, vector<16xi32>,
    %add3A_1413 = vector.broadcast %add3A_1406 : i32 to vector<16xi32>
    %add3A_1414 = arith.addi %add3A_1413, %mul3A_39 : vector<16xi32>
    %swap3A_1415 = arith.constant 2608 : index
    %swap3A_1416 = tpu.vector_load %arg6[%swap3A_1415] {strides = array<i32>} : memref<4800xi32, #tpu.memory_space<vmem>>, vector<16xi32>,
    %swap3A_1417 = vector.shape_cast %swap3A_1416 : vector<16xi32> to vector<16xi32>
    %swap3A_1418 = vector.shape_cast %add3A_1414 : vector<16xi32> to vector<16xi32>
    tpu.vector_store %arg6[%swap3A_1415], %swap3A_1418 {strides = array<i32>} : memref<4800xi32, #tpu.memory_space<vmem>>, vector<16xi32>,
    %add3A_1419 = vector.broadcast %add3A_1406 : i32 to vector<16xi32>
    %add3A_1420 = arith.addi %add3A_1419, %mul3A_45 : vector<16xi32>
    %swap3A_1421 = arith.constant 2624 : index
    %swap3A_1422 = tpu.vector_load %arg6[%swap3A_1421] {strides = array<i32>} : memref<4800xi32, #tpu.memory_space<vmem>>, vector<16xi32>,
    %swap3A_1423 = vector.shape_cast %swap3A_1422 : vector<16xi32> to vector<16xi32>
    %swap3A_1424 = vector.shape_cast %add3A_1420 : vector<16xi32> to vector<16xi32>
    tpu.vector_store %arg6[%swap3A_1421], %swap3A_1424 {strides = array<i32>} : memref<4800xi32, #tpu.memory_space<vmem>>, vector<16xi32>,
    %add3A_1425 = vector.broadcast %add3A_1406 : i32 to vector<16xi32>
    %add3A_1426 = arith.addi %add3A_1425, %mul3A_51 : vector<16xi32>
    %swap3A_1427 = arith.constant 2640 : index
    %swap3A_1428 = tpu.vector_load %arg6[%swap3A_1427] {strides = array<i32>} : memref<4800xi32, #tpu.memory_space<vmem>>, vector<16xi32>,
    %swap3A_1429 = vector.shape_cast %swap3A_1428 : vector<16xi32> to vector<16xi32>
    %swap3A_1430 = vector.shape_cast %add3A_1426 : vector<16xi32> to vector<16xi32>
    tpu.vector_store %arg6[%swap3A_1427], %swap3A_1430 {strides = array<i32>} : memref<4800xi32, #tpu.memory_space<vmem>>, vector<16xi32>,
    %add3A_1431 = vector.broadcast %add3A_1406 : i32 to vector<16xi32>
    %add3A_1432 = arith.addi %add3A_1431, %mul3A_57 : vector<16xi32>
    %swap3A_1433 = arith.constant 2656 : index
    %swap3A_1434 = tpu.vector_load %arg6[%swap3A_1433] {strides = array<i32>} : memref<4800xi32, #tpu.memory_space<vmem>>, vector<16xi32>,
    %swap3A_1435 = vector.shape_cast %swap3A_1434 : vector<16xi32> to vector<16xi32>
    %swap3A_1436 = vector.shape_cast %add3A_1432 : vector<16xi32> to vector<16xi32>
    tpu.vector_store %arg6[%swap3A_1433], %swap3A_1436 {strides = array<i32>} : memref<4800xi32, #tpu.memory_space<vmem>>, vector<16xi32>,
    %add3A_1437 = vector.broadcast %add3A_1406 : i32 to vector<16xi32>
    %add3A_1438 = arith.addi %add3A_1437, %mul3A_63 : vector<16xi32>
    %swap3A_1439 = arith.constant 2672 : index
    %swap3A_1440 = tpu.vector_load %arg6[%swap3A_1439] {strides = array<i32>} : memref<4800xi32, #tpu.memory_space<vmem>>, vector<16xi32>,
    %swap3A_1441 = vector.shape_cast %swap3A_1440 : vector<16xi32> to vector<16xi32>
    %swap3A_1442 = vector.shape_cast %add3A_1438 : vector<16xi32> to vector<16xi32>
    tpu.vector_store %arg6[%swap3A_1439], %swap3A_1442 {strides = array<i32>} : memref<4800xi32, #tpu.memory_space<vmem>>, vector<16xi32>,
    %add3A_1443 = arith.constant 56 : i32
    %add3A_1444 = arith.addi %sub3A_27, %add3A_1443 : i32
    %get3A_1445 = arith.index_cast %add3A_1444 : i32 to index
    %get3A_1446 = tpu.vector_load %arg5[%get3A_1445] {strides = array<i32>} : memref<112xi32, #tpu.memory_space<vmem>>, vector<16xi32>,
    %get3A_1447 = vector.shape_cast %get3A_1446 : vector<16xi32> to vector<16xi32>
    %slice3A_1448 = vector.extract_strided_slice %get3A_1447 {offsets = [1], sizes = [1], strides = [1]} : vector<16xi32> to vector<1xi32>
    %squeeze3A_1449 = vector.extract %slice3A_1448[0] : i32 from vector<1xi32>
    %mul3A_1450 = arith.constant 128 : i32
    %mul3A_1451 = arith.muli %squeeze3A_1449, %mul3A_1450 : i32
    %add3A_1452 = arith.addi %mul3A_4, %mul3A_1451 : i32
    %slice3A_1453 = vector.extract_strided_slice %get3A_1447 {offsets = [0], sizes = [1], strides = [1]} : vector<16xi32> to vector<1xi32>
    %squeeze3A_1454 = vector.extract %slice3A_1453[0] : i32 from vector<1xi32>
    %add3A_1455 = arith.addi %add3A_1452, %squeeze3A_1454 : i32
    %add3A_1456 = vector.broadcast %add3A_1455 : i32 to vector<16xi32>
    %add3A_1457 = arith.addi %add3A_1456, %mul3A_33 : vector<16xi32>
    %swap3A_1458 = arith.constant 2688 : index
    %swap3A_1459 = tpu.vector_load %arg6[%swap3A_1458] {strides = array<i32>} : memref<4800xi32, #tpu.memory_space<vmem>>, vector<16xi32>,
    %swap3A_1460 = vector.shape_cast %swap3A_1459 : vector<16xi32> to vector<16xi32>
    %swap3A_1461 = vector.shape_cast %add3A_1457 : vector<16xi32> to vector<16xi32>
    tpu.vector_store %arg6[%swap3A_1458], %swap3A_1461 {strides = array<i32>} : memref<4800xi32, #tpu.memory_space<vmem>>, vector<16xi32>,
    %add3A_1462 = vector.broadcast %add3A_1455 : i32 to vector<16xi32>
    %add3A_1463 = arith.addi %add3A_1462, %mul3A_39 : vector<16xi32>
    %swap3A_1464 = arith.constant 2704 : index
    %swap3A_1465 = tpu.vector_load %arg6[%swap3A_1464] {strides = array<i32>} : memref<4800xi32, #tpu.memory_space<vmem>>, vector<16xi32>,
    %swap3A_1466 = vector.shape_cast %swap3A_1465 : vector<16xi32> to vector<16xi32>
    %swap3A_1467 = vector.shape_cast %add3A_1463 : vector<16xi32> to vector<16xi32>
    tpu.vector_store %arg6[%swap3A_1464], %swap3A_1467 {strides = array<i32>} : memref<4800xi32, #tpu.memory_space<vmem>>, vector<16xi32>,
    %add3A_1468 = vector.broadcast %add3A_1455 : i32 to vector<16xi32>
    %add3A_1469 = arith.addi %add3A_1468, %mul3A_45 : vector<16xi32>
    %swap3A_1470 = arith.constant 2720 : index
    %swap3A_1471 = tpu.vector_load %arg6[%swap3A_1470] {strides = array<i32>} : memref<4800xi32, #tpu.memory_space<vmem>>, vector<16xi32>,
    %swap3A_1472 = vector.shape_cast %swap3A_1471 : vector<16xi32> to vector<16xi32>
    %swap3A_1473 = vector.shape_cast %add3A_1469 : vector<16xi32> to vector<16xi32>
    tpu.vector_store %arg6[%swap3A_1470], %swap3A_1473 {strides = array<i32>} : memref<4800xi32, #tpu.memory_space<vmem>>, vector<16xi32>,
    %add3A_1474 = vector.broadcast %add3A_1455 : i32 to vector<16xi32>
    %add3A_1475 = arith.addi %add3A_1474, %mul3A_51 : vector<16xi32>
    %swap3A_1476 = arith.constant 2736 : index
    %swap3A_1477 = tpu.vector_load %arg6[%swap3A_1476] {strides = array<i32>} : memref<4800xi32, #tpu.memory_space<vmem>>, vector<16xi32>,
    %swap3A_1478 = vector.shape_cast %swap3A_1477 : vector<16xi32> to vector<16xi32>
    %swap3A_1479 = vector.shape_cast %add3A_1475 : vector<16xi32> to vector<16xi32>
    tpu.vector_store %arg6[%swap3A_1476], %swap3A_1479 {strides = array<i32>} : memref<4800xi32, #tpu.memory_space<vmem>>, vector<16xi32>,
    %add3A_1480 = vector.broadcast %add3A_1455 : i32 to vector<16xi32>
    %add3A_1481 = arith.addi %add3A_1480, %mul3A_57 : vector<16xi32>
    %swap3A_1482 = arith.constant 2752 : index
    %swap3A_1483 = tpu.vector_load %arg6[%swap3A_1482] {strides = array<i32>} : memref<4800xi32, #tpu.memory_space<vmem>>, vector<16xi32>,
    %swap3A_1484 = vector.shape_cast %swap3A_1483 : vector<16xi32> to vector<16xi32>
    %swap3A_1485 = vector.shape_cast %add3A_1481 : vector<16xi32> to vector<16xi32>
    tpu.vector_store %arg6[%swap3A_1482], %swap3A_1485 {strides = array<i32>} : memref<4800xi32, #tpu.memory_space<vmem>>, vector<16xi32>,
    %add3A_1486 = vector.broadcast %add3A_1455 : i32 to vector<16xi32>
    %add3A_1487 = arith.addi %add3A_1486, %mul3A_63 : vector<16xi32>
    %swap3A_1488 = arith.constant 2768 : index
    %swap3A_1489 = tpu.vector_load %arg6[%swap3A_1488] {strides = array<i32>} : memref<4800xi32, #tpu.memory_space<vmem>>, vector<16xi32>,
    %swap3A_1490 = vector.shape_cast %swap3A_1489 : vector<16xi32> to vector<16xi32>
    %swap3A_1491 = vector.shape_cast %add3A_1487 : vector<16xi32> to vector<16xi32>
    tpu.vector_store %arg6[%swap3A_1488], %swap3A_1491 {strides = array<i32>} : memref<4800xi32, #tpu.memory_space<vmem>>, vector<16xi32>,
    %add3A_1492 = arith.constant 58 : i32
    %add3A_1493 = arith.addi %sub3A_27, %add3A_1492 : i32
    %get3A_1494 = arith.index_cast %add3A_1493 : i32 to index
    %get3A_1495 = tpu.vector_load %arg5[%get3A_1494] {strides = array<i32>} : memref<112xi32, #tpu.memory_space<vmem>>, vector<16xi32>,
    %get3A_1496 = vector.shape_cast %get3A_1495 : vector<16xi32> to vector<16xi32>
    %slice3A_1497 = vector.extract_strided_slice %get3A_1496 {offsets = [1], sizes = [1], strides = [1]} : vector<16xi32> to vector<1xi32>
    %squeeze3A_1498 = vector.extract %slice3A_1497[0] : i32 from vector<1xi32>
    %mul3A_1499 = arith.constant 128 : i32
    %mul3A_1500 = arith.muli %squeeze3A_1498, %mul3A_1499 : i32
    %add3A_1501 = arith.addi %mul3A_4, %mul3A_1500 : i32
    %slice3A_1502 = vector.extract_strided_slice %get3A_1496 {offsets = [0], sizes = [1], strides = [1]} : vector<16xi32> to vector<1xi32>
    %squeeze3A_1503 = vector.extract %slice3A_1502[0] : i32 from vector<1xi32>
    %add3A_1504 = arith.addi %add3A_1501, %squeeze3A_1503 : i32
    %add3A_1505 = vector.broadcast %add3A_1504 : i32 to vector<16xi32>
    %add3A_1506 = arith.addi %add3A_1505, %mul3A_33 : vector<16xi32>
    %swap3A_1507 = arith.constant 2784 : index
    %swap3A_1508 = tpu.vector_load %arg6[%swap3A_1507] {strides = array<i32>} : memref<4800xi32, #tpu.memory_space<vmem>>, vector<16xi32>,
    %swap3A_1509 = vector.shape_cast %swap3A_1508 : vector<16xi32> to vector<16xi32>
    %swap3A_1510 = vector.shape_cast %add3A_1506 : vector<16xi32> to vector<16xi32>
    tpu.vector_store %arg6[%swap3A_1507], %swap3A_1510 {strides = array<i32>} : memref<4800xi32, #tpu.memory_space<vmem>>, vector<16xi32>,
    %add3A_1511 = vector.broadcast %add3A_1504 : i32 to vector<16xi32>
    %add3A_1512 = arith.addi %add3A_1511, %mul3A_39 : vector<16xi32>
    %swap3A_1513 = arith.constant 2800 : index
    %swap3A_1514 = tpu.vector_load %arg6[%swap3A_1513] {strides = array<i32>} : memref<4800xi32, #tpu.memory_space<vmem>>, vector<16xi32>,
    %swap3A_1515 = vector.shape_cast %swap3A_1514 : vector<16xi32> to vector<16xi32>
    %swap3A_1516 = vector.shape_cast %add3A_1512 : vector<16xi32> to vector<16xi32>
    tpu.vector_store %arg6[%swap3A_1513], %swap3A_1516 {strides = array<i32>} : memref<4800xi32, #tpu.memory_space<vmem>>, vector<16xi32>,
    %add3A_1517 = vector.broadcast %add3A_1504 : i32 to vector<16xi32>
    %add3A_1518 = arith.addi %add3A_1517, %mul3A_45 : vector<16xi32>
    %swap3A_1519 = arith.constant 2816 : index
    %swap3A_1520 = tpu.vector_load %arg6[%swap3A_1519] {strides = array<i32>} : memref<4800xi32, #tpu.memory_space<vmem>>, vector<16xi32>,
    %swap3A_1521 = vector.shape_cast %swap3A_1520 : vector<16xi32> to vector<16xi32>
    %swap3A_1522 = vector.shape_cast %add3A_1518 : vector<16xi32> to vector<16xi32>
    tpu.vector_store %arg6[%swap3A_1519], %swap3A_1522 {strides = array<i32>} : memref<4800xi32, #tpu.memory_space<vmem>>, vector<16xi32>,
    %add3A_1523 = vector.broadcast %add3A_1504 : i32 to vector<16xi32>
    %add3A_1524 = arith.addi %add3A_1523, %mul3A_51 : vector<16xi32>
    %swap3A_1525 = arith.constant 2832 : index
    %swap3A_1526 = tpu.vector_load %arg6[%swap3A_1525] {strides = array<i32>} : memref<4800xi32, #tpu.memory_space<vmem>>, vector<16xi32>,
    %swap3A_1527 = vector.shape_cast %swap3A_1526 : vector<16xi32> to vector<16xi32>
    %swap3A_1528 = vector.shape_cast %add3A_1524 : vector<16xi32> to vector<16xi32>
    tpu.vector_store %arg6[%swap3A_1525], %swap3A_1528 {strides = array<i32>} : memref<4800xi32, #tpu.memory_space<vmem>>, vector<16xi32>,
    %add3A_1529 = vector.broadcast %add3A_1504 : i32 to vector<16xi32>
    %add3A_1530 = arith.addi %add3A_1529, %mul3A_57 : vector<16xi32>
    %swap3A_1531 = arith.constant 2848 : index
    %swap3A_1532 = tpu.vector_load %arg6[%swap3A_1531] {strides = array<i32>} : memref<4800xi32, #tpu.memory_space<vmem>>, vector<16xi32>,
    %swap3A_1533 = vector.shape_cast %swap3A_1532 : vector<16xi32> to vector<16xi32>
    %swap3A_1534 = vector.shape_cast %add3A_1530 : vector<16xi32> to vector<16xi32>
    tpu.vector_store %arg6[%swap3A_1531], %swap3A_1534 {strides = array<i32>} : memref<4800xi32, #tpu.memory_space<vmem>>, vector<16xi32>,
    %add3A_1535 = vector.broadcast %add3A_1504 : i32 to vector<16xi32>
    %add3A_1536 = arith.addi %add3A_1535, %mul3A_63 : vector<16xi32>
    %swap3A_1537 = arith.constant 2864 : index
    %swap3A_1538 = tpu.vector_load %arg6[%swap3A_1537] {strides = array<i32>} : memref<4800xi32, #tpu.memory_space<vmem>>, vector<16xi32>,
    %swap3A_1539 = vector.shape_cast %swap3A_1538 : vector<16xi32> to vector<16xi32>
    %swap3A_1540 = vector.shape_cast %add3A_1536 : vector<16xi32> to vector<16xi32>
    tpu.vector_store %arg6[%swap3A_1537], %swap3A_1540 {strides = array<i32>} : memref<4800xi32, #tpu.memory_space<vmem>>, vector<16xi32>,
    %dma_start3A_1541 = arith.constant 1920 : i32
    %dma_start3A_1542 = tpu.memref_slice %arg7[%dma_start3A_1541] : memref<4800xf32, #tpu.memory_space<vmem>> -> memref<960xf32, #tpu.memory_space<vmem>>
    %dma_start3A_1543 = arith.constant 1920 : i32
    %dma_start3A_1544 = tpu.memref_slice %arg6[%dma_start3A_1543] : memref<4800xi32, #tpu.memory_space<vmem>> -> memref<960xi32, #tpu.memory_space<vmem>>
    %dma_start3A_1545 = arith.constant 0 : i32
    %dma_start3A_1546 = tpu.memref_slice %arg2[%dma_start3A_1545] : memref<25165824xf32, #tpu.memory_space<hbm>> -> memref<25165824xf32, #tpu.memory_space<hbm>>
    tpu.enqueue_indirect_dma source(%dma_start3A_1546 : memref<25165824xf32, #tpu.memory_space<hbm>>) target(%dma_start3A_1542 : memref<960xf32, #tpu.memory_space<vmem>>) offsets(%dma_start3A_1544 : memref<960xi32, #tpu.memory_space<vmem>>) semaphore(%arg8 : memref<!tpu.dma_semaphore, #tpu.memory_space<semaphore_mem>>)
    %add3A_1547 = arith.constant 60 : i32
    %add3A_1548 = arith.addi %sub3A_27, %add3A_1547 : i32
    %get3A_1549 = arith.index_cast %add3A_1548 : i32 to index
    %get3A_1550 = tpu.vector_load %arg5[%get3A_1549] {strides = array<i32>} : memref<112xi32, #tpu.memory_space<vmem>>, vector<16xi32>,
    %get3A_1551 = vector.shape_cast %get3A_1550 : vector<16xi32> to vector<16xi32>
    %slice3A_1552 = vector.extract_strided_slice %get3A_1551 {offsets = [1], sizes = [1], strides = [1]} : vector<16xi32> to vector<1xi32>
    %squeeze3A_1553 = vector.extract %slice3A_1552[0] : i32 from vector<1xi32>
    %mul3A_1554 = arith.constant 128 : i32
    %mul3A_1555 = arith.muli %squeeze3A_1553, %mul3A_1554 : i32
    %add3A_1556 = arith.addi %mul3A_4, %mul3A_1555 : i32
    %slice3A_1557 = vector.extract_strided_slice %get3A_1551 {offsets = [0], sizes = [1], strides = [1]} : vector<16xi32> to vector<1xi32>
    %squeeze3A_1558 = vector.extract %slice3A_1557[0] : i32 from vector<1xi32>
    %add3A_1559 = arith.addi %add3A_1556, %squeeze3A_1558 : i32
    %add3A_1560 = vector.broadcast %add3A_1559 : i32 to vector<16xi32>
    %add3A_1561 = arith.addi %add3A_1560, %mul3A_33 : vector<16xi32>
    %swap3A_1562 = arith.constant 2880 : index
    %swap3A_1563 = tpu.vector_load %arg6[%swap3A_1562] {strides = array<i32>} : memref<4800xi32, #tpu.memory_space<vmem>>, vector<16xi32>,
    %swap3A_1564 = vector.shape_cast %swap3A_1563 : vector<16xi32> to vector<16xi32>
    %swap3A_1565 = vector.shape_cast %add3A_1561 : vector<16xi32> to vector<16xi32>
    tpu.vector_store %arg6[%swap3A_1562], %swap3A_1565 {strides = array<i32>} : memref<4800xi32, #tpu.memory_space<vmem>>, vector<16xi32>,
    %add3A_1566 = vector.broadcast %add3A_1559 : i32 to vector<16xi32>
    %add3A_1567 = arith.addi %add3A_1566, %mul3A_39 : vector<16xi32>
    %swap3A_1568 = arith.constant 2896 : index
    %swap3A_1569 = tpu.vector_load %arg6[%swap3A_1568] {strides = array<i32>} : memref<4800xi32, #tpu.memory_space<vmem>>, vector<16xi32>,
    %swap3A_1570 = vector.shape_cast %swap3A_1569 : vector<16xi32> to vector<16xi32>
    %swap3A_1571 = vector.shape_cast %add3A_1567 : vector<16xi32> to vector<16xi32>
    tpu.vector_store %arg6[%swap3A_1568], %swap3A_1571 {strides = array<i32>} : memref<4800xi32, #tpu.memory_space<vmem>>, vector<16xi32>,
    %add3A_1572 = vector.broadcast %add3A_1559 : i32 to vector<16xi32>
    %add3A_1573 = arith.addi %add3A_1572, %mul3A_45 : vector<16xi32>
    %swap3A_1574 = arith.constant 2912 : index
    %swap3A_1575 = tpu.vector_load %arg6[%swap3A_1574] {strides = array<i32>} : memref<4800xi32, #tpu.memory_space<vmem>>, vector<16xi32>,
    %swap3A_1576 = vector.shape_cast %swap3A_1575 : vector<16xi32> to vector<16xi32>
    %swap3A_1577 = vector.shape_cast %add3A_1573 : vector<16xi32> to vector<16xi32>
    tpu.vector_store %arg6[%swap3A_1574], %swap3A_1577 {strides = array<i32>} : memref<4800xi32, #tpu.memory_space<vmem>>, vector<16xi32>,
    %add3A_1578 = vector.broadcast %add3A_1559 : i32 to vector<16xi32>
    %add3A_1579 = arith.addi %add3A_1578, %mul3A_51 : vector<16xi32>
    %swap3A_1580 = arith.constant 2928 : index
    %swap3A_1581 = tpu.vector_load %arg6[%swap3A_1580] {strides = array<i32>} : memref<4800xi32, #tpu.memory_space<vmem>>, vector<16xi32>,
    %swap3A_1582 = vector.shape_cast %swap3A_1581 : vector<16xi32> to vector<16xi32>
    %swap3A_1583 = vector.shape_cast %add3A_1579 : vector<16xi32> to vector<16xi32>
    tpu.vector_store %arg6[%swap3A_1580], %swap3A_1583 {strides = array<i32>} : memref<4800xi32, #tpu.memory_space<vmem>>, vector<16xi32>,
    %add3A_1584 = vector.broadcast %add3A_1559 : i32 to vector<16xi32>
    %add3A_1585 = arith.addi %add3A_1584, %mul3A_57 : vector<16xi32>
    %swap3A_1586 = arith.constant 2944 : index
    %swap3A_1587 = tpu.vector_load %arg6[%swap3A_1586] {strides = array<i32>} : memref<4800xi32, #tpu.memory_space<vmem>>, vector<16xi32>,
    %swap3A_1588 = vector.shape_cast %swap3A_1587 : vector<16xi32> to vector<16xi32>
    %swap3A_1589 = vector.shape_cast %add3A_1585 : vector<16xi32> to vector<16xi32>
    tpu.vector_store %arg6[%swap3A_1586], %swap3A_1589 {strides = array<i32>} : memref<4800xi32, #tpu.memory_space<vmem>>, vector<16xi32>,
    %add3A_1590 = vector.broadcast %add3A_1559 : i32 to vector<16xi32>
    %add3A_1591 = arith.addi %add3A_1590, %mul3A_63 : vector<16xi32>
    %swap3A_1592 = arith.constant 2960 : index
    %swap3A_1593 = tpu.vector_load %arg6[%swap3A_1592] {strides = array<i32>} : memref<4800xi32, #tpu.memory_space<vmem>>, vector<16xi32>,
    %swap3A_1594 = vector.shape_cast %swap3A_1593 : vector<16xi32> to vector<16xi32>
    %swap3A_1595 = vector.shape_cast %add3A_1591 : vector<16xi32> to vector<16xi32>
    tpu.vector_store %arg6[%swap3A_1592], %swap3A_1595 {strides = array<i32>} : memref<4800xi32, #tpu.memory_space<vmem>>, vector<16xi32>,
    %add3A_1596 = arith.constant 62 : i32
    %add3A_1597 = arith.addi %sub3A_27, %add3A_1596 : i32
    %get3A_1598 = arith.index_cast %add3A_1597 : i32 to index
    %get3A_1599 = tpu.vector_load %arg5[%get3A_1598] {strides = array<i32>} : memref<112xi32, #tpu.memory_space<vmem>>, vector<16xi32>,
    %get3A_1600 = vector.shape_cast %get3A_1599 : vector<16xi32> to vector<16xi32>
    %slice3A_1601 = vector.extract_strided_slice %get3A_1600 {offsets = [1], sizes = [1], strides = [1]} : vector<16xi32> to vector<1xi32>
    %squeeze3A_1602 = vector.extract %slice3A_1601[0] : i32 from vector<1xi32>
    %mul3A_1603 = arith.constant 128 : i32
    %mul3A_1604 = arith.muli %squeeze3A_1602, %mul3A_1603 : i32
    %add3A_1605 = arith.addi %mul3A_4, %mul3A_1604 : i32
    %slice3A_1606 = vector.extract_strided_slice %get3A_1600 {offsets = [0], sizes = [1], strides = [1]} : vector<16xi32> to vector<1xi32>
    %squeeze3A_1607 = vector.extract %slice3A_1606[0] : i32 from vector<1xi32>
    %add3A_1608 = arith.addi %add3A_1605, %squeeze3A_1607 : i32
    %add3A_1609 = vector.broadcast %add3A_1608 : i32 to vector<16xi32>
    %add3A_1610 = arith.addi %add3A_1609, %mul3A_33 : vector<16xi32>
    %swap3A_1611 = arith.constant 2976 : index
    %swap3A_1612 = tpu.vector_load %arg6[%swap3A_1611] {strides = array<i32>} : memref<4800xi32, #tpu.memory_space<vmem>>, vector<16xi32>,
    %swap3A_1613 = vector.shape_cast %swap3A_1612 : vector<16xi32> to vector<16xi32>
    %swap3A_1614 = vector.shape_cast %add3A_1610 : vector<16xi32> to vector<16xi32>
    tpu.vector_store %arg6[%swap3A_1611], %swap3A_1614 {strides = array<i32>} : memref<4800xi32, #tpu.memory_space<vmem>>, vector<16xi32>,
    %add3A_1615 = vector.broadcast %add3A_1608 : i32 to vector<16xi32>
    %add3A_1616 = arith.addi %add3A_1615, %mul3A_39 : vector<16xi32>
    %swap3A_1617 = arith.constant 2992 : index
    %swap3A_1618 = tpu.vector_load %arg6[%swap3A_1617] {strides = array<i32>} : memref<4800xi32, #tpu.memory_space<vmem>>, vector<16xi32>,
    %swap3A_1619 = vector.shape_cast %swap3A_1618 : vector<16xi32> to vector<16xi32>
    %swap3A_1620 = vector.shape_cast %add3A_1616 : vector<16xi32> to vector<16xi32>
    tpu.vector_store %arg6[%swap3A_1617], %swap3A_1620 {strides = array<i32>} : memref<4800xi32, #tpu.memory_space<vmem>>, vector<16xi32>,
    %add3A_1621 = vector.broadcast %add3A_1608 : i32 to vector<16xi32>
    %add3A_1622 = arith.addi %add3A_1621, %mul3A_45 : vector<16xi32>
    %swap3A_1623 = arith.constant 3008 : index
    %swap3A_1624 = tpu.vector_load %arg6[%swap3A_1623] {strides = array<i32>} : memref<4800xi32, #tpu.memory_space<vmem>>, vector<16xi32>,
    %swap3A_1625 = vector.shape_cast %swap3A_1624 : vector<16xi32> to vector<16xi32>
    %swap3A_1626 = vector.shape_cast %add3A_1622 : vector<16xi32> to vector<16xi32>
    tpu.vector_store %arg6[%swap3A_1623], %swap3A_1626 {strides = array<i32>} : memref<4800xi32, #tpu.memory_space<vmem>>, vector<16xi32>,
    %add3A_1627 = vector.broadcast %add3A_1608 : i32 to vector<16xi32>
    %add3A_1628 = arith.addi %add3A_1627, %mul3A_51 : vector<16xi32>
    %swap3A_1629 = arith.constant 3024 : index
    %swap3A_1630 = tpu.vector_load %arg6[%swap3A_1629] {strides = array<i32>} : memref<4800xi32, #tpu.memory_space<vmem>>, vector<16xi32>,
    %swap3A_1631 = vector.shape_cast %swap3A_1630 : vector<16xi32> to vector<16xi32>
    %swap3A_1632 = vector.shape_cast %add3A_1628 : vector<16xi32> to vector<16xi32>
    tpu.vector_store %arg6[%swap3A_1629], %swap3A_1632 {strides = array<i32>} : memref<4800xi32, #tpu.memory_space<vmem>>, vector<16xi32>,
    %add3A_1633 = vector.broadcast %add3A_1608 : i32 to vector<16xi32>
    %add3A_1634 = arith.addi %add3A_1633, %mul3A_57 : vector<16xi32>
    %swap3A_1635 = arith.constant 3040 : index
    %swap3A_1636 = tpu.vector_load %arg6[%swap3A_1635] {strides = array<i32>} : memref<4800xi32, #tpu.memory_space<vmem>>, vector<16xi32>,
    %swap3A_1637 = vector.shape_cast %swap3A_1636 : vector<16xi32> to vector<16xi32>
    %swap3A_1638 = vector.shape_cast %add3A_1634 : vector<16xi32> to vector<16xi32>
    tpu.vector_store %arg6[%swap3A_1635], %swap3A_1638 {strides = array<i32>} : memref<4800xi32, #tpu.memory_space<vmem>>, vector<16xi32>,
    %add3A_1639 = vector.broadcast %add3A_1608 : i32 to vector<16xi32>
    %add3A_1640 = arith.addi %add3A_1639, %mul3A_63 : vector<16xi32>
    %swap3A_1641 = arith.constant 3056 : index
    %swap3A_1642 = tpu.vector_load %arg6[%swap3A_1641] {strides = array<i32>} : memref<4800xi32, #tpu.memory_space<vmem>>, vector<16xi32>,
    %swap3A_1643 = vector.shape_cast %swap3A_1642 : vector<16xi32> to vector<16xi32>
    %swap3A_1644 = vector.shape_cast %add3A_1640 : vector<16xi32> to vector<16xi32>
    tpu.vector_store %arg6[%swap3A_1641], %swap3A_1644 {strides = array<i32>} : memref<4800xi32, #tpu.memory_space<vmem>>, vector<16xi32>,
    %add3A_1645 = arith.constant 64 : i32
    %add3A_1646 = arith.addi %sub3A_27, %add3A_1645 : i32
    %get3A_1647 = arith.index_cast %add3A_1646 : i32 to index
    %get3A_1648 = tpu.vector_load %arg5[%get3A_1647] {strides = array<i32>} : memref<112xi32, #tpu.memory_space<vmem>>, vector<16xi32>,
    %get3A_1649 = vector.shape_cast %get3A_1648 : vector<16xi32> to vector<16xi32>
    %slice3A_1650 = vector.extract_strided_slice %get3A_1649 {offsets = [1], sizes = [1], strides = [1]} : vector<16xi32> to vector<1xi32>
    %squeeze3A_1651 = vector.extract %slice3A_1650[0] : i32 from vector<1xi32>
    %mul3A_1652 = arith.constant 128 : i32
    %mul3A_1653 = arith.muli %squeeze3A_1651, %mul3A_1652 : i32
    %add3A_1654 = arith.addi %mul3A_4, %mul3A_1653 : i32
    %slice3A_1655 = vector.extract_strided_slice %get3A_1649 {offsets = [0], sizes = [1], strides = [1]} : vector<16xi32> to vector<1xi32>
    %squeeze3A_1656 = vector.extract %slice3A_1655[0] : i32 from vector<1xi32>
    %add3A_1657 = arith.addi %add3A_1654, %squeeze3A_1656 : i32
    %add3A_1658 = vector.broadcast %add3A_1657 : i32 to vector<16xi32>
    %add3A_1659 = arith.addi %add3A_1658, %mul3A_33 : vector<16xi32>
    %swap3A_1660 = arith.constant 3072 : index
    %swap3A_1661 = tpu.vector_load %arg6[%swap3A_1660] {strides = array<i32>} : memref<4800xi32, #tpu.memory_space<vmem>>, vector<16xi32>,
    %swap3A_1662 = vector.shape_cast %swap3A_1661 : vector<16xi32> to vector<16xi32>
    %swap3A_1663 = vector.shape_cast %add3A_1659 : vector<16xi32> to vector<16xi32>
    tpu.vector_store %arg6[%swap3A_1660], %swap3A_1663 {strides = array<i32>} : memref<4800xi32, #tpu.memory_space<vmem>>, vector<16xi32>,
    %add3A_1664 = vector.broadcast %add3A_1657 : i32 to vector<16xi32>
    %add3A_1665 = arith.addi %add3A_1664, %mul3A_39 : vector<16xi32>
    %swap3A_1666 = arith.constant 3088 : index
    %swap3A_1667 = tpu.vector_load %arg6[%swap3A_1666] {strides = array<i32>} : memref<4800xi32, #tpu.memory_space<vmem>>, vector<16xi32>,
    %swap3A_1668 = vector.shape_cast %swap3A_1667 : vector<16xi32> to vector<16xi32>
    %swap3A_1669 = vector.shape_cast %add3A_1665 : vector<16xi32> to vector<16xi32>
    tpu.vector_store %arg6[%swap3A_1666], %swap3A_1669 {strides = array<i32>} : memref<4800xi32, #tpu.memory_space<vmem>>, vector<16xi32>,
    %add3A_1670 = vector.broadcast %add3A_1657 : i32 to vector<16xi32>
    %add3A_1671 = arith.addi %add3A_1670, %mul3A_45 : vector<16xi32>
    %swap3A_1672 = arith.constant 3104 : index
    %swap3A_1673 = tpu.vector_load %arg6[%swap3A_1672] {strides = array<i32>} : memref<4800xi32, #tpu.memory_space<vmem>>, vector<16xi32>,
    %swap3A_1674 = vector.shape_cast %swap3A_1673 : vector<16xi32> to vector<16xi32>
    %swap3A_1675 = vector.shape_cast %add3A_1671 : vector<16xi32> to vector<16xi32>
    tpu.vector_store %arg6[%swap3A_1672], %swap3A_1675 {strides = array<i32>} : memref<4800xi32, #tpu.memory_space<vmem>>, vector<16xi32>,
    %add3A_1676 = vector.broadcast %add3A_1657 : i32 to vector<16xi32>
    %add3A_1677 = arith.addi %add3A_1676, %mul3A_51 : vector<16xi32>
    %swap3A_1678 = arith.constant 3120 : index
    %swap3A_1679 = tpu.vector_load %arg6[%swap3A_1678] {strides = array<i32>} : memref<4800xi32, #tpu.memory_space<vmem>>, vector<16xi32>,
    %swap3A_1680 = vector.shape_cast %swap3A_1679 : vector<16xi32> to vector<16xi32>
    %swap3A_1681 = vector.shape_cast %add3A_1677 : vector<16xi32> to vector<16xi32>
    tpu.vector_store %arg6[%swap3A_1678], %swap3A_1681 {strides = array<i32>} : memref<4800xi32, #tpu.memory_space<vmem>>, vector<16xi32>,
    %add3A_1682 = vector.broadcast %add3A_1657 : i32 to vector<16xi32>
    %add3A_1683 = arith.addi %add3A_1682, %mul3A_57 : vector<16xi32>
    %swap3A_1684 = arith.constant 3136 : index
    %swap3A_1685 = tpu.vector_load %arg6[%swap3A_1684] {strides = array<i32>} : memref<4800xi32, #tpu.memory_space<vmem>>, vector<16xi32>,
    %swap3A_1686 = vector.shape_cast %swap3A_1685 : vector<16xi32> to vector<16xi32>
    %swap3A_1687 = vector.shape_cast %add3A_1683 : vector<16xi32> to vector<16xi32>
    tpu.vector_store %arg6[%swap3A_1684], %swap3A_1687 {strides = array<i32>} : memref<4800xi32, #tpu.memory_space<vmem>>, vector<16xi32>,
    %add3A_1688 = vector.broadcast %add3A_1657 : i32 to vector<16xi32>
    %add3A_1689 = arith.addi %add3A_1688, %mul3A_63 : vector<16xi32>
    %swap3A_1690 = arith.constant 3152 : index
    %swap3A_1691 = tpu.vector_load %arg6[%swap3A_1690] {strides = array<i32>} : memref<4800xi32, #tpu.memory_space<vmem>>, vector<16xi32>,
    %swap3A_1692 = vector.shape_cast %swap3A_1691 : vector<16xi32> to vector<16xi32>
    %swap3A_1693 = vector.shape_cast %add3A_1689 : vector<16xi32> to vector<16xi32>
    tpu.vector_store %arg6[%swap3A_1690], %swap3A_1693 {strides = array<i32>} : memref<4800xi32, #tpu.memory_space<vmem>>, vector<16xi32>,
    %add3A_1694 = arith.constant 66 : i32
    %add3A_1695 = arith.addi %sub3A_27, %add3A_1694 : i32
    %get3A_1696 = arith.index_cast %add3A_1695 : i32 to index
    %get3A_1697 = tpu.vector_load %arg5[%get3A_1696] {strides = array<i32>} : memref<112xi32, #tpu.memory_space<vmem>>, vector<16xi32>,
    %get3A_1698 = vector.shape_cast %get3A_1697 : vector<16xi32> to vector<16xi32>
    %slice3A_1699 = vector.extract_strided_slice %get3A_1698 {offsets = [1], sizes = [1], strides = [1]} : vector<16xi32> to vector<1xi32>
    %squeeze3A_1700 = vector.extract %slice3A_1699[0] : i32 from vector<1xi32>
    %mul3A_1701 = arith.constant 128 : i32
    %mul3A_1702 = arith.muli %squeeze3A_1700, %mul3A_1701 : i32
    %add3A_1703 = arith.addi %mul3A_4, %mul3A_1702 : i32
    %slice3A_1704 = vector.extract_strided_slice %get3A_1698 {offsets = [0], sizes = [1], strides = [1]} : vector<16xi32> to vector<1xi32>
    %squeeze3A_1705 = vector.extract %slice3A_1704[0] : i32 from vector<1xi32>
    %add3A_1706 = arith.addi %add3A_1703, %squeeze3A_1705 : i32
    %add3A_1707 = vector.broadcast %add3A_1706 : i32 to vector<16xi32>
    %add3A_1708 = arith.addi %add3A_1707, %mul3A_33 : vector<16xi32>
    %swap3A_1709 = arith.constant 3168 : index
    %swap3A_1710 = tpu.vector_load %arg6[%swap3A_1709] {strides = array<i32>} : memref<4800xi32, #tpu.memory_space<vmem>>, vector<16xi32>,
    %swap3A_1711 = vector.shape_cast %swap3A_1710 : vector<16xi32> to vector<16xi32>
    %swap3A_1712 = vector.shape_cast %add3A_1708 : vector<16xi32> to vector<16xi32>
    tpu.vector_store %arg6[%swap3A_1709], %swap3A_1712 {strides = array<i32>} : memref<4800xi32, #tpu.memory_space<vmem>>, vector<16xi32>,
    %add3A_1713 = vector.broadcast %add3A_1706 : i32 to vector<16xi32>
    %add3A_1714 = arith.addi %add3A_1713, %mul3A_39 : vector<16xi32>
    %swap3A_1715 = arith.constant 3184 : index
    %swap3A_1716 = tpu.vector_load %arg6[%swap3A_1715] {strides = array<i32>} : memref<4800xi32, #tpu.memory_space<vmem>>, vector<16xi32>,
    %swap3A_1717 = vector.shape_cast %swap3A_1716 : vector<16xi32> to vector<16xi32>
    %swap3A_1718 = vector.shape_cast %add3A_1714 : vector<16xi32> to vector<16xi32>
    tpu.vector_store %arg6[%swap3A_1715], %swap3A_1718 {strides = array<i32>} : memref<4800xi32, #tpu.memory_space<vmem>>, vector<16xi32>,
    %add3A_1719 = vector.broadcast %add3A_1706 : i32 to vector<16xi32>
    %add3A_1720 = arith.addi %add3A_1719, %mul3A_45 : vector<16xi32>
    %swap3A_1721 = arith.constant 3200 : index
    %swap3A_1722 = tpu.vector_load %arg6[%swap3A_1721] {strides = array<i32>} : memref<4800xi32, #tpu.memory_space<vmem>>, vector<16xi32>,
    %swap3A_1723 = vector.shape_cast %swap3A_1722 : vector<16xi32> to vector<16xi32>
    %swap3A_1724 = vector.shape_cast %add3A_1720 : vector<16xi32> to vector<16xi32>
    tpu.vector_store %arg6[%swap3A_1721], %swap3A_1724 {strides = array<i32>} : memref<4800xi32, #tpu.memory_space<vmem>>, vector<16xi32>,
    %add3A_1725 = vector.broadcast %add3A_1706 : i32 to vector<16xi32>
    %add3A_1726 = arith.addi %add3A_1725, %mul3A_51 : vector<16xi32>
    %swap3A_1727 = arith.constant 3216 : index
    %swap3A_1728 = tpu.vector_load %arg6[%swap3A_1727] {strides = array<i32>} : memref<4800xi32, #tpu.memory_space<vmem>>, vector<16xi32>,
    %swap3A_1729 = vector.shape_cast %swap3A_1728 : vector<16xi32> to vector<16xi32>
    %swap3A_1730 = vector.shape_cast %add3A_1726 : vector<16xi32> to vector<16xi32>
    tpu.vector_store %arg6[%swap3A_1727], %swap3A_1730 {strides = array<i32>} : memref<4800xi32, #tpu.memory_space<vmem>>, vector<16xi32>,
    %add3A_1731 = vector.broadcast %add3A_1706 : i32 to vector<16xi32>
    %add3A_1732 = arith.addi %add3A_1731, %mul3A_57 : vector<16xi32>
    %swap3A_1733 = arith.constant 3232 : index
    %swap3A_1734 = tpu.vector_load %arg6[%swap3A_1733] {strides = array<i32>} : memref<4800xi32, #tpu.memory_space<vmem>>, vector<16xi32>,
    %swap3A_1735 = vector.shape_cast %swap3A_1734 : vector<16xi32> to vector<16xi32>
    %swap3A_1736 = vector.shape_cast %add3A_1732 : vector<16xi32> to vector<16xi32>
    tpu.vector_store %arg6[%swap3A_1733], %swap3A_1736 {strides = array<i32>} : memref<4800xi32, #tpu.memory_space<vmem>>, vector<16xi32>,
    %add3A_1737 = vector.broadcast %add3A_1706 : i32 to vector<16xi32>
    %add3A_1738 = arith.addi %add3A_1737, %mul3A_63 : vector<16xi32>
    %swap3A_1739 = arith.constant 3248 : index
    %swap3A_1740 = tpu.vector_load %arg6[%swap3A_1739] {strides = array<i32>} : memref<4800xi32, #tpu.memory_space<vmem>>, vector<16xi32>,
    %swap3A_1741 = vector.shape_cast %swap3A_1740 : vector<16xi32> to vector<16xi32>
    %swap3A_1742 = vector.shape_cast %add3A_1738 : vector<16xi32> to vector<16xi32>
    tpu.vector_store %arg6[%swap3A_1739], %swap3A_1742 {strides = array<i32>} : memref<4800xi32, #tpu.memory_space<vmem>>, vector<16xi32>,
    %add3A_1743 = arith.constant 68 : i32
    %add3A_1744 = arith.addi %sub3A_27, %add3A_1743 : i32
    %get3A_1745 = arith.index_cast %add3A_1744 : i32 to index
    %get3A_1746 = tpu.vector_load %arg5[%get3A_1745] {strides = array<i32>} : memref<112xi32, #tpu.memory_space<vmem>>, vector<16xi32>,
    %get3A_1747 = vector.shape_cast %get3A_1746 : vector<16xi32> to vector<16xi32>
    %slice3A_1748 = vector.extract_strided_slice %get3A_1747 {offsets = [1], sizes = [1], strides = [1]} : vector<16xi32> to vector<1xi32>
    %squeeze3A_1749 = vector.extract %slice3A_1748[0] : i32 from vector<1xi32>
    %mul3A_1750 = arith.constant 128 : i32
    %mul3A_1751 = arith.muli %squeeze3A_1749, %mul3A_1750 : i32
    %add3A_1752 = arith.addi %mul3A_4, %mul3A_1751 : i32
    %slice3A_1753 = vector.extract_strided_slice %get3A_1747 {offsets = [0], sizes = [1], strides = [1]} : vector<16xi32> to vector<1xi32>
    %squeeze3A_1754 = vector.extract %slice3A_1753[0] : i32 from vector<1xi32>
    %add3A_1755 = arith.addi %add3A_1752, %squeeze3A_1754 : i32
    %add3A_1756 = vector.broadcast %add3A_1755 : i32 to vector<16xi32>
    %add3A_1757 = arith.addi %add3A_1756, %mul3A_33 : vector<16xi32>
    %swap3A_1758 = arith.constant 3264 : index
    %swap3A_1759 = tpu.vector_load %arg6[%swap3A_1758] {strides = array<i32>} : memref<4800xi32, #tpu.memory_space<vmem>>, vector<16xi32>,
    %swap3A_1760 = vector.shape_cast %swap3A_1759 : vector<16xi32> to vector<16xi32>
    %swap3A_1761 = vector.shape_cast %add3A_1757 : vector<16xi32> to vector<16xi32>
    tpu.vector_store %arg6[%swap3A_1758], %swap3A_1761 {strides = array<i32>} : memref<4800xi32, #tpu.memory_space<vmem>>, vector<16xi32>,
    %add3A_1762 = vector.broadcast %add3A_1755 : i32 to vector<16xi32>
    %add3A_1763 = arith.addi %add3A_1762, %mul3A_39 : vector<16xi32>
    %swap3A_1764 = arith.constant 3280 : index
    %swap3A_1765 = tpu.vector_load %arg6[%swap3A_1764] {strides = array<i32>} : memref<4800xi32, #tpu.memory_space<vmem>>, vector<16xi32>,
    %swap3A_1766 = vector.shape_cast %swap3A_1765 : vector<16xi32> to vector<16xi32>
    %swap3A_1767 = vector.shape_cast %add3A_1763 : vector<16xi32> to vector<16xi32>
    tpu.vector_store %arg6[%swap3A_1764], %swap3A_1767 {strides = array<i32>} : memref<4800xi32, #tpu.memory_space<vmem>>, vector<16xi32>,
    %add3A_1768 = vector.broadcast %add3A_1755 : i32 to vector<16xi32>
    %add3A_1769 = arith.addi %add3A_1768, %mul3A_45 : vector<16xi32>
    %swap3A_1770 = arith.constant 3296 : index
    %swap3A_1771 = tpu.vector_load %arg6[%swap3A_1770] {strides = array<i32>} : memref<4800xi32, #tpu.memory_space<vmem>>, vector<16xi32>,
    %swap3A_1772 = vector.shape_cast %swap3A_1771 : vector<16xi32> to vector<16xi32>
    %swap3A_1773 = vector.shape_cast %add3A_1769 : vector<16xi32> to vector<16xi32>
    tpu.vector_store %arg6[%swap3A_1770], %swap3A_1773 {strides = array<i32>} : memref<4800xi32, #tpu.memory_space<vmem>>, vector<16xi32>,
    %add3A_1774 = vector.broadcast %add3A_1755 : i32 to vector<16xi32>
    %add3A_1775 = arith.addi %add3A_1774, %mul3A_51 : vector<16xi32>
    %swap3A_1776 = arith.constant 3312 : index
    %swap3A_1777 = tpu.vector_load %arg6[%swap3A_1776] {strides = array<i32>} : memref<4800xi32, #tpu.memory_space<vmem>>, vector<16xi32>,
    %swap3A_1778 = vector.shape_cast %swap3A_1777 : vector<16xi32> to vector<16xi32>
    %swap3A_1779 = vector.shape_cast %add3A_1775 : vector<16xi32> to vector<16xi32>
    tpu.vector_store %arg6[%swap3A_1776], %swap3A_1779 {strides = array<i32>} : memref<4800xi32, #tpu.memory_space<vmem>>, vector<16xi32>,
    %add3A_1780 = vector.broadcast %add3A_1755 : i32 to vector<16xi32>
    %add3A_1781 = arith.addi %add3A_1780, %mul3A_57 : vector<16xi32>
    %swap3A_1782 = arith.constant 3328 : index
    %swap3A_1783 = tpu.vector_load %arg6[%swap3A_1782] {strides = array<i32>} : memref<4800xi32, #tpu.memory_space<vmem>>, vector<16xi32>,
    %swap3A_1784 = vector.shape_cast %swap3A_1783 : vector<16xi32> to vector<16xi32>
    %swap3A_1785 = vector.shape_cast %add3A_1781 : vector<16xi32> to vector<16xi32>
    tpu.vector_store %arg6[%swap3A_1782], %swap3A_1785 {strides = array<i32>} : memref<4800xi32, #tpu.memory_space<vmem>>, vector<16xi32>,
    %add3A_1786 = vector.broadcast %add3A_1755 : i32 to vector<16xi32>
    %add3A_1787 = arith.addi %add3A_1786, %mul3A_63 : vector<16xi32>
    %swap3A_1788 = arith.constant 3344 : index
    %swap3A_1789 = tpu.vector_load %arg6[%swap3A_1788] {strides = array<i32>} : memref<4800xi32, #tpu.memory_space<vmem>>, vector<16xi32>,
    %swap3A_1790 = vector.shape_cast %swap3A_1789 : vector<16xi32> to vector<16xi32>
    %swap3A_1791 = vector.shape_cast %add3A_1787 : vector<16xi32> to vector<16xi32>
    tpu.vector_store %arg6[%swap3A_1788], %swap3A_1791 {strides = array<i32>} : memref<4800xi32, #tpu.memory_space<vmem>>, vector<16xi32>,
    %add3A_1792 = arith.constant 70 : i32
    %add3A_1793 = arith.addi %sub3A_27, %add3A_1792 : i32
    %get3A_1794 = arith.index_cast %add3A_1793 : i32 to index
    %get3A_1795 = tpu.vector_load %arg5[%get3A_1794] {strides = array<i32>} : memref<112xi32, #tpu.memory_space<vmem>>, vector<16xi32>,
    %get3A_1796 = vector.shape_cast %get3A_1795 : vector<16xi32> to vector<16xi32>
    %slice3A_1797 = vector.extract_strided_slice %get3A_1796 {offsets = [1], sizes = [1], strides = [1]} : vector<16xi32> to vector<1xi32>
    %squeeze3A_1798 = vector.extract %slice3A_1797[0] : i32 from vector<1xi32>
    %mul3A_1799 = arith.constant 128 : i32
    %mul3A_1800 = arith.muli %squeeze3A_1798, %mul3A_1799 : i32
    %add3A_1801 = arith.addi %mul3A_4, %mul3A_1800 : i32
    %slice3A_1802 = vector.extract_strided_slice %get3A_1796 {offsets = [0], sizes = [1], strides = [1]} : vector<16xi32> to vector<1xi32>
    %squeeze3A_1803 = vector.extract %slice3A_1802[0] : i32 from vector<1xi32>
    %add3A_1804 = arith.addi %add3A_1801, %squeeze3A_1803 : i32
    %add3A_1805 = vector.broadcast %add3A_1804 : i32 to vector<16xi32>
    %add3A_1806 = arith.addi %add3A_1805, %mul3A_33 : vector<16xi32>
    %swap3A_1807 = arith.constant 3360 : index
    %swap3A_1808 = tpu.vector_load %arg6[%swap3A_1807] {strides = array<i32>} : memref<4800xi32, #tpu.memory_space<vmem>>, vector<16xi32>,
    %swap3A_1809 = vector.shape_cast %swap3A_1808 : vector<16xi32> to vector<16xi32>
    %swap3A_1810 = vector.shape_cast %add3A_1806 : vector<16xi32> to vector<16xi32>
    tpu.vector_store %arg6[%swap3A_1807], %swap3A_1810 {strides = array<i32>} : memref<4800xi32, #tpu.memory_space<vmem>>, vector<16xi32>,
    %add3A_1811 = vector.broadcast %add3A_1804 : i32 to vector<16xi32>
    %add3A_1812 = arith.addi %add3A_1811, %mul3A_39 : vector<16xi32>
    %swap3A_1813 = arith.constant 3376 : index
    %swap3A_1814 = tpu.vector_load %arg6[%swap3A_1813] {strides = array<i32>} : memref<4800xi32, #tpu.memory_space<vmem>>, vector<16xi32>,
    %swap3A_1815 = vector.shape_cast %swap3A_1814 : vector<16xi32> to vector<16xi32>
    %swap3A_1816 = vector.shape_cast %add3A_1812 : vector<16xi32> to vector<16xi32>
    tpu.vector_store %arg6[%swap3A_1813], %swap3A_1816 {strides = array<i32>} : memref<4800xi32, #tpu.memory_space<vmem>>, vector<16xi32>,
    %add3A_1817 = vector.broadcast %add3A_1804 : i32 to vector<16xi32>
    %add3A_1818 = arith.addi %add3A_1817, %mul3A_45 : vector<16xi32>
    %swap3A_1819 = arith.constant 3392 : index
    %swap3A_1820 = tpu.vector_load %arg6[%swap3A_1819] {strides = array<i32>} : memref<4800xi32, #tpu.memory_space<vmem>>, vector<16xi32>,
    %swap3A_1821 = vector.shape_cast %swap3A_1820 : vector<16xi32> to vector<16xi32>
    %swap3A_1822 = vector.shape_cast %add3A_1818 : vector<16xi32> to vector<16xi32>
    tpu.vector_store %arg6[%swap3A_1819], %swap3A_1822 {strides = array<i32>} : memref<4800xi32, #tpu.memory_space<vmem>>, vector<16xi32>,
    %add3A_1823 = vector.broadcast %add3A_1804 : i32 to vector<16xi32>
    %add3A_1824 = arith.addi %add3A_1823, %mul3A_51 : vector<16xi32>
    %swap3A_1825 = arith.constant 3408 : index
    %swap3A_1826 = tpu.vector_load %arg6[%swap3A_1825] {strides = array<i32>} : memref<4800xi32, #tpu.memory_space<vmem>>, vector<16xi32>,
    %swap3A_1827 = vector.shape_cast %swap3A_1826 : vector<16xi32> to vector<16xi32>
    %swap3A_1828 = vector.shape_cast %add3A_1824 : vector<16xi32> to vector<16xi32>
    tpu.vector_store %arg6[%swap3A_1825], %swap3A_1828 {strides = array<i32>} : memref<4800xi32, #tpu.memory_space<vmem>>, vector<16xi32>,
    %add3A_1829 = vector.broadcast %add3A_1804 : i32 to vector<16xi32>
    %add3A_1830 = arith.addi %add3A_1829, %mul3A_57 : vector<16xi32>
    %swap3A_1831 = arith.constant 3424 : index
    %swap3A_1832 = tpu.vector_load %arg6[%swap3A_1831] {strides = array<i32>} : memref<4800xi32, #tpu.memory_space<vmem>>, vector<16xi32>,
    %swap3A_1833 = vector.shape_cast %swap3A_1832 : vector<16xi32> to vector<16xi32>
    %swap3A_1834 = vector.shape_cast %add3A_1830 : vector<16xi32> to vector<16xi32>
    tpu.vector_store %arg6[%swap3A_1831], %swap3A_1834 {strides = array<i32>} : memref<4800xi32, #tpu.memory_space<vmem>>, vector<16xi32>,
    %add3A_1835 = vector.broadcast %add3A_1804 : i32 to vector<16xi32>
    %add3A_1836 = arith.addi %add3A_1835, %mul3A_63 : vector<16xi32>
    %swap3A_1837 = arith.constant 3440 : index
    %swap3A_1838 = tpu.vector_load %arg6[%swap3A_1837] {strides = array<i32>} : memref<4800xi32, #tpu.memory_space<vmem>>, vector<16xi32>,
    %swap3A_1839 = vector.shape_cast %swap3A_1838 : vector<16xi32> to vector<16xi32>
    %swap3A_1840 = vector.shape_cast %add3A_1836 : vector<16xi32> to vector<16xi32>
    tpu.vector_store %arg6[%swap3A_1837], %swap3A_1840 {strides = array<i32>} : memref<4800xi32, #tpu.memory_space<vmem>>, vector<16xi32>,
    %add3A_1841 = arith.constant 72 : i32
    %add3A_1842 = arith.addi %sub3A_27, %add3A_1841 : i32
    %get3A_1843 = arith.index_cast %add3A_1842 : i32 to index
    %get3A_1844 = tpu.vector_load %arg5[%get3A_1843] {strides = array<i32>} : memref<112xi32, #tpu.memory_space<vmem>>, vector<16xi32>,
    %get3A_1845 = vector.shape_cast %get3A_1844 : vector<16xi32> to vector<16xi32>
    %slice3A_1846 = vector.extract_strided_slice %get3A_1845 {offsets = [1], sizes = [1], strides = [1]} : vector<16xi32> to vector<1xi32>
    %squeeze3A_1847 = vector.extract %slice3A_1846[0] : i32 from vector<1xi32>
    %mul3A_1848 = arith.constant 128 : i32
    %mul3A_1849 = arith.muli %squeeze3A_1847, %mul3A_1848 : i32
    %add3A_1850 = arith.addi %mul3A_4, %mul3A_1849 : i32
    %slice3A_1851 = vector.extract_strided_slice %get3A_1845 {offsets = [0], sizes = [1], strides = [1]} : vector<16xi32> to vector<1xi32>
    %squeeze3A_1852 = vector.extract %slice3A_1851[0] : i32 from vector<1xi32>
    %add3A_1853 = arith.addi %add3A_1850, %squeeze3A_1852 : i32
    %add3A_1854 = vector.broadcast %add3A_1853 : i32 to vector<16xi32>
    %add3A_1855 = arith.addi %add3A_1854, %mul3A_33 : vector<16xi32>
    %swap3A_1856 = arith.constant 3456 : index
    %swap3A_1857 = tpu.vector_load %arg6[%swap3A_1856] {strides = array<i32>} : memref<4800xi32, #tpu.memory_space<vmem>>, vector<16xi32>,
    %swap3A_1858 = vector.shape_cast %swap3A_1857 : vector<16xi32> to vector<16xi32>
    %swap3A_1859 = vector.shape_cast %add3A_1855 : vector<16xi32> to vector<16xi32>
    tpu.vector_store %arg6[%swap3A_1856], %swap3A_1859 {strides = array<i32>} : memref<4800xi32, #tpu.memory_space<vmem>>, vector<16xi32>,
    %add3A_1860 = vector.broadcast %add3A_1853 : i32 to vector<16xi32>
    %add3A_1861 = arith.addi %add3A_1860, %mul3A_39 : vector<16xi32>
    %swap3A_1862 = arith.constant 3472 : index
    %swap3A_1863 = tpu.vector_load %arg6[%swap3A_1862] {strides = array<i32>} : memref<4800xi32, #tpu.memory_space<vmem>>, vector<16xi32>,
    %swap3A_1864 = vector.shape_cast %swap3A_1863 : vector<16xi32> to vector<16xi32>
    %swap3A_1865 = vector.shape_cast %add3A_1861 : vector<16xi32> to vector<16xi32>
    tpu.vector_store %arg6[%swap3A_1862], %swap3A_1865 {strides = array<i32>} : memref<4800xi32, #tpu.memory_space<vmem>>, vector<16xi32>,
    %add3A_1866 = vector.broadcast %add3A_1853 : i32 to vector<16xi32>
    %add3A_1867 = arith.addi %add3A_1866, %mul3A_45 : vector<16xi32>
    %swap3A_1868 = arith.constant 3488 : index
    %swap3A_1869 = tpu.vector_load %arg6[%swap3A_1868] {strides = array<i32>} : memref<4800xi32, #tpu.memory_space<vmem>>, vector<16xi32>,
    %swap3A_1870 = vector.shape_cast %swap3A_1869 : vector<16xi32> to vector<16xi32>
    %swap3A_1871 = vector.shape_cast %add3A_1867 : vector<16xi32> to vector<16xi32>
    tpu.vector_store %arg6[%swap3A_1868], %swap3A_1871 {strides = array<i32>} : memref<4800xi32, #tpu.memory_space<vmem>>, vector<16xi32>,
    %add3A_1872 = vector.broadcast %add3A_1853 : i32 to vector<16xi32>
    %add3A_1873 = arith.addi %add3A_1872, %mul3A_51 : vector<16xi32>
    %swap3A_1874 = arith.constant 3504 : index
    %swap3A_1875 = tpu.vector_load %arg6[%swap3A_1874] {strides = array<i32>} : memref<4800xi32, #tpu.memory_space<vmem>>, vector<16xi32>,
    %swap3A_1876 = vector.shape_cast %swap3A_1875 : vector<16xi32> to vector<16xi32>
    %swap3A_1877 = vector.shape_cast %add3A_1873 : vector<16xi32> to vector<16xi32>
    tpu.vector_store %arg6[%swap3A_1874], %swap3A_1877 {strides = array<i32>} : memref<4800xi32, #tpu.memory_space<vmem>>, vector<16xi32>,
    %add3A_1878 = vector.broadcast %add3A_1853 : i32 to vector<16xi32>
    %add3A_1879 = arith.addi %add3A_1878, %mul3A_57 : vector<16xi32>
    %swap3A_1880 = arith.constant 3520 : index
    %swap3A_1881 = tpu.vector_load %arg6[%swap3A_1880] {strides = array<i32>} : memref<4800xi32, #tpu.memory_space<vmem>>, vector<16xi32>,
    %swap3A_1882 = vector.shape_cast %swap3A_1881 : vector<16xi32> to vector<16xi32>
    %swap3A_1883 = vector.shape_cast %add3A_1879 : vector<16xi32> to vector<16xi32>
    tpu.vector_store %arg6[%swap3A_1880], %swap3A_1883 {strides = array<i32>} : memref<4800xi32, #tpu.memory_space<vmem>>, vector<16xi32>,
    %add3A_1884 = vector.broadcast %add3A_1853 : i32 to vector<16xi32>
    %add3A_1885 = arith.addi %add3A_1884, %mul3A_63 : vector<16xi32>
    %swap3A_1886 = arith.constant 3536 : index
    %swap3A_1887 = tpu.vector_load %arg6[%swap3A_1886] {strides = array<i32>} : memref<4800xi32, #tpu.memory_space<vmem>>, vector<16xi32>,
    %swap3A_1888 = vector.shape_cast %swap3A_1887 : vector<16xi32> to vector<16xi32>
    %swap3A_1889 = vector.shape_cast %add3A_1885 : vector<16xi32> to vector<16xi32>
    tpu.vector_store %arg6[%swap3A_1886], %swap3A_1889 {strides = array<i32>} : memref<4800xi32, #tpu.memory_space<vmem>>, vector<16xi32>,
    %add3A_1890 = arith.constant 74 : i32
    %add3A_1891 = arith.addi %sub3A_27, %add3A_1890 : i32
    %get3A_1892 = arith.index_cast %add3A_1891 : i32 to index
    %get3A_1893 = tpu.vector_load %arg5[%get3A_1892] {strides = array<i32>} : memref<112xi32, #tpu.memory_space<vmem>>, vector<16xi32>,
    %get3A_1894 = vector.shape_cast %get3A_1893 : vector<16xi32> to vector<16xi32>
    %slice3A_1895 = vector.extract_strided_slice %get3A_1894 {offsets = [1], sizes = [1], strides = [1]} : vector<16xi32> to vector<1xi32>
    %squeeze3A_1896 = vector.extract %slice3A_1895[0] : i32 from vector<1xi32>
    %mul3A_1897 = arith.constant 128 : i32
    %mul3A_1898 = arith.muli %squeeze3A_1896, %mul3A_1897 : i32
    %add3A_1899 = arith.addi %mul3A_4, %mul3A_1898 : i32
    %slice3A_1900 = vector.extract_strided_slice %get3A_1894 {offsets = [0], sizes = [1], strides = [1]} : vector<16xi32> to vector<1xi32>
    %squeeze3A_1901 = vector.extract %slice3A_1900[0] : i32 from vector<1xi32>
    %add3A_1902 = arith.addi %add3A_1899, %squeeze3A_1901 : i32
    %add3A_1903 = vector.broadcast %add3A_1902 : i32 to vector<16xi32>
    %add3A_1904 = arith.addi %add3A_1903, %mul3A_33 : vector<16xi32>
    %swap3A_1905 = arith.constant 3552 : index
    %swap3A_1906 = tpu.vector_load %arg6[%swap3A_1905] {strides = array<i32>} : memref<4800xi32, #tpu.memory_space<vmem>>, vector<16xi32>,
    %swap3A_1907 = vector.shape_cast %swap3A_1906 : vector<16xi32> to vector<16xi32>
    %swap3A_1908 = vector.shape_cast %add3A_1904 : vector<16xi32> to vector<16xi32>
    tpu.vector_store %arg6[%swap3A_1905], %swap3A_1908 {strides = array<i32>} : memref<4800xi32, #tpu.memory_space<vmem>>, vector<16xi32>,
    %add3A_1909 = vector.broadcast %add3A_1902 : i32 to vector<16xi32>
    %add3A_1910 = arith.addi %add3A_1909, %mul3A_39 : vector<16xi32>
    %swap3A_1911 = arith.constant 3568 : index
    %swap3A_1912 = tpu.vector_load %arg6[%swap3A_1911] {strides = array<i32>} : memref<4800xi32, #tpu.memory_space<vmem>>, vector<16xi32>,
    %swap3A_1913 = vector.shape_cast %swap3A_1912 : vector<16xi32> to vector<16xi32>
    %swap3A_1914 = vector.shape_cast %add3A_1910 : vector<16xi32> to vector<16xi32>
    tpu.vector_store %arg6[%swap3A_1911], %swap3A_1914 {strides = array<i32>} : memref<4800xi32, #tpu.memory_space<vmem>>, vector<16xi32>,
    %add3A_1915 = vector.broadcast %add3A_1902 : i32 to vector<16xi32>
    %add3A_1916 = arith.addi %add3A_1915, %mul3A_45 : vector<16xi32>
    %swap3A_1917 = arith.constant 3584 : index
    %swap3A_1918 = tpu.vector_load %arg6[%swap3A_1917] {strides = array<i32>} : memref<4800xi32, #tpu.memory_space<vmem>>, vector<16xi32>,
    %swap3A_1919 = vector.shape_cast %swap3A_1918 : vector<16xi32> to vector<16xi32>
    %swap3A_1920 = vector.shape_cast %add3A_1916 : vector<16xi32> to vector<16xi32>
    tpu.vector_store %arg6[%swap3A_1917], %swap3A_1920 {strides = array<i32>} : memref<4800xi32, #tpu.memory_space<vmem>>, vector<16xi32>,
    %add3A_1921 = vector.broadcast %add3A_1902 : i32 to vector<16xi32>
    %add3A_1922 = arith.addi %add3A_1921, %mul3A_51 : vector<16xi32>
    %swap3A_1923 = arith.constant 3600 : index
    %swap3A_1924 = tpu.vector_load %arg6[%swap3A_1923] {strides = array<i32>} : memref<4800xi32, #tpu.memory_space<vmem>>, vector<16xi32>,
    %swap3A_1925 = vector.shape_cast %swap3A_1924 : vector<16xi32> to vector<16xi32>
    %swap3A_1926 = vector.shape_cast %add3A_1922 : vector<16xi32> to vector<16xi32>
    tpu.vector_store %arg6[%swap3A_1923], %swap3A_1926 {strides = array<i32>} : memref<4800xi32, #tpu.memory_space<vmem>>, vector<16xi32>,
    %add3A_1927 = vector.broadcast %add3A_1902 : i32 to vector<16xi32>
    %add3A_1928 = arith.addi %add3A_1927, %mul3A_57 : vector<16xi32>
    %swap3A_1929 = arith.constant 3616 : index
    %swap3A_1930 = tpu.vector_load %arg6[%swap3A_1929] {strides = array<i32>} : memref<4800xi32, #tpu.memory_space<vmem>>, vector<16xi32>,
    %swap3A_1931 = vector.shape_cast %swap3A_1930 : vector<16xi32> to vector<16xi32>
    %swap3A_1932 = vector.shape_cast %add3A_1928 : vector<16xi32> to vector<16xi32>
    tpu.vector_store %arg6[%swap3A_1929], %swap3A_1932 {strides = array<i32>} : memref<4800xi32, #tpu.memory_space<vmem>>, vector<16xi32>,
    %add3A_1933 = vector.broadcast %add3A_1902 : i32 to vector<16xi32>
    %add3A_1934 = arith.addi %add3A_1933, %mul3A_63 : vector<16xi32>
    %swap3A_1935 = arith.constant 3632 : index
    %swap3A_1936 = tpu.vector_load %arg6[%swap3A_1935] {strides = array<i32>} : memref<4800xi32, #tpu.memory_space<vmem>>, vector<16xi32>,
    %swap3A_1937 = vector.shape_cast %swap3A_1936 : vector<16xi32> to vector<16xi32>
    %swap3A_1938 = vector.shape_cast %add3A_1934 : vector<16xi32> to vector<16xi32>
    tpu.vector_store %arg6[%swap3A_1935], %swap3A_1938 {strides = array<i32>} : memref<4800xi32, #tpu.memory_space<vmem>>, vector<16xi32>,
    %add3A_1939 = arith.constant 76 : i32
    %add3A_1940 = arith.addi %sub3A_27, %add3A_1939 : i32
    %get3A_1941 = arith.index_cast %add3A_1940 : i32 to index
    %get3A_1942 = tpu.vector_load %arg5[%get3A_1941] {strides = array<i32>} : memref<112xi32, #tpu.memory_space<vmem>>, vector<16xi32>,
    %get3A_1943 = vector.shape_cast %get3A_1942 : vector<16xi32> to vector<16xi32>
    %slice3A_1944 = vector.extract_strided_slice %get3A_1943 {offsets = [1], sizes = [1], strides = [1]} : vector<16xi32> to vector<1xi32>
    %squeeze3A_1945 = vector.extract %slice3A_1944[0] : i32 from vector<1xi32>
    %mul3A_1946 = arith.constant 128 : i32
    %mul3A_1947 = arith.muli %squeeze3A_1945, %mul3A_1946 : i32
    %add3A_1948 = arith.addi %mul3A_4, %mul3A_1947 : i32
    %slice3A_1949 = vector.extract_strided_slice %get3A_1943 {offsets = [0], sizes = [1], strides = [1]} : vector<16xi32> to vector<1xi32>
    %squeeze3A_1950 = vector.extract %slice3A_1949[0] : i32 from vector<1xi32>
    %add3A_1951 = arith.addi %add3A_1948, %squeeze3A_1950 : i32
    %add3A_1952 = vector.broadcast %add3A_1951 : i32 to vector<16xi32>
    %add3A_1953 = arith.addi %add3A_1952, %mul3A_33 : vector<16xi32>
    %swap3A_1954 = arith.constant 3648 : index
    %swap3A_1955 = tpu.vector_load %arg6[%swap3A_1954] {strides = array<i32>} : memref<4800xi32, #tpu.memory_space<vmem>>, vector<16xi32>,
    %swap3A_1956 = vector.shape_cast %swap3A_1955 : vector<16xi32> to vector<16xi32>
    %swap3A_1957 = vector.shape_cast %add3A_1953 : vector<16xi32> to vector<16xi32>
    tpu.vector_store %arg6[%swap3A_1954], %swap3A_1957 {strides = array<i32>} : memref<4800xi32, #tpu.memory_space<vmem>>, vector<16xi32>,
    %add3A_1958 = vector.broadcast %add3A_1951 : i32 to vector<16xi32>
    %add3A_1959 = arith.addi %add3A_1958, %mul3A_39 : vector<16xi32>
    %swap3A_1960 = arith.constant 3664 : index
    %swap3A_1961 = tpu.vector_load %arg6[%swap3A_1960] {strides = array<i32>} : memref<4800xi32, #tpu.memory_space<vmem>>, vector<16xi32>,
    %swap3A_1962 = vector.shape_cast %swap3A_1961 : vector<16xi32> to vector<16xi32>
    %swap3A_1963 = vector.shape_cast %add3A_1959 : vector<16xi32> to vector<16xi32>
    tpu.vector_store %arg6[%swap3A_1960], %swap3A_1963 {strides = array<i32>} : memref<4800xi32, #tpu.memory_space<vmem>>, vector<16xi32>,
    %add3A_1964 = vector.broadcast %add3A_1951 : i32 to vector<16xi32>
    %add3A_1965 = arith.addi %add3A_1964, %mul3A_45 : vector<16xi32>
    %swap3A_1966 = arith.constant 3680 : index
    %swap3A_1967 = tpu.vector_load %arg6[%swap3A_1966] {strides = array<i32>} : memref<4800xi32, #tpu.memory_space<vmem>>, vector<16xi32>,
    %swap3A_1968 = vector.shape_cast %swap3A_1967 : vector<16xi32> to vector<16xi32>
    %swap3A_1969 = vector.shape_cast %add3A_1965 : vector<16xi32> to vector<16xi32>
    tpu.vector_store %arg6[%swap3A_1966], %swap3A_1969 {strides = array<i32>} : memref<4800xi32, #tpu.memory_space<vmem>>, vector<16xi32>,
    %add3A_1970 = vector.broadcast %add3A_1951 : i32 to vector<16xi32>
    %add3A_1971 = arith.addi %add3A_1970, %mul3A_51 : vector<16xi32>
    %swap3A_1972 = arith.constant 3696 : index
    %swap3A_1973 = tpu.vector_load %arg6[%swap3A_1972] {strides = array<i32>} : memref<4800xi32, #tpu.memory_space<vmem>>, vector<16xi32>,
    %swap3A_1974 = vector.shape_cast %swap3A_1973 : vector<16xi32> to vector<16xi32>
    %swap3A_1975 = vector.shape_cast %add3A_1971 : vector<16xi32> to vector<16xi32>
    tpu.vector_store %arg6[%swap3A_1972], %swap3A_1975 {strides = array<i32>} : memref<4800xi32, #tpu.memory_space<vmem>>, vector<16xi32>,
    %add3A_1976 = vector.broadcast %add3A_1951 : i32 to vector<16xi32>
    %add3A_1977 = arith.addi %add3A_1976, %mul3A_57 : vector<16xi32>
    %swap3A_1978 = arith.constant 3712 : index
    %swap3A_1979 = tpu.vector_load %arg6[%swap3A_1978] {strides = array<i32>} : memref<4800xi32, #tpu.memory_space<vmem>>, vector<16xi32>,
    %swap3A_1980 = vector.shape_cast %swap3A_1979 : vector<16xi32> to vector<16xi32>
    %swap3A_1981 = vector.shape_cast %add3A_1977 : vector<16xi32> to vector<16xi32>
    tpu.vector_store %arg6[%swap3A_1978], %swap3A_1981 {strides = array<i32>} : memref<4800xi32, #tpu.memory_space<vmem>>, vector<16xi32>,
    %add3A_1982 = vector.broadcast %add3A_1951 : i32 to vector<16xi32>
    %add3A_1983 = arith.addi %add3A_1982, %mul3A_63 : vector<16xi32>
    %swap3A_1984 = arith.constant 3728 : index
    %swap3A_1985 = tpu.vector_load %arg6[%swap3A_1984] {strides = array<i32>} : memref<4800xi32, #tpu.memory_space<vmem>>, vector<16xi32>,
    %swap3A_1986 = vector.shape_cast %swap3A_1985 : vector<16xi32> to vector<16xi32>
    %swap3A_1987 = vector.shape_cast %add3A_1983 : vector<16xi32> to vector<16xi32>
    tpu.vector_store %arg6[%swap3A_1984], %swap3A_1987 {strides = array<i32>} : memref<4800xi32, #tpu.memory_space<vmem>>, vector<16xi32>,
    %add3A_1988 = arith.constant 78 : i32
    %add3A_1989 = arith.addi %sub3A_27, %add3A_1988 : i32
    %get3A_1990 = arith.index_cast %add3A_1989 : i32 to index
    %get3A_1991 = tpu.vector_load %arg5[%get3A_1990] {strides = array<i32>} : memref<112xi32, #tpu.memory_space<vmem>>, vector<16xi32>,
    %get3A_1992 = vector.shape_cast %get3A_1991 : vector<16xi32> to vector<16xi32>
    %slice3A_1993 = vector.extract_strided_slice %get3A_1992 {offsets = [1], sizes = [1], strides = [1]} : vector<16xi32> to vector<1xi32>
    %squeeze3A_1994 = vector.extract %slice3A_1993[0] : i32 from vector<1xi32>
    %mul3A_1995 = arith.constant 128 : i32
    %mul3A_1996 = arith.muli %squeeze3A_1994, %mul3A_1995 : i32
    %add3A_1997 = arith.addi %mul3A_4, %mul3A_1996 : i32
    %slice3A_1998 = vector.extract_strided_slice %get3A_1992 {offsets = [0], sizes = [1], strides = [1]} : vector<16xi32> to vector<1xi32>
    %squeeze3A_1999 = vector.extract %slice3A_1998[0] : i32 from vector<1xi32>
    %add3A_2000 = arith.addi %add3A_1997, %squeeze3A_1999 : i32
    %add3A_2001 = vector.broadcast %add3A_2000 : i32 to vector<16xi32>
    %add3A_2002 = arith.addi %add3A_2001, %mul3A_33 : vector<16xi32>
    %swap3A_2003 = arith.constant 3744 : index
    %swap3A_2004 = tpu.vector_load %arg6[%swap3A_2003] {strides = array<i32>} : memref<4800xi32, #tpu.memory_space<vmem>>, vector<16xi32>,
    %swap3A_2005 = vector.shape_cast %swap3A_2004 : vector<16xi32> to vector<16xi32>
    %swap3A_2006 = vector.shape_cast %add3A_2002 : vector<16xi32> to vector<16xi32>
    tpu.vector_store %arg6[%swap3A_2003], %swap3A_2006 {strides = array<i32>} : memref<4800xi32, #tpu.memory_space<vmem>>, vector<16xi32>,
    %add3A_2007 = vector.broadcast %add3A_2000 : i32 to vector<16xi32>
    %add3A_2008 = arith.addi %add3A_2007, %mul3A_39 : vector<16xi32>
    %swap3A_2009 = arith.constant 3760 : index
    %swap3A_2010 = tpu.vector_load %arg6[%swap3A_2009] {strides = array<i32>} : memref<4800xi32, #tpu.memory_space<vmem>>, vector<16xi32>,
    %swap3A_2011 = vector.shape_cast %swap3A_2010 : vector<16xi32> to vector<16xi32>
    %swap3A_2012 = vector.shape_cast %add3A_2008 : vector<16xi32> to vector<16xi32>
    tpu.vector_store %arg6[%swap3A_2009], %swap3A_2012 {strides = array<i32>} : memref<4800xi32, #tpu.memory_space<vmem>>, vector<16xi32>,
    %add3A_2013 = vector.broadcast %add3A_2000 : i32 to vector<16xi32>
    %add3A_2014 = arith.addi %add3A_2013, %mul3A_45 : vector<16xi32>
    %swap3A_2015 = arith.constant 3776 : index
    %swap3A_2016 = tpu.vector_load %arg6[%swap3A_2015] {strides = array<i32>} : memref<4800xi32, #tpu.memory_space<vmem>>, vector<16xi32>,
    %swap3A_2017 = vector.shape_cast %swap3A_2016 : vector<16xi32> to vector<16xi32>
    %swap3A_2018 = vector.shape_cast %add3A_2014 : vector<16xi32> to vector<16xi32>
    tpu.vector_store %arg6[%swap3A_2015], %swap3A_2018 {strides = array<i32>} : memref<4800xi32, #tpu.memory_space<vmem>>, vector<16xi32>,
    %add3A_2019 = vector.broadcast %add3A_2000 : i32 to vector<16xi32>
    %add3A_2020 = arith.addi %add3A_2019, %mul3A_51 : vector<16xi32>
    %swap3A_2021 = arith.constant 3792 : index
    %swap3A_2022 = tpu.vector_load %arg6[%swap3A_2021] {strides = array<i32>} : memref<4800xi32, #tpu.memory_space<vmem>>, vector<16xi32>,
    %swap3A_2023 = vector.shape_cast %swap3A_2022 : vector<16xi32> to vector<16xi32>
    %swap3A_2024 = vector.shape_cast %add3A_2020 : vector<16xi32> to vector<16xi32>
    tpu.vector_store %arg6[%swap3A_2021], %swap3A_2024 {strides = array<i32>} : memref<4800xi32, #tpu.memory_space<vmem>>, vector<16xi32>,
    %add3A_2025 = vector.broadcast %add3A_2000 : i32 to vector<16xi32>
    %add3A_2026 = arith.addi %add3A_2025, %mul3A_57 : vector<16xi32>
    %swap3A_2027 = arith.constant 3808 : index
    %swap3A_2028 = tpu.vector_load %arg6[%swap3A_2027] {strides = array<i32>} : memref<4800xi32, #tpu.memory_space<vmem>>, vector<16xi32>,
    %swap3A_2029 = vector.shape_cast %swap3A_2028 : vector<16xi32> to vector<16xi32>
    %swap3A_2030 = vector.shape_cast %add3A_2026 : vector<16xi32> to vector<16xi32>
    tpu.vector_store %arg6[%swap3A_2027], %swap3A_2030 {strides = array<i32>} : memref<4800xi32, #tpu.memory_space<vmem>>, vector<16xi32>,
    %add3A_2031 = vector.broadcast %add3A_2000 : i32 to vector<16xi32>
    %add3A_2032 = arith.addi %add3A_2031, %mul3A_63 : vector<16xi32>
    %swap3A_2033 = arith.constant 3824 : index
    %swap3A_2034 = tpu.vector_load %arg6[%swap3A_2033] {strides = array<i32>} : memref<4800xi32, #tpu.memory_space<vmem>>, vector<16xi32>,
    %swap3A_2035 = vector.shape_cast %swap3A_2034 : vector<16xi32> to vector<16xi32>
    %swap3A_2036 = vector.shape_cast %add3A_2032 : vector<16xi32> to vector<16xi32>
    tpu.vector_store %arg6[%swap3A_2033], %swap3A_2036 {strides = array<i32>} : memref<4800xi32, #tpu.memory_space<vmem>>, vector<16xi32>,
    %dma_start3A_2037 = arith.constant 2880 : i32
    %dma_start3A_2038 = tpu.memref_slice %arg7[%dma_start3A_2037] : memref<4800xf32, #tpu.memory_space<vmem>> -> memref<960xf32, #tpu.memory_space<vmem>>
    %dma_start3A_2039 = arith.constant 2880 : i32
    %dma_start3A_2040 = tpu.memref_slice %arg6[%dma_start3A_2039] : memref<4800xi32, #tpu.memory_space<vmem>> -> memref<960xi32, #tpu.memory_space<vmem>>
    %dma_start3A_2041 = arith.constant 0 : i32
    %dma_start3A_2042 = tpu.memref_slice %arg2[%dma_start3A_2041] : memref<25165824xf32, #tpu.memory_space<hbm>> -> memref<25165824xf32, #tpu.memory_space<hbm>>
    tpu.enqueue_indirect_dma source(%dma_start3A_2042 : memref<25165824xf32, #tpu.memory_space<hbm>>) target(%dma_start3A_2038 : memref<960xf32, #tpu.memory_space<vmem>>) offsets(%dma_start3A_2040 : memref<960xi32, #tpu.memory_space<vmem>>) semaphore(%arg8 : memref<!tpu.dma_semaphore, #tpu.memory_space<semaphore_mem>>)
    %add3A_2043 = arith.constant 80 : i32
    %add3A_2044 = arith.addi %sub3A_27, %add3A_2043 : i32
    %get3A_2045 = arith.index_cast %add3A_2044 : i32 to index
    %get3A_2046 = tpu.vector_load %arg5[%get3A_2045] {strides = array<i32>} : memref<112xi32, #tpu.memory_space<vmem>>, vector<16xi32>,
    %get3A_2047 = vector.shape_cast %get3A_2046 : vector<16xi32> to vector<16xi32>
    %slice3A_2048 = vector.extract_strided_slice %get3A_2047 {offsets = [1], sizes = [1], strides = [1]} : vector<16xi32> to vector<1xi32>
    %squeeze3A_2049 = vector.extract %slice3A_2048[0] : i32 from vector<1xi32>
    %mul3A_2050 = arith.constant 128 : i32
    %mul3A_2051 = arith.muli %squeeze3A_2049, %mul3A_2050 : i32
    %add3A_2052 = arith.addi %mul3A_4, %mul3A_2051 : i32
    %slice3A_2053 = vector.extract_strided_slice %get3A_2047 {offsets = [0], sizes = [1], strides = [1]} : vector<16xi32> to vector<1xi32>
    %squeeze3A_2054 = vector.extract %slice3A_2053[0] : i32 from vector<1xi32>
    %add3A_2055 = arith.addi %add3A_2052, %squeeze3A_2054 : i32
    %add3A_2056 = vector.broadcast %add3A_2055 : i32 to vector<16xi32>
    %add3A_2057 = arith.addi %add3A_2056, %mul3A_33 : vector<16xi32>
    %swap3A_2058 = arith.constant 3840 : index
    %swap3A_2059 = tpu.vector_load %arg6[%swap3A_2058] {strides = array<i32>} : memref<4800xi32, #tpu.memory_space<vmem>>, vector<16xi32>,
    %swap3A_2060 = vector.shape_cast %swap3A_2059 : vector<16xi32> to vector<16xi32>
    %swap3A_2061 = vector.shape_cast %add3A_2057 : vector<16xi32> to vector<16xi32>
    tpu.vector_store %arg6[%swap3A_2058], %swap3A_2061 {strides = array<i32>} : memref<4800xi32, #tpu.memory_space<vmem>>, vector<16xi32>,
    %add3A_2062 = vector.broadcast %add3A_2055 : i32 to vector<16xi32>
    %add3A_2063 = arith.addi %add3A_2062, %mul3A_39 : vector<16xi32>
    %swap3A_2064 = arith.constant 3856 : index
    %swap3A_2065 = tpu.vector_load %arg6[%swap3A_2064] {strides = array<i32>} : memref<4800xi32, #tpu.memory_space<vmem>>, vector<16xi32>,
    %swap3A_2066 = vector.shape_cast %swap3A_2065 : vector<16xi32> to vector<16xi32>
    %swap3A_2067 = vector.shape_cast %add3A_2063 : vector<16xi32> to vector<16xi32>
    tpu.vector_store %arg6[%swap3A_2064], %swap3A_2067 {strides = array<i32>} : memref<4800xi32, #tpu.memory_space<vmem>>, vector<16xi32>,
    %add3A_2068 = vector.broadcast %add3A_2055 : i32 to vector<16xi32>
    %add3A_2069 = arith.addi %add3A_2068, %mul3A_45 : vector<16xi32>
    %swap3A_2070 = arith.constant 3872 : index
    %swap3A_2071 = tpu.vector_load %arg6[%swap3A_2070] {strides = array<i32>} : memref<4800xi32, #tpu.memory_space<vmem>>, vector<16xi32>,
    %swap3A_2072 = vector.shape_cast %swap3A_2071 : vector<16xi32> to vector<16xi32>
    %swap3A_2073 = vector.shape_cast %add3A_2069 : vector<16xi32> to vector<16xi32>
    tpu.vector_store %arg6[%swap3A_2070], %swap3A_2073 {strides = array<i32>} : memref<4800xi32, #tpu.memory_space<vmem>>, vector<16xi32>,
    %add3A_2074 = vector.broadcast %add3A_2055 : i32 to vector<16xi32>
    %add3A_2075 = arith.addi %add3A_2074, %mul3A_51 : vector<16xi32>
    %swap3A_2076 = arith.constant 3888 : index
    %swap3A_2077 = tpu.vector_load %arg6[%swap3A_2076] {strides = array<i32>} : memref<4800xi32, #tpu.memory_space<vmem>>, vector<16xi32>,
    %swap3A_2078 = vector.shape_cast %swap3A_2077 : vector<16xi32> to vector<16xi32>
    %swap3A_2079 = vector.shape_cast %add3A_2075 : vector<16xi32> to vector<16xi32>
    tpu.vector_store %arg6[%swap3A_2076], %swap3A_2079 {strides = array<i32>} : memref<4800xi32, #tpu.memory_space<vmem>>, vector<16xi32>,
    %add3A_2080 = vector.broadcast %add3A_2055 : i32 to vector<16xi32>
    %add3A_2081 = arith.addi %add3A_2080, %mul3A_57 : vector<16xi32>
    %swap3A_2082 = arith.constant 3904 : index
    %swap3A_2083 = tpu.vector_load %arg6[%swap3A_2082] {strides = array<i32>} : memref<4800xi32, #tpu.memory_space<vmem>>, vector<16xi32>,
    %swap3A_2084 = vector.shape_cast %swap3A_2083 : vector<16xi32> to vector<16xi32>
    %swap3A_2085 = vector.shape_cast %add3A_2081 : vector<16xi32> to vector<16xi32>
    tpu.vector_store %arg6[%swap3A_2082], %swap3A_2085 {strides = array<i32>} : memref<4800xi32, #tpu.memory_space<vmem>>, vector<16xi32>,
    %add3A_2086 = vector.broadcast %add3A_2055 : i32 to vector<16xi32>
    %add3A_2087 = arith.addi %add3A_2086, %mul3A_63 : vector<16xi32>
    %swap3A_2088 = arith.constant 3920 : index
    %swap3A_2089 = tpu.vector_load %arg6[%swap3A_2088] {strides = array<i32>} : memref<4800xi32, #tpu.memory_space<vmem>>, vector<16xi32>,
    %swap3A_2090 = vector.shape_cast %swap3A_2089 : vector<16xi32> to vector<16xi32>
    %swap3A_2091 = vector.shape_cast %add3A_2087 : vector<16xi32> to vector<16xi32>
    tpu.vector_store %arg6[%swap3A_2088], %swap3A_2091 {strides = array<i32>} : memref<4800xi32, #tpu.memory_space<vmem>>, vector<16xi32>,
    %add3A_2092 = arith.constant 82 : i32
    %add3A_2093 = arith.addi %sub3A_27, %add3A_2092 : i32
    %get3A_2094 = arith.index_cast %add3A_2093 : i32 to index
    %get3A_2095 = tpu.vector_load %arg5[%get3A_2094] {strides = array<i32>} : memref<112xi32, #tpu.memory_space<vmem>>, vector<16xi32>,
    %get3A_2096 = vector.shape_cast %get3A_2095 : vector<16xi32> to vector<16xi32>
    %slice3A_2097 = vector.extract_strided_slice %get3A_2096 {offsets = [1], sizes = [1], strides = [1]} : vector<16xi32> to vector<1xi32>
    %squeeze3A_2098 = vector.extract %slice3A_2097[0] : i32 from vector<1xi32>
    %mul3A_2099 = arith.constant 128 : i32
    %mul3A_2100 = arith.muli %squeeze3A_2098, %mul3A_2099 : i32
    %add3A_2101 = arith.addi %mul3A_4, %mul3A_2100 : i32
    %slice3A_2102 = vector.extract_strided_slice %get3A_2096 {offsets = [0], sizes = [1], strides = [1]} : vector<16xi32> to vector<1xi32>
    %squeeze3A_2103 = vector.extract %slice3A_2102[0] : i32 from vector<1xi32>
    %add3A_2104 = arith.addi %add3A_2101, %squeeze3A_2103 : i32
    %add3A_2105 = vector.broadcast %add3A_2104 : i32 to vector<16xi32>
    %add3A_2106 = arith.addi %add3A_2105, %mul3A_33 : vector<16xi32>
    %swap3A_2107 = arith.constant 3936 : index
    %swap3A_2108 = tpu.vector_load %arg6[%swap3A_2107] {strides = array<i32>} : memref<4800xi32, #tpu.memory_space<vmem>>, vector<16xi32>,
    %swap3A_2109 = vector.shape_cast %swap3A_2108 : vector<16xi32> to vector<16xi32>
    %swap3A_2110 = vector.shape_cast %add3A_2106 : vector<16xi32> to vector<16xi32>
    tpu.vector_store %arg6[%swap3A_2107], %swap3A_2110 {strides = array<i32>} : memref<4800xi32, #tpu.memory_space<vmem>>, vector<16xi32>,
    %add3A_2111 = vector.broadcast %add3A_2104 : i32 to vector<16xi32>
    %add3A_2112 = arith.addi %add3A_2111, %mul3A_39 : vector<16xi32>
    %swap3A_2113 = arith.constant 3952 : index
    %swap3A_2114 = tpu.vector_load %arg6[%swap3A_2113] {strides = array<i32>} : memref<4800xi32, #tpu.memory_space<vmem>>, vector<16xi32>,
    %swap3A_2115 = vector.shape_cast %swap3A_2114 : vector<16xi32> to vector<16xi32>
    %swap3A_2116 = vector.shape_cast %add3A_2112 : vector<16xi32> to vector<16xi32>
    tpu.vector_store %arg6[%swap3A_2113], %swap3A_2116 {strides = array<i32>} : memref<4800xi32, #tpu.memory_space<vmem>>, vector<16xi32>,
    %add3A_2117 = vector.broadcast %add3A_2104 : i32 to vector<16xi32>
    %add3A_2118 = arith.addi %add3A_2117, %mul3A_45 : vector<16xi32>
    %swap3A_2119 = arith.constant 3968 : index
    %swap3A_2120 = tpu.vector_load %arg6[%swap3A_2119] {strides = array<i32>} : memref<4800xi32, #tpu.memory_space<vmem>>, vector<16xi32>,
    %swap3A_2121 = vector.shape_cast %swap3A_2120 : vector<16xi32> to vector<16xi32>
    %swap3A_2122 = vector.shape_cast %add3A_2118 : vector<16xi32> to vector<16xi32>
    tpu.vector_store %arg6[%swap3A_2119], %swap3A_2122 {strides = array<i32>} : memref<4800xi32, #tpu.memory_space<vmem>>, vector<16xi32>,
    %add3A_2123 = vector.broadcast %add3A_2104 : i32 to vector<16xi32>
    %add3A_2124 = arith.addi %add3A_2123, %mul3A_51 : vector<16xi32>
    %swap3A_2125 = arith.constant 3984 : index
    %swap3A_2126 = tpu.vector_load %arg6[%swap3A_2125] {strides = array<i32>} : memref<4800xi32, #tpu.memory_space<vmem>>, vector<16xi32>,
    %swap3A_2127 = vector.shape_cast %swap3A_2126 : vector<16xi32> to vector<16xi32>
    %swap3A_2128 = vector.shape_cast %add3A_2124 : vector<16xi32> to vector<16xi32>
    tpu.vector_store %arg6[%swap3A_2125], %swap3A_2128 {strides = array<i32>} : memref<4800xi32, #tpu.memory_space<vmem>>, vector<16xi32>,
    %add3A_2129 = vector.broadcast %add3A_2104 : i32 to vector<16xi32>
    %add3A_2130 = arith.addi %add3A_2129, %mul3A_57 : vector<16xi32>
    %swap3A_2131 = arith.constant 4000 : index
    %swap3A_2132 = tpu.vector_load %arg6[%swap3A_2131] {strides = array<i32>} : memref<4800xi32, #tpu.memory_space<vmem>>, vector<16xi32>,
    %swap3A_2133 = vector.shape_cast %swap3A_2132 : vector<16xi32> to vector<16xi32>
    %swap3A_2134 = vector.shape_cast %add3A_2130 : vector<16xi32> to vector<16xi32>
    tpu.vector_store %arg6[%swap3A_2131], %swap3A_2134 {strides = array<i32>} : memref<4800xi32, #tpu.memory_space<vmem>>, vector<16xi32>,
    %add3A_2135 = vector.broadcast %add3A_2104 : i32 to vector<16xi32>
    %add3A_2136 = arith.addi %add3A_2135, %mul3A_63 : vector<16xi32>
    %swap3A_2137 = arith.constant 4016 : index
    %swap3A_2138 = tpu.vector_load %arg6[%swap3A_2137] {strides = array<i32>} : memref<4800xi32, #tpu.memory_space<vmem>>, vector<16xi32>,
    %swap3A_2139 = vector.shape_cast %swap3A_2138 : vector<16xi32> to vector<16xi32>
    %swap3A_2140 = vector.shape_cast %add3A_2136 : vector<16xi32> to vector<16xi32>
    tpu.vector_store %arg6[%swap3A_2137], %swap3A_2140 {strides = array<i32>} : memref<4800xi32, #tpu.memory_space<vmem>>, vector<16xi32>,
    %add3A_2141 = arith.constant 84 : i32
    %add3A_2142 = arith.addi %sub3A_27, %add3A_2141 : i32
    %get3A_2143 = arith.index_cast %add3A_2142 : i32 to index
    %get3A_2144 = tpu.vector_load %arg5[%get3A_2143] {strides = array<i32>} : memref<112xi32, #tpu.memory_space<vmem>>, vector<16xi32>,
    %get3A_2145 = vector.shape_cast %get3A_2144 : vector<16xi32> to vector<16xi32>
    %slice3A_2146 = vector.extract_strided_slice %get3A_2145 {offsets = [1], sizes = [1], strides = [1]} : vector<16xi32> to vector<1xi32>
    %squeeze3A_2147 = vector.extract %slice3A_2146[0] : i32 from vector<1xi32>
    %mul3A_2148 = arith.constant 128 : i32
    %mul3A_2149 = arith.muli %squeeze3A_2147, %mul3A_2148 : i32
    %add3A_2150 = arith.addi %mul3A_4, %mul3A_2149 : i32
    %slice3A_2151 = vector.extract_strided_slice %get3A_2145 {offsets = [0], sizes = [1], strides = [1]} : vector<16xi32> to vector<1xi32>
    %squeeze3A_2152 = vector.extract %slice3A_2151[0] : i32 from vector<1xi32>
    %add3A_2153 = arith.addi %add3A_2150, %squeeze3A_2152 : i32
    %add3A_2154 = vector.broadcast %add3A_2153 : i32 to vector<16xi32>
    %add3A_2155 = arith.addi %add3A_2154, %mul3A_33 : vector<16xi32>
    %swap3A_2156 = arith.constant 4032 : index
    %swap3A_2157 = tpu.vector_load %arg6[%swap3A_2156] {strides = array<i32>} : memref<4800xi32, #tpu.memory_space<vmem>>, vector<16xi32>,
    %swap3A_2158 = vector.shape_cast %swap3A_2157 : vector<16xi32> to vector<16xi32>
    %swap3A_2159 = vector.shape_cast %add3A_2155 : vector<16xi32> to vector<16xi32>
    tpu.vector_store %arg6[%swap3A_2156], %swap3A_2159 {strides = array<i32>} : memref<4800xi32, #tpu.memory_space<vmem>>, vector<16xi32>,
    %add3A_2160 = vector.broadcast %add3A_2153 : i32 to vector<16xi32>
    %add3A_2161 = arith.addi %add3A_2160, %mul3A_39 : vector<16xi32>
    %swap3A_2162 = arith.constant 4048 : index
    %swap3A_2163 = tpu.vector_load %arg6[%swap3A_2162] {strides = array<i32>} : memref<4800xi32, #tpu.memory_space<vmem>>, vector<16xi32>,
    %swap3A_2164 = vector.shape_cast %swap3A_2163 : vector<16xi32> to vector<16xi32>
    %swap3A_2165 = vector.shape_cast %add3A_2161 : vector<16xi32> to vector<16xi32>
    tpu.vector_store %arg6[%swap3A_2162], %swap3A_2165 {strides = array<i32>} : memref<4800xi32, #tpu.memory_space<vmem>>, vector<16xi32>,
    %add3A_2166 = vector.broadcast %add3A_2153 : i32 to vector<16xi32>
    %add3A_2167 = arith.addi %add3A_2166, %mul3A_45 : vector<16xi32>
    %swap3A_2168 = arith.constant 4064 : index
    %swap3A_2169 = tpu.vector_load %arg6[%swap3A_2168] {strides = array<i32>} : memref<4800xi32, #tpu.memory_space<vmem>>, vector<16xi32>,
    %swap3A_2170 = vector.shape_cast %swap3A_2169 : vector<16xi32> to vector<16xi32>
    %swap3A_2171 = vector.shape_cast %add3A_2167 : vector<16xi32> to vector<16xi32>
    tpu.vector_store %arg6[%swap3A_2168], %swap3A_2171 {strides = array<i32>} : memref<4800xi32, #tpu.memory_space<vmem>>, vector<16xi32>,
    %add3A_2172 = vector.broadcast %add3A_2153 : i32 to vector<16xi32>
    %add3A_2173 = arith.addi %add3A_2172, %mul3A_51 : vector<16xi32>
    %swap3A_2174 = arith.constant 4080 : index
    %swap3A_2175 = tpu.vector_load %arg6[%swap3A_2174] {strides = array<i32>} : memref<4800xi32, #tpu.memory_space<vmem>>, vector<16xi32>,
    %swap3A_2176 = vector.shape_cast %swap3A_2175 : vector<16xi32> to vector<16xi32>
    %swap3A_2177 = vector.shape_cast %add3A_2173 : vector<16xi32> to vector<16xi32>
    tpu.vector_store %arg6[%swap3A_2174], %swap3A_2177 {strides = array<i32>} : memref<4800xi32, #tpu.memory_space<vmem>>, vector<16xi32>,
    %add3A_2178 = vector.broadcast %add3A_2153 : i32 to vector<16xi32>
    %add3A_2179 = arith.addi %add3A_2178, %mul3A_57 : vector<16xi32>
    %swap3A_2180 = arith.constant 4096 : index
    %swap3A_2181 = tpu.vector_load %arg6[%swap3A_2180] {strides = array<i32>} : memref<4800xi32, #tpu.memory_space<vmem>>, vector<16xi32>,
    %swap3A_2182 = vector.shape_cast %swap3A_2181 : vector<16xi32> to vector<16xi32>
    %swap3A_2183 = vector.shape_cast %add3A_2179 : vector<16xi32> to vector<16xi32>
    tpu.vector_store %arg6[%swap3A_2180], %swap3A_2183 {strides = array<i32>} : memref<4800xi32, #tpu.memory_space<vmem>>, vector<16xi32>,
    %add3A_2184 = vector.broadcast %add3A_2153 : i32 to vector<16xi32>
    %add3A_2185 = arith.addi %add3A_2184, %mul3A_63 : vector<16xi32>
    %swap3A_2186 = arith.constant 4112 : index
    %swap3A_2187 = tpu.vector_load %arg6[%swap3A_2186] {strides = array<i32>} : memref<4800xi32, #tpu.memory_space<vmem>>, vector<16xi32>,
    %swap3A_2188 = vector.shape_cast %swap3A_2187 : vector<16xi32> to vector<16xi32>
    %swap3A_2189 = vector.shape_cast %add3A_2185 : vector<16xi32> to vector<16xi32>
    tpu.vector_store %arg6[%swap3A_2186], %swap3A_2189 {strides = array<i32>} : memref<4800xi32, #tpu.memory_space<vmem>>, vector<16xi32>,
    %add3A_2190 = arith.constant 86 : i32
    %add3A_2191 = arith.addi %sub3A_27, %add3A_2190 : i32
    %get3A_2192 = arith.index_cast %add3A_2191 : i32 to index
    %get3A_2193 = tpu.vector_load %arg5[%get3A_2192] {strides = array<i32>} : memref<112xi32, #tpu.memory_space<vmem>>, vector<16xi32>,
    %get3A_2194 = vector.shape_cast %get3A_2193 : vector<16xi32> to vector<16xi32>
    %slice3A_2195 = vector.extract_strided_slice %get3A_2194 {offsets = [1], sizes = [1], strides = [1]} : vector<16xi32> to vector<1xi32>
    %squeeze3A_2196 = vector.extract %slice3A_2195[0] : i32 from vector<1xi32>
    %mul3A_2197 = arith.constant 128 : i32
    %mul3A_2198 = arith.muli %squeeze3A_2196, %mul3A_2197 : i32
    %add3A_2199 = arith.addi %mul3A_4, %mul3A_2198 : i32
    %slice3A_2200 = vector.extract_strided_slice %get3A_2194 {offsets = [0], sizes = [1], strides = [1]} : vector<16xi32> to vector<1xi32>
    %squeeze3A_2201 = vector.extract %slice3A_2200[0] : i32 from vector<1xi32>
    %add3A_2202 = arith.addi %add3A_2199, %squeeze3A_2201 : i32
    %add3A_2203 = vector.broadcast %add3A_2202 : i32 to vector<16xi32>
    %add3A_2204 = arith.addi %add3A_2203, %mul3A_33 : vector<16xi32>
    %swap3A_2205 = arith.constant 4128 : index
    %swap3A_2206 = tpu.vector_load %arg6[%swap3A_2205] {strides = array<i32>} : memref<4800xi32, #tpu.memory_space<vmem>>, vector<16xi32>,
    %swap3A_2207 = vector.shape_cast %swap3A_2206 : vector<16xi32> to vector<16xi32>
    %swap3A_2208 = vector.shape_cast %add3A_2204 : vector<16xi32> to vector<16xi32>
    tpu.vector_store %arg6[%swap3A_2205], %swap3A_2208 {strides = array<i32>} : memref<4800xi32, #tpu.memory_space<vmem>>, vector<16xi32>,
    %add3A_2209 = vector.broadcast %add3A_2202 : i32 to vector<16xi32>
    %add3A_2210 = arith.addi %add3A_2209, %mul3A_39 : vector<16xi32>
    %swap3A_2211 = arith.constant 4144 : index
    %swap3A_2212 = tpu.vector_load %arg6[%swap3A_2211] {strides = array<i32>} : memref<4800xi32, #tpu.memory_space<vmem>>, vector<16xi32>,
    %swap3A_2213 = vector.shape_cast %swap3A_2212 : vector<16xi32> to vector<16xi32>
    %swap3A_2214 = vector.shape_cast %add3A_2210 : vector<16xi32> to vector<16xi32>
    tpu.vector_store %arg6[%swap3A_2211], %swap3A_2214 {strides = array<i32>} : memref<4800xi32, #tpu.memory_space<vmem>>, vector<16xi32>,
    %add3A_2215 = vector.broadcast %add3A_2202 : i32 to vector<16xi32>
    %add3A_2216 = arith.addi %add3A_2215, %mul3A_45 : vector<16xi32>
    %swap3A_2217 = arith.constant 4160 : index
    %swap3A_2218 = tpu.vector_load %arg6[%swap3A_2217] {strides = array<i32>} : memref<4800xi32, #tpu.memory_space<vmem>>, vector<16xi32>,
    %swap3A_2219 = vector.shape_cast %swap3A_2218 : vector<16xi32> to vector<16xi32>
    %swap3A_2220 = vector.shape_cast %add3A_2216 : vector<16xi32> to vector<16xi32>
    tpu.vector_store %arg6[%swap3A_2217], %swap3A_2220 {strides = array<i32>} : memref<4800xi32, #tpu.memory_space<vmem>>, vector<16xi32>,
    %add3A_2221 = vector.broadcast %add3A_2202 : i32 to vector<16xi32>
    %add3A_2222 = arith.addi %add3A_2221, %mul3A_51 : vector<16xi32>
    %swap3A_2223 = arith.constant 4176 : index
    %swap3A_2224 = tpu.vector_load %arg6[%swap3A_2223] {strides = array<i32>} : memref<4800xi32, #tpu.memory_space<vmem>>, vector<16xi32>,
    %swap3A_2225 = vector.shape_cast %swap3A_2224 : vector<16xi32> to vector<16xi32>
    %swap3A_2226 = vector.shape_cast %add3A_2222 : vector<16xi32> to vector<16xi32>
    tpu.vector_store %arg6[%swap3A_2223], %swap3A_2226 {strides = array<i32>} : memref<4800xi32, #tpu.memory_space<vmem>>, vector<16xi32>,
    %add3A_2227 = vector.broadcast %add3A_2202 : i32 to vector<16xi32>
    %add3A_2228 = arith.addi %add3A_2227, %mul3A_57 : vector<16xi32>
    %swap3A_2229 = arith.constant 4192 : index
    %swap3A_2230 = tpu.vector_load %arg6[%swap3A_2229] {strides = array<i32>} : memref<4800xi32, #tpu.memory_space<vmem>>, vector<16xi32>,
    %swap3A_2231 = vector.shape_cast %swap3A_2230 : vector<16xi32> to vector<16xi32>
    %swap3A_2232 = vector.shape_cast %add3A_2228 : vector<16xi32> to vector<16xi32>
    tpu.vector_store %arg6[%swap3A_2229], %swap3A_2232 {strides = array<i32>} : memref<4800xi32, #tpu.memory_space<vmem>>, vector<16xi32>,
    %add3A_2233 = vector.broadcast %add3A_2202 : i32 to vector<16xi32>
    %add3A_2234 = arith.addi %add3A_2233, %mul3A_63 : vector<16xi32>
    %swap3A_2235 = arith.constant 4208 : index
    %swap3A_2236 = tpu.vector_load %arg6[%swap3A_2235] {strides = array<i32>} : memref<4800xi32, #tpu.memory_space<vmem>>, vector<16xi32>,
    %swap3A_2237 = vector.shape_cast %swap3A_2236 : vector<16xi32> to vector<16xi32>
    %swap3A_2238 = vector.shape_cast %add3A_2234 : vector<16xi32> to vector<16xi32>
    tpu.vector_store %arg6[%swap3A_2235], %swap3A_2238 {strides = array<i32>} : memref<4800xi32, #tpu.memory_space<vmem>>, vector<16xi32>,
    %add3A_2239 = arith.constant 88 : i32
    %add3A_2240 = arith.addi %sub3A_27, %add3A_2239 : i32
    %get3A_2241 = arith.index_cast %add3A_2240 : i32 to index
    %get3A_2242 = tpu.vector_load %arg5[%get3A_2241] {strides = array<i32>} : memref<112xi32, #tpu.memory_space<vmem>>, vector<16xi32>,
    %get3A_2243 = vector.shape_cast %get3A_2242 : vector<16xi32> to vector<16xi32>
    %slice3A_2244 = vector.extract_strided_slice %get3A_2243 {offsets = [1], sizes = [1], strides = [1]} : vector<16xi32> to vector<1xi32>
    %squeeze3A_2245 = vector.extract %slice3A_2244[0] : i32 from vector<1xi32>
    %mul3A_2246 = arith.constant 128 : i32
    %mul3A_2247 = arith.muli %squeeze3A_2245, %mul3A_2246 : i32
    %add3A_2248 = arith.addi %mul3A_4, %mul3A_2247 : i32
    %slice3A_2249 = vector.extract_strided_slice %get3A_2243 {offsets = [0], sizes = [1], strides = [1]} : vector<16xi32> to vector<1xi32>
    %squeeze3A_2250 = vector.extract %slice3A_2249[0] : i32 from vector<1xi32>
    %add3A_2251 = arith.addi %add3A_2248, %squeeze3A_2250 : i32
    %add3A_2252 = vector.broadcast %add3A_2251 : i32 to vector<16xi32>
    %add3A_2253 = arith.addi %add3A_2252, %mul3A_33 : vector<16xi32>
    %swap3A_2254 = arith.constant 4224 : index
    %swap3A_2255 = tpu.vector_load %arg6[%swap3A_2254] {strides = array<i32>} : memref<4800xi32, #tpu.memory_space<vmem>>, vector<16xi32>,
    %swap3A_2256 = vector.shape_cast %swap3A_2255 : vector<16xi32> to vector<16xi32>
    %swap3A_2257 = vector.shape_cast %add3A_2253 : vector<16xi32> to vector<16xi32>
    tpu.vector_store %arg6[%swap3A_2254], %swap3A_2257 {strides = array<i32>} : memref<4800xi32, #tpu.memory_space<vmem>>, vector<16xi32>,
    %add3A_2258 = vector.broadcast %add3A_2251 : i32 to vector<16xi32>
    %add3A_2259 = arith.addi %add3A_2258, %mul3A_39 : vector<16xi32>
    %swap3A_2260 = arith.constant 4240 : index
    %swap3A_2261 = tpu.vector_load %arg6[%swap3A_2260] {strides = array<i32>} : memref<4800xi32, #tpu.memory_space<vmem>>, vector<16xi32>,
    %swap3A_2262 = vector.shape_cast %swap3A_2261 : vector<16xi32> to vector<16xi32>
    %swap3A_2263 = vector.shape_cast %add3A_2259 : vector<16xi32> to vector<16xi32>
    tpu.vector_store %arg6[%swap3A_2260], %swap3A_2263 {strides = array<i32>} : memref<4800xi32, #tpu.memory_space<vmem>>, vector<16xi32>,
    %add3A_2264 = vector.broadcast %add3A_2251 : i32 to vector<16xi32>
    %add3A_2265 = arith.addi %add3A_2264, %mul3A_45 : vector<16xi32>
    %swap3A_2266 = arith.constant 4256 : index
    %swap3A_2267 = tpu.vector_load %arg6[%swap3A_2266] {strides = array<i32>} : memref<4800xi32, #tpu.memory_space<vmem>>, vector<16xi32>,
    %swap3A_2268 = vector.shape_cast %swap3A_2267 : vector<16xi32> to vector<16xi32>
    %swap3A_2269 = vector.shape_cast %add3A_2265 : vector<16xi32> to vector<16xi32>
    tpu.vector_store %arg6[%swap3A_2266], %swap3A_2269 {strides = array<i32>} : memref<4800xi32, #tpu.memory_space<vmem>>, vector<16xi32>,
    %add3A_2270 = vector.broadcast %add3A_2251 : i32 to vector<16xi32>
    %add3A_2271 = arith.addi %add3A_2270, %mul3A_51 : vector<16xi32>
    %swap3A_2272 = arith.constant 4272 : index
    %swap3A_2273 = tpu.vector_load %arg6[%swap3A_2272] {strides = array<i32>} : memref<4800xi32, #tpu.memory_space<vmem>>, vector<16xi32>,
    %swap3A_2274 = vector.shape_cast %swap3A_2273 : vector<16xi32> to vector<16xi32>
    %swap3A_2275 = vector.shape_cast %add3A_2271 : vector<16xi32> to vector<16xi32>
    tpu.vector_store %arg6[%swap3A_2272], %swap3A_2275 {strides = array<i32>} : memref<4800xi32, #tpu.memory_space<vmem>>, vector<16xi32>,
    %add3A_2276 = vector.broadcast %add3A_2251 : i32 to vector<16xi32>
    %add3A_2277 = arith.addi %add3A_2276, %mul3A_57 : vector<16xi32>
    %swap3A_2278 = arith.constant 4288 : index
    %swap3A_2279 = tpu.vector_load %arg6[%swap3A_2278] {strides = array<i32>} : memref<4800xi32, #tpu.memory_space<vmem>>, vector<16xi32>,
    %swap3A_2280 = vector.shape_cast %swap3A_2279 : vector<16xi32> to vector<16xi32>
    %swap3A_2281 = vector.shape_cast %add3A_2277 : vector<16xi32> to vector<16xi32>
    tpu.vector_store %arg6[%swap3A_2278], %swap3A_2281 {strides = array<i32>} : memref<4800xi32, #tpu.memory_space<vmem>>, vector<16xi32>,
    %add3A_2282 = vector.broadcast %add3A_2251 : i32 to vector<16xi32>
    %add3A_2283 = arith.addi %add3A_2282, %mul3A_63 : vector<16xi32>
    %swap3A_2284 = arith.constant 4304 : index
    %swap3A_2285 = tpu.vector_load %arg6[%swap3A_2284] {strides = array<i32>} : memref<4800xi32, #tpu.memory_space<vmem>>, vector<16xi32>,
    %swap3A_2286 = vector.shape_cast %swap3A_2285 : vector<16xi32> to vector<16xi32>
    %swap3A_2287 = vector.shape_cast %add3A_2283 : vector<16xi32> to vector<16xi32>
    tpu.vector_store %arg6[%swap3A_2284], %swap3A_2287 {strides = array<i32>} : memref<4800xi32, #tpu.memory_space<vmem>>, vector<16xi32>,
    %add3A_2288 = arith.constant 90 : i32
    %add3A_2289 = arith.addi %sub3A_27, %add3A_2288 : i32
    %get3A_2290 = arith.index_cast %add3A_2289 : i32 to index
    %get3A_2291 = tpu.vector_load %arg5[%get3A_2290] {strides = array<i32>} : memref<112xi32, #tpu.memory_space<vmem>>, vector<16xi32>,
    %get3A_2292 = vector.shape_cast %get3A_2291 : vector<16xi32> to vector<16xi32>
    %slice3A_2293 = vector.extract_strided_slice %get3A_2292 {offsets = [1], sizes = [1], strides = [1]} : vector<16xi32> to vector<1xi32>
    %squeeze3A_2294 = vector.extract %slice3A_2293[0] : i32 from vector<1xi32>
    %mul3A_2295 = arith.constant 128 : i32
    %mul3A_2296 = arith.muli %squeeze3A_2294, %mul3A_2295 : i32
    %add3A_2297 = arith.addi %mul3A_4, %mul3A_2296 : i32
    %slice3A_2298 = vector.extract_strided_slice %get3A_2292 {offsets = [0], sizes = [1], strides = [1]} : vector<16xi32> to vector<1xi32>
    %squeeze3A_2299 = vector.extract %slice3A_2298[0] : i32 from vector<1xi32>
    %add3A_2300 = arith.addi %add3A_2297, %squeeze3A_2299 : i32
    %add3A_2301 = vector.broadcast %add3A_2300 : i32 to vector<16xi32>
    %add3A_2302 = arith.addi %add3A_2301, %mul3A_33 : vector<16xi32>
    %swap3A_2303 = arith.constant 4320 : index
    %swap3A_2304 = tpu.vector_load %arg6[%swap3A_2303] {strides = array<i32>} : memref<4800xi32, #tpu.memory_space<vmem>>, vector<16xi32>,
    %swap3A_2305 = vector.shape_cast %swap3A_2304 : vector<16xi32> to vector<16xi32>
    %swap3A_2306 = vector.shape_cast %add3A_2302 : vector<16xi32> to vector<16xi32>
    tpu.vector_store %arg6[%swap3A_2303], %swap3A_2306 {strides = array<i32>} : memref<4800xi32, #tpu.memory_space<vmem>>, vector<16xi32>,
    %add3A_2307 = vector.broadcast %add3A_2300 : i32 to vector<16xi32>
    %add3A_2308 = arith.addi %add3A_2307, %mul3A_39 : vector<16xi32>
    %swap3A_2309 = arith.constant 4336 : index
    %swap3A_2310 = tpu.vector_load %arg6[%swap3A_2309] {strides = array<i32>} : memref<4800xi32, #tpu.memory_space<vmem>>, vector<16xi32>,
    %swap3A_2311 = vector.shape_cast %swap3A_2310 : vector<16xi32> to vector<16xi32>
    %swap3A_2312 = vector.shape_cast %add3A_2308 : vector<16xi32> to vector<16xi32>
    tpu.vector_store %arg6[%swap3A_2309], %swap3A_2312 {strides = array<i32>} : memref<4800xi32, #tpu.memory_space<vmem>>, vector<16xi32>,
    %add3A_2313 = vector.broadcast %add3A_2300 : i32 to vector<16xi32>
    %add3A_2314 = arith.addi %add3A_2313, %mul3A_45 : vector<16xi32>
    %swap3A_2315 = arith.constant 4352 : index
    %swap3A_2316 = tpu.vector_load %arg6[%swap3A_2315] {strides = array<i32>} : memref<4800xi32, #tpu.memory_space<vmem>>, vector<16xi32>,
    %swap3A_2317 = vector.shape_cast %swap3A_2316 : vector<16xi32> to vector<16xi32>
    %swap3A_2318 = vector.shape_cast %add3A_2314 : vector<16xi32> to vector<16xi32>
    tpu.vector_store %arg6[%swap3A_2315], %swap3A_2318 {strides = array<i32>} : memref<4800xi32, #tpu.memory_space<vmem>>, vector<16xi32>,
    %add3A_2319 = vector.broadcast %add3A_2300 : i32 to vector<16xi32>
    %add3A_2320 = arith.addi %add3A_2319, %mul3A_51 : vector<16xi32>
    %swap3A_2321 = arith.constant 4368 : index
    %swap3A_2322 = tpu.vector_load %arg6[%swap3A_2321] {strides = array<i32>} : memref<4800xi32, #tpu.memory_space<vmem>>, vector<16xi32>,
    %swap3A_2323 = vector.shape_cast %swap3A_2322 : vector<16xi32> to vector<16xi32>
    %swap3A_2324 = vector.shape_cast %add3A_2320 : vector<16xi32> to vector<16xi32>
    tpu.vector_store %arg6[%swap3A_2321], %swap3A_2324 {strides = array<i32>} : memref<4800xi32, #tpu.memory_space<vmem>>, vector<16xi32>,
    %add3A_2325 = vector.broadcast %add3A_2300 : i32 to vector<16xi32>
    %add3A_2326 = arith.addi %add3A_2325, %mul3A_57 : vector<16xi32>
    %swap3A_2327 = arith.constant 4384 : index
    %swap3A_2328 = tpu.vector_load %arg6[%swap3A_2327] {strides = array<i32>} : memref<4800xi32, #tpu.memory_space<vmem>>, vector<16xi32>,
    %swap3A_2329 = vector.shape_cast %swap3A_2328 : vector<16xi32> to vector<16xi32>
    %swap3A_2330 = vector.shape_cast %add3A_2326 : vector<16xi32> to vector<16xi32>
    tpu.vector_store %arg6[%swap3A_2327], %swap3A_2330 {strides = array<i32>} : memref<4800xi32, #tpu.memory_space<vmem>>, vector<16xi32>,
    %add3A_2331 = vector.broadcast %add3A_2300 : i32 to vector<16xi32>
    %add3A_2332 = arith.addi %add3A_2331, %mul3A_63 : vector<16xi32>
    %swap3A_2333 = arith.constant 4400 : index
    %swap3A_2334 = tpu.vector_load %arg6[%swap3A_2333] {strides = array<i32>} : memref<4800xi32, #tpu.memory_space<vmem>>, vector<16xi32>,
    %swap3A_2335 = vector.shape_cast %swap3A_2334 : vector<16xi32> to vector<16xi32>
    %swap3A_2336 = vector.shape_cast %add3A_2332 : vector<16xi32> to vector<16xi32>
    tpu.vector_store %arg6[%swap3A_2333], %swap3A_2336 {strides = array<i32>} : memref<4800xi32, #tpu.memory_space<vmem>>, vector<16xi32>,
    %add3A_2337 = arith.constant 92 : i32
    %add3A_2338 = arith.addi %sub3A_27, %add3A_2337 : i32
    %get3A_2339 = arith.index_cast %add3A_2338 : i32 to index
    %get3A_2340 = tpu.vector_load %arg5[%get3A_2339] {strides = array<i32>} : memref<112xi32, #tpu.memory_space<vmem>>, vector<16xi32>,
    %get3A_2341 = vector.shape_cast %get3A_2340 : vector<16xi32> to vector<16xi32>
    %slice3A_2342 = vector.extract_strided_slice %get3A_2341 {offsets = [1], sizes = [1], strides = [1]} : vector<16xi32> to vector<1xi32>
    %squeeze3A_2343 = vector.extract %slice3A_2342[0] : i32 from vector<1xi32>
    %mul3A_2344 = arith.constant 128 : i32
    %mul3A_2345 = arith.muli %squeeze3A_2343, %mul3A_2344 : i32
    %add3A_2346 = arith.addi %mul3A_4, %mul3A_2345 : i32
    %slice3A_2347 = vector.extract_strided_slice %get3A_2341 {offsets = [0], sizes = [1], strides = [1]} : vector<16xi32> to vector<1xi32>
    %squeeze3A_2348 = vector.extract %slice3A_2347[0] : i32 from vector<1xi32>
    %add3A_2349 = arith.addi %add3A_2346, %squeeze3A_2348 : i32
    %add3A_2350 = vector.broadcast %add3A_2349 : i32 to vector<16xi32>
    %add3A_2351 = arith.addi %add3A_2350, %mul3A_33 : vector<16xi32>
    %swap3A_2352 = arith.constant 4416 : index
    %swap3A_2353 = tpu.vector_load %arg6[%swap3A_2352] {strides = array<i32>} : memref<4800xi32, #tpu.memory_space<vmem>>, vector<16xi32>,
    %swap3A_2354 = vector.shape_cast %swap3A_2353 : vector<16xi32> to vector<16xi32>
    %swap3A_2355 = vector.shape_cast %add3A_2351 : vector<16xi32> to vector<16xi32>
    tpu.vector_store %arg6[%swap3A_2352], %swap3A_2355 {strides = array<i32>} : memref<4800xi32, #tpu.memory_space<vmem>>, vector<16xi32>,
    %add3A_2356 = vector.broadcast %add3A_2349 : i32 to vector<16xi32>
    %add3A_2357 = arith.addi %add3A_2356, %mul3A_39 : vector<16xi32>
    %swap3A_2358 = arith.constant 4432 : index
    %swap3A_2359 = tpu.vector_load %arg6[%swap3A_2358] {strides = array<i32>} : memref<4800xi32, #tpu.memory_space<vmem>>, vector<16xi32>,
    %swap3A_2360 = vector.shape_cast %swap3A_2359 : vector<16xi32> to vector<16xi32>
    %swap3A_2361 = vector.shape_cast %add3A_2357 : vector<16xi32> to vector<16xi32>
    tpu.vector_store %arg6[%swap3A_2358], %swap3A_2361 {strides = array<i32>} : memref<4800xi32, #tpu.memory_space<vmem>>, vector<16xi32>,
    %add3A_2362 = vector.broadcast %add3A_2349 : i32 to vector<16xi32>
    %add3A_2363 = arith.addi %add3A_2362, %mul3A_45 : vector<16xi32>
    %swap3A_2364 = arith.constant 4448 : index
    %swap3A_2365 = tpu.vector_load %arg6[%swap3A_2364] {strides = array<i32>} : memref<4800xi32, #tpu.memory_space<vmem>>, vector<16xi32>,
    %swap3A_2366 = vector.shape_cast %swap3A_2365 : vector<16xi32> to vector<16xi32>
    %swap3A_2367 = vector.shape_cast %add3A_2363 : vector<16xi32> to vector<16xi32>
    tpu.vector_store %arg6[%swap3A_2364], %swap3A_2367 {strides = array<i32>} : memref<4800xi32, #tpu.memory_space<vmem>>, vector<16xi32>,
    %add3A_2368 = vector.broadcast %add3A_2349 : i32 to vector<16xi32>
    %add3A_2369 = arith.addi %add3A_2368, %mul3A_51 : vector<16xi32>
    %swap3A_2370 = arith.constant 4464 : index
    %swap3A_2371 = tpu.vector_load %arg6[%swap3A_2370] {strides = array<i32>} : memref<4800xi32, #tpu.memory_space<vmem>>, vector<16xi32>,
    %swap3A_2372 = vector.shape_cast %swap3A_2371 : vector<16xi32> to vector<16xi32>
    %swap3A_2373 = vector.shape_cast %add3A_2369 : vector<16xi32> to vector<16xi32>
    tpu.vector_store %arg6[%swap3A_2370], %swap3A_2373 {strides = array<i32>} : memref<4800xi32, #tpu.memory_space<vmem>>, vector<16xi32>,
    %add3A_2374 = vector.broadcast %add3A_2349 : i32 to vector<16xi32>
    %add3A_2375 = arith.addi %add3A_2374, %mul3A_57 : vector<16xi32>
    %swap3A_2376 = arith.constant 4480 : index
    %swap3A_2377 = tpu.vector_load %arg6[%swap3A_2376] {strides = array<i32>} : memref<4800xi32, #tpu.memory_space<vmem>>, vector<16xi32>,
    %swap3A_2378 = vector.shape_cast %swap3A_2377 : vector<16xi32> to vector<16xi32>
    %swap3A_2379 = vector.shape_cast %add3A_2375 : vector<16xi32> to vector<16xi32>
    tpu.vector_store %arg6[%swap3A_2376], %swap3A_2379 {strides = array<i32>} : memref<4800xi32, #tpu.memory_space<vmem>>, vector<16xi32>,
    %add3A_2380 = vector.broadcast %add3A_2349 : i32 to vector<16xi32>
    %add3A_2381 = arith.addi %add3A_2380, %mul3A_63 : vector<16xi32>
    %swap3A_2382 = arith.constant 4496 : index
    %swap3A_2383 = tpu.vector_load %arg6[%swap3A_2382] {strides = array<i32>} : memref<4800xi32, #tpu.memory_space<vmem>>, vector<16xi32>,
    %swap3A_2384 = vector.shape_cast %swap3A_2383 : vector<16xi32> to vector<16xi32>
    %swap3A_2385 = vector.shape_cast %add3A_2381 : vector<16xi32> to vector<16xi32>
    tpu.vector_store %arg6[%swap3A_2382], %swap3A_2385 {strides = array<i32>} : memref<4800xi32, #tpu.memory_space<vmem>>, vector<16xi32>,
    %add3A_2386 = arith.constant 94 : i32
    %add3A_2387 = arith.addi %sub3A_27, %add3A_2386 : i32
    %get3A_2388 = arith.index_cast %add3A_2387 : i32 to index
    %get3A_2389 = tpu.vector_load %arg5[%get3A_2388] {strides = array<i32>} : memref<112xi32, #tpu.memory_space<vmem>>, vector<16xi32>,
    %get3A_2390 = vector.shape_cast %get3A_2389 : vector<16xi32> to vector<16xi32>
    %slice3A_2391 = vector.extract_strided_slice %get3A_2390 {offsets = [1], sizes = [1], strides = [1]} : vector<16xi32> to vector<1xi32>
    %squeeze3A_2392 = vector.extract %slice3A_2391[0] : i32 from vector<1xi32>
    %mul3A_2393 = arith.constant 128 : i32
    %mul3A_2394 = arith.muli %squeeze3A_2392, %mul3A_2393 : i32
    %add3A_2395 = arith.addi %mul3A_4, %mul3A_2394 : i32
    %slice3A_2396 = vector.extract_strided_slice %get3A_2390 {offsets = [0], sizes = [1], strides = [1]} : vector<16xi32> to vector<1xi32>
    %squeeze3A_2397 = vector.extract %slice3A_2396[0] : i32 from vector<1xi32>
    %add3A_2398 = arith.addi %add3A_2395, %squeeze3A_2397 : i32
    %add3A_2399 = vector.broadcast %add3A_2398 : i32 to vector<16xi32>
    %add3A_2400 = arith.addi %add3A_2399, %mul3A_33 : vector<16xi32>
    %swap3A_2401 = arith.constant 4512 : index
    %swap3A_2402 = tpu.vector_load %arg6[%swap3A_2401] {strides = array<i32>} : memref<4800xi32, #tpu.memory_space<vmem>>, vector<16xi32>,
    %swap3A_2403 = vector.shape_cast %swap3A_2402 : vector<16xi32> to vector<16xi32>
    %swap3A_2404 = vector.shape_cast %add3A_2400 : vector<16xi32> to vector<16xi32>
    tpu.vector_store %arg6[%swap3A_2401], %swap3A_2404 {strides = array<i32>} : memref<4800xi32, #tpu.memory_space<vmem>>, vector<16xi32>,
    %add3A_2405 = vector.broadcast %add3A_2398 : i32 to vector<16xi32>
    %add3A_2406 = arith.addi %add3A_2405, %mul3A_39 : vector<16xi32>
    %swap3A_2407 = arith.constant 4528 : index
    %swap3A_2408 = tpu.vector_load %arg6[%swap3A_2407] {strides = array<i32>} : memref<4800xi32, #tpu.memory_space<vmem>>, vector<16xi32>,
    %swap3A_2409 = vector.shape_cast %swap3A_2408 : vector<16xi32> to vector<16xi32>
    %swap3A_2410 = vector.shape_cast %add3A_2406 : vector<16xi32> to vector<16xi32>
    tpu.vector_store %arg6[%swap3A_2407], %swap3A_2410 {strides = array<i32>} : memref<4800xi32, #tpu.memory_space<vmem>>, vector<16xi32>,
    %add3A_2411 = vector.broadcast %add3A_2398 : i32 to vector<16xi32>
    %add3A_2412 = arith.addi %add3A_2411, %mul3A_45 : vector<16xi32>
    %swap3A_2413 = arith.constant 4544 : index
    %swap3A_2414 = tpu.vector_load %arg6[%swap3A_2413] {strides = array<i32>} : memref<4800xi32, #tpu.memory_space<vmem>>, vector<16xi32>,
    %swap3A_2415 = vector.shape_cast %swap3A_2414 : vector<16xi32> to vector<16xi32>
    %swap3A_2416 = vector.shape_cast %add3A_2412 : vector<16xi32> to vector<16xi32>
    tpu.vector_store %arg6[%swap3A_2413], %swap3A_2416 {strides = array<i32>} : memref<4800xi32, #tpu.memory_space<vmem>>, vector<16xi32>,
    %add3A_2417 = vector.broadcast %add3A_2398 : i32 to vector<16xi32>
    %add3A_2418 = arith.addi %add3A_2417, %mul3A_51 : vector<16xi32>
    %swap3A_2419 = arith.constant 4560 : index
    %swap3A_2420 = tpu.vector_load %arg6[%swap3A_2419] {strides = array<i32>} : memref<4800xi32, #tpu.memory_space<vmem>>, vector<16xi32>,
    %swap3A_2421 = vector.shape_cast %swap3A_2420 : vector<16xi32> to vector<16xi32>
    %swap3A_2422 = vector.shape_cast %add3A_2418 : vector<16xi32> to vector<16xi32>
    tpu.vector_store %arg6[%swap3A_2419], %swap3A_2422 {strides = array<i32>} : memref<4800xi32, #tpu.memory_space<vmem>>, vector<16xi32>,
    %add3A_2423 = vector.broadcast %add3A_2398 : i32 to vector<16xi32>
    %add3A_2424 = arith.addi %add3A_2423, %mul3A_57 : vector<16xi32>
    %swap3A_2425 = arith.constant 4576 : index
    %swap3A_2426 = tpu.vector_load %arg6[%swap3A_2425] {strides = array<i32>} : memref<4800xi32, #tpu.memory_space<vmem>>, vector<16xi32>,
    %swap3A_2427 = vector.shape_cast %swap3A_2426 : vector<16xi32> to vector<16xi32>
    %swap3A_2428 = vector.shape_cast %add3A_2424 : vector<16xi32> to vector<16xi32>
    tpu.vector_store %arg6[%swap3A_2425], %swap3A_2428 {strides = array<i32>} : memref<4800xi32, #tpu.memory_space<vmem>>, vector<16xi32>,
    %add3A_2429 = vector.broadcast %add3A_2398 : i32 to vector<16xi32>
    %add3A_2430 = arith.addi %add3A_2429, %mul3A_63 : vector<16xi32>
    %swap3A_2431 = arith.constant 4592 : index
    %swap3A_2432 = tpu.vector_load %arg6[%swap3A_2431] {strides = array<i32>} : memref<4800xi32, #tpu.memory_space<vmem>>, vector<16xi32>,
    %swap3A_2433 = vector.shape_cast %swap3A_2432 : vector<16xi32> to vector<16xi32>
    %swap3A_2434 = vector.shape_cast %add3A_2430 : vector<16xi32> to vector<16xi32>
    tpu.vector_store %arg6[%swap3A_2431], %swap3A_2434 {strides = array<i32>} : memref<4800xi32, #tpu.memory_space<vmem>>, vector<16xi32>,
    %add3A_2435 = arith.constant 96 : i32
    %add3A_2436 = arith.addi %sub3A_27, %add3A_2435 : i32
    %get3A_2437 = arith.index_cast %add3A_2436 : i32 to index
    %get3A_2438 = tpu.vector_load %arg5[%get3A_2437] {strides = array<i32>} : memref<112xi32, #tpu.memory_space<vmem>>, vector<16xi32>,
    %get3A_2439 = vector.shape_cast %get3A_2438 : vector<16xi32> to vector<16xi32>
    %slice3A_2440 = vector.extract_strided_slice %get3A_2439 {offsets = [1], sizes = [1], strides = [1]} : vector<16xi32> to vector<1xi32>
    %squeeze3A_2441 = vector.extract %slice3A_2440[0] : i32 from vector<1xi32>
    %mul3A_2442 = arith.constant 128 : i32
    %mul3A_2443 = arith.muli %squeeze3A_2441, %mul3A_2442 : i32
    %add3A_2444 = arith.addi %mul3A_4, %mul3A_2443 : i32
    %slice3A_2445 = vector.extract_strided_slice %get3A_2439 {offsets = [0], sizes = [1], strides = [1]} : vector<16xi32> to vector<1xi32>
    %squeeze3A_2446 = vector.extract %slice3A_2445[0] : i32 from vector<1xi32>
    %add3A_2447 = arith.addi %add3A_2444, %squeeze3A_2446 : i32
    %add3A_2448 = vector.broadcast %add3A_2447 : i32 to vector<16xi32>
    %add3A_2449 = arith.addi %add3A_2448, %mul3A_33 : vector<16xi32>
    %swap3A_2450 = arith.constant 4608 : index
    %swap3A_2451 = tpu.vector_load %arg6[%swap3A_2450] {strides = array<i32>} : memref<4800xi32, #tpu.memory_space<vmem>>, vector<16xi32>,
    %swap3A_2452 = vector.shape_cast %swap3A_2451 : vector<16xi32> to vector<16xi32>
    %swap3A_2453 = vector.shape_cast %add3A_2449 : vector<16xi32> to vector<16xi32>
    tpu.vector_store %arg6[%swap3A_2450], %swap3A_2453 {strides = array<i32>} : memref<4800xi32, #tpu.memory_space<vmem>>, vector<16xi32>,
    %add3A_2454 = vector.broadcast %add3A_2447 : i32 to vector<16xi32>
    %add3A_2455 = arith.addi %add3A_2454, %mul3A_39 : vector<16xi32>
    %swap3A_2456 = arith.constant 4624 : index
    %swap3A_2457 = tpu.vector_load %arg6[%swap3A_2456] {strides = array<i32>} : memref<4800xi32, #tpu.memory_space<vmem>>, vector<16xi32>,
    %swap3A_2458 = vector.shape_cast %swap3A_2457 : vector<16xi32> to vector<16xi32>
    %swap3A_2459 = vector.shape_cast %add3A_2455 : vector<16xi32> to vector<16xi32>
    tpu.vector_store %arg6[%swap3A_2456], %swap3A_2459 {strides = array<i32>} : memref<4800xi32, #tpu.memory_space<vmem>>, vector<16xi32>,
    %add3A_2460 = vector.broadcast %add3A_2447 : i32 to vector<16xi32>
    %add3A_2461 = arith.addi %add3A_2460, %mul3A_45 : vector<16xi32>
    %swap3A_2462 = arith.constant 4640 : index
    %swap3A_2463 = tpu.vector_load %arg6[%swap3A_2462] {strides = array<i32>} : memref<4800xi32, #tpu.memory_space<vmem>>, vector<16xi32>,
    %swap3A_2464 = vector.shape_cast %swap3A_2463 : vector<16xi32> to vector<16xi32>
    %swap3A_2465 = vector.shape_cast %add3A_2461 : vector<16xi32> to vector<16xi32>
    tpu.vector_store %arg6[%swap3A_2462], %swap3A_2465 {strides = array<i32>} : memref<4800xi32, #tpu.memory_space<vmem>>, vector<16xi32>,
    %add3A_2466 = vector.broadcast %add3A_2447 : i32 to vector<16xi32>
    %add3A_2467 = arith.addi %add3A_2466, %mul3A_51 : vector<16xi32>
    %swap3A_2468 = arith.constant 4656 : index
    %swap3A_2469 = tpu.vector_load %arg6[%swap3A_2468] {strides = array<i32>} : memref<4800xi32, #tpu.memory_space<vmem>>, vector<16xi32>,
    %swap3A_2470 = vector.shape_cast %swap3A_2469 : vector<16xi32> to vector<16xi32>
    %swap3A_2471 = vector.shape_cast %add3A_2467 : vector<16xi32> to vector<16xi32>
    tpu.vector_store %arg6[%swap3A_2468], %swap3A_2471 {strides = array<i32>} : memref<4800xi32, #tpu.memory_space<vmem>>, vector<16xi32>,
    %add3A_2472 = vector.broadcast %add3A_2447 : i32 to vector<16xi32>
    %add3A_2473 = arith.addi %add3A_2472, %mul3A_57 : vector<16xi32>
    %swap3A_2474 = arith.constant 4672 : index
    %swap3A_2475 = tpu.vector_load %arg6[%swap3A_2474] {strides = array<i32>} : memref<4800xi32, #tpu.memory_space<vmem>>, vector<16xi32>,
    %swap3A_2476 = vector.shape_cast %swap3A_2475 : vector<16xi32> to vector<16xi32>
    %swap3A_2477 = vector.shape_cast %add3A_2473 : vector<16xi32> to vector<16xi32>
    tpu.vector_store %arg6[%swap3A_2474], %swap3A_2477 {strides = array<i32>} : memref<4800xi32, #tpu.memory_space<vmem>>, vector<16xi32>,
    %add3A_2478 = vector.broadcast %add3A_2447 : i32 to vector<16xi32>
    %add3A_2479 = arith.addi %add3A_2478, %mul3A_63 : vector<16xi32>
    %swap3A_2480 = arith.constant 4688 : index
    %swap3A_2481 = tpu.vector_load %arg6[%swap3A_2480] {strides = array<i32>} : memref<4800xi32, #tpu.memory_space<vmem>>, vector<16xi32>,
    %swap3A_2482 = vector.shape_cast %swap3A_2481 : vector<16xi32> to vector<16xi32>
    %swap3A_2483 = vector.shape_cast %add3A_2479 : vector<16xi32> to vector<16xi32>
    tpu.vector_store %arg6[%swap3A_2480], %swap3A_2483 {strides = array<i32>} : memref<4800xi32, #tpu.memory_space<vmem>>, vector<16xi32>,
    %add3A_2484 = arith.constant 98 : i32
    %add3A_2485 = arith.addi %sub3A_27, %add3A_2484 : i32
    %get3A_2486 = arith.index_cast %add3A_2485 : i32 to index
    %get3A_2487 = tpu.vector_load %arg5[%get3A_2486] {strides = array<i32>} : memref<112xi32, #tpu.memory_space<vmem>>, vector<16xi32>,
    %get3A_2488 = vector.shape_cast %get3A_2487 : vector<16xi32> to vector<16xi32>
    %slice3A_2489 = vector.extract_strided_slice %get3A_2488 {offsets = [1], sizes = [1], strides = [1]} : vector<16xi32> to vector<1xi32>
    %squeeze3A_2490 = vector.extract %slice3A_2489[0] : i32 from vector<1xi32>
    %mul3A_2491 = arith.constant 128 : i32
    %mul3A_2492 = arith.muli %squeeze3A_2490, %mul3A_2491 : i32
    %add3A_2493 = arith.addi %mul3A_4, %mul3A_2492 : i32
    %slice3A_2494 = vector.extract_strided_slice %get3A_2488 {offsets = [0], sizes = [1], strides = [1]} : vector<16xi32> to vector<1xi32>
    %squeeze3A_2495 = vector.extract %slice3A_2494[0] : i32 from vector<1xi32>
    %add3A_2496 = arith.addi %add3A_2493, %squeeze3A_2495 : i32
    %add3A_2497 = vector.broadcast %add3A_2496 : i32 to vector<16xi32>
    %add3A_2498 = arith.addi %add3A_2497, %mul3A_33 : vector<16xi32>
    %swap3A_2499 = arith.constant 4704 : index
    %swap3A_2500 = tpu.vector_load %arg6[%swap3A_2499] {strides = array<i32>} : memref<4800xi32, #tpu.memory_space<vmem>>, vector<16xi32>,
    %swap3A_2501 = vector.shape_cast %swap3A_2500 : vector<16xi32> to vector<16xi32>
    %swap3A_2502 = vector.shape_cast %add3A_2498 : vector<16xi32> to vector<16xi32>
    tpu.vector_store %arg6[%swap3A_2499], %swap3A_2502 {strides = array<i32>} : memref<4800xi32, #tpu.memory_space<vmem>>, vector<16xi32>,
    %add3A_2503 = vector.broadcast %add3A_2496 : i32 to vector<16xi32>
    %add3A_2504 = arith.addi %add3A_2503, %mul3A_39 : vector<16xi32>
    %swap3A_2505 = arith.constant 4720 : index
    %swap3A_2506 = tpu.vector_load %arg6[%swap3A_2505] {strides = array<i32>} : memref<4800xi32, #tpu.memory_space<vmem>>, vector<16xi32>,
    %swap3A_2507 = vector.shape_cast %swap3A_2506 : vector<16xi32> to vector<16xi32>
    %swap3A_2508 = vector.shape_cast %add3A_2504 : vector<16xi32> to vector<16xi32>
    tpu.vector_store %arg6[%swap3A_2505], %swap3A_2508 {strides = array<i32>} : memref<4800xi32, #tpu.memory_space<vmem>>, vector<16xi32>,
    %add3A_2509 = vector.broadcast %add3A_2496 : i32 to vector<16xi32>
    %add3A_2510 = arith.addi %add3A_2509, %mul3A_45 : vector<16xi32>
    %swap3A_2511 = arith.constant 4736 : index
    %swap3A_2512 = tpu.vector_load %arg6[%swap3A_2511] {strides = array<i32>} : memref<4800xi32, #tpu.memory_space<vmem>>, vector<16xi32>,
    %swap3A_2513 = vector.shape_cast %swap3A_2512 : vector<16xi32> to vector<16xi32>
    %swap3A_2514 = vector.shape_cast %add3A_2510 : vector<16xi32> to vector<16xi32>
    tpu.vector_store %arg6[%swap3A_2511], %swap3A_2514 {strides = array<i32>} : memref<4800xi32, #tpu.memory_space<vmem>>, vector<16xi32>,
    %add3A_2515 = vector.broadcast %add3A_2496 : i32 to vector<16xi32>
    %add3A_2516 = arith.addi %add3A_2515, %mul3A_51 : vector<16xi32>
    %swap3A_2517 = arith.constant 4752 : index
    %swap3A_2518 = tpu.vector_load %arg6[%swap3A_2517] {strides = array<i32>} : memref<4800xi32, #tpu.memory_space<vmem>>, vector<16xi32>,
    %swap3A_2519 = vector.shape_cast %swap3A_2518 : vector<16xi32> to vector<16xi32>
    %swap3A_2520 = vector.shape_cast %add3A_2516 : vector<16xi32> to vector<16xi32>
    tpu.vector_store %arg6[%swap3A_2517], %swap3A_2520 {strides = array<i32>} : memref<4800xi32, #tpu.memory_space<vmem>>, vector<16xi32>,
    %add3A_2521 = vector.broadcast %add3A_2496 : i32 to vector<16xi32>
    %add3A_2522 = arith.addi %add3A_2521, %mul3A_57 : vector<16xi32>
    %swap3A_2523 = arith.constant 4768 : index
    %swap3A_2524 = tpu.vector_load %arg6[%swap3A_2523] {strides = array<i32>} : memref<4800xi32, #tpu.memory_space<vmem>>, vector<16xi32>,
    %swap3A_2525 = vector.shape_cast %swap3A_2524 : vector<16xi32> to vector<16xi32>
    %swap3A_2526 = vector.shape_cast %add3A_2522 : vector<16xi32> to vector<16xi32>
    tpu.vector_store %arg6[%swap3A_2523], %swap3A_2526 {strides = array<i32>} : memref<4800xi32, #tpu.memory_space<vmem>>, vector<16xi32>,
    %add3A_2527 = vector.broadcast %add3A_2496 : i32 to vector<16xi32>
    %add3A_2528 = arith.addi %add3A_2527, %mul3A_63 : vector<16xi32>
    %swap3A_2529 = arith.constant 4784 : index
    %swap3A_2530 = tpu.vector_load %arg6[%swap3A_2529] {strides = array<i32>} : memref<4800xi32, #tpu.memory_space<vmem>>, vector<16xi32>,
    %swap3A_2531 = vector.shape_cast %swap3A_2530 : vector<16xi32> to vector<16xi32>
    %swap3A_2532 = vector.shape_cast %add3A_2528 : vector<16xi32> to vector<16xi32>
    tpu.vector_store %arg6[%swap3A_2529], %swap3A_2532 {strides = array<i32>} : memref<4800xi32, #tpu.memory_space<vmem>>, vector<16xi32>,
    %dma_start3A_2533 = arith.constant 3840 : i32
    %dma_start3A_2534 = tpu.memref_slice %arg7[%dma_start3A_2533] : memref<4800xf32, #tpu.memory_space<vmem>> -> memref<960xf32, #tpu.memory_space<vmem>>
    %dma_start3A_2535 = arith.constant 3840 : i32
    %dma_start3A_2536 = tpu.memref_slice %arg6[%dma_start3A_2535] : memref<4800xi32, #tpu.memory_space<vmem>> -> memref<960xi32, #tpu.memory_space<vmem>>
    %dma_start3A_2537 = arith.constant 0 : i32
    %dma_start3A_2538 = tpu.memref_slice %arg2[%dma_start3A_2537] : memref<25165824xf32, #tpu.memory_space<hbm>> -> memref<25165824xf32, #tpu.memory_space<hbm>>
    tpu.enqueue_indirect_dma source(%dma_start3A_2538 : memref<25165824xf32, #tpu.memory_space<hbm>>) target(%dma_start3A_2534 : memref<960xf32, #tpu.memory_space<vmem>>) offsets(%dma_start3A_2536 : memref<960xi32, #tpu.memory_space<vmem>>) semaphore(%arg8 : memref<!tpu.dma_semaphore, #tpu.memory_space<semaphore_mem>>)
    %mul3A_2539 = arith.constant 96 : i32
    %mul3A_2540 = arith.muli %mul3A_2, %mul3A_2539 : i32
    %multiple_of3A_2541 = tpu.assume_multiple %mul3A_2540, 8 : i32
    %dma_wait3A = arith.constant 0 : i32
    %dma_wait3A_2542 = tpu.memref_slice %arg7[%dma_wait3A] : memref<4800xf32, #tpu.memory_space<vmem>> -> memref<960xf32, #tpu.memory_space<vmem>>
    %dma_wait3A_2543 = arith.constant 0 : i32
    %dma_wait3A_2544 = tpu.memref_slice %arg6[%dma_wait3A_2543] : memref<4800xi32, #tpu.memory_space<vmem>> -> memref<960xi32, #tpu.memory_space<vmem>>
    %dma_wait3A_2545 = arith.constant 0 : i32
    %dma_wait3A_2546 = tpu.memref_slice %arg2[%dma_wait3A_2545] : memref<25165824xf32, #tpu.memory_space<hbm>> -> memref<25165824xf32, #tpu.memory_space<hbm>>
    tpu.wait_indirect_dma semaphore(%arg8 : memref<!tpu.dma_semaphore, #tpu.memory_space<semaphore_mem>>) src(%dma_wait3A_2546 : memref<25165824xf32, #tpu.memory_space<hbm>>) dst(%dma_wait3A_2542 : memref<960xf32, #tpu.memory_space<vmem>>)
    %add3A_2547 = arith.constant 0 : i32
    %add3A_2548 = arith.addi %multiple_of3A_2541, %add3A_2547 : i32
    %multiple_of3A_2549 = tpu.assume_multiple %add3A_2548, 8 : i32
    %dma_start3A_2550 = arith.constant 0 : i32
    %dma_start3A_2551 = tpu.memref_slice %arg7[%dma_start3A_2550] : memref<4800xf32, #tpu.memory_space<vmem>> -> memref<960xf32, #tpu.memory_space<vmem>>
    %dma_start3A_2552 = tpu.memref_slice %arg4[%multiple_of3A_2549] : memref<153600xf32, #tpu.memory_space<hbm>> -> memref<960xf32, #tpu.memory_space<hbm>>
    %dma_start3A_2553 = tpu.memref_slice %arg4[%multiple_of3A_2549] : memref<153600xf32, #tpu.memory_space<hbm>> -> memref<960xf32, #tpu.memory_space<hbm>>
    %dma_start3A_2554 = arith.constant 0 : i32
    %dma_start3A_2555 = tpu.memref_slice %arg7[%dma_start3A_2554] : memref<4800xf32, #tpu.memory_space<vmem>> -> memref<960xf32, #tpu.memory_space<vmem>>
    tpu.enqueue_dma source(%dma_start3A_2555 : memref<960xf32, #tpu.memory_space<vmem>>) target(%dma_start3A_2553 : memref<960xf32, #tpu.memory_space<hbm>>) target_semaphore(%arg9 : memref<!tpu.dma_semaphore, #tpu.memory_space<semaphore_mem>>)
    %dma_wait3A_2556 = arith.constant 960 : i32
    %dma_wait3A_2557 = tpu.memref_slice %arg7[%dma_wait3A_2556] : memref<4800xf32, #tpu.memory_space<vmem>> -> memref<960xf32, #tpu.memory_space<vmem>>
    %dma_wait3A_2558 = arith.constant 960 : i32
    %dma_wait3A_2559 = tpu.memref_slice %arg6[%dma_wait3A_2558] : memref<4800xi32, #tpu.memory_space<vmem>> -> memref<960xi32, #tpu.memory_space<vmem>>
    %dma_wait3A_2560 = arith.constant 0 : i32
    %dma_wait3A_2561 = tpu.memref_slice %arg2[%dma_wait3A_2560] : memref<25165824xf32, #tpu.memory_space<hbm>> -> memref<25165824xf32, #tpu.memory_space<hbm>>
    tpu.wait_indirect_dma semaphore(%arg8 : memref<!tpu.dma_semaphore, #tpu.memory_space<semaphore_mem>>) src(%dma_wait3A_2561 : memref<25165824xf32, #tpu.memory_space<hbm>>) dst(%dma_wait3A_2557 : memref<960xf32, #tpu.memory_space<vmem>>)
    %add3A_2562 = arith.constant 960 : i32
    %add3A_2563 = arith.addi %multiple_of3A_2541, %add3A_2562 : i32
    %multiple_of3A_2564 = tpu.assume_multiple %add3A_2563, 8 : i32
    %dma_start3A_2565 = arith.constant 960 : i32
    %dma_start3A_2566 = tpu.memref_slice %arg7[%dma_start3A_2565] : memref<4800xf32, #tpu.memory_space<vmem>> -> memref<960xf32, #tpu.memory_space<vmem>>
    %dma_start3A_2567 = tpu.memref_slice %arg4[%multiple_of3A_2564] : memref<153600xf32, #tpu.memory_space<hbm>> -> memref<960xf32, #tpu.memory_space<hbm>>
    %dma_start3A_2568 = tpu.memref_slice %arg4[%multiple_of3A_2564] : memref<153600xf32, #tpu.memory_space<hbm>> -> memref<960xf32, #tpu.memory_space<hbm>>
    %dma_start3A_2569 = arith.constant 960 : i32
    %dma_start3A_2570 = tpu.memref_slice %arg7[%dma_start3A_2569] : memref<4800xf32, #tpu.memory_space<vmem>> -> memref<960xf32, #tpu.memory_space<vmem>>
    tpu.enqueue_dma source(%dma_start3A_2570 : memref<960xf32, #tpu.memory_space<vmem>>) target(%dma_start3A_2568 : memref<960xf32, #tpu.memory_space<hbm>>) target_semaphore(%arg9 : memref<!tpu.dma_semaphore, #tpu.memory_space<semaphore_mem>>)
    %dma_wait3A_2571 = arith.constant 1920 : i32
    %dma_wait3A_2572 = tpu.memref_slice %arg7[%dma_wait3A_2571] : memref<4800xf32, #tpu.memory_space<vmem>> -> memref<960xf32, #tpu.memory_space<vmem>>
    %dma_wait3A_2573 = arith.constant 1920 : i32
    %dma_wait3A_2574 = tpu.memref_slice %arg6[%dma_wait3A_2573] : memref<4800xi32, #tpu.memory_space<vmem>> -> memref<960xi32, #tpu.memory_space<vmem>>
    %dma_wait3A_2575 = arith.constant 0 : i32
    %dma_wait3A_2576 = tpu.memref_slice %arg2[%dma_wait3A_2575] : memref<25165824xf32, #tpu.memory_space<hbm>> -> memref<25165824xf32, #tpu.memory_space<hbm>>
    tpu.wait_indirect_dma semaphore(%arg8 : memref<!tpu.dma_semaphore, #tpu.memory_space<semaphore_mem>>) src(%dma_wait3A_2576 : memref<25165824xf32, #tpu.memory_space<hbm>>) dst(%dma_wait3A_2572 : memref<960xf32, #tpu.memory_space<vmem>>)
    %add3A_2577 = arith.constant 1920 : i32
    %add3A_2578 = arith.addi %multiple_of3A_2541, %add3A_2577 : i32
    %multiple_of3A_2579 = tpu.assume_multiple %add3A_2578, 8 : i32
    %dma_start3A_2580 = arith.constant 1920 : i32
    %dma_start3A_2581 = tpu.memref_slice %arg7[%dma_start3A_2580] : memref<4800xf32, #tpu.memory_space<vmem>> -> memref<960xf32, #tpu.memory_space<vmem>>
    %dma_start3A_2582 = tpu.memref_slice %arg4[%multiple_of3A_2579] : memref<153600xf32, #tpu.memory_space<hbm>> -> memref<960xf32, #tpu.memory_space<hbm>>
    %dma_start3A_2583 = tpu.memref_slice %arg4[%multiple_of3A_2579] : memref<153600xf32, #tpu.memory_space<hbm>> -> memref<960xf32, #tpu.memory_space<hbm>>
    %dma_start3A_2584 = arith.constant 1920 : i32
    %dma_start3A_2585 = tpu.memref_slice %arg7[%dma_start3A_2584] : memref<4800xf32, #tpu.memory_space<vmem>> -> memref<960xf32, #tpu.memory_space<vmem>>
    tpu.enqueue_dma source(%dma_start3A_2585 : memref<960xf32, #tpu.memory_space<vmem>>) target(%dma_start3A_2583 : memref<960xf32, #tpu.memory_space<hbm>>) target_semaphore(%arg9 : memref<!tpu.dma_semaphore, #tpu.memory_space<semaphore_mem>>)
    %dma_wait3A_2586 = arith.constant 2880 : i32
    %dma_wait3A_2587 = tpu.memref_slice %arg7[%dma_wait3A_2586] : memref<4800xf32, #tpu.memory_space<vmem>> -> memref<960xf32, #tpu.memory_space<vmem>>
    %dma_wait3A_2588 = arith.constant 2880 : i32
    %dma_wait3A_2589 = tpu.memref_slice %arg6[%dma_wait3A_2588] : memref<4800xi32, #tpu.memory_space<vmem>> -> memref<960xi32, #tpu.memory_space<vmem>>
    %dma_wait3A_2590 = arith.constant 0 : i32
    %dma_wait3A_2591 = tpu.memref_slice %arg2[%dma_wait3A_2590] : memref<25165824xf32, #tpu.memory_space<hbm>> -> memref<25165824xf32, #tpu.memory_space<hbm>>
    tpu.wait_indirect_dma semaphore(%arg8 : memref<!tpu.dma_semaphore, #tpu.memory_space<semaphore_mem>>) src(%dma_wait3A_2591 : memref<25165824xf32, #tpu.memory_space<hbm>>) dst(%dma_wait3A_2587 : memref<960xf32, #tpu.memory_space<vmem>>)
    %add3A_2592 = arith.constant 2880 : i32
    %add3A_2593 = arith.addi %multiple_of3A_2541, %add3A_2592 : i32
    %multiple_of3A_2594 = tpu.assume_multiple %add3A_2593, 8 : i32
    %dma_start3A_2595 = arith.constant 2880 : i32
    %dma_start3A_2596 = tpu.memref_slice %arg7[%dma_start3A_2595] : memref<4800xf32, #tpu.memory_space<vmem>> -> memref<960xf32, #tpu.memory_space<vmem>>
    %dma_start3A_2597 = tpu.memref_slice %arg4[%multiple_of3A_2594] : memref<153600xf32, #tpu.memory_space<hbm>> -> memref<960xf32, #tpu.memory_space<hbm>>
    %dma_start3A_2598 = tpu.memref_slice %arg4[%multiple_of3A_2594] : memref<153600xf32, #tpu.memory_space<hbm>> -> memref<960xf32, #tpu.memory_space<hbm>>
    %dma_start3A_2599 = arith.constant 2880 : i32
    %dma_start3A_2600 = tpu.memref_slice %arg7[%dma_start3A_2599] : memref<4800xf32, #tpu.memory_space<vmem>> -> memref<960xf32, #tpu.memory_space<vmem>>
    tpu.enqueue_dma source(%dma_start3A_2600 : memref<960xf32, #tpu.memory_space<vmem>>) target(%dma_start3A_2598 : memref<960xf32, #tpu.memory_space<hbm>>) target_semaphore(%arg9 : memref<!tpu.dma_semaphore, #tpu.memory_space<semaphore_mem>>)
    %dma_wait3A_2601 = arith.constant 3840 : i32
    %dma_wait3A_2602 = tpu.memref_slice %arg7[%dma_wait3A_2601] : memref<4800xf32, #tpu.memory_space<vmem>> -> memref<960xf32, #tpu.memory_space<vmem>>
    %dma_wait3A_2603 = arith.constant 3840 : i32
    %dma_wait3A_2604 = tpu.memref_slice %arg6[%dma_wait3A_2603] : memref<4800xi32, #tpu.memory_space<vmem>> -> memref<960xi32, #tpu.memory_space<vmem>>
    %dma_wait3A_2605 = arith.constant 0 : i32
    %dma_wait3A_2606 = tpu.memref_slice %arg2[%dma_wait3A_2605] : memref<25165824xf32, #tpu.memory_space<hbm>> -> memref<25165824xf32, #tpu.memory_space<hbm>>
    tpu.wait_indirect_dma semaphore(%arg8 : memref<!tpu.dma_semaphore, #tpu.memory_space<semaphore_mem>>) src(%dma_wait3A_2606 : memref<25165824xf32, #tpu.memory_space<hbm>>) dst(%dma_wait3A_2602 : memref<960xf32, #tpu.memory_space<vmem>>)
    %add3A_2607 = arith.constant 3840 : i32
    %add3A_2608 = arith.addi %multiple_of3A_2541, %add3A_2607 : i32
    %multiple_of3A_2609 = tpu.assume_multiple %add3A_2608, 8 : i32
    %dma_start3A_2610 = arith.constant 3840 : i32
    %dma_start3A_2611 = tpu.memref_slice %arg7[%dma_start3A_2610] : memref<4800xf32, #tpu.memory_space<vmem>> -> memref<960xf32, #tpu.memory_space<vmem>>
    %dma_start3A_2612 = tpu.memref_slice %arg4[%multiple_of3A_2609] : memref<153600xf32, #tpu.memory_space<hbm>> -> memref<960xf32, #tpu.memory_space<hbm>>
    %dma_start3A_2613 = tpu.memref_slice %arg4[%multiple_of3A_2609] : memref<153600xf32, #tpu.memory_space<hbm>> -> memref<960xf32, #tpu.memory_space<hbm>>
    %dma_start3A_2614 = arith.constant 3840 : i32
    %dma_start3A_2615 = tpu.memref_slice %arg7[%dma_start3A_2614] : memref<4800xf32, #tpu.memory_space<vmem>> -> memref<960xf32, #tpu.memory_space<vmem>>
    tpu.enqueue_dma source(%dma_start3A_2615 : memref<960xf32, #tpu.memory_space<vmem>>) target(%dma_start3A_2613 : memref<960xf32, #tpu.memory_space<hbm>>) target_semaphore(%arg9 : memref<!tpu.dma_semaphore, #tpu.memory_space<semaphore_mem>>)
    %dma_wait3A_2616 = arith.constant 0 : i32
    %dma_wait3A_2617 = tpu.memref_slice %arg7[%dma_wait3A_2616] : memref<4800xf32, #tpu.memory_space<vmem>> -> memref<960xf32, #tpu.memory_space<vmem>>
    %dma_wait3A_2618 = tpu.memref_slice %arg4[%multiple_of3A_2549] : memref<153600xf32, #tpu.memory_space<hbm>> -> memref<960xf32, #tpu.memory_space<hbm>>
    %dma_wait3A_2619 = tpu.memref_slice %arg4[%multiple_of3A_2549] : memref<153600xf32, #tpu.memory_space<hbm>> -> memref<960xf32, #tpu.memory_space<hbm>>
    %dma_wait3A_2620 = arith.constant 0 : i32
    %dma_wait3A_2621 = tpu.memref_slice %arg7[%dma_wait3A_2620] : memref<4800xf32, #tpu.memory_space<vmem>> -> memref<960xf32, #tpu.memory_space<vmem>>
    tpu.wait_dma2 semaphore(%arg9 : memref<!tpu.dma_semaphore, #tpu.memory_space<semaphore_mem>>) src(%dma_wait3A_2621 : memref<960xf32, #tpu.memory_space<vmem>>) dst(%dma_wait3A_2619 : memref<960xf32, #tpu.memory_space<hbm>>)
    %dma_wait3A_2622 = arith.constant 960 : i32
    %dma_wait3A_2623 = tpu.memref_slice %arg7[%dma_wait3A_2622] : memref<4800xf32, #tpu.memory_space<vmem>> -> memref<960xf32, #tpu.memory_space<vmem>>
    %dma_wait3A_2624 = tpu.memref_slice %arg4[%multiple_of3A_2564] : memref<153600xf32, #tpu.memory_space<hbm>> -> memref<960xf32, #tpu.memory_space<hbm>>
    %dma_wait3A_2625 = tpu.memref_slice %arg4[%multiple_of3A_2564] : memref<153600xf32, #tpu.memory_space<hbm>> -> memref<960xf32, #tpu.memory_space<hbm>>
    %dma_wait3A_2626 = arith.constant 960 : i32
    %dma_wait3A_2627 = tpu.memref_slice %arg7[%dma_wait3A_2626] : memref<4800xf32, #tpu.memory_space<vmem>> -> memref<960xf32, #tpu.memory_space<vmem>>
    tpu.wait_dma2 semaphore(%arg9 : memref<!tpu.dma_semaphore, #tpu.memory_space<semaphore_mem>>) src(%dma_wait3A_2627 : memref<960xf32, #tpu.memory_space<vmem>>) dst(%dma_wait3A_2625 : memref<960xf32, #tpu.memory_space<hbm>>)
    %dma_wait3A_2628 = arith.constant 1920 : i32
    %dma_wait3A_2629 = tpu.memref_slice %arg7[%dma_wait3A_2628] : memref<4800xf32, #tpu.memory_space<vmem>> -> memref<960xf32, #tpu.memory_space<vmem>>
    %dma_wait3A_2630 = tpu.memref_slice %arg4[%multiple_of3A_2579] : memref<153600xf32, #tpu.memory_space<hbm>> -> memref<960xf32, #tpu.memory_space<hbm>>
    %dma_wait3A_2631 = tpu.memref_slice %arg4[%multiple_of3A_2579] : memref<153600xf32, #tpu.memory_space<hbm>> -> memref<960xf32, #tpu.memory_space<hbm>>
    %dma_wait3A_2632 = arith.constant 1920 : i32
    %dma_wait3A_2633 = tpu.memref_slice %arg7[%dma_wait3A_2632] : memref<4800xf32, #tpu.memory_space<vmem>> -> memref<960xf32, #tpu.memory_space<vmem>>
    tpu.wait_dma2 semaphore(%arg9 : memref<!tpu.dma_semaphore, #tpu.memory_space<semaphore_mem>>) src(%dma_wait3A_2633 : memref<960xf32, #tpu.memory_space<vmem>>) dst(%dma_wait3A_2631 : memref<960xf32, #tpu.memory_space<hbm>>)
    %dma_wait3A_2634 = arith.constant 2880 : i32
    %dma_wait3A_2635 = tpu.memref_slice %arg7[%dma_wait3A_2634] : memref<4800xf32, #tpu.memory_space<vmem>> -> memref<960xf32, #tpu.memory_space<vmem>>
    %dma_wait3A_2636 = tpu.memref_slice %arg4[%multiple_of3A_2594] : memref<153600xf32, #tpu.memory_space<hbm>> -> memref<960xf32, #tpu.memory_space<hbm>>
    %dma_wait3A_2637 = tpu.memref_slice %arg4[%multiple_of3A_2594] : memref<153600xf32, #tpu.memory_space<hbm>> -> memref<960xf32, #tpu.memory_space<hbm>>
    %dma_wait3A_2638 = arith.constant 2880 : i32
    %dma_wait3A_2639 = tpu.memref_slice %arg7[%dma_wait3A_2638] : memref<4800xf32, #tpu.memory_space<vmem>> -> memref<960xf32, #tpu.memory_space<vmem>>
    tpu.wait_dma2 semaphore(%arg9 : memref<!tpu.dma_semaphore, #tpu.memory_space<semaphore_mem>>) src(%dma_wait3A_2639 : memref<960xf32, #tpu.memory_space<vmem>>) dst(%dma_wait3A_2637 : memref<960xf32, #tpu.memory_space<hbm>>)
    %dma_wait3A_2640 = arith.constant 3840 : i32
    %dma_wait3A_2641 = tpu.memref_slice %arg7[%dma_wait3A_2640] : memref<4800xf32, #tpu.memory_space<vmem>> -> memref<960xf32, #tpu.memory_space<vmem>>
    %dma_wait3A_2642 = tpu.memref_slice %arg4[%multiple_of3A_2609] : memref<153600xf32, #tpu.memory_space<hbm>> -> memref<960xf32, #tpu.memory_space<hbm>>
    %dma_wait3A_2643 = tpu.memref_slice %arg4[%multiple_of3A_2609] : memref<153600xf32, #tpu.memory_space<hbm>> -> memref<960xf32, #tpu.memory_space<hbm>>
    %dma_wait3A_2644 = arith.constant 3840 : i32
    %dma_wait3A_2645 = tpu.memref_slice %arg7[%dma_wait3A_2644] : memref<4800xf32, #tpu.memory_space<vmem>> -> memref<960xf32, #tpu.memory_space<vmem>>
    tpu.wait_dma2 semaphore(%arg9 : memref<!tpu.dma_semaphore, #tpu.memory_space<semaphore_mem>>) src(%dma_wait3A_2645 : memref<960xf32, #tpu.memory_space<vmem>>) dst(%dma_wait3A_2643 : memref<960xf32, #tpu.memory_space<hbm>>)
    return
  }
}

module attributes {stable_mosaic.version = 14 : i64} {
  func.func @_loss_body(%arg0: memref<1600x96xf32, #tpu.memory_space<vmem>>, %arg1: memref<1600x96xf32, #tpu.memory_space<vmem>>, %arg2: memref<1x1xf32, #tpu.memory_space<vmem>>) attributes {dimension_semantics = [], scalar_prefetch = 0 : i64, scratch_operands = 0 : i64, tpu.core_type = #tpu.core_type<tc>} {
    %get3A = arith.constant 0 : index
    %get3A_0 = arith.constant 0 : index
    %get3A_1 = vector.load %arg0[%get3A, %get3A_0] : memref<1600x96xf32, #tpu.memory_space<vmem>>, vector<1600x96xf32>
    %tanh3A = math.tanh %get3A_1 : vector<1600x96xf32>
    %get3A_2 = arith.constant 0 : index
    %get3A_3 = arith.constant 0 : index
    %get3A_4 = vector.load %arg1[%get3A_2, %get3A_3] : memref<1600x96xf32, #tpu.memory_space<vmem>>, vector<1600x96xf32>
    %mul3A = arith.mulf %tanh3A, %tanh3A : vector<1600x96xf32>
    %reduce_sum3A = arith.constant dense<0.000000e+00> : vector<1600xf32>
    %reduce_sum3A_5 = vector.multi_reduction <add>, %mul3A, %reduce_sum3A [1] : vector<1600x96xf32> to vector<1600xf32>
    %broadcast_in_dim3A = vector.shape_cast %reduce_sum3A_5 : vector<1600xf32> to vector<1600x1xf32>
    %mul3A_6 = arith.mulf %tanh3A, %get3A_4 : vector<1600x96xf32>
    %reduce_sum3A_7 = arith.constant dense<0.000000e+00> : vector<1600xf32>
    %reduce_sum3A_8 = vector.multi_reduction <add>, %mul3A_6, %reduce_sum3A_7 [1] : vector<1600x96xf32> to vector<1600xf32>
    %broadcast_in_dim3A_9 = vector.shape_cast %reduce_sum3A_8 : vector<1600xf32> to vector<1600x1xf32>
    %sqrt3A = math.sqrt %broadcast_in_dim3A : vector<1600x1xf32>
    %max3A = arith.constant 9.99999996E-13 : f32
    %max3A_10 = vector.broadcast %max3A : f32 to vector<1600x1xf32>
    %max3A_11 = arith.maximumf %sqrt3A, %max3A_10 : vector<1600x1xf32>
    %div3A = arith.divf %broadcast_in_dim3A_9, %max3A_11 : vector<1600x1xf32>
    %sub3A = arith.constant 1.000000e+00 : f32
    %sub3A_12 = vector.broadcast %sub3A : f32 to vector<1600x1xf32>
    %sub3A_13 = arith.subf %sub3A_12, %div3A : vector<1600x1xf32>
    %reduce_sum3A_14 = vector.shape_cast %sub3A_13 : vector<1600x1xf32> to vector<1x1600x1xf32>
    %reduce_sum3A_15 = arith.constant dense<0.000000e+00> : vector<1xf32>
    %reduce_sum3A_16 = vector.multi_reduction <add>, %reduce_sum3A_14, %reduce_sum3A_15 [1, 2] : vector<1x1600x1xf32> to vector<1xf32>
    %reduce_sum3A_17 = vector.shape_cast %reduce_sum3A_16 : vector<1xf32> to vector<1x1x1xf32>
    %reduce_sum3A_18 = vector.extract %reduce_sum3A_17[0, 0, 0] : f32 from vector<1x1x1xf32>
    %mul3A_19 = arith.constant 6.250000e-04 : f32
    %mul3A_20 = arith.mulf %reduce_sum3A_18, %mul3A_19 : f32
    %reshape3A = vector.broadcast %mul3A_20 : f32 to vector<1x1xf32>
    %swap3A = arith.constant 0 : index
    %swap3A_21 = arith.constant 0 : index
    %swap3A_22 = vector.load %arg2[%swap3A, %swap3A_21] : memref<1x1xf32, #tpu.memory_space<vmem>>, vector<1x1xf32>
    tpu.vector_store %arg2[%swap3A, %swap3A_21], %reshape3A {strides = array<i32>} : memref<1x1xf32, #tpu.memory_space<vmem>>, vector<1x1xf32>,
    return
  }
}

</mosaic_0001>

<sc_bundles>
// kernel: kernel.4.cloned.1.call-start
scs
__scs_entry_jumppad:
0x0: {  	(pc) =	sbr.rel $0x88, $3  }
0x1: {  	(tag) =	ssettag $0x0;
	lr =	simm.s32 $0x1  }
0x2: {  	[smem:$0x3F9E] =	sst lr;
	_ =	strace $0xD0000000  }
0x3: {  	_ = 	snop  }
0x4: {  	_ = 	snop  }
0x5: {  	_ = 	snop  }
0x6: {  	_ = 	snop  }
0x7: {  	_ = 	snop  }
__scs_overlays_trampoline_lowered:
0x8: {  	[smem:$0x3FAD] =	sst s0  }
0x9: {  	[smem:$0x3FAE] =	sst s1  }
0xa: {  	[smem:$0x3FAF] =	sst s2  }
0xb: {  	[smem:$0x3FB0] =	sst s3  }
0xc: {  	[smem:$0x3FB1] =	sst s4  }
0xd: {  	[smem:$0x3FB2] =	sst s5  }
0xe: {  	[smem:$0x3FB3] =	sst s6  }
0xf: {  	[smem:$0x3FB4] =	sst s7  }
0x10: {  	[smem:$0x3FB5] =	sst s8  }
0x11: {  	[smem:$0x3FB6] =	sst s9;
	s0 =	simm.s32 @!p0 $0x0  }
0x12: {  	s1 =	sld [smem:$0x3F9C];
	s0 =	simm.s32 @p0 $0x1  }
0x13: {  	[smem:$0x3FB7] =	sst s0;
	s0 =	simm.s32 @!p1 $0x0  }
0x14: {  	s2 =	sld [smem:$0x3F9B];
	s0 =	simm.s32 @p1 $0x1  }
0x15: {  	[smem:$0x3FB8] =	sst s0;
	s0 =	simm.s32 @!p2 $0x0  }
0x16: {  	s3 =	sld [smem:$0x3FDB];
	s0 =	simm.s32 @p2 $0x1  }
0x17: {  	s4 =	simm.s32 $0x1BF5;
	[smem:$0x3FBA] =	sst s0  }
0x18: {  	s0 =	sld [smem:$0x3F9D];
	_ =	swait.ge [sflag:s4], $0x0  }
0x19: {  	s7 =	sld [smem:$0x3F9E]  }
0x1a: {  	s8 =	sadd.s32 $0xFFFFE003, lr  }
0x1b: {  	s9 =	sadd.s32 $0xFFFFFEF7, lr;
	s5 =	simm.s32 $0xFFFFFFFF;
	p2 =	slt.u32 s8, $0xFFFFF086  }
0x1c: {  	p1 =	slt.u32 s9, $0xF7A;
	s5 =	simm.s32 @!p2 $0x0  }
0x1d: {  	s5 =	simm.s32 @p1 $0x1;
	p0 =	seq.s32 s7, s2  }
0x1e: {  	s7 =	smul.u32 @!p0 $0xF7A, s2;
	p2 =	seq.s32 @!p0 s5, $0x0  }
0x1f: {  	s9 =	smul.u32 $0xF7A, s1;
	s8 =	simm.s32 @!p0 $0x1BF5;
	p2 =	por !p2, p0  }
0x20: {  	[sflag:s8] =	ssyncset.s32 @!p0 $0xFFFFF086;
	s6 =	sadd.s32 @!p0 s3, s7;
	s7 =	simm.s32 @!p0 $0x108  }
0x21: {  	s3 =	sadd.s32 s3, s9;
	s6 =	sadd.s32 @!p0 $0x88, s6;
	s7 =	simm.s32 @p2 $0x1082  }
0x22: {  	[simem:s7], [sflag:s8] =	dma.local @!p0 [hbm:s6], $0xF7A  }
0x23: {  	s9 =	sor.u32 $0xD0000000, s2;
	s6 =	simm.s32 $0x108;
	_ =	swait.ge @!p0 [sflag:s8], $0x0  }
0x24: {  	s3 =	sadd.s32 $0x88, s3;
	s6 =	simm.s32 @!p1 $0x1082;
	[sflag:s4] =	ssyncset.s32 $0xFFFFF086  }
0x25: {  	[simem:s6], [sflag:s4] =	dma.local [hbm:s3], $0xF7A  }
0x26: {  	[smem:$0x3F9E] =	sst s1;
	(tag) =	ssettag s2;
	_ =	strace s9  }
0x27: {  	s1 =	sld [smem:$0x3FAE]  }
0x28: {  	s2 =	sld [smem:$0x3FAF]  }
0x29: {  	s4 =	sld [smem:$0x3FB1]  }
0x2a: {  	p0 =	seq.s32 s5, $0x0;
	s5 =	sld [smem:$0x3FB2]  }
0x2b: {  	s6 =	sld [smem:$0x3FB3]  }
0x2c: {  	s7 =	sld [smem:$0x3FB4]  }
0x2d: {  	s3 =	simm.s32 $0x108;
	s8 =	sld [smem:$0x3FB5]  }
0x2e: {  	s3 =	simm.s32 @!p0 $0x1082;
	s9 =	sld [smem:$0x3FB6]  }
0x2f: {  	lr =	sadd.s32 s0, s3;
	s0 =	sld [smem:$0x3FAD]  }
0x30: {  	s3 =	sld [smem:$0x3FB0]  }
0x31: {  	[smem:$0x3FB9] =	sst s10  }
0x32: {  	s10 =	sld [smem:$0x3FB7];
	_ =	sdelay $0x3  }
0x33: {  	p0 =	seq.s32 s10, $0x1;
	s10 =	sld [smem:$0x3FB9];
	_ =	sdelay $0x3  }
0x34: {  	[smem:$0x3FB9] =	sst s10  }
0x35: {  	s10 =	sld [smem:$0x3FB8];
	_ =	sdelay $0x3  }
0x36: {  	p1 =	seq.s32 s10, $0x1;
	s10 =	sld [smem:$0x3FB9];
	_ =	sdelay $0x3  }
0x37: {  	[smem:$0x3FB9] =	sst s10  }
0x38: {  	s10 =	sld [smem:$0x3FBA]  }
0x39: {  	_ = 	snop;
	(pc) =	sbr.ind lr, $3  }
0x3a: {  	_ = 	snop  }
0x3b: {  	_ = 	snop  }
0x3c: {  	p2 =	seq.s32 s10, $0x1;
	s10 =	sld [smem:$0x3FB9]  }
0x3d: {  	_ =	shalt  }
0x3e: {  	_ =	shalt  }
0x3f: {  	_ =	shalt  }
0x40: {  	_ =	shalt  }
0x41: {  	_ =	shalt  }
0x42: {  	_ =	shalt  }
0x43: {  	_ =	shalt  }
0x44: {  	_ =	shalt  }
0x45: {  	_ =	shalt  }
0x46: {  	_ =	shalt  }
0x47: {  	_ =	shalt  }
0x48: {  	_ =	shalt  }
0x49: {  	_ =	shalt  }
0x4a: {  	_ =	shalt  }
0x4b: {  	_ =	shalt  }
0x4c: {  	_ =	shalt  }
0x4d: {  	_ =	shalt  }
0x4e: {  	_ =	shalt  }
0x4f: {  	_ =	shalt  }
0x50: {  	_ =	shalt  }
0x51: {  	_ =	shalt  }
0x52: {  	_ =	shalt  }
0x53: {  	_ =	shalt  }
0x54: {  	_ =	shalt  }
0x55: {  	_ =	shalt  }
0x56: {  	_ =	shalt  }
0x57: {  	_ =	shalt  }
0x58: {  	_ =	shalt  }
0x59: {  	_ =	shalt  }
0x5a: {  	_ =	shalt  }
0x5b: {  	_ =	shalt  }
0x5c: {  	_ =	shalt  }
0x5d: {  	_ =	shalt  }
0x5e: {  	_ =	shalt  }
0x5f: {  	_ =	shalt  }
0x60: {  	_ =	shalt  }
0x61: {  	_ =	shalt  }
0x62: {  	_ =	shalt  }
0x63: {  	_ =	shalt  }
0x64: {  	_ =	shalt  }
0x65: {  	_ =	shalt  }
0x66: {  	_ =	shalt  }
0x67: {  	_ =	shalt  }
0x68: {  	_ =	shalt  }
0x69: {  	_ =	shalt  }
0x6a: {  	_ =	shalt  }
0x6b: {  	_ =	shalt  }
0x6c: {  	_ =	shalt  }
0x6d: {  	_ =	shalt  }
0x6e: {  	_ =	shalt  }
0x6f: {  	_ =	shalt  }
0x70: {  	_ =	shalt  }
0x71: {  	_ =	shalt  }
0x72: {  	_ =	shalt  }
0x73: {  	_ =	shalt  }
0x74: {  	_ =	shalt  }
0x75: {  	_ =	shalt  }
0x76: {  	_ =	shalt  }
0x77: {  	_ =	shalt  }
0x78: {  	_ =	shalt  }
0x79: {  	_ =	shalt  }
0x7a: {  	_ =	shalt  }
0x7b: {  	_ =	shalt  }
0x7c: {  	_ =	shalt  }
0x7d: {  	_ =	shalt  }
0x7e: {  	_ =	shalt  }
0x7f: {  	_ =	shalt  }
0x80: {  	_ =	shalt  }
0x81: {  	_ =	shalt  }
0x82: {  	_ =	shalt  }
0x83: {  	_ =	shalt  }
0x84: {  	_ =	shalt  }
0x85: {  	_ =	shalt  }
0x86: {  	_ =	shalt  }
0x87: {  	_ =	shalt  }
.Lfunc_end0:
.L_simem_size_0:
called_computation_lowered:
.L_overlay_start_0:
0x88: {  	s2 =	sld [smem:$0x3FD9]  }
0x89: {  	s3 =	sld [smem:$0x3FFE];
	_ =	sdelay $0x1  }
0x8a: {  	s1 =	srdreg.scid  }
0x8b: {  	s0 =	sand.u32 $0x1, s1  }
0x8c: {  	s17 =	sshll.u32 s0, $0xA;
	s2 =	sadd.s32 s3, s2  }
0x8d: {  	s2 =	sadd.s32 s2, s17  }
0x8e: {  	[smem:$0x3FC5] =	sst s2  }
0x8f: {  	_ = 	snop  }
0x90: {  	s2 =	sld [smem:$0x3FC9];
	(tm) =	ssettm $0x1  }
0x91: {  	s18 =	sld [smem:$0x3FFB];
	_ =	sdelay $0x3  }
0x92: {  	_ =	strace s18  }
0x93: {  	s3 =	sld [smem:$0x3FFC];
	_ =	sdelay $0x3  }
0x94: {  	_ =	strace s3  }
0x95: {  	s3 =	sld [smem:$0x3FFD];
	_ =	sdelay $0x3  }
0x96: {  	_ =	strace s3  }
0x97: {  	_ =	strace $0x8FFFFFFF  }
0x98: {  	s19 =	sld [smem:$0x3FDB];
	_ =	sdelay $0x1  }
0x99: {  	s4 =	simm.s32 $_scs_section_size  }
0x9a: {  	s5 =	simm.s32 $_size__tile_overlayer_lowered;
	s6 =	simm.s32 $_tile_overlayer_lowered  }
0x9b: {  	s22 =	simm.s32 $0x1BFF;
	s21 =	sshll.u32 s6, $0x1;
	s3 =	sadd.s32 s4, s19  }
0x9c: {  	s7 =	simm.s32 $0x0;
	s20 =	sshll.u32 s5, $0x1;
	s5 =	sadd.s32 s21, s3  }
0x9d: {  	[timem:s7], [sflag:s22] =	dma.local [hbm:s5], s20  }
0x9e: {  	_ =	swait.ge [sflag:s22], s20  }
0x9f: {  	s4 =	ssub.s32 $0x0, s20;
	[sflag:s22] =	ssyncset.done $0x0  }
0xa0: {  	[sflag:s22] =	ssyncadd.s32 s4;
	_ =	sdelay $0x1  }
0xa1: {  	s23 =	simm.s32 $0x1B8B  }
0xa2: {  	_ =	swait.ge [sflag:s23], $0x1  }
0xa3: {  	[sflag:s23] =	ssyncset.done $0x0  }
0xa4: {  	s25 =	simm.s32 $0x1B8E;
	s24 =	sld [smem:$0x3FFE];
	[sflag:s23] =	ssyncadd.s32 $0xFFFFFFFF  }
0xa5: {  	s26 =	simm.s32 $execute0_lowered;
	[smem:$0x3FD2] =	sst s25  }
0xa6: {  	s5 =	sshll.u32 s26, $0x1;
	_ =	strace $0x80000046;
	[dreg:$0x1] =	wrdreg $0xFFFFFFFF  }
0xa7: {  	s28 =	simm.s32 $_size_execute0_lowered;
	s3 =	sadd.s32 s3, s5;
	[dreg:$0x0] =	wrdreg $0x0  }
0xa8: {  	s5 =	sshll.u32 s28, $0x1;
	[dreg:$0x2] =	wrdreg s3  }
0xa9: {  	[dreg:$0x3] =	wrdreg s5  }
0xaa: {  	[dreg:$0x4] =	wrdreg $0xC0  }
0xab: {  	_ =	task [dreg:s7], $0x5FFFF  }
0xac: {  	[dreg:$0x1] =	wrdreg $0xFFFFFFFF  }
0xad: {  	[dreg:$0x0] =	wrdreg $0x60  }
0xae: {  	[dreg:$0x2] =	wrdreg s2  }
0xaf: {  	[dreg:$0x3] =	wrdreg s24  }
0xb0: {  	[dreg:$0x4] =	wrdreg $0x9  }
0xb1: {  	_ =	task.clear_ibuf [dreg:s7], $0x5FFFF;
	_ =	strace $0x90000046  }
0xb2: {  	s29 =	simm.s32 $0x9;
	_ =	strace $0x80000048  }
0xb3: {  	_ =	swait.ge [sflag:s29], $0x1  }
0xb4: {  	[sflag:s29] =	ssyncadd.s32 $0xFFFFFFFF  }
0xb5: {  	_ =	strace $0x90000048  }
0xb6: {  	_ =	sfence  }
0xb7: {  	s30 =	sld [smem:$0x0];
	_ =	sdelay $0x2  }
0xb8: {  	s31 =	sshll.u32 s1, $0xD;
	s1 =	sshrl.u32 s1, $0x2  }
0xb9: {  	s3 =	sand.u32 $0x4000, s31;
	s1 =	sadd.s32 s1, s30  }
0xba: {  	s0 =	sor.u32 s3, s0;
	s1 =	sshll.u32 s1, $0x11  }
0xbb: {  	s0 =	sor.u32 s1, s0  }
0xbc: {  	s0 =	sadd.s32 $0x8F2B, s0  }
0xbd: {  	[sflag:s0] =	ssyncadd.remote.s32 $0x1  }
0xbe: {  	_ =	sfence.sel $0xFFFF  }
0xbf: {  	[dreg:$0x0] =	wrdreg $0xFFFFFFFF;
	(pc) =	sbr.abs _section_cstart, $3  }
0xc0: {  	[dreg:$0x1] =	wrdreg $0xFFFFFFFF  }
0xc1: {  	_ =	task.clear_ibuf [dreg:s7], $0x2FFFF;
	_ =	strace $0x9FFFFFFF  }
0xc2: {  	(tm) =	ssettm $0x7FFFFFFF  }
0xc3: {  	_ =	shalt  }
tec
execute0_lowered:
.L_overlay_start_1:
0x0: {  	(tag) =	ssettag $0x1  }
0x1: {  	s1 =	srdreg.scid  }
0x2: {  	s0 =	stileid.u32;
	s2 =	rddreg [dreg:$0x0]  }
0x3: {  	s6 =	rddreg [dreg:$0x1];
	s3 =	simm.s32 $0x0;
	s31 =	simm.s32 $0x80  }
0x4: {  	s9 =	simm.s32 $0x440;
	s4 =	sand.u32 $0x1, s1;
	s23 =	sshll.u32 s0, $0x1  }
0x5: {  	s10 =	simm.s32 $0x800;
	s11 =	simm.s32 $0xBC0;
	s1 =	sor.u32 s4, s23  }
0x6: {  	s13 =	simm.s32 $0xF80;
	[smem:$0x7FF] =	sst s3;
	s5 =	smul.u32 $0x64, s1  }
0x7: {  	s12 =	simm.s32 $0x1EC0;
	s7 =	smul.u32 $0x12C0, s1;
	s1 =	rddreg [dreg:$0x2]  }
0x8: {  	s14 =	simm.s32 $0x1;
	_ =	strace $0x80000047;
	[dreg:$0x9] =	wrdreg s31  }
0x9: {  	s15 =	simm.s32 $0x2;
	s4 =	ssub.s32 $0x2, s4;
	[dreg:$0xa] =	wrdreg s9  }
0xa: {  	s26 =	sshrl.u32 s4, $0x1;
	s9 =	simm.s32 $0x1380;
	[dreg:$0xb] =	wrdreg s10  }
0xb: {  	s10 =	simm.s32 $0x1740;
	[dreg:$0xc] =	wrdreg s11;
	s8 =	sshrl.u32 s5, $0x3  }
0xc: {  	s11 =	simm.s32 $0x1B00;
	s7 =	sshrl.u32 s7, $0x3;
	s8 =	sadd.s32 s8, s6  }
0xd: {  	[dreg:$0xd] =	wrdreg s13;
	s6 =	sadd.s32 s7, s6;
	s24 =	sadd.s32 $0x600, s8  }
0xe: {  	s13 =	simm.s32 $0x2280;
	s25 =	sadd.s32 $0x800, s6;
	[dreg:$0x3] =	wrdreg s24  }
0xf: {  	v0 =	vlaneseq.u32;
	s5 =	sand.u32 $0x4, s5;
	s28 =	sadd.s32 $0x878, s6;
	[dreg:$0x4] =	wrdreg s25  }
0x10: {  	v0 =	vmul.u32 $0x4000, v0;
	s7 =	simm.s32 $0x3;
	s29 =	sadd.s32 $0x8F0, s6;
	[dreg:$0x5] =	wrdreg s28  }
0x11: {  	s8 =	ssub.s32 s4, s26;
	s30 =	sadd.s32 $0x968, s6;
	[dreg:$0x6] =	wrdreg s29  }
0x12: {  	v1 =	vor.u32 $0x40000, v0;
	v2 =	vor.u32 $0x80000, v0;
	s4 =	smul.u32 $0x180000, s0;
	s6 =	sadd.s32 $0x9E0, s6;
	[dreg:$0x7] =	wrdreg s30  }
0x13: {  	v3 =	vor.u32 $0xC0000, v0;
	v4 =	vor.u32 $0x100000, v0;
	v5 =	vor.u32 $0x140000, v0;
	[dreg:$0x8] =	wrdreg s6;
	s6 =	smax.u32 s8, $0x1;
	s8 =	simm.s32 $0x3C0  }
.LBB2_1:
0x14: {  	s16 =	rddreg [dreg:$0x3]  }
0x15: {  	[tilespmem:s3], [sflag:$0x3] =	stream.linear.gather [hbm4b:s16+s3], $0x70, $0x38;
	[tilespmem:$0x2680] =	vst v63  }
0x16: {  	_ =	swait.ge [sflag:s7], $0x70  }
0x17: {  	[sflag:s7] =	ssyncset.done $0x0  }
0x18: {  	[sflag:s7] =	ssyncadd.s32 $0xFFFFFF90  }
0x19: {  	v6 =	vld [tilespmem:s5+$0x0];
	_ =	sdelay $0x4  }
0x1a: {  	(v2sf) =	vpush v6, $0x1  }
0x1b: {  	(v2sf) =	vpush v6, $0x0;
	_ =	sdelay $0xd  }
0x1c: {  	s31 =	spop (v2sf)  }
0x1d: {  	s17 =	spop (v2sf)  }
0x1e: {  	s16 =	sshll.u32 s31, $0x7;
	s17 =	sadd.s32 s4, s17  }
0x1f: {  	s16 =	sadd.s32 s16, s17  }
0x20: {  	v6 =	vadd.s32 s16, v0  }
0x21: {  	[tilespmem:$0x80] =	vst v6;
	v6 =	vadd.s32 s16, v1  }
0x22: {  	[tilespmem:$0x90] =	vst v6;
	v6 =	vadd.s32 s16, v2  }
0x23: {  	[tilespmem:$0xA0] =	vst v6;
	v6 =	vadd.s32 s16, v3  }
0x24: {  	[tilespmem:$0xB0] =	vst v6;
	v6 =	vadd.s32 s16, v4  }
0x25: {  	[tilespmem:$0xC0] =	vst v6;
	v6 =	vadd.s32 s16, v5  }
0x26: {  	[tilespmem:$0xD0] =	vst v6  }
0x27: {  	v6 =	vld [tilespmem:s5+$0x2];
	_ =	sdelay $0x4  }
0x28: {  	(v2sf) =	vpush v6, $0x1  }
0x29: {  	(v2sf) =	vpush v6, $0x0;
	_ =	sdelay $0xd  }
0x2a: {  	s17 =	spop (v2sf)  }
0x2b: {  	s18 =	spop (v2sf)  }
0x2c: {  	s16 =	sshll.u32 s17, $0x7;
	s17 =	sadd.s32 s4, s18  }
0x2d: {  	s16 =	sadd.s32 s16, s17  }
0x2e: {  	v6 =	vadd.s32 s16, v0  }
0x2f: {  	[tilespmem:$0xE0] =	vst v6;
	v6 =	vadd.s32 s16, v1  }
0x30: {  	[tilespmem:$0xF0] =	vst v6;
	v6 =	vadd.s32 s16, v2  }
0x31: {  	[tilespmem:$0x100] =	vst v6;
	v6 =	vadd.s32 s16, v3  }
0x32: {  	[tilespmem:$0x110] =	vst v6;
	v6 =	vadd.s32 s16, v4  }
0x33: {  	[tilespmem:$0x120] =	vst v6;
	v6 =	vadd.s32 s16, v5  }
0x34: {  	[tilespmem:$0x130] =	vst v6  }
0x35: {  	v6 =	vld [tilespmem:s5+$0x4];
	_ =	sdelay $0x4  }
0x36: {  	(v2sf) =	vpush v6, $0x1  }
0x37: {  	(v2sf) =	vpush v6, $0x0;
	_ =	sdelay $0xd  }
0x38: {  	s19 =	spop (v2sf)  }
0x39: {  	s20 =	spop (v2sf)  }
0x3a: {  	s16 =	sshll.u32 s19, $0x7;
	s17 =	sadd.s32 s4, s20  }
0x3b: {  	s16 =	sadd.s32 s16, s17  }
0x3c: {  	v6 =	vadd.s32 s16, v0  }
0x3d: {  	[tilespmem:$0x140] =	vst v6;
	v6 =	vadd.s32 s16, v1  }
0x3e: {  	[tilespmem:$0x150] =	vst v6;
	v6 =	vadd.s32 s16, v2  }
0x3f: {  	[tilespmem:$0x160] =	vst v6;
	v6 =	vadd.s32 s16, v3  }
0x40: {  	[tilespmem:$0x170] =	vst v6;
	v6 =	vadd.s32 s16, v4  }
0x41: {  	[tilespmem:$0x180] =	vst v6;
	v6 =	vadd.s32 s16, v5  }
0x42: {  	[tilespmem:$0x190] =	vst v6  }
0x43: {  	v6 =	vld [tilespmem:s5+$0x6];
	_ =	sdelay $0x4  }
0x44: {  	(v2sf) =	vpush v6, $0x1  }
0x45: {  	(v2sf) =	vpush v6, $0x0;
	_ =	sdelay $0xd  }
0x46: {  	s21 =	spop (v2sf)  }
0x47: {  	s22 =	spop (v2sf)  }
0x48: {  	s16 =	sshll.u32 s21, $0x7;
	s17 =	sadd.s32 s4, s22  }
0x49: {  	s16 =	sadd.s32 s16, s17  }
0x4a: {  	v6 =	vadd.s32 s16, v0  }
0x4b: {  	[tilespmem:$0x1A0] =	vst v6;
	v6 =	vadd.s32 s16, v1  }
0x4c: {  	[tilespmem:$0x1B0] =	vst v6;
	v6 =	vadd.s32 s16, v2  }
0x4d: {  	[tilespmem:$0x1C0] =	vst v6;
	v6 =	vadd.s32 s16, v3  }
0x4e: {  	[tilespmem:$0x1D0] =	vst v6;
	v6 =	vadd.s32 s16, v4  }
0x4f: {  	[tilespmem:$0x1E0] =	vst v6;
	v6 =	vadd.s32 s16, v5  }
0x50: {  	[tilespmem:$0x1F0] =	vst v6  }
0x51: {  	v6 =	vld [tilespmem:s5+$0x8];
	_ =	sdelay $0x4  }
0x52: {  	(v2sf) =	vpush v6, $0x1  }
0x53: {  	(v2sf) =	vpush v6, $0x0;
	_ =	sdelay $0xd  }
0x54: {  	s23 =	spop (v2sf)  }
0x55: {  	s24 =	spop (v2sf)  }
0x56: {  	s16 =	sshll.u32 s23, $0x7;
	s17 =	sadd.s32 s4, s24  }
0x57: {  	s16 =	sadd.s32 s16, s17  }
0x58: {  	v6 =	vadd.s32 s16, v0  }
0x59: {  	[tilespmem:$0x200] =	vst v6;
	v6 =	vadd.s32 s16, v1  }
0x5a: {  	[tilespmem:$0x210] =	vst v6;
	v6 =	vadd.s32 s16, v2  }
0x5b: {  	[tilespmem:$0x220] =	vst v6;
	v6 =	vadd.s32 s16, v3  }
0x5c: {  	[tilespmem:$0x230] =	vst v6;
	v6 =	vadd.s32 s16, v4  }
0x5d: {  	[tilespmem:$0x240] =	vst v6;
	v6 =	vadd.s32 s16, v5  }
0x5e: {  	[tilespmem:$0x250] =	vst v6  }
0x5f: {  	v6 =	vld [tilespmem:s5+$0xA];
	_ =	sdelay $0x4  }
0x60: {  	(v2sf) =	vpush v6, $0x1  }
0x61: {  	(v2sf) =	vpush v6, $0x0;
	_ =	sdelay $0xd  }
0x62: {  	s25 =	spop (v2sf)  }
0x63: {  	s26 =	spop (v2sf)  }
0x64: {  	s16 =	sshll.u32 s25, $0x7;
	s17 =	sadd.s32 s4, s26  }
0x65: {  	s16 =	sadd.s32 s16, s17  }
0x66: {  	v6 =	vadd.s32 s16, v0  }
0x67: {  	[tilespmem:$0x260] =	vst v6;
	v6 =	vadd.s32 s16, v1  }
0x68: {  	[tilespmem:$0x270] =	vst v6;
	v6 =	vadd.s32 s16, v2  }
0x69: {  	[tilespmem:$0x280] =	vst v6;
	v6 =	vadd.s32 s16, v3  }
0x6a: {  	[tilespmem:$0x290] =	vst v6;
	v6 =	vadd.s32 s16, v4  }
0x6b: {  	[tilespmem:$0x2A0] =	vst v6;
	v6 =	vadd.s32 s16, v5  }
0x6c: {  	[tilespmem:$0x2B0] =	vst v6  }
0x6d: {  	v6 =	vld [tilespmem:s5+$0xC];
	_ =	sdelay $0x4  }
0x6e: {  	(v2sf) =	vpush v6, $0x1  }
0x6f: {  	(v2sf) =	vpush v6, $0x0;
	_ =	sdelay $0xd  }
0x70: {  	s28 =	spop (v2sf)  }
0x71: {  	s29 =	spop (v2sf)  }
0x72: {  	s16 =	sshll.u32 s28, $0x7;
	s17 =	sadd.s32 s4, s29  }
0x73: {  	s16 =	sadd.s32 s16, s17  }
0x74: {  	v6 =	vadd.s32 s16, v0  }
0x75: {  	[tilespmem:$0x2C0] =	vst v6;
	v6 =	vadd.s32 s16, v1  }
0x76: {  	[tilespmem:$0x2D0] =	vst v6;
	v6 =	vadd.s32 s16, v2  }
0x77: {  	[tilespmem:$0x2E0] =	vst v6;
	v6 =	vadd.s32 s16, v3  }
0x78: {  	[tilespmem:$0x2F0] =	vst v6;
	v6 =	vadd.s32 s16, v4  }
0x79: {  	[tilespmem:$0x300] =	vst v6;
	v6 =	vadd.s32 s16, v5  }
0x7a: {  	[tilespmem:$0x310] =	vst v6  }
0x7b: {  	v6 =	vld [tilespmem:s5+$0xE];
	_ =	sdelay $0x4  }
0x7c: {  	(v2sf) =	vpush v6, $0x1  }
0x7d: {  	(v2sf) =	vpush v6, $0x0;
	_ =	sdelay $0xd  }
0x7e: {  	s30 =	spop (v2sf)  }
0x7f: {  	s31 =	spop (v2sf)  }
0x80: {  	s16 =	sshll.u32 s30, $0x7;
	s17 =	sadd.s32 s4, s31  }
0x81: {  	s16 =	sadd.s32 s16, s17  }
0x82: {  	v6 =	vadd.s32 s16, v0  }
0x83: {  	[tilespmem:$0x320] =	vst v6;
	v6 =	vadd.s32 s16, v1  }
0x84: {  	[tilespmem:$0x330] =	vst v6;
	v6 =	vadd.s32 s16, v2  }
0x85: {  	[tilespmem:$0x340] =	vst v6;
	v6 =	vadd.s32 s16, v3  }
0x86: {  	[tilespmem:$0x350] =	vst v6;
	v6 =	vadd.s32 s16, v4  }
0x87: {  	[tilespmem:$0x360] =	vst v6;
	v6 =	vadd.s32 s16, v5  }
0x88: {  	[tilespmem:$0x370] =	vst v6  }
0x89: {  	v6 =	vld [tilespmem:s5+$0x10];
	_ =	sdelay $0x4  }
0x8a: {  	(v2sf) =	vpush v6, $0x1;
	_ =	sdelay $0xe  }
0x8b: {  	s18 =	spop (v2sf)  }
0x8c: {  	(v2sf) =	vpush v6, $0x0;
	_ =	sdelay $0xe  }
0x8d: {  	s19 =	spop (v2sf)  }
0x8e: {  	s16 =	sshll.u32 s18, $0x7;
	s17 =	sadd.s32 s4, s19  }
0x8f: {  	s16 =	sadd.s32 s16, s17  }
0x90: {  	v6 =	vadd.s32 s16, v0  }
0x91: {  	[tilespmem:$0x380] =	vst v6;
	v6 =	vadd.s32 s16, v1  }
0x92: {  	[tilespmem:$0x390] =	vst v6;
	v6 =	vadd.s32 s16, v2  }
0x93: {  	[tilespmem:$0x3A0] =	vst v6;
	v6 =	vadd.s32 s16, v3  }
0x94: {  	[tilespmem:$0x3B0] =	vst v6;
	v6 =	vadd.s32 s16, v4  }
0x95: {  	[tilespmem:$0x3C0] =	vst v6;
	v6 =	vadd.s32 s16, v5  }
0x96: {  	[tilespmem:$0x3D0] =	vst v6  }
0x97: {  	v6 =	vld [tilespmem:s5+$0x12];
	_ =	sdelay $0x4  }
0x98: {  	(v2sf) =	vpush v6, $0x1  }
0x99: {  	(v2sf) =	vpush v6, $0x0;
	_ =	sdelay $0xd  }
0x9a: {  	s20 =	spop (v2sf)  }
0x9b: {  	s21 =	spop (v2sf)  }
0x9c: {  	s16 =	sshll.u32 s20, $0x7;
	s17 =	sadd.s32 s4, s21  }
0x9d: {  	s16 =	sadd.s32 s16, s17  }
0x9e: {  	v6 =	vadd.s32 s16, v0  }
0x9f: {  	[tilespmem:$0x3E0] =	vst v6;
	v6 =	vadd.s32 s16, v1  }
0xa0: {  	[tilespmem:$0x3F0] =	vst v6;
	v6 =	vadd.s32 s16, v2  }
0xa1: {  	[tilespmem:$0x400] =	vst v6;
	v6 =	vadd.s32 s16, v3  }
0xa2: {  	[tilespmem:$0x410] =	vst v6;
	v6 =	vadd.s32 s16, v4  }
0xa3: {  	[tilespmem:$0x420] =	vst v6;
	v6 =	vadd.s32 s16, v5  }
0xa4: {  	s22 =	rddreg [dreg:$0x9];
	[tilespmem:$0x430] =	vst v6  }
0xa5: {  	[tilespmem:s9], [sflag:$0x1] =	stream.indirect.gather [hbm4b:s2+s8], $0x1, s22, s8, $0xb8;
	[tilespmem:$0x2680] =	vst v63  }
0xa6: {  	v6 =	vld [tilespmem:s5+$0x14];
	_ =	sdelay $0x4  }
0xa7: {  	(v2sf) =	vpush v6, $0x1  }
0xa8: {  	(v2sf) =	vpush v6, $0x0;
	_ =	sdelay $0xd  }
0xa9: {  	s23 =	spop (v2sf)  }
0xaa: {  	s24 =	spop (v2sf)  }
0xab: {  	s16 =	sshll.u32 s23, $0x7;
	s17 =	sadd.s32 s4, s24  }
0xac: {  	s16 =	sadd.s32 s16, s17  }
0xad: {  	v6 =	vadd.s32 s16, v0  }
0xae: {  	[tilespmem:$0x440] =	vst v6;
	v6 =	vadd.s32 s16, v1  }
0xaf: {  	[tilespmem:$0x450] =	vst v6;
	v6 =	vadd.s32 s16, v2  }
0xb0: {  	[tilespmem:$0x460] =	vst v6;
	v6 =	vadd.s32 s16, v3  }
0xb1: {  	[tilespmem:$0x470] =	vst v6;
	v6 =	vadd.s32 s16, v4  }
0xb2: {  	[tilespmem:$0x480] =	vst v6;
	v6 =	vadd.s32 s16, v5  }
0xb3: {  	[tilespmem:$0x490] =	vst v6  }
0xb4: {  	v6 =	vld [tilespmem:s5+$0x16];
	_ =	sdelay $0x4  }
0xb5: {  	(v2sf) =	vpush v6, $0x1  }
0xb6: {  	(v2sf) =	vpush v6, $0x0;
	_ =	sdelay $0xd  }
0xb7: {  	s25 =	spop (v2sf)  }
0xb8: {  	s26 =	spop (v2sf)  }
0xb9: {  	s16 =	sshll.u32 s25, $0x7;
	s17 =	sadd.s32 s4, s26  }
0xba: {  	s16 =	sadd.s32 s16, s17  }
0xbb: {  	v6 =	vadd.s32 s16, v0  }
0xbc: {  	[tilespmem:$0x4A0] =	vst v6;
	v6 =	vadd.s32 s16, v1  }
0xbd: {  	[tilespmem:$0x4B0] =	vst v6;
	v6 =	vadd.s32 s16, v2  }
0xbe: {  	[tilespmem:$0x4C0] =	vst v6;
	v6 =	vadd.s32 s16, v3  }
0xbf: {  	[tilespmem:$0x4D0] =	vst v6;
	v6 =	vadd.s32 s16, v4  }
0xc0: {  	[tilespmem:$0x4E0] =	vst v6;
	v6 =	vadd.s32 s16, v5  }
0xc1: {  	[tilespmem:$0x4F0] =	vst v6  }
0xc2: {  	v6 =	vld [tilespmem:s5+$0x18];
	_ =	sdelay $0x4  }
0xc3: {  	(v2sf) =	vpush v6, $0x1  }
0xc4: {  	(v2sf) =	vpush v6, $0x0;
	_ =	sdelay $0xd  }
0xc5: {  	s28 =	spop (v2sf)  }
0xc6: {  	s29 =	spop (v2sf)  }
0xc7: {  	s16 =	sshll.u32 s28, $0x7;
	s17 =	sadd.s32 s4, s29  }
0xc8: {  	s16 =	sadd.s32 s16, s17  }
0xc9: {  	v6 =	vadd.s32 s16, v0  }
0xca: {  	[tilespmem:$0x500] =	vst v6;
	v6 =	vadd.s32 s16, v1  }
0xcb: {  	[tilespmem:$0x510] =	vst v6;
	v6 =	vadd.s32 s16, v2  }
0xcc: {  	[tilespmem:$0x520] =	vst v6;
	v6 =	vadd.s32 s16, v3  }
0xcd: {  	[tilespmem:$0x530] =	vst v6;
	v6 =	vadd.s32 s16, v4  }
0xce: {  	[tilespmem:$0x540] =	vst v6;
	v6 =	vadd.s32 s16, v5  }
0xcf: {  	[tilespmem:$0x550] =	vst v6  }
0xd0: {  	v6 =	vld [tilespmem:s5+$0x1A];
	_ =	sdelay $0x4  }
0xd1: {  	(v2sf) =	vpush v6, $0x1  }
0xd2: {  	(v2sf) =	vpush v6, $0x0;
	_ =	sdelay $0xd  }
0xd3: {  	s30 =	spop (v2sf)  }
0xd4: {  	s31 =	spop (v2sf)  }
0xd5: {  	s16 =	sshll.u32 s30, $0x7;
	s17 =	sadd.s32 s4, s31  }
0xd6: {  	s16 =	sadd.s32 s16, s17  }
0xd7: {  	v6 =	vadd.s32 s16, v0  }
0xd8: {  	[tilespmem:$0x560] =	vst v6;
	v6 =	vadd.s32 s16, v1  }
0xd9: {  	[tilespmem:$0x570] =	vst v6;
	v6 =	vadd.s32 s16, v2  }
0xda: {  	[tilespmem:$0x580] =	vst v6;
	v6 =	vadd.s32 s16, v3  }
0xdb: {  	[tilespmem:$0x590] =	vst v6;
	v6 =	vadd.s32 s16, v4  }
0xdc: {  	[tilespmem:$0x5A0] =	vst v6;
	v6 =	vadd.s32 s16, v5  }
0xdd: {  	[tilespmem:$0x5B0] =	vst v6  }
0xde: {  	v6 =	vld [tilespmem:s5+$0x1C];
	_ =	sdelay $0x4  }
0xdf: {  	(v2sf) =	vpush v6, $0x1  }
0xe0: {  	(v2sf) =	vpush v6, $0x0;
	_ =	sdelay $0xd  }
0xe1: {  	s18 =	spop (v2sf)  }
0xe2: {  	s19 =	spop (v2sf)  }
0xe3: {  	s16 =	sshll.u32 s18, $0x7;
	s17 =	sadd.s32 s4, s19  }
0xe4: {  	s16 =	sadd.s32 s16, s17  }
0xe5: {  	v6 =	vadd.s32 s16, v0  }
0xe6: {  	[tilespmem:$0x5C0] =	vst v6;
	v6 =	vadd.s32 s16, v1  }
0xe7: {  	[tilespmem:$0x5D0] =	vst v6;
	v6 =	vadd.s32 s16, v2  }
0xe8: {  	[tilespmem:$0x5E0] =	vst v6;
	v6 =	vadd.s32 s16, v3  }
0xe9: {  	[tilespmem:$0x5F0] =	vst v6;
	v6 =	vadd.s32 s16, v4  }
0xea: {  	[tilespmem:$0x600] =	vst v6;
	v6 =	vadd.s32 s16, v5  }
0xeb: {  	[tilespmem:$0x610] =	vst v6  }
0xec: {  	v6 =	vld [tilespmem:s5+$0x1E];
	_ =	sdelay $0x4  }
0xed: {  	(v2sf) =	vpush v6, $0x1  }
0xee: {  	(v2sf) =	vpush v6, $0x0;
	_ =	sdelay $0xd  }
0xef: {  	s20 =	spop (v2sf)  }
0xf0: {  	s21 =	spop (v2sf)  }
0xf1: {  	s16 =	sshll.u32 s20, $0x7;
	s17 =	sadd.s32 s4, s21  }
0xf2: {  	s16 =	sadd.s32 s16, s17  }
0xf3: {  	v6 =	vadd.s32 s16, v0  }
0xf4: {  	[tilespmem:$0x620] =	vst v6;
	v6 =	vadd.s32 s16, v1  }
0xf5: {  	[tilespmem:$0x630] =	vst v6;
	v6 =	vadd.s32 s16, v2  }
0xf6: {  	[tilespmem:$0x640] =	vst v6;
	v6 =	vadd.s32 s16, v3  }
0xf7: {  	[tilespmem:$0x650] =	vst v6;
	v6 =	vadd.s32 s16, v4  }
0xf8: {  	[tilespmem:$0x660] =	vst v6;
	v6 =	vadd.s32 s16, v5  }
0xf9: {  	[tilespmem:$0x670] =	vst v6  }
0xfa: {  	v6 =	vld [tilespmem:s5+$0x20];
	_ =	sdelay $0x4  }
0xfb: {  	(v2sf) =	vpush v6, $0x1  }
0xfc: {  	(v2sf) =	vpush v6, $0x0;
	_ =	sdelay $0xd  }
0xfd: {  	s22 =	spop (v2sf)  }
0xfe: {  	s23 =	spop (v2sf)  }
0xff: {  	s16 =	sshll.u32 s22, $0x7;
	s17 =	sadd.s32 s4, s23  }
0x100: {  	s16 =	sadd.s32 s16, s17  }
0x101: {  	v6 =	vadd.s32 s16, v0  }
0x102: {  	[tilespmem:$0x680] =	vst v6;
	v6 =	vadd.s32 s16, v1  }
0x103: {  	[tilespmem:$0x690] =	vst v6;
	v6 =	vadd.s32 s16, v2  }
0x104: {  	[tilespmem:$0x6A0] =	vst v6;
	v6 =	vadd.s32 s16, v3  }
0x105: {  	[tilespmem:$0x6B0] =	vst v6;
	v6 =	vadd.s32 s16, v4  }
0x106: {  	[tilespmem:$0x6C0] =	vst v6;
	v6 =	vadd.s32 s16, v5  }
0x107: {  	[tilespmem:$0x6D0] =	vst v6  }
0x108: {  	v6 =	vld [tilespmem:s5+$0x22];
	_ =	sdelay $0x4  }
0x109: {  	(v2sf) =	vpush v6, $0x1  }
0x10a: {  	(v2sf) =	vpush v6, $0x0;
	_ =	sdelay $0xd  }
0x10b: {  	s24 =	spop (v2sf)  }
0x10c: {  	s25 =	spop (v2sf)  }
0x10d: {  	s16 =	sshll.u32 s24, $0x7;
	s17 =	sadd.s32 s4, s25  }
0x10e: {  	s16 =	sadd.s32 s16, s17  }
0x10f: {  	v6 =	vadd.s32 s16, v0  }
0x110: {  	[tilespmem:$0x6E0] =	vst v6;
	v6 =	vadd.s32 s16, v1  }
0x111: {  	[tilespmem:$0x6F0] =	vst v6;
	v6 =	vadd.s32 s16, v2  }
0x112: {  	[tilespmem:$0x700] =	vst v6;
	v6 =	vadd.s32 s16, v3  }
0x113: {  	[tilespmem:$0x710] =	vst v6;
	v6 =	vadd.s32 s16, v4  }
0x114: {  	[tilespmem:$0x720] =	vst v6;
	v6 =	vadd.s32 s16, v5  }
0x115: {  	[tilespmem:$0x730] =	vst v6  }
0x116: {  	v6 =	vld [tilespmem:s5+$0x24];
	_ =	sdelay $0x4  }
0x117: {  	(v2sf) =	vpush v6, $0x1  }
0x118: {  	(v2sf) =	vpush v6, $0x0;
	_ =	sdelay $0xd  }
0x119: {  	s26 =	spop (v2sf)  }
0x11a: {  	s28 =	spop (v2sf)  }
0x11b: {  	s16 =	sshll.u32 s26, $0x7;
	s17 =	sadd.s32 s4, s28  }
0x11c: {  	s16 =	sadd.s32 s16, s17  }
0x11d: {  	v6 =	vadd.s32 s16, v0  }
0x11e: {  	[tilespmem:$0x740] =	vst v6;
	v6 =	vadd.s32 s16, v1  }
0x11f: {  	[tilespmem:$0x750] =	vst v6;
	v6 =	vadd.s32 s16, v2  }
0x120: {  	[tilespmem:$0x760] =	vst v6;
	v6 =	vadd.s32 s16, v3  }
0x121: {  	[tilespmem:$0x770] =	vst v6;
	v6 =	vadd.s32 s16, v4  }
0x122: {  	[tilespmem:$0x780] =	vst v6;
	v6 =	vadd.s32 s16, v5  }
0x123: {  	[tilespmem:$0x790] =	vst v6  }
0x124: {  	v6 =	vld [tilespmem:s5+$0x26];
	_ =	sdelay $0x4  }
0x125: {  	(v2sf) =	vpush v6, $0x1  }
0x126: {  	(v2sf) =	vpush v6, $0x0;
	_ =	sdelay $0xd  }
0x127: {  	s29 =	spop (v2sf)  }
0x128: {  	s30 =	spop (v2sf)  }
0x129: {  	s16 =	sshll.u32 s29, $0x7;
	s17 =	sadd.s32 s4, s30  }
0x12a: {  	s16 =	sadd.s32 s16, s17  }
0x12b: {  	v6 =	vadd.s32 s16, v0  }
0x12c: {  	[tilespmem:$0x7A0] =	vst v6;
	v6 =	vadd.s32 s16, v1  }
0x12d: {  	[tilespmem:$0x7B0] =	vst v6;
	v6 =	vadd.s32 s16, v2  }
0x12e: {  	[tilespmem:$0x7C0] =	vst v6;
	v6 =	vadd.s32 s16, v3  }
0x12f: {  	[tilespmem:$0x7D0] =	vst v6;
	v6 =	vadd.s32 s16, v4  }
0x130: {  	[tilespmem:$0x7E0] =	vst v6;
	v6 =	vadd.s32 s16, v5  }
0x131: {  	s31 =	rddreg [dreg:$0xa];
	[tilespmem:$0x7F0] =	vst v6  }
0x132: {  	[tilespmem:s10], [sflag:$0x1] =	stream.indirect.gather [hbm4b:s2+s8], $0x1, s31, s8, $0xb8;
	[tilespmem:$0x2680] =	vst v63  }
0x133: {  	v6 =	vld [tilespmem:s5+$0x28];
	_ =	sdelay $0x4  }
0x134: {  	(v2sf) =	vpush v6, $0x1  }
0x135: {  	(v2sf) =	vpush v6, $0x0;
	_ =	sdelay $0xd  }
0x136: {  	s17 =	spop (v2sf)  }
0x137: {  	s18 =	spop (v2sf)  }
0x138: {  	s16 =	sshll.u32 s17, $0x7;
	s17 =	sadd.s32 s4, s18  }
0x139: {  	s16 =	sadd.s32 s16, s17  }
0x13a: {  	v6 =	vadd.s32 s16, v0  }
0x13b: {  	[tilespmem:$0x800] =	vst v6;
	v6 =	vadd.s32 s16, v1  }
0x13c: {  	[tilespmem:$0x810] =	vst v6;
	v6 =	vadd.s32 s16, v2  }
0x13d: {  	[tilespmem:$0x820] =	vst v6;
	v6 =	vadd.s32 s16, v3  }
0x13e: {  	[tilespmem:$0x830] =	vst v6;
	v6 =	vadd.s32 s16, v4  }
0x13f: {  	[tilespmem:$0x840] =	vst v6;
	v6 =	vadd.s32 s16, v5  }
0x140: {  	[tilespmem:$0x850] =	vst v6  }
0x141: {  	v6 =	vld [tilespmem:s5+$0x2A];
	_ =	sdelay $0x4  }
0x142: {  	(v2sf) =	vpush v6, $0x1  }
0x143: {  	(v2sf) =	vpush v6, $0x0;
	_ =	sdelay $0xd  }
0x144: {  	s19 =	spop (v2sf)  }
0x145: {  	s20 =	spop (v2sf)  }
0x146: {  	s16 =	sshll.u32 s19, $0x7;
	s17 =	sadd.s32 s4, s20  }
0x147: {  	s16 =	sadd.s32 s16, s17  }
0x148: {  	v6 =	vadd.s32 s16, v0  }
0x149: {  	[tilespmem:$0x860] =	vst v6;
	v6 =	vadd.s32 s16, v1  }
0x14a: {  	[tilespmem:$0x870] =	vst v6;
	v6 =	vadd.s32 s16, v2  }
0x14b: {  	[tilespmem:$0x880] =	vst v6;
	v6 =	vadd.s32 s16, v3  }
0x14c: {  	[tilespmem:$0x890] =	vst v6;
	v6 =	vadd.s32 s16, v4  }
0x14d: {  	[tilespmem:$0x8A0] =	vst v6;
	v6 =	vadd.s32 s16, v5  }
0x14e: {  	[tilespmem:$0x8B0] =	vst v6  }
0x14f: {  	v6 =	vld [tilespmem:s5+$0x2C];
	_ =	sdelay $0x4  }
0x150: {  	(v2sf) =	vpush v6, $0x1  }
0x151: {  	(v2sf) =	vpush v6, $0x0;
	_ =	sdelay $0xd  }
0x152: {  	s21 =	spop (v2sf)  }
0x153: {  	s22 =	spop (v2sf)  }
0x154: {  	s16 =	sshll.u32 s21, $0x7;
	s17 =	sadd.s32 s4, s22  }
0x155: {  	s16 =	sadd.s32 s16, s17  }
0x156: {  	v6 =	vadd.s32 s16, v0  }
0x157: {  	[tilespmem:$0x8C0] =	vst v6;
	v6 =	vadd.s32 s16, v1  }
0x158: {  	[tilespmem:$0x8D0] =	vst v6;
	v6 =	vadd.s32 s16, v2  }
0x159: {  	[tilespmem:$0x8E0] =	vst v6;
	v6 =	vadd.s32 s16, v3  }
0x15a: {  	[tilespmem:$0x8F0] =	vst v6;
	v6 =	vadd.s32 s16, v4  }
0x15b: {  	[tilespmem:$0x900] =	vst v6;
	v6 =	vadd.s32 s16, v5  }
0x15c: {  	[tilespmem:$0x910] =	vst v6  }
0x15d: {  	v6 =	vld [tilespmem:s5+$0x2E];
	_ =	sdelay $0x4  }
0x15e: {  	(v2sf) =	vpush v6, $0x1  }
0x15f: {  	(v2sf) =	vpush v6, $0x0;
	_ =	sdelay $0xd  }
0x160: {  	s23 =	spop (v2sf)  }
0x161: {  	s24 =	spop (v2sf)  }
0x162: {  	s16 =	sshll.u32 s23, $0x7;
	s17 =	sadd.s32 s4, s24  }
0x163: {  	s16 =	sadd.s32 s16, s17  }
0x164: {  	v6 =	vadd.s32 s16, v0  }
0x165: {  	[tilespmem:$0x920] =	vst v6;
	v6 =	vadd.s32 s16, v1  }
0x166: {  	[tilespmem:$0x930] =	vst v6;
	v6 =	vadd.s32 s16, v2  }
0x167: {  	[tilespmem:$0x940] =	vst v6;
	v6 =	vadd.s32 s16, v3  }
0x168: {  	[tilespmem:$0x950] =	vst v6;
	v6 =	vadd.s32 s16, v4  }
0x169: {  	[tilespmem:$0x960] =	vst v6;
	v6 =	vadd.s32 s16, v5  }
0x16a: {  	[tilespmem:$0x970] =	vst v6  }
0x16b: {  	v6 =	vld [tilespmem:s5+$0x30];
	_ =	sdelay $0x4  }
0x16c: {  	(v2sf) =	vpush v6, $0x1  }
0x16d: {  	(v2sf) =	vpush v6, $0x0;
	_ =	sdelay $0xd  }
0x16e: {  	s25 =	spop (v2sf)  }
0x16f: {  	s26 =	spop (v2sf)  }
0x170: {  	s16 =	sshll.u32 s25, $0x7;
	s17 =	sadd.s32 s4, s26  }
0x171: {  	s16 =	sadd.s32 s16, s17  }
0x172: {  	v6 =	vadd.s32 s16, v0  }
0x173: {  	[tilespmem:$0x980] =	vst v6;
	v6 =	vadd.s32 s16, v1  }
0x174: {  	[tilespmem:$0x990] =	vst v6;
	v6 =	vadd.s32 s16, v2  }
0x175: {  	[tilespmem:$0x9A0] =	vst v6;
	v6 =	vadd.s32 s16, v3  }
0x176: {  	[tilespmem:$0x9B0] =	vst v6;
	v6 =	vadd.s32 s16, v4  }
0x177: {  	[tilespmem:$0x9C0] =	vst v6;
	v6 =	vadd.s32 s16, v5  }
0x178: {  	[tilespmem:$0x9D0] =	vst v6  }
0x179: {  	v6 =	vld [tilespmem:s5+$0x32];
	_ =	sdelay $0x4  }
0x17a: {  	(v2sf) =	vpush v6, $0x1  }
0x17b: {  	(v2sf) =	vpush v6, $0x0;
	_ =	sdelay $0xd  }
0x17c: {  	s28 =	spop (v2sf)  }
0x17d: {  	s29 =	spop (v2sf)  }
0x17e: {  	s16 =	sshll.u32 s28, $0x7;
	s17 =	sadd.s32 s4, s29  }
0x17f: {  	s16 =	sadd.s32 s16, s17  }
0x180: {  	v6 =	vadd.s32 s16, v0  }
0x181: {  	[tilespmem:$0x9E0] =	vst v6;
	v6 =	vadd.s32 s16, v1  }
0x182: {  	[tilespmem:$0x9F0] =	vst v6;
	v6 =	vadd.s32 s16, v2  }
0x183: {  	[tilespmem:$0xA00] =	vst v6;
	v6 =	vadd.s32 s16, v3  }
0x184: {  	[tilespmem:$0xA10] =	vst v6;
	v6 =	vadd.s32 s16, v4  }
0x185: {  	[tilespmem:$0xA20] =	vst v6;
	v6 =	vadd.s32 s16, v5  }
0x186: {  	[tilespmem:$0xA30] =	vst v6  }
0x187: {  	v6 =	vld [tilespmem:s5+$0x34];
	_ =	sdelay $0x4  }
0x188: {  	(v2sf) =	vpush v6, $0x1  }
0x189: {  	(v2sf) =	vpush v6, $0x0;
	_ =	sdelay $0xd  }
0x18a: {  	s30 =	spop (v2sf)  }
0x18b: {  	s31 =	spop (v2sf)  }
0x18c: {  	s16 =	sshll.u32 s30, $0x7;
	s17 =	sadd.s32 s4, s31  }
0x18d: {  	s16 =	sadd.s32 s16, s17  }
0x18e: {  	v6 =	vadd.s32 s16, v0  }
0x18f: {  	[tilespmem:$0xA40] =	vst v6;
	v6 =	vadd.s32 s16, v1  }
0x190: {  	[tilespmem:$0xA50] =	vst v6;
	v6 =	vadd.s32 s16, v2  }
0x191: {  	[tilespmem:$0xA60] =	vst v6;
	v6 =	vadd.s32 s16, v3  }
0x192: {  	[tilespmem:$0xA70] =	vst v6;
	v6 =	vadd.s32 s16, v4  }
0x193: {  	[tilespmem:$0xA80] =	vst v6;
	v6 =	vadd.s32 s16, v5  }
0x194: {  	[tilespmem:$0xA90] =	vst v6  }
0x195: {  	v6 =	vld [tilespmem:s5+$0x36];
	_ =	sdelay $0x4  }
0x196: {  	(v2sf) =	vpush v6, $0x1  }
0x197: {  	(v2sf) =	vpush v6, $0x0;
	_ =	sdelay $0xd  }
0x198: {  	s18 =	spop (v2sf)  }
0x199: {  	s19 =	spop (v2sf)  }
0x19a: {  	s16 =	sshll.u32 s18, $0x7;
	s17 =	sadd.s32 s4, s19  }
0x19b: {  	s16 =	sadd.s32 s16, s17  }
0x19c: {  	v6 =	vadd.s32 s16, v0  }
0x19d: {  	[tilespmem:$0xAA0] =	vst v6;
	v6 =	vadd.s32 s16, v1  }
0x19e: {  	[tilespmem:$0xAB0] =	vst v6;
	v6 =	vadd.s32 s16, v2  }
0x19f: {  	[tilespmem:$0xAC0] =	vst v6;
	v6 =	vadd.s32 s16, v3  }
0x1a0: {  	[tilespmem:$0xAD0] =	vst v6;
	v6 =	vadd.s32 s16, v4  }
0x1a1: {  	[tilespmem:$0xAE0] =	vst v6;
	v6 =	vadd.s32 s16, v5  }
0x1a2: {  	[tilespmem:$0xAF0] =	vst v6  }
0x1a3: {  	v6 =	vld [tilespmem:s5+$0x38];
	_ =	sdelay $0x4  }
0x1a4: {  	(v2sf) =	vpush v6, $0x1  }
0x1a5: {  	(v2sf) =	vpush v6, $0x0;
	_ =	sdelay $0xd  }
0x1a6: {  	s20 =	spop (v2sf)  }
0x1a7: {  	s21 =	spop (v2sf)  }
0x1a8: {  	s16 =	sshll.u32 s20, $0x7;
	s17 =	sadd.s32 s4, s21  }
0x1a9: {  	s16 =	sadd.s32 s16, s17  }
0x1aa: {  	v6 =	vadd.s32 s16, v0  }
0x1ab: {  	[tilespmem:$0xB00] =	vst v6;
	v6 =	vadd.s32 s16, v1  }
0x1ac: {  	[tilespmem:$0xB10] =	vst v6;
	v6 =	vadd.s32 s16, v2  }
0x1ad: {  	[tilespmem:$0xB20] =	vst v6;
	v6 =	vadd.s32 s16, v3  }
0x1ae: {  	[tilespmem:$0xB30] =	vst v6;
	v6 =	vadd.s32 s16, v4  }
0x1af: {  	[tilespmem:$0xB40] =	vst v6;
	v6 =	vadd.s32 s16, v5  }
0x1b0: {  	[tilespmem:$0xB50] =	vst v6  }
0x1b1: {  	v6 =	vld [tilespmem:s5+$0x3A];
	_ =	sdelay $0x4  }
0x1b2: {  	(v2sf) =	vpush v6, $0x1  }
0x1b3: {  	(v2sf) =	vpush v6, $0x0;
	_ =	sdelay $0xd  }
0x1b4: {  	s22 =	spop (v2sf)  }
0x1b5: {  	s23 =	spop (v2sf)  }
0x1b6: {  	s16 =	sshll.u32 s22, $0x7;
	s17 =	sadd.s32 s4, s23  }
0x1b7: {  	s16 =	sadd.s32 s16, s17  }
0x1b8: {  	v6 =	vadd.s32 s16, v0  }
0x1b9: {  	[tilespmem:$0xB60] =	vst v6;
	v6 =	vadd.s32 s16, v1  }
0x1ba: {  	[tilespmem:$0xB70] =	vst v6;
	v6 =	vadd.s32 s16, v2  }
0x1bb: {  	[tilespmem:$0xB80] =	vst v6;
	v6 =	vadd.s32 s16, v3  }
0x1bc: {  	[tilespmem:$0xB90] =	vst v6;
	v6 =	vadd.s32 s16, v4  }
0x1bd: {  	[tilespmem:$0xBA0] =	vst v6;
	v6 =	vadd.s32 s16, v5  }
0x1be: {  	s24 =	rddreg [dreg:$0xb];
	[tilespmem:$0xBB0] =	vst v6  }
0x1bf: {  	[tilespmem:s11], [sflag:$0x1] =	stream.indirect.gather [hbm4b:s2+s8], $0x1, s24, s8, $0xb8;
	[tilespmem:$0x2680] =	vst v63  }
0x1c0: {  	v6 =	vld [tilespmem:s5+$0x3C];
	_ =	sdelay $0x4  }
0x1c1: {  	(v2sf) =	vpush v6, $0x1  }
0x1c2: {  	(v2sf) =	vpush v6, $0x0;
	_ =	sdelay $0xd  }
0x1c3: {  	s25 =	spop (v2sf)  }
0x1c4: {  	s26 =	spop (v2sf)  }
0x1c5: {  	s16 =	sshll.u32 s25, $0x7;
	s17 =	sadd.s32 s4, s26  }
0x1c6: {  	s16 =	sadd.s32 s16, s17  }
0x1c7: {  	v6 =	vadd.s32 s16, v0  }
0x1c8: {  	[tilespmem:$0xBC0] =	vst v6;
	v6 =	vadd.s32 s16, v1  }
0x1c9: {  	[tilespmem:$0xBD0] =	vst v6;
	v6 =	vadd.s32 s16, v2  }
0x1ca: {  	[tilespmem:$0xBE0] =	vst v6;
	v6 =	vadd.s32 s16, v3  }
0x1cb: {  	[tilespmem:$0xBF0] =	vst v6;
	v6 =	vadd.s32 s16, v4  }
0x1cc: {  	[tilespmem:$0xC00] =	vst v6;
	v6 =	vadd.s32 s16, v5  }
0x1cd: {  	[tilespmem:$0xC10] =	vst v6  }
0x1ce: {  	v6 =	vld [tilespmem:s5+$0x3E];
	_ =	sdelay $0x4  }
0x1cf: {  	(v2sf) =	vpush v6, $0x1  }
0x1d0: {  	(v2sf) =	vpush v6, $0x0;
	_ =	sdelay $0xd  }
0x1d1: {  	s28 =	spop (v2sf)  }
0x1d2: {  	s29 =	spop (v2sf)  }
0x1d3: {  	s16 =	sshll.u32 s28, $0x7;
	s17 =	sadd.s32 s4, s29  }
0x1d4: {  	s16 =	sadd.s32 s16, s17  }
0x1d5: {  	v6 =	vadd.s32 s16, v0  }
0x1d6: {  	[tilespmem:$0xC20] =	vst v6;
	v6 =	vadd.s32 s16, v1  }
0x1d7: {  	[tilespmem:$0xC30] =	vst v6;
	v6 =	vadd.s32 s16, v2  }
0x1d8: {  	[tilespmem:$0xC40] =	vst v6;
	v6 =	vadd.s32 s16, v3  }
0x1d9: {  	[tilespmem:$0xC50] =	vst v6;
	v6 =	vadd.s32 s16, v4  }
0x1da: {  	[tilespmem:$0xC60] =	vst v6;
	v6 =	vadd.s32 s16, v5  }
0x1db: {  	[tilespmem:$0xC70] =	vst v6  }
0x1dc: {  	v6 =	vld [tilespmem:s5+$0x40];
	_ =	sdelay $0x4  }
0x1dd: {  	(v2sf) =	vpush v6, $0x1  }
0x1de: {  	(v2sf) =	vpush v6, $0x0;
	_ =	sdelay $0xd  }
0x1df: {  	s30 =	spop (v2sf)  }
0x1e0: {  	s31 =	spop (v2sf)  }
0x1e1: {  	s16 =	sshll.u32 s30, $0x7;
	s17 =	sadd.s32 s4, s31  }
0x1e2: {  	s16 =	sadd.s32 s16, s17  }
0x1e3: {  	v6 =	vadd.s32 s16, v0  }
0x1e4: {  	[tilespmem:$0xC80] =	vst v6;
	v6 =	vadd.s32 s16, v1  }
0x1e5: {  	[tilespmem:$0xC90] =	vst v6;
	v6 =	vadd.s32 s16, v2  }
0x1e6: {  	[tilespmem:$0xCA0] =	vst v6;
	v6 =	vadd.s32 s16, v3  }
0x1e7: {  	[tilespmem:$0xCB0] =	vst v6;
	v6 =	vadd.s32 s16, v4  }
0x1e8: {  	[tilespmem:$0xCC0] =	vst v6;
	v6 =	vadd.s32 s16, v5  }
0x1e9: {  	[tilespmem:$0xCD0] =	vst v6  }
0x1ea: {  	v6 =	vld [tilespmem:s5+$0x42];
	_ =	sdelay $0x4  }
0x1eb: {  	(v2sf) =	vpush v6, $0x1  }
0x1ec: {  	(v2sf) =	vpush v6, $0x0;
	_ =	sdelay $0xd  }
0x1ed: {  	s17 =	spop (v2sf)  }
0x1ee: {  	s18 =	spop (v2sf)  }
0x1ef: {  	s16 =	sshll.u32 s17, $0x7;
	s17 =	sadd.s32 s4, s18  }
0x1f0: {  	s16 =	sadd.s32 s16, s17  }
0x1f1: {  	v6 =	vadd.s32 s16, v0  }
0x1f2: {  	[tilespmem:$0xCE0] =	vst v6;
	v6 =	vadd.s32 s16, v1  }
0x1f3: {  	[tilespmem:$0xCF0] =	vst v6;
	v6 =	vadd.s32 s16, v2  }
0x1f4: {  	[tilespmem:$0xD00] =	vst v6;
	v6 =	vadd.s32 s16, v3  }
0x1f5: {  	[tilespmem:$0xD10] =	vst v6;
	v6 =	vadd.s32 s16, v4  }
0x1f6: {  	[tilespmem:$0xD20] =	vst v6;
	v6 =	vadd.s32 s16, v5  }
0x1f7: {  	[tilespmem:$0xD30] =	vst v6  }
0x1f8: {  	v6 =	vld [tilespmem:s5+$0x44];
	_ =	sdelay $0x4  }
0x1f9: {  	(v2sf) =	vpush v6, $0x1  }
0x1fa: {  	(v2sf) =	vpush v6, $0x0;
	_ =	sdelay $0xd  }
0x1fb: {  	s19 =	spop (v2sf)  }
0x1fc: {  	s20 =	spop (v2sf)  }
0x1fd: {  	s16 =	sshll.u32 s19, $0x7;
	s17 =	sadd.s32 s4, s20  }
0x1fe: {  	s16 =	sadd.s32 s16, s17  }
0x1ff: {  	v6 =	vadd.s32 s16, v0  }
0x200: {  	[tilespmem:$0xD40] =	vst v6;
	v6 =	vadd.s32 s16, v1  }
0x201: {  	[tilespmem:$0xD50] =	vst v6;
	v6 =	vadd.s32 s16, v2  }
0x202: {  	[tilespmem:$0xD60] =	vst v6;
	v6 =	vadd.s32 s16, v3  }
0x203: {  	[tilespmem:$0xD70] =	vst v6;
	v6 =	vadd.s32 s16, v4  }
0x204: {  	[tilespmem:$0xD80] =	vst v6;
	v6 =	vadd.s32 s16, v5  }
0x205: {  	[tilespmem:$0xD90] =	vst v6  }
0x206: {  	v6 =	vld [tilespmem:s5+$0x46];
	_ =	sdelay $0x4  }
0x207: {  	(v2sf) =	vpush v6, $0x1  }
0x208: {  	(v2sf) =	vpush v6, $0x0;
	_ =	sdelay $0xd  }
0x209: {  	s21 =	spop (v2sf)  }
0x20a: {  	s22 =	spop (v2sf)  }
0x20b: {  	s16 =	sshll.u32 s21, $0x7;
	s17 =	sadd.s32 s4, s22  }
0x20c: {  	s16 =	sadd.s32 s16, s17  }
0x20d: {  	v6 =	vadd.s32 s16, v0  }
0x20e: {  	[tilespmem:$0xDA0] =	vst v6;
	v6 =	vadd.s32 s16, v1  }
0x20f: {  	[tilespmem:$0xDB0] =	vst v6;
	v6 =	vadd.s32 s16, v2  }
0x210: {  	[tilespmem:$0xDC0] =	vst v6;
	v6 =	vadd.s32 s16, v3  }
0x211: {  	[tilespmem:$0xDD0] =	vst v6;
	v6 =	vadd.s32 s16, v4  }
0x212: {  	[tilespmem:$0xDE0] =	vst v6;
	v6 =	vadd.s32 s16, v5  }
0x213: {  	[tilespmem:$0xDF0] =	vst v6  }
0x214: {  	v6 =	vld [tilespmem:s5+$0x48];
	_ =	sdelay $0x4  }
0x215: {  	(v2sf) =	vpush v6, $0x1  }
0x216: {  	(v2sf) =	vpush v6, $0x0;
	_ =	sdelay $0xd  }
0x217: {  	s23 =	spop (v2sf)  }
0x218: {  	s24 =	spop (v2sf)  }
0x219: {  	s16 =	sshll.u32 s23, $0x7;
	s17 =	sadd.s32 s4, s24  }
0x21a: {  	s16 =	sadd.s32 s16, s17  }
0x21b: {  	v6 =	vadd.s32 s16, v0  }
0x21c: {  	[tilespmem:$0xE00] =	vst v6;
	v6 =	vadd.s32 s16, v1  }
0x21d: {  	[tilespmem:$0xE10] =	vst v6;
	v6 =	vadd.s32 s16, v2  }
0x21e: {  	[tilespmem:$0xE20] =	vst v6;
	v6 =	vadd.s32 s16, v3  }
0x21f: {  	[tilespmem:$0xE30] =	vst v6;
	v6 =	vadd.s32 s16, v4  }
0x220: {  	[tilespmem:$0xE40] =	vst v6;
	v6 =	vadd.s32 s16, v5  }
0x221: {  	[tilespmem:$0xE50] =	vst v6  }
0x222: {  	v6 =	vld [tilespmem:s5+$0x4A];
	_ =	sdelay $0x4  }
0x223: {  	(v2sf) =	vpush v6, $0x1  }
0x224: {  	(v2sf) =	vpush v6, $0x0;
	_ =	sdelay $0xd  }
0x225: {  	s25 =	spop (v2sf)  }
0x226: {  	s26 =	spop (v2sf)  }
0x227: {  	s16 =	sshll.u32 s25, $0x7;
	s17 =	sadd.s32 s4, s26  }
0x228: {  	s16 =	sadd.s32 s16, s17  }
0x229: {  	v6 =	vadd.s32 s16, v0  }
0x22a: {  	[tilespmem:$0xE60] =	vst v6;
	v6 =	vadd.s32 s16, v1  }
0x22b: {  	[tilespmem:$0xE70] =	vst v6;
	v6 =	vadd.s32 s16, v2  }
0x22c: {  	[tilespmem:$0xE80] =	vst v6;
	v6 =	vadd.s32 s16, v3  }
0x22d: {  	[tilespmem:$0xE90] =	vst v6;
	v6 =	vadd.s32 s16, v4  }
0x22e: {  	[tilespmem:$0xEA0] =	vst v6;
	v6 =	vadd.s32 s16, v5  }
0x22f: {  	[tilespmem:$0xEB0] =	vst v6  }
0x230: {  	v6 =	vld [tilespmem:s5+$0x4C];
	_ =	sdelay $0x4  }
0x231: {  	(v2sf) =	vpush v6, $0x1  }
0x232: {  	(v2sf) =	vpush v6, $0x0;
	_ =	sdelay $0xd  }
0x233: {  	s28 =	spop (v2sf)  }
0x234: {  	s29 =	spop (v2sf)  }
0x235: {  	s16 =	sshll.u32 s28, $0x7;
	s17 =	sadd.s32 s4, s29  }
0x236: {  	s16 =	sadd.s32 s16, s17  }
0x237: {  	v6 =	vadd.s32 s16, v0  }
0x238: {  	[tilespmem:$0xEC0] =	vst v6;
	v6 =	vadd.s32 s16, v1  }
0x239: {  	[tilespmem:$0xED0] =	vst v6;
	v6 =	vadd.s32 s16, v2  }
0x23a: {  	[tilespmem:$0xEE0] =	vst v6;
	v6 =	vadd.s32 s16, v3  }
0x23b: {  	[tilespmem:$0xEF0] =	vst v6;
	v6 =	vadd.s32 s16, v4  }
0x23c: {  	[tilespmem:$0xF00] =	vst v6;
	v6 =	vadd.s32 s16, v5  }
0x23d: {  	[tilespmem:$0xF10] =	vst v6  }
0x23e: {  	v6 =	vld [tilespmem:s5+$0x4E];
	_ =	sdelay $0x4  }
0x23f: {  	(v2sf) =	vpush v6, $0x1  }
0x240: {  	(v2sf) =	vpush v6, $0x0;
	_ =	sdelay $0xd  }
0x241: {  	s30 =	spop (v2sf)  }
0x242: {  	s31 =	spop (v2sf)  }
0x243: {  	s16 =	sshll.u32 s30, $0x7;
	s17 =	sadd.s32 s4, s31  }
0x244: {  	s16 =	sadd.s32 s16, s17  }
0x245: {  	v6 =	vadd.s32 s16, v0  }
0x246: {  	[tilespmem:$0xF20] =	vst v6;
	v6 =	vadd.s32 s16, v1  }
0x247: {  	[tilespmem:$0xF30] =	vst v6;
	v6 =	vadd.s32 s16, v2  }
0x248: {  	[tilespmem:$0xF40] =	vst v6;
	v6 =	vadd.s32 s16, v3  }
0x249: {  	[tilespmem:$0xF50] =	vst v6;
	v6 =	vadd.s32 s16, v4  }
0x24a: {  	[tilespmem:$0xF60] =	vst v6;
	v6 =	vadd.s32 s16, v5  }
0x24b: {  	s18 =	rddreg [dreg:$0xc];
	[tilespmem:$0xF70] =	vst v6  }
0x24c: {  	[tilespmem:s12], [sflag:$0x1] =	stream.indirect.gather [hbm4b:s2+s8], $0x1, s18, s8, $0xb8;
	[tilespmem:$0x2680] =	vst v63  }
0x24d: {  	v6 =	vld [tilespmem:s5+$0x50];
	_ =	sdelay $0x4  }
0x24e: {  	(v2sf) =	vpush v6, $0x1  }
0x24f: {  	(v2sf) =	vpush v6, $0x0;
	_ =	sdelay $0xd  }
0x250: {  	s19 =	spop (v2sf)  }
0x251: {  	s20 =	spop (v2sf)  }
0x252: {  	s16 =	sshll.u32 s19, $0x7;
	s17 =	sadd.s32 s4, s20  }
0x253: {  	s16 =	sadd.s32 s16, s17  }
0x254: {  	v6 =	vadd.s32 s16, v0  }
0x255: {  	[tilespmem:$0xF80] =	vst v6;
	v6 =	vadd.s32 s16, v1  }
0x256: {  	[tilespmem:$0xF90] =	vst v6;
	v6 =	vadd.s32 s16, v2  }
0x257: {  	[tilespmem:$0xFA0] =	vst v6;
	v6 =	vadd.s32 s16, v3  }
0x258: {  	[tilespmem:$0xFB0] =	vst v6;
	v6 =	vadd.s32 s16, v4  }
0x259: {  	[tilespmem:$0xFC0] =	vst v6;
	v6 =	vadd.s32 s16, v5  }
0x25a: {  	[tilespmem:$0xFD0] =	vst v6  }
0x25b: {  	v6 =	vld [tilespmem:s5+$0x52];
	_ =	sdelay $0x4  }
0x25c: {  	(v2sf) =	vpush v6, $0x1  }
0x25d: {  	(v2sf) =	vpush v6, $0x0;
	_ =	sdelay $0xd  }
0x25e: {  	s21 =	spop (v2sf)  }
0x25f: {  	s22 =	spop (v2sf)  }
0x260: {  	s16 =	sshll.u32 s21, $0x7;
	s17 =	sadd.s32 s4, s22  }
0x261: {  	s16 =	sadd.s32 s16, s17  }
0x262: {  	v6 =	vadd.s32 s16, v0  }
0x263: {  	[tilespmem:$0xFE0] =	vst v6;
	v6 =	vadd.s32 s16, v1  }
0x264: {  	[tilespmem:$0xFF0] =	vst v6;
	v6 =	vadd.s32 s16, v2  }
0x265: {  	[tilespmem:$0x1000] =	vst v6;
	v6 =	vadd.s32 s16, v3  }
0x266: {  	[tilespmem:$0x1010] =	vst v6;
	v6 =	vadd.s32 s16, v4  }
0x267: {  	[tilespmem:$0x1020] =	vst v6;
	v6 =	vadd.s32 s16, v5  }
0x268: {  	[tilespmem:$0x1030] =	vst v6  }
0x269: {  	v6 =	vld [tilespmem:s5+$0x54];
	_ =	sdelay $0x4  }
0x26a: {  	(v2sf) =	vpush v6, $0x1  }
0x26b: {  	(v2sf) =	vpush v6, $0x0;
	_ =	sdelay $0xd  }
0x26c: {  	s23 =	spop (v2sf)  }
0x26d: {  	s24 =	spop (v2sf)  }
0x26e: {  	s16 =	sshll.u32 s23, $0x7;
	s17 =	sadd.s32 s4, s24  }
0x26f: {  	s16 =	sadd.s32 s16, s17  }
0x270: {  	v6 =	vadd.s32 s16, v0  }
0x271: {  	[tilespmem:$0x1040] =	vst v6;
	v6 =	vadd.s32 s16, v1  }
0x272: {  	[tilespmem:$0x1050] =	vst v6;
	v6 =	vadd.s32 s16, v2  }
0x273: {  	[tilespmem:$0x1060] =	vst v6;
	v6 =	vadd.s32 s16, v3  }
0x274: {  	[tilespmem:$0x1070] =	vst v6;
	v6 =	vadd.s32 s16, v4  }
0x275: {  	[tilespmem:$0x1080] =	vst v6;
	v6 =	vadd.s32 s16, v5  }
0x276: {  	[tilespmem:$0x1090] =	vst v6  }
0x277: {  	v6 =	vld [tilespmem:s5+$0x56];
	_ =	sdelay $0x4  }
0x278: {  	(v2sf) =	vpush v6, $0x1  }
0x279: {  	(v2sf) =	vpush v6, $0x0;
	_ =	sdelay $0xd  }
0x27a: {  	s25 =	spop (v2sf)  }
0x27b: {  	s26 =	spop (v2sf)  }
0x27c: {  	s16 =	sshll.u32 s25, $0x7;
	s17 =	sadd.s32 s4, s26  }
0x27d: {  	s16 =	sadd.s32 s16, s17  }
0x27e: {  	v6 =	vadd.s32 s16, v0  }
0x27f: {  	[tilespmem:$0x10A0] =	vst v6;
	v6 =	vadd.s32 s16, v1  }
0x280: {  	[tilespmem:$0x10B0] =	vst v6;
	v6 =	vadd.s32 s16, v2  }
0x281: {  	[tilespmem:$0x10C0] =	vst v6;
	v6 =	vadd.s32 s16, v3  }
0x282: {  	[tilespmem:$0x10D0] =	vst v6;
	v6 =	vadd.s32 s16, v4  }
0x283: {  	[tilespmem:$0x10E0] =	vst v6;
	v6 =	vadd.s32 s16, v5  }
0x284: {  	[tilespmem:$0x10F0] =	vst v6  }
0x285: {  	v6 =	vld [tilespmem:s5+$0x58];
	_ =	sdelay $0x4  }
0x286: {  	(v2sf) =	vpush v6, $0x1  }
0x287: {  	(v2sf) =	vpush v6, $0x0;
	_ =	sdelay $0xd  }
0x288: {  	s28 =	spop (v2sf)  }
0x289: {  	s29 =	spop (v2sf)  }
0x28a: {  	s16 =	sshll.u32 s28, $0x7;
	s17 =	sadd.s32 s4, s29  }
0x28b: {  	s16 =	sadd.s32 s16, s17  }
0x28c: {  	v6 =	vadd.s32 s16, v0  }
0x28d: {  	[tilespmem:$0x1100] =	vst v6;
	v6 =	vadd.s32 s16, v1  }
0x28e: {  	[tilespmem:$0x1110] =	vst v6;
	v6 =	vadd.s32 s16, v2  }
0x28f: {  	[tilespmem:$0x1120] =	vst v6;
	v6 =	vadd.s32 s16, v3  }
0x290: {  	[tilespmem:$0x1130] =	vst v6;
	v6 =	vadd.s32 s16, v4  }
0x291: {  	[tilespmem:$0x1140] =	vst v6;
	v6 =	vadd.s32 s16, v5  }
0x292: {  	[tilespmem:$0x1150] =	vst v6  }
0x293: {  	v6 =	vld [tilespmem:s5+$0x5A];
	_ =	sdelay $0x4  }
0x294: {  	(v2sf) =	vpush v6, $0x1  }
0x295: {  	(v2sf) =	vpush v6, $0x0;
	_ =	sdelay $0xd  }
0x296: {  	s30 =	spop (v2sf)  }
0x297: {  	s31 =	spop (v2sf)  }
0x298: {  	s16 =	sshll.u32 s30, $0x7;
	s17 =	sadd.s32 s4, s31  }
0x299: {  	s16 =	sadd.s32 s16, s17  }
0x29a: {  	v6 =	vadd.s32 s16, v0  }
0x29b: {  	[tilespmem:$0x1160] =	vst v6;
	v6 =	vadd.s32 s16, v1  }
0x29c: {  	[tilespmem:$0x1170] =	vst v6;
	v6 =	vadd.s32 s16, v2  }
0x29d: {  	[tilespmem:$0x1180] =	vst v6;
	v6 =	vadd.s32 s16, v3  }
0x29e: {  	[tilespmem:$0x1190] =	vst v6;
	v6 =	vadd.s32 s16, v4  }
0x29f: {  	[tilespmem:$0x11A0] =	vst v6;
	v6 =	vadd.s32 s16, v5  }
0x2a0: {  	[tilespmem:$0x11B0] =	vst v6  }
0x2a1: {  	v6 =	vld [tilespmem:s5+$0x5C];
	_ =	sdelay $0x4  }
0x2a2: {  	(v2sf) =	vpush v6, $0x1  }
0x2a3: {  	(v2sf) =	vpush v6, $0x0;
	_ =	sdelay $0xd  }
0x2a4: {  	s17 =	spop (v2sf)  }
0x2a5: {  	s18 =	spop (v2sf)  }
0x2a6: {  	s16 =	sshll.u32 s17, $0x7;
	s17 =	sadd.s32 s4, s18  }
0x2a7: {  	s16 =	sadd.s32 s16, s17  }
0x2a8: {  	v6 =	vadd.s32 s16, v0  }
0x2a9: {  	[tilespmem:$0x11C0] =	vst v6;
	v6 =	vadd.s32 s16, v1  }
0x2aa: {  	[tilespmem:$0x11D0] =	vst v6;
	v6 =	vadd.s32 s16, v2  }
0x2ab: {  	[tilespmem:$0x11E0] =	vst v6;
	v6 =	vadd.s32 s16, v3  }
0x2ac: {  	[tilespmem:$0x11F0] =	vst v6;
	v6 =	vadd.s32 s16, v4  }
0x2ad: {  	[tilespmem:$0x1200] =	vst v6;
	v6 =	vadd.s32 s16, v5  }
0x2ae: {  	[tilespmem:$0x1210] =	vst v6  }
0x2af: {  	v6 =	vld [tilespmem:s5+$0x5E];
	_ =	sdelay $0x4  }
0x2b0: {  	(v2sf) =	vpush v6, $0x1  }
0x2b1: {  	(v2sf) =	vpush v6, $0x0;
	_ =	sdelay $0xd  }
0x2b2: {  	s19 =	spop (v2sf)  }
0x2b3: {  	s20 =	spop (v2sf)  }
0x2b4: {  	s16 =	sshll.u32 s19, $0x7;
	s17 =	sadd.s32 s4, s20  }
0x2b5: {  	s16 =	sadd.s32 s16, s17  }
0x2b6: {  	v6 =	vadd.s32 s16, v0  }
0x2b7: {  	[tilespmem:$0x1220] =	vst v6;
	v6 =	vadd.s32 s16, v1  }
0x2b8: {  	[tilespmem:$0x1230] =	vst v6;
	v6 =	vadd.s32 s16, v2  }
0x2b9: {  	[tilespmem:$0x1240] =	vst v6;
	v6 =	vadd.s32 s16, v3  }
0x2ba: {  	[tilespmem:$0x1250] =	vst v6;
	v6 =	vadd.s32 s16, v4  }
0x2bb: {  	[tilespmem:$0x1260] =	vst v6;
	v6 =	vadd.s32 s16, v5  }
0x2bc: {  	[tilespmem:$0x1270] =	vst v6  }
0x2bd: {  	v6 =	vld [tilespmem:s5+$0x60];
	_ =	sdelay $0x4  }
0x2be: {  	(v2sf) =	vpush v6, $0x1  }
0x2bf: {  	(v2sf) =	vpush v6, $0x0;
	_ =	sdelay $0xd  }
0x2c0: {  	s21 =	spop (v2sf)  }
0x2c1: {  	s22 =	spop (v2sf)  }
0x2c2: {  	s16 =	sshll.u32 s21, $0x7;
	s17 =	sadd.s32 s4, s22  }
0x2c3: {  	s16 =	sadd.s32 s16, s17  }
0x2c4: {  	v6 =	vadd.s32 s16, v0  }
0x2c5: {  	[tilespmem:$0x1280] =	vst v6;
	v6 =	vadd.s32 s16, v1  }
0x2c6: {  	[tilespmem:$0x1290] =	vst v6;
	v6 =	vadd.s32 s16, v2  }
0x2c7: {  	[tilespmem:$0x12A0] =	vst v6;
	v6 =	vadd.s32 s16, v3  }
0x2c8: {  	[tilespmem:$0x12B0] =	vst v6;
	v6 =	vadd.s32 s16, v4  }
0x2c9: {  	[tilespmem:$0x12C0] =	vst v6;
	v6 =	vadd.s32 s16, v5  }
0x2ca: {  	[tilespmem:$0x12D0] =	vst v6  }
0x2cb: {  	v6 =	vld [tilespmem:s5+$0x62];
	_ =	sdelay $0x4  }
0x2cc: {  	(v2sf) =	vpush v6, $0x1  }
0x2cd: {  	(v2sf) =	vpush v6, $0x0;
	_ =	sdelay $0xd  }
0x2ce: {  	s23 =	spop (v2sf)  }
0x2cf: {  	s24 =	spop (v2sf)  }
0x2d0: {  	s16 =	sshll.u32 s23, $0x7;
	s17 =	sadd.s32 s4, s24  }
0x2d1: {  	s16 =	sadd.s32 s16, s17  }
0x2d2: {  	v6 =	vadd.s32 s16, v0  }
0x2d3: {  	[tilespmem:$0x12E0] =	vst v6;
	v6 =	vadd.s32 s16, v1  }
0x2d4: {  	[tilespmem:$0x12F0] =	vst v6;
	v6 =	vadd.s32 s16, v2  }
0x2d5: {  	[tilespmem:$0x1300] =	vst v6;
	v6 =	vadd.s32 s16, v3  }
0x2d6: {  	[tilespmem:$0x1310] =	vst v6;
	v6 =	vadd.s32 s16, v4  }
0x2d7: {  	[tilespmem:$0x1320] =	vst v6;
	v6 =	vadd.s32 s16, v5  }
0x2d8: {  	s25 =	rddreg [dreg:$0xd];
	[tilespmem:$0x1330] =	vst v6  }
0x2d9: {  	[tilespmem:s13], [sflag:$0x1] =	stream.indirect.gather [hbm4b:s2+s8], $0x1, s25, s8, $0xb8;
	[tilespmem:$0x2680] =	vst v63  }
0x2da: {  	_ =	swait.ge [sflag:s14], $0x3C0  }
0x2db: {  	[sflag:s14] =	ssyncset.done $0x0  }
0x2dc: {  	s26 =	rddreg [dreg:$0x4];
	[sflag:s14] =	ssyncadd.s32 $0xFFFFFC40  }
0x2dd: {  	[hbm4b:s26+s3] =	stream.linear.scatter [tilespmem:s9], [sflag:$0x2], $0x3C0, $0x38;
	[tilespmem:$0x2680] =	vst v63  }
0x2de: {  	_ =	swait.ge [sflag:s14], $0x3C0  }
0x2df: {  	[sflag:s14] =	ssyncset.done $0x0  }
0x2e0: {  	s28 =	rddreg [dreg:$0x5];
	[sflag:s14] =	ssyncadd.s32 $0xFFFFFC40  }
0x2e1: {  	[hbm4b:s28+s3] =	stream.linear.scatter [tilespmem:s10], [sflag:$0x2], $0x3C0, $0x38;
	[tilespmem:$0x2680] =	vst v63  }
0x2e2: {  	_ =	swait.ge [sflag:s14], $0x3C0  }
0x2e3: {  	[sflag:s14] =	ssyncset.done $0x0  }
0x2e4: {  	s29 =	rddreg [dreg:$0x6];
	[sflag:s14] =	ssyncadd.s32 $0xFFFFFC40  }
0x2e5: {  	[hbm4b:s29+s3] =	stream.linear.scatter [tilespmem:s11], [sflag:$0x2], $0x3C0, $0x38;
	[tilespmem:$0x2680] =	vst v63  }
0x2e6: {  	_ =	swait.ge [sflag:s14], $0x3C0  }
0x2e7: {  	[sflag:s14] =	ssyncset.done $0x0  }
0x2e8: {  	s30 =	rddreg [dreg:$0x7];
	[sflag:s14] =	ssyncadd.s32 $0xFFFFFC40  }
0x2e9: {  	[hbm4b:s30+s3] =	stream.linear.scatter [tilespmem:s12], [sflag:$0x2], $0x3C0, $0x38;
	[tilespmem:$0x2680] =	vst v63  }
0x2ea: {  	_ =	swait.ge [sflag:s14], $0x3C0  }
0x2eb: {  	[sflag:s14] =	ssyncset.done $0x0  }
0x2ec: {  	s31 =	rddreg [dreg:$0x8];
	[sflag:s14] =	ssyncadd.s32 $0xFFFFFC40  }
0x2ed: {  	[hbm4b:s31+s3] =	stream.linear.scatter [tilespmem:s13], [sflag:$0x2], $0x3C0, $0x38;
	[tilespmem:$0x2680] =	vst v63  }
0x2ee: {  	_ =	swait.ge [sflag:s15], $0x3C0  }
0x2ef: {  	[sflag:s15] =	ssyncset.done $0x0  }
0x2f0: {  	[sflag:s15] =	ssyncadd.s32 $0xFFFFFC40  }
0x2f1: {  	_ =	swait.ge [sflag:s15], $0x3C0  }
0x2f2: {  	[sflag:s15] =	ssyncset.done $0x0  }
0x2f3: {  	[sflag:s15] =	ssyncadd.s32 $0xFFFFFC40  }
0x2f4: {  	_ =	swait.ge [sflag:s15], $0x3C0  }
0x2f5: {  	[sflag:s15] =	ssyncset.done $0x0  }
0x2f6: {  	[sflag:s15] =	ssyncadd.s32 $0xFFFFFC40  }
0x2f7: {  	p0 =	sne.s32 s6, $0x1;
	_ =	swait.ge [sflag:s15], $0x3C0  }
.Ltmp0:
0x2f8: {  	[sflag:s15] =	ssyncset.done $0x0;
	(pc) =	sbr.rel @p0 .LBB2_1-.Ltmp0, $4  }
0x2f9: {  	[sflag:s15] =	ssyncadd.s32 $0xFFFFFC40  }
0x2fa: {  	_ =	swait.ge [sflag:s15], $0x3C0  }
0x2fb: {  	[sflag:s15] =	ssyncset.done $0x0  }
0x2fc: {  	s6 =	sadd.s32 $0xFFFFFFFF, s6;
	[sflag:s15] =	ssyncadd.s32 $0xFFFFFC40  }
0x2fd: {  	_ =	sfence.sel $0x180000  }
0x2fe: {  	[bflag:$0x0] =	sbarrier.arrive $0xFFFF  }
0x2ff: {  	p0 =	sne.s32 s0, $0x0;
	_ =	strace $0x90000047  }
0x300: {  	s0 =	sadd.s32 @!p0 $0x100000, s1;
	[bflag:$0x2] =	sbarrier.arrive $0xFFFF  }
0x301: {  	[sflag:s0] =	ssyncadd.tile.s32 @!p0 $0x1;
	_ =	shalt  }
.Lfunc_end2:
_tile_overlayer_lowered:
.L_overlay_start_2:
0x302: {  	(tag) =	ssettag $0x2  }
0x303: {  	s0 =	rddreg [dreg:$0x0];
	s2 =	stileid.u32  }
0x304: {  	s1 =	rddreg [dreg:$0x1];
	p0 =	sne.s32 s2, $0x0  }
0x305: {  	s3 =	rddreg [dreg:$0x2];
	[bflag:$0x3] =	sbarrier.arrive $0xFFFF;
	s2 =	simm.s32 @!p0 $0x1C03  }
0x306: {  	[timem:s3], [sflag:s2] =	dma.local @!p0 [hbm:s0], s1  }
0x307: {  	s0 =	simm.s32 @!p0 $0x3  }
0x308: {  	_ =	swait.ge @!p0 [sflag:s0], s1  }
0x309: {  	s1 =	ssub.s32 @!p0 $0x0, s1;
	[sflag:s0] =	ssyncset.done @!p0 $0x0  }
0x30a: {  	[sflag:s0] =	ssyncadd.s32 @!p0 s1  }
0x30b: {  	[bflag:$0x3] =	sbarrier.arrive $0xFFFF  }
0x30c: {  	_ =	shalt  }

</sc_bundles>
